<compile_context>
chip_gen: v7x
topology: tpu7x:2x2x1
jax: 0.10.2.dev20260603
libtpu: 0.0.44.dev20260713+nightly
codegen_flags: <defaults>
</compile_context>

<pallas_src>
import functools
import math

import jax
import jax.numpy as jnp
import numpy as np
from jax import lax
from jax.experimental import pallas as pl
from jax.experimental.pallas import tpu as pltpu
from jax.experimental.pallas import tpu_sc as plsc

VOCAB = 1000000
D_MODEL = 64
MAX_LEN = 512
BATCH = 4096
SEQ = 200
SCALE = math.sqrt(D_MODEL)

NC, NS = 2, 16
NW = NC * NS
ROWS_PER_W = BATCH // NW
NCHUNK = ROWS_PER_W
TOK_PER_W = ROWS_PER_W * SEQ
LANES = 16
NBUF = 3
WIDE = 2 * D_MODEL
IDXPAD = SEQ + LANES


def _make_pe():
    pe = np.zeros((MAX_LEN, D_MODEL), dtype=np.float32)
    position = np.arange(0, MAX_LEN, dtype=np.float32)[:, None]
    div_term = np.exp(
        np.arange(0, D_MODEL, 2, dtype=np.float32) * (-math.log(10000.0) / D_MODEL)
    )
    pe[:, 0::2] = np.sin(position * div_term)
    pe[:, 1::2] = np.cos(position * div_term)
    return pe[:SEQ]


_PE_NP = _make_pe()

_MESH = plsc.VectorSubcoreMesh(
    core_axis_name="c", subcore_axis_name="s", num_cores=NC, num_subcores=NS
)


@functools.partial(
    pl.kernel,
    out_type=jax.ShapeDtypeStruct((BATCH, SEQ, WIDE), jnp.float32),
    mesh=_MESH,
    compiler_params=pltpu.CompilerParams(
        use_tc_tiling_on_sc=False, disable_bounds_checks=True
    ),
    scratch_types=[
        pltpu.VMEM((IDXPAD,), jnp.int32),
        pltpu.VMEM((IDXPAD,), jnp.int32),
        pltpu.VMEM((IDXPAD,), jnp.int32),
        pltpu.VMEM((SEQ,), jnp.int32),
        pltpu.VMEM((SEQ,), jnp.int32),
        pltpu.VMEM((SEQ,), jnp.int32),
        pltpu.VMEM((SEQ, WIDE), jnp.float32),
        pltpu.VMEM((SEQ, WIDE), jnp.float32),
        pltpu.VMEM((SEQ, WIDE), jnp.float32),
        pltpu.VMEM((SEQ, D_MODEL), jnp.float32),
        pltpu.SemaphoreType.DMA,
        pltpu.SemaphoreType.DMA,
        pltpu.SemaphoreType.DMA,
        pltpu.SemaphoreType.DMA,
        pltpu.SemaphoreType.DMA,
        pltpu.SemaphoreType.DMA,
        pltpu.SemaphoreType.DMA,
        pltpu.SemaphoreType.DMA,
        pltpu.SemaphoreType.DMA,
    ],
)
def _embed_kernel(table2_hbm, xf_hbm, xfh_hbm, pe_hbm, out_hbm,
                  iv0, iv1, iv2, ih0, ih1, ih2, rows0, rows1, rows2, pe_v,
                  s0, s1, s2, g0, g1, g2, w0, w1, w2):
    wid = lax.axis_index("s") * NC + lax.axis_index("c")
    row0 = wid * ROWS_PER_W
    tok0 = row0 * SEQ

    idxv = [iv0, iv1, iv2]
    idxh = [ih0, ih1, ih2]
    rows = [rows0, rows1, rows2]
    isem = [s0, s1, s2]
    gsem = [g0, g1, g2]
    wsem = [w0, w1, w2]

    pltpu.sync_copy(pe_hbm, pe_v)

    def idxv_desc(c, k):
        return pltpu.make_async_copy(
            xf_hbm.at[pl.ds(tok0 + c * SEQ, SEQ)],
            idxv[k].at[pl.ds(0, SEQ)], isem[k],
        )

    def idxh_desc(c, k):
        return pltpu.make_async_copy(
            xfh_hbm.at[pl.ds(tok0 + c * SEQ, SEQ)], idxh[k], isem[k]
        )

    def fire_idx(c, k):
        idxv_desc(c, k).start()
        idxh_desc(c, k).start()

    def gather_desc(c, k):
        src = table2_hbm.at[idxh[k]]
        return pltpu.make_async_copy(src, rows[k], gsem[k])

    def fire_gather(c, k):
        idxv_desc(c, k).wait()
        idxh_desc(c, k).wait()
        gather_desc(c, k).start()

    def wb_desc(c, k):
        return pltpu.make_async_copy(rows[k], out_hbm.at[row0 + c], wsem[k])

    def process(c, k):
        gather_desc(c, k).wait()

        @plsc.parallel_loop(0, SEQ, unroll=2)
        def _ew(j):
            buf = rows[k]
            vvec = idxv[k][pl.ds(j, LANES)]
            odd = (vvec[0] & 1) == 1

            @pl.when(odd)
            def _():
                for q in range(D_MODEL // LANES):
                    sl = pl.ds(q * LANES, LANES)
                    hi = pl.ds(D_MODEL + q * LANES, LANES)
                    buf[j, sl] = buf[j, hi] * SCALE + pe_v[j, sl]

            @pl.when(jnp.logical_not(odd))
            def _():
                for q in range(D_MODEL // LANES):
                    sl = pl.ds(q * LANES, LANES)
                    buf[j, sl] = buf[j, sl] * SCALE + pe_v[j, sl]

        wb_desc(c, k).start()

    def drain_wb(c, k):
        wb_desc(c, k).wait()

    fire_idx(0, 0)
    fire_idx(1, 1)
    fire_idx(2, 2)
    fire_gather(0, 0)
    fire_gather(1, 1)

    process(0, 0)
    fire_idx(3, 0)
    fire_gather(2, 2)

    process(1, 1)
    fire_idx(4, 1)
    drain_wb(0, 0)
    fire_gather(3, 0)

    process(2, 2)
    fire_idx(5, 2)
    drain_wb(1, 1)
    fire_gather(4, 1)

    @pl.loop(1, (NCHUNK - 2) // NBUF)
    def _pipe(it):
        cbase = it * NBUF
        for k in range(NBUF):
            c = cbase + k
            process(c, k)

            @pl.when(c + 3 < NCHUNK)
            def _():
                fire_idx(c + 3, k)

            drain_wb(c - 1, (k + NBUF - 1) % NBUF)

            @pl.when(c + 2 < NCHUNK)
            def _():
                fire_gather(c + 2, (k + 2) % NBUF)

    process(NCHUNK - 2, (NCHUNK - 2) % NBUF)
    drain_wb(NCHUNK - 3, (NCHUNK - 3) % NBUF)
    process(NCHUNK - 1, (NCHUNK - 1) % NBUF)
    drain_wb(NCHUNK - 2, (NCHUNK - 2) % NBUF)
    drain_wb(NCHUNK - 1, (NCHUNK - 1) % NBUF)


def kernel(x, table):
    table2 = table.reshape(VOCAB // 2, WIDE)
    xf = x.reshape(BATCH * SEQ)
    xfh = lax.shift_right_logical(xf, 1)
    out = _embed_kernel(table2, xf, xfh, jnp.asarray(_PE_NP))
    return out[:, :, :D_MODEL]

# --- scband reference (transcript-rebuilt; emitter-appended) ---
"""Pipeline reference for scband-transformer-embedding-12824772346347 (READ-ONLY COPY).

The authoritative reference and input builder live on the scoring server;
editing this copy changes nothing except your own understanding.
"""

import jax, jax.numpy as jnp
import numpy as np
import math

VOCAB = 1000000
D_MODEL = 64
MAX_LEN = 512
BATCH = 4096
SEQ = 200

def make_pe():
    pe = np.zeros((MAX_LEN, D_MODEL), dtype=np.float32)
    position = np.arange(0, MAX_LEN, dtype=np.float32)[:, None]
    div_term = np.exp(np.arange(0, D_MODEL, 2, dtype=np.float32) * (-math.log(10000.0) / D_MODEL))
    pe[:, 0::2] = np.sin(position * div_term)
    pe[:, 1::2] = np.cos(position * div_term)
    return jnp.asarray(pe)

def setup_inputs(seed: int = 0) -> dict:
    key = jax.random.key(seed)
    k1, k2 = jax.random.split(key)
    x = jax.random.randint(k1, (BATCH, SEQ), 0, VOCAB, dtype=jnp.int32)
    table = jax.random.normal(k2, (VOCAB, D_MODEL), dtype=jnp.float32) * 0.02
    # padding_idx=0 row is zero-initialized in nn.Embedding
    table = table.at[0].set(0.0)
    return {"x": x, "table": table}

def reference(x, table):
    # WordEmbedding: lookup * sqrt(d_model)
    emb = jnp.take(table, x, axis=0) * math.sqrt(D_MODEL)
    # PositionalEncoding: add pe[:, :seq_len, :]
    seq_len = x.shape[1]
    pe = make_pe()
    out = emb + pe[None, :seq_len, :]
    # dropout p=0.0 -> identity
    return out

if __name__ == "__main__":
    import jax
    _d = setup_inputs()
    print(jax.jit(kernel)(*tuple(_d.values())))

</pallas_src>

<mosaic_0001>
#map = affine_map<(d0, d1) -> (0, 0)>
#map1 = affine_map<(d0, d1) -> (0)>
#map2 = affine_map<(d0, d1) -> (0, 0, 0)>
module attributes {stable_mosaic.version = 14 : i64} {
  func.func @_embed_kernel(%arg0: i32, %arg1: i32, %arg2: memref<500000x128xf32, #tpu.memory_space<hbm>>, %arg3: memref<819200xi32, #tpu.memory_space<hbm>>, %arg4: memref<819200xi32, #tpu.memory_space<hbm>>, %arg5: memref<200x64xf32, #tpu.memory_space<hbm>>, %arg6: memref<4096x200x128xf32, #tpu.memory_space<hbm>>, %arg7: memref<216xi32, #tpu.memory_space<vmem>>, %arg8: memref<216xi32, #tpu.memory_space<vmem>>, %arg9: memref<216xi32, #tpu.memory_space<vmem>>, %arg10: memref<200xi32, #tpu.memory_space<vmem>>, %arg11: memref<200xi32, #tpu.memory_space<vmem>>, %arg12: memref<200xi32, #tpu.memory_space<vmem>>, %arg13: memref<200x128xf32, #tpu.memory_space<vmem>>, %arg14: memref<200x128xf32, #tpu.memory_space<vmem>>, %arg15: memref<200x128xf32, #tpu.memory_space<vmem>>, %arg16: memref<200x64xf32, #tpu.memory_space<vmem>>, %arg17: memref<!tpu.dma_semaphore, #tpu.memory_space<semaphore_mem>>, %arg18: memref<!tpu.dma_semaphore, #tpu.memory_space<semaphore_mem>>, %arg19: memref<!tpu.dma_semaphore, #tpu.memory_space<semaphore_mem>>, %arg20: memref<!tpu.dma_semaphore, #tpu.memory_space<semaphore_mem>>, %arg21: memref<!tpu.dma_semaphore, #tpu.memory_space<semaphore_mem>>, %arg22: memref<!tpu.dma_semaphore, #tpu.memory_space<semaphore_mem>>, %arg23: memref<!tpu.dma_semaphore, #tpu.memory_space<semaphore_mem>>, %arg24: memref<!tpu.dma_semaphore, #tpu.memory_space<semaphore_mem>>, %arg25: memref<!tpu.dma_semaphore, #tpu.memory_space<semaphore_mem>>) attributes {dimension_semantics = [#tpu.dimension_semantics<core_parallel>, #tpu.dimension_semantics<subcore_parallel>], iteration_bounds = array<i64: 2, 16>, scalar_prefetch = 0 : i64, scratch_operands = 19 : i64, tpu.core_type = #tpu.core_type<sc_vector_subcore>, window_params = [{transform_indices = #map}, {transform_indices = #map1}, {transform_indices = #map1}, {transform_indices = #map}, {transform_indices = #map2}]} {
    %mul3A = arith.constant 2 : i32
    %mul3A_0 = arith.muli %arg1, %mul3A : i32
    %add3A = arith.addi %mul3A_0, %arg0 : i32
    %mul3A_1 = arith.constant 128 : i32
    %mul3A_2 = arith.muli %add3A, %mul3A_1 : i32
    %mul3A_3 = arith.constant 200 : i32
    %mul3A_4 = arith.muli %mul3A_2, %mul3A_3 : i32
    "tpu.region"() ({
      %run_scoped3A = tpu.sem_alloc : memref<!tpu.dma_semaphore, #tpu.memory_space<semaphore_mem>>
      tpu.enqueue_dma source(%arg5 : memref<200x64xf32, #tpu.memory_space<hbm>>) target(%arg16 : memref<200x64xf32, #tpu.memory_space<vmem>>) target_semaphore(%run_scoped3A : memref<!tpu.dma_semaphore, #tpu.memory_space<semaphore_mem>>)
      tpu.wait_dma2 semaphore(%run_scoped3A : memref<!tpu.dma_semaphore, #tpu.memory_space<semaphore_mem>>) src(%arg5 : memref<200x64xf32, #tpu.memory_space<hbm>>) dst(%arg16 : memref<200x64xf32, #tpu.memory_space<vmem>>)
      tpu.yield
    }) : () -> ()
    %add3A_5 = arith.constant 0 : i32
    %add3A_6 = arith.addi %mul3A_4, %add3A_5 : i32
    %dma_start3A = arith.constant 0 : i32
    %dma_start3A_7 = tpu.memref_slice %arg7[%dma_start3A] : memref<216xi32, #tpu.memory_space<vmem>> -> memref<200xi32, #tpu.memory_space<vmem>>
    %dma_start3A_8 = tpu.memref_slice %arg3[%add3A_6] : memref<819200xi32, #tpu.memory_space<hbm>> -> memref<200xi32, #tpu.memory_space<hbm>>
    %dma_start3A_9 = arith.constant 0 : i32
    %dma_start3A_10 = tpu.memref_slice %arg7[%dma_start3A_9] : memref<216xi32, #tpu.memory_space<vmem>> -> memref<200xi32, #tpu.memory_space<vmem>>
    %dma_start3A_11 = tpu.memref_slice %arg3[%add3A_6] : memref<819200xi32, #tpu.memory_space<hbm>> -> memref<200xi32, #tpu.memory_space<hbm>>
    tpu.enqueue_dma source(%dma_start3A_11 : memref<200xi32, #tpu.memory_space<hbm>>) target(%dma_start3A_10 : memref<200xi32, #tpu.memory_space<vmem>>) target_semaphore(%arg17 : memref<!tpu.dma_semaphore, #tpu.memory_space<semaphore_mem>>)
    %add3A_12 = arith.constant 0 : i32
    %add3A_13 = arith.addi %mul3A_4, %add3A_12 : i32
    %dma_start3A_14 = tpu.memref_slice %arg4[%add3A_13] : memref<819200xi32, #tpu.memory_space<hbm>> -> memref<200xi32, #tpu.memory_space<hbm>>
    %dma_start3A_15 = tpu.memref_slice %arg4[%add3A_13] : memref<819200xi32, #tpu.memory_space<hbm>> -> memref<200xi32, #tpu.memory_space<hbm>>
    tpu.enqueue_dma source(%dma_start3A_15 : memref<200xi32, #tpu.memory_space<hbm>>) target(%arg10 : memref<200xi32, #tpu.memory_space<vmem>>) target_semaphore(%arg17 : memref<!tpu.dma_semaphore, #tpu.memory_space<semaphore_mem>>)
    %add3A_16 = arith.constant 200 : i32
    %add3A_17 = arith.addi %mul3A_4, %add3A_16 : i32
    %dma_start3A_18 = arith.constant 0 : i32
    %dma_start3A_19 = tpu.memref_slice %arg8[%dma_start3A_18] : memref<216xi32, #tpu.memory_space<vmem>> -> memref<200xi32, #tpu.memory_space<vmem>>
    %dma_start3A_20 = tpu.memref_slice %arg3[%add3A_17] : memref<819200xi32, #tpu.memory_space<hbm>> -> memref<200xi32, #tpu.memory_space<hbm>>
    %dma_start3A_21 = arith.constant 0 : i32
    %dma_start3A_22 = tpu.memref_slice %arg8[%dma_start3A_21] : memref<216xi32, #tpu.memory_space<vmem>> -> memref<200xi32, #tpu.memory_space<vmem>>
    %dma_start3A_23 = tpu.memref_slice %arg3[%add3A_17] : memref<819200xi32, #tpu.memory_space<hbm>> -> memref<200xi32, #tpu.memory_space<hbm>>
    tpu.enqueue_dma source(%dma_start3A_23 : memref<200xi32, #tpu.memory_space<hbm>>) target(%dma_start3A_22 : memref<200xi32, #tpu.memory_space<vmem>>) target_semaphore(%arg18 : memref<!tpu.dma_semaphore, #tpu.memory_space<semaphore_mem>>)
    %add3A_24 = arith.constant 200 : i32
    %add3A_25 = arith.addi %mul3A_4, %add3A_24 : i32
    %dma_start3A_26 = tpu.memref_slice %arg4[%add3A_25] : memref<819200xi32, #tpu.memory_space<hbm>> -> memref<200xi32, #tpu.memory_space<hbm>>
    %dma_start3A_27 = tpu.memref_slice %arg4[%add3A_25] : memref<819200xi32, #tpu.memory_space<hbm>> -> memref<200xi32, #tpu.memory_space<hbm>>
    tpu.enqueue_dma source(%dma_start3A_27 : memref<200xi32, #tpu.memory_space<hbm>>) target(%arg11 : memref<200xi32, #tpu.memory_space<vmem>>) target_semaphore(%arg18 : memref<!tpu.dma_semaphore, #tpu.memory_space<semaphore_mem>>)
    %add3A_28 = arith.constant 400 : i32
    %add3A_29 = arith.addi %mul3A_4, %add3A_28 : i32
    %dma_start3A_30 = arith.constant 0 : i32
    %dma_start3A_31 = tpu.memref_slice %arg9[%dma_start3A_30] : memref<216xi32, #tpu.memory_space<vmem>> -> memref<200xi32, #tpu.memory_space<vmem>>
    %dma_start3A_32 = tpu.memref_slice %arg3[%add3A_29] : memref<819200xi32, #tpu.memory_space<hbm>> -> memref<200xi32, #tpu.memory_space<hbm>>
    %dma_start3A_33 = arith.constant 0 : i32
    %dma_start3A_34 = tpu.memref_slice %arg9[%dma_start3A_33] : memref<216xi32, #tpu.memory_space<vmem>> -> memref<200xi32, #tpu.memory_space<vmem>>
    %dma_start3A_35 = tpu.memref_slice %arg3[%add3A_29] : memref<819200xi32, #tpu.memory_space<hbm>> -> memref<200xi32, #tpu.memory_space<hbm>>
    tpu.enqueue_dma source(%dma_start3A_35 : memref<200xi32, #tpu.memory_space<hbm>>) target(%dma_start3A_34 : memref<200xi32, #tpu.memory_space<vmem>>) target_semaphore(%arg19 : memref<!tpu.dma_semaphore, #tpu.memory_space<semaphore_mem>>)
    %add3A_36 = arith.constant 400 : i32
    %add3A_37 = arith.addi %mul3A_4, %add3A_36 : i32
    %dma_start3A_38 = tpu.memref_slice %arg4[%add3A_37] : memref<819200xi32, #tpu.memory_space<hbm>> -> memref<200xi32, #tpu.memory_space<hbm>>
    %dma_start3A_39 = tpu.memref_slice %arg4[%add3A_37] : memref<819200xi32, #tpu.memory_space<hbm>> -> memref<200xi32, #tpu.memory_space<hbm>>
    tpu.enqueue_dma source(%dma_start3A_39 : memref<200xi32, #tpu.memory_space<hbm>>) target(%arg12 : memref<200xi32, #tpu.memory_space<vmem>>) target_semaphore(%arg19 : memref<!tpu.dma_semaphore, #tpu.memory_space<semaphore_mem>>)
    %add3A_40 = arith.constant 0 : i32
    %add3A_41 = arith.addi %mul3A_4, %add3A_40 : i32
    %dma_wait3A = arith.constant 0 : i32
    %dma_wait3A_42 = tpu.memref_slice %arg7[%dma_wait3A] : memref<216xi32, #tpu.memory_space<vmem>> -> memref<200xi32, #tpu.memory_space<vmem>>
    %dma_wait3A_43 = tpu.memref_slice %arg3[%add3A_41] : memref<819200xi32, #tpu.memory_space<hbm>> -> memref<200xi32, #tpu.memory_space<hbm>>
    %dma_wait3A_44 = arith.constant 0 : i32
    %dma_wait3A_45 = tpu.memref_slice %arg7[%dma_wait3A_44] : memref<216xi32, #tpu.memory_space<vmem>> -> memref<200xi32, #tpu.memory_space<vmem>>
    %dma_wait3A_46 = tpu.memref_slice %arg3[%add3A_41] : memref<819200xi32, #tpu.memory_space<hbm>> -> memref<200xi32, #tpu.memory_space<hbm>>
    tpu.wait_dma2 semaphore(%arg17 : memref<!tpu.dma_semaphore, #tpu.memory_space<semaphore_mem>>) src(%dma_wait3A_46 : memref<200xi32, #tpu.memory_space<hbm>>) dst(%dma_wait3A_45 : memref<200xi32, #tpu.memory_space<vmem>>)
    %add3A_47 = arith.constant 0 : i32
    %add3A_48 = arith.addi %mul3A_4, %add3A_47 : i32
    %dma_wait3A_49 = tpu.memref_slice %arg4[%add3A_48] : memref<819200xi32, #tpu.memory_space<hbm>> -> memref<200xi32, #tpu.memory_space<hbm>>
    %dma_wait3A_50 = tpu.memref_slice %arg4[%add3A_48] : memref<819200xi32, #tpu.memory_space<hbm>> -> memref<200xi32, #tpu.memory_space<hbm>>
    tpu.wait_dma2 semaphore(%arg17 : memref<!tpu.dma_semaphore, #tpu.memory_space<semaphore_mem>>) src(%dma_wait3A_50 : memref<200xi32, #tpu.memory_space<hbm>>) dst(%arg10 : memref<200xi32, #tpu.memory_space<vmem>>)
    %dma_start3A_51 = arith.constant 0 : i32
    %dma_start3A_52 = arith.constant 0 : i32
    %dma_start3A_53 = tpu.memref_slice %arg2[%dma_start3A_51, %dma_start3A_52] : memref<500000x128xf32, #tpu.memory_space<hbm>> -> memref<500000x128xf32, #tpu.memory_space<hbm>>
    tpu.enqueue_indirect_dma source(%dma_start3A_53 : memref<500000x128xf32, #tpu.memory_space<hbm>>) target(%arg13 : memref<200x128xf32, #tpu.memory_space<vmem>>) offsets(%arg10 : memref<200xi32, #tpu.memory_space<vmem>>) semaphore(%arg20 : memref<!tpu.dma_semaphore, #tpu.memory_space<semaphore_mem>>)
    %add3A_54 = arith.constant 200 : i32
    %add3A_55 = arith.addi %mul3A_4, %add3A_54 : i32
    %dma_wait3A_56 = arith.constant 0 : i32
    %dma_wait3A_57 = tpu.memref_slice %arg8[%dma_wait3A_56] : memref<216xi32, #tpu.memory_space<vmem>> -> memref<200xi32, #tpu.memory_space<vmem>>
    %dma_wait3A_58 = tpu.memref_slice %arg3[%add3A_55] : memref<819200xi32, #tpu.memory_space<hbm>> -> memref<200xi32, #tpu.memory_space<hbm>>
    %dma_wait3A_59 = arith.constant 0 : i32
    %dma_wait3A_60 = tpu.memref_slice %arg8[%dma_wait3A_59] : memref<216xi32, #tpu.memory_space<vmem>> -> memref<200xi32, #tpu.memory_space<vmem>>
    %dma_wait3A_61 = tpu.memref_slice %arg3[%add3A_55] : memref<819200xi32, #tpu.memory_space<hbm>> -> memref<200xi32, #tpu.memory_space<hbm>>
    tpu.wait_dma2 semaphore(%arg18 : memref<!tpu.dma_semaphore, #tpu.memory_space<semaphore_mem>>) src(%dma_wait3A_61 : memref<200xi32, #tpu.memory_space<hbm>>) dst(%dma_wait3A_60 : memref<200xi32, #tpu.memory_space<vmem>>)
    %add3A_62 = arith.constant 200 : i32
    %add3A_63 = arith.addi %mul3A_4, %add3A_62 : i32
    %dma_wait3A_64 = tpu.memref_slice %arg4[%add3A_63] : memref<819200xi32, #tpu.memory_space<hbm>> -> memref<200xi32, #tpu.memory_space<hbm>>
    %dma_wait3A_65 = tpu.memref_slice %arg4[%add3A_63] : memref<819200xi32, #tpu.memory_space<hbm>> -> memref<200xi32, #tpu.memory_space<hbm>>
    tpu.wait_dma2 semaphore(%arg18 : memref<!tpu.dma_semaphore, #tpu.memory_space<semaphore_mem>>) src(%dma_wait3A_65 : memref<200xi32, #tpu.memory_space<hbm>>) dst(%arg11 : memref<200xi32, #tpu.memory_space<vmem>>)
    %dma_start3A_66 = arith.constant 0 : i32
    %dma_start3A_67 = arith.constant 0 : i32
    %dma_start3A_68 = tpu.memref_slice %arg2[%dma_start3A_66, %dma_start3A_67] : memref<500000x128xf32, #tpu.memory_space<hbm>> -> memref<500000x128xf32, #tpu.memory_space<hbm>>
    tpu.enqueue_indirect_dma source(%dma_start3A_68 : memref<500000x128xf32, #tpu.memory_space<hbm>>) target(%arg14 : memref<200x128xf32, #tpu.memory_space<vmem>>) offsets(%arg11 : memref<200xi32, #tpu.memory_space<vmem>>) semaphore(%arg21 : memref<!tpu.dma_semaphore, #tpu.memory_space<semaphore_mem>>)
    %dma_wait3A_69 = arith.constant 0 : i32
    %dma_wait3A_70 = arith.constant 0 : i32
    %dma_wait3A_71 = tpu.memref_slice %arg2[%dma_wait3A_69, %dma_wait3A_70] : memref<500000x128xf32, #tpu.memory_space<hbm>> -> memref<500000x128xf32, #tpu.memory_space<hbm>>
    tpu.wait_indirect_dma semaphore(%arg20 : memref<!tpu.dma_semaphore, #tpu.memory_space<semaphore_mem>>) src(%dma_wait3A_71 : memref<500000x128xf32, #tpu.memory_space<hbm>>) dst(%arg13 : memref<200x128xf32, #tpu.memory_space<vmem>>)
    %parallel_loop3A = arith.constant 0 : i32
    %parallel_loop3A_72 = arith.constant 200 : i32
    %parallel_loop3A_73 = arith.constant 1 : i32
    scf.for %parallel_loop3A_283 = %parallel_loop3A to %parallel_loop3A_72 step %parallel_loop3A_73  : i32 {
      %parallel_loop3A_284 = arith.index_cast %parallel_loop3A_283 : i32 to index
      %parallel_loop3A_285 = tpu.vector_load %arg7[%parallel_loop3A_284] {strides = array<i32>} : memref<216xi32, #tpu.memory_space<vmem>>, vector<16xi32>,
      %parallel_loop3A_286 = vector.shape_cast %parallel_loop3A_285 : vector<16xi32> to vector<16xi32>
      %parallel_loop3A_287 = vector.extract_strided_slice %parallel_loop3A_286 {offsets = [0], sizes = [1], strides = [1]} : vector<16xi32> to vector<1xi32>
      %parallel_loop3A_288 = vector.extract %parallel_loop3A_287[0] : i32 from vector<1xi32>
      %parallel_loop3A_289 = arith.constant 1 : i32
      %parallel_loop3A_290 = arith.andi %parallel_loop3A_288, %parallel_loop3A_289 : i32
      %parallel_loop3A_291 = arith.constant 1 : i32
      %parallel_loop3A_292 = arith.cmpi eq, %parallel_loop3A_290, %parallel_loop3A_291 : i32
      %parallel_loop3A_293 = arith.extui %parallel_loop3A_292 : i1 to i32
      %parallel_loop3A_294 = arith.constant 0 : i32
      %parallel_loop3A_295 = arith.cmpi ne, %parallel_loop3A_293, %parallel_loop3A_294 : i32
      scf.if %parallel_loop3A_295 {
        %parallel_loop3A_301 = arith.index_cast %parallel_loop3A_283 : i32 to index
        %parallel_loop3A_302 = arith.constant 64 : index
        %parallel_loop3A_303 = tpu.vector_load %arg13[%parallel_loop3A_301, %parallel_loop3A_302] {strides = array<i32>} : memref<200x128xf32, #tpu.memory_space<vmem>>, vector<1x16xf32>,
        %parallel_loop3A_304 = vector.shape_cast %parallel_loop3A_303 : vector<1x16xf32> to vector<16xf32>
        %parallel_loop3A_305 = arith.constant 8.000000e+00 : f32
        %parallel_loop3A_306 = vector.broadcast %parallel_loop3A_305 : f32 to vector<16xf32>
        %parallel_loop3A_307 = arith.mulf %parallel_loop3A_304, %parallel_loop3A_306 : vector<16xf32>
        %parallel_loop3A_308 = arith.index_cast %parallel_loop3A_283 : i32 to index
        %parallel_loop3A_309 = arith.constant 0 : index
        %parallel_loop3A_310 = tpu.vector_load %arg16[%parallel_loop3A_308, %parallel_loop3A_309] {strides = array<i32>} : memref<200x64xf32, #tpu.memory_space<vmem>>, vector<1x16xf32>,
        %parallel_loop3A_311 = vector.shape_cast %parallel_loop3A_310 : vector<1x16xf32> to vector<16xf32>
        %parallel_loop3A_312 = arith.addf %parallel_loop3A_307, %parallel_loop3A_311 : vector<16xf32>
        %parallel_loop3A_313 = arith.index_cast %parallel_loop3A_283 : i32 to index
        %parallel_loop3A_314 = arith.constant 0 : index
        %parallel_loop3A_315 = tpu.vector_load %arg13[%parallel_loop3A_313, %parallel_loop3A_314] {strides = array<i32>} : memref<200x128xf32, #tpu.memory_space<vmem>>, vector<1x16xf32>,
        %parallel_loop3A_316 = vector.shape_cast %parallel_loop3A_315 : vector<1x16xf32> to vector<16xf32>
        %parallel_loop3A_317 = vector.shape_cast %parallel_loop3A_312 : vector<16xf32> to vector<1x16xf32>
        tpu.vector_store %arg13[%parallel_loop3A_313, %parallel_loop3A_314], %parallel_loop3A_317 {strides = array<i32>} : memref<200x128xf32, #tpu.memory_space<vmem>>, vector<1x16xf32>,
        %parallel_loop3A_318 = arith.index_cast %parallel_loop3A_283 : i32 to index
        %parallel_loop3A_319 = arith.constant 80 : index
        %parallel_loop3A_320 = tpu.vector_load %arg13[%parallel_loop3A_318, %parallel_loop3A_319] {strides = array<i32>} : memref<200x128xf32, #tpu.memory_space<vmem>>, vector<1x16xf32>,
        %parallel_loop3A_321 = vector.shape_cast %parallel_loop3A_320 : vector<1x16xf32> to vector<16xf32>
        %parallel_loop3A_322 = arith.constant 8.000000e+00 : f32
        %parallel_loop3A_323 = vector.broadcast %parallel_loop3A_322 : f32 to vector<16xf32>
        %parallel_loop3A_324 = arith.mulf %parallel_loop3A_321, %parallel_loop3A_323 : vector<16xf32>
        %parallel_loop3A_325 = arith.index_cast %parallel_loop3A_283 : i32 to index
        %parallel_loop3A_326 = arith.constant 16 : index
        %parallel_loop3A_327 = tpu.vector_load %arg16[%parallel_loop3A_325, %parallel_loop3A_326] {strides = array<i32>} : memref<200x64xf32, #tpu.memory_space<vmem>>, vector<1x16xf32>,
        %parallel_loop3A_328 = vector.shape_cast %parallel_loop3A_327 : vector<1x16xf32> to vector<16xf32>
        %parallel_loop3A_329 = arith.addf %parallel_loop3A_324, %parallel_loop3A_328 : vector<16xf32>
        %parallel_loop3A_330 = arith.index_cast %parallel_loop3A_283 : i32 to index
        %parallel_loop3A_331 = arith.constant 16 : index
        %parallel_loop3A_332 = tpu.vector_load %arg13[%parallel_loop3A_330, %parallel_loop3A_331] {strides = array<i32>} : memref<200x128xf32, #tpu.memory_space<vmem>>, vector<1x16xf32>,
        %parallel_loop3A_333 = vector.shape_cast %parallel_loop3A_332 : vector<1x16xf32> to vector<16xf32>
        %parallel_loop3A_334 = vector.shape_cast %parallel_loop3A_329 : vector<16xf32> to vector<1x16xf32>
        tpu.vector_store %arg13[%parallel_loop3A_330, %parallel_loop3A_331], %parallel_loop3A_334 {strides = array<i32>} : memref<200x128xf32, #tpu.memory_space<vmem>>, vector<1x16xf32>,
        %parallel_loop3A_335 = arith.index_cast %parallel_loop3A_283 : i32 to index
        %parallel_loop3A_336 = arith.constant 96 : index
        %parallel_loop3A_337 = tpu.vector_load %arg13[%parallel_loop3A_335, %parallel_loop3A_336] {strides = array<i32>} : memref<200x128xf32, #tpu.memory_space<vmem>>, vector<1x16xf32>,
        %parallel_loop3A_338 = vector.shape_cast %parallel_loop3A_337 : vector<1x16xf32> to vector<16xf32>
        %parallel_loop3A_339 = arith.constant 8.000000e+00 : f32
        %parallel_loop3A_340 = vector.broadcast %parallel_loop3A_339 : f32 to vector<16xf32>
        %parallel_loop3A_341 = arith.mulf %parallel_loop3A_338, %parallel_loop3A_340 : vector<16xf32>
        %parallel_loop3A_342 = arith.index_cast %parallel_loop3A_283 : i32 to index
        %parallel_loop3A_343 = arith.constant 32 : index
        %parallel_loop3A_344 = tpu.vector_load %arg16[%parallel_loop3A_342, %parallel_loop3A_343] {strides = array<i32>} : memref<200x64xf32, #tpu.memory_space<vmem>>, vector<1x16xf32>,
        %parallel_loop3A_345 = vector.shape_cast %parallel_loop3A_344 : vector<1x16xf32> to vector<16xf32>
        %parallel_loop3A_346 = arith.addf %parallel_loop3A_341, %parallel_loop3A_345 : vector<16xf32>
        %parallel_loop3A_347 = arith.index_cast %parallel_loop3A_283 : i32 to index
        %parallel_loop3A_348 = arith.constant 32 : index
        %parallel_loop3A_349 = tpu.vector_load %arg13[%parallel_loop3A_347, %parallel_loop3A_348] {strides = array<i32>} : memref<200x128xf32, #tpu.memory_space<vmem>>, vector<1x16xf32>,
        %parallel_loop3A_350 = vector.shape_cast %parallel_loop3A_349 : vector<1x16xf32> to vector<16xf32>
        %parallel_loop3A_351 = vector.shape_cast %parallel_loop3A_346 : vector<16xf32> to vector<1x16xf32>
        tpu.vector_store %arg13[%parallel_loop3A_347, %parallel_loop3A_348], %parallel_loop3A_351 {strides = array<i32>} : memref<200x128xf32, #tpu.memory_space<vmem>>, vector<1x16xf32>,
        %parallel_loop3A_352 = arith.index_cast %parallel_loop3A_283 : i32 to index
        %parallel_loop3A_353 = arith.constant 112 : index
        %parallel_loop3A_354 = tpu.vector_load %arg13[%parallel_loop3A_352, %parallel_loop3A_353] {strides = array<i32>} : memref<200x128xf32, #tpu.memory_space<vmem>>, vector<1x16xf32>,
        %parallel_loop3A_355 = vector.shape_cast %parallel_loop3A_354 : vector<1x16xf32> to vector<16xf32>
        %parallel_loop3A_356 = arith.constant 8.000000e+00 : f32
        %parallel_loop3A_357 = vector.broadcast %parallel_loop3A_356 : f32 to vector<16xf32>
        %parallel_loop3A_358 = arith.mulf %parallel_loop3A_355, %parallel_loop3A_357 : vector<16xf32>
        %parallel_loop3A_359 = arith.index_cast %parallel_loop3A_283 : i32 to index
        %parallel_loop3A_360 = arith.constant 48 : index
        %parallel_loop3A_361 = tpu.vector_load %arg16[%parallel_loop3A_359, %parallel_loop3A_360] {strides = array<i32>} : memref<200x64xf32, #tpu.memory_space<vmem>>, vector<1x16xf32>,
        %parallel_loop3A_362 = vector.shape_cast %parallel_loop3A_361 : vector<1x16xf32> to vector<16xf32>
        %parallel_loop3A_363 = arith.addf %parallel_loop3A_358, %parallel_loop3A_362 : vector<16xf32>
        %parallel_loop3A_364 = arith.index_cast %parallel_loop3A_283 : i32 to index
        %parallel_loop3A_365 = arith.constant 48 : index
        %parallel_loop3A_366 = tpu.vector_load %arg13[%parallel_loop3A_364, %parallel_loop3A_365] {strides = array<i32>} : memref<200x128xf32, #tpu.memory_space<vmem>>, vector<1x16xf32>,
        %parallel_loop3A_367 = vector.shape_cast %parallel_loop3A_366 : vector<1x16xf32> to vector<16xf32>
        %parallel_loop3A_368 = vector.shape_cast %parallel_loop3A_363 : vector<16xf32> to vector<1x16xf32>
        tpu.vector_store %arg13[%parallel_loop3A_364, %parallel_loop3A_365], %parallel_loop3A_368 {strides = array<i32>} : memref<200x128xf32, #tpu.memory_space<vmem>>, vector<1x16xf32>,
      } else {
      }
      %parallel_loop3A_296 = arith.constant true
      %parallel_loop3A_297 = arith.xori %parallel_loop3A_292, %parallel_loop3A_296 : i1
      %parallel_loop3A_298 = arith.extui %parallel_loop3A_297 : i1 to i32
      %parallel_loop3A_299 = arith.constant 0 : i32
      %parallel_loop3A_300 = arith.cmpi ne, %parallel_loop3A_298, %parallel_loop3A_299 : i32
      scf.if %parallel_loop3A_300 {
        %parallel_loop3A_301 = arith.index_cast %parallel_loop3A_283 : i32 to index
        %parallel_loop3A_302 = arith.constant 0 : index
        %parallel_loop3A_303 = tpu.vector_load %arg13[%parallel_loop3A_301, %parallel_loop3A_302] {strides = array<i32>} : memref<200x128xf32, #tpu.memory_space<vmem>>, vector<1x16xf32>,
        %parallel_loop3A_304 = vector.shape_cast %parallel_loop3A_303 : vector<1x16xf32> to vector<16xf32>
        %parallel_loop3A_305 = arith.constant 8.000000e+00 : f32
        %parallel_loop3A_306 = vector.broadcast %parallel_loop3A_305 : f32 to vector<16xf32>
        %parallel_loop3A_307 = arith.mulf %parallel_loop3A_304, %parallel_loop3A_306 : vector<16xf32>
        %parallel_loop3A_308 = arith.index_cast %parallel_loop3A_283 : i32 to index
        %parallel_loop3A_309 = arith.constant 0 : index
        %parallel_loop3A_310 = tpu.vector_load %arg16[%parallel_loop3A_308, %parallel_loop3A_309] {strides = array<i32>} : memref<200x64xf32, #tpu.memory_space<vmem>>, vector<1x16xf32>,
        %parallel_loop3A_311 = vector.shape_cast %parallel_loop3A_310 : vector<1x16xf32> to vector<16xf32>
        %parallel_loop3A_312 = arith.addf %parallel_loop3A_307, %parallel_loop3A_311 : vector<16xf32>
        %parallel_loop3A_313 = arith.index_cast %parallel_loop3A_283 : i32 to index
        %parallel_loop3A_314 = arith.constant 0 : index
        %parallel_loop3A_315 = tpu.vector_load %arg13[%parallel_loop3A_313, %parallel_loop3A_314] {strides = array<i32>} : memref<200x128xf32, #tpu.memory_space<vmem>>, vector<1x16xf32>,
        %parallel_loop3A_316 = vector.shape_cast %parallel_loop3A_315 : vector<1x16xf32> to vector<16xf32>
        %parallel_loop3A_317 = vector.shape_cast %parallel_loop3A_312 : vector<16xf32> to vector<1x16xf32>
        tpu.vector_store %arg13[%parallel_loop3A_313, %parallel_loop3A_314], %parallel_loop3A_317 {strides = array<i32>} : memref<200x128xf32, #tpu.memory_space<vmem>>, vector<1x16xf32>,
        %parallel_loop3A_318 = arith.index_cast %parallel_loop3A_283 : i32 to index
        %parallel_loop3A_319 = arith.constant 16 : index
        %parallel_loop3A_320 = tpu.vector_load %arg13[%parallel_loop3A_318, %parallel_loop3A_319] {strides = array<i32>} : memref<200x128xf32, #tpu.memory_space<vmem>>, vector<1x16xf32>,
        %parallel_loop3A_321 = vector.shape_cast %parallel_loop3A_320 : vector<1x16xf32> to vector<16xf32>
        %parallel_loop3A_322 = arith.constant 8.000000e+00 : f32
        %parallel_loop3A_323 = vector.broadcast %parallel_loop3A_322 : f32 to vector<16xf32>
        %parallel_loop3A_324 = arith.mulf %parallel_loop3A_321, %parallel_loop3A_323 : vector<16xf32>
        %parallel_loop3A_325 = arith.index_cast %parallel_loop3A_283 : i32 to index
        %parallel_loop3A_326 = arith.constant 16 : index
        %parallel_loop3A_327 = tpu.vector_load %arg16[%parallel_loop3A_325, %parallel_loop3A_326] {strides = array<i32>} : memref<200x64xf32, #tpu.memory_space<vmem>>, vector<1x16xf32>,
        %parallel_loop3A_328 = vector.shape_cast %parallel_loop3A_327 : vector<1x16xf32> to vector<16xf32>
        %parallel_loop3A_329 = arith.addf %parallel_loop3A_324, %parallel_loop3A_328 : vector<16xf32>
        %parallel_loop3A_330 = arith.index_cast %parallel_loop3A_283 : i32 to index
        %parallel_loop3A_331 = arith.constant 16 : index
        %parallel_loop3A_332 = tpu.vector_load %arg13[%parallel_loop3A_330, %parallel_loop3A_331] {strides = array<i32>} : memref<200x128xf32, #tpu.memory_space<vmem>>, vector<1x16xf32>,
        %parallel_loop3A_333 = vector.shape_cast %parallel_loop3A_332 : vector<1x16xf32> to vector<16xf32>
        %parallel_loop3A_334 = vector.shape_cast %parallel_loop3A_329 : vector<16xf32> to vector<1x16xf32>
        tpu.vector_store %arg13[%parallel_loop3A_330, %parallel_loop3A_331], %parallel_loop3A_334 {strides = array<i32>} : memref<200x128xf32, #tpu.memory_space<vmem>>, vector<1x16xf32>,
        %parallel_loop3A_335 = arith.index_cast %parallel_loop3A_283 : i32 to index
        %parallel_loop3A_336 = arith.constant 32 : index
        %parallel_loop3A_337 = tpu.vector_load %arg13[%parallel_loop3A_335, %parallel_loop3A_336] {strides = array<i32>} : memref<200x128xf32, #tpu.memory_space<vmem>>, vector<1x16xf32>,
        %parallel_loop3A_338 = vector.shape_cast %parallel_loop3A_337 : vector<1x16xf32> to vector<16xf32>
        %parallel_loop3A_339 = arith.constant 8.000000e+00 : f32
        %parallel_loop3A_340 = vector.broadcast %parallel_loop3A_339 : f32 to vector<16xf32>
        %parallel_loop3A_341 = arith.mulf %parallel_loop3A_338, %parallel_loop3A_340 : vector<16xf32>
        %parallel_loop3A_342 = arith.index_cast %parallel_loop3A_283 : i32 to index
        %parallel_loop3A_343 = arith.constant 32 : index
        %parallel_loop3A_344 = tpu.vector_load %arg16[%parallel_loop3A_342, %parallel_loop3A_343] {strides = array<i32>} : memref<200x64xf32, #tpu.memory_space<vmem>>, vector<1x16xf32>,
        %parallel_loop3A_345 = vector.shape_cast %parallel_loop3A_344 : vector<1x16xf32> to vector<16xf32>
        %parallel_loop3A_346 = arith.addf %parallel_loop3A_341, %parallel_loop3A_345 : vector<16xf32>
        %parallel_loop3A_347 = arith.index_cast %parallel_loop3A_283 : i32 to index
        %parallel_loop3A_348 = arith.constant 32 : index
        %parallel_loop3A_349 = tpu.vector_load %arg13[%parallel_loop3A_347, %parallel_loop3A_348] {strides = array<i32>} : memref<200x128xf32, #tpu.memory_space<vmem>>, vector<1x16xf32>,
        %parallel_loop3A_350 = vector.shape_cast %parallel_loop3A_349 : vector<1x16xf32> to vector<16xf32>
        %parallel_loop3A_351 = vector.shape_cast %parallel_loop3A_346 : vector<16xf32> to vector<1x16xf32>
        tpu.vector_store %arg13[%parallel_loop3A_347, %parallel_loop3A_348], %parallel_loop3A_351 {strides = array<i32>} : memref<200x128xf32, #tpu.memory_space<vmem>>, vector<1x16xf32>,
        %parallel_loop3A_352 = arith.index_cast %parallel_loop3A_283 : i32 to index
        %parallel_loop3A_353 = arith.constant 48 : index
        %parallel_loop3A_354 = tpu.vector_load %arg13[%parallel_loop3A_352, %parallel_loop3A_353] {strides = array<i32>} : memref<200x128xf32, #tpu.memory_space<vmem>>, vector<1x16xf32>,
        %parallel_loop3A_355 = vector.shape_cast %parallel_loop3A_354 : vector<1x16xf32> to vector<16xf32>
        %parallel_loop3A_356 = arith.constant 8.000000e+00 : f32
        %parallel_loop3A_357 = vector.broadcast %parallel_loop3A_356 : f32 to vector<16xf32>
        %parallel_loop3A_358 = arith.mulf %parallel_loop3A_355, %parallel_loop3A_357 : vector<16xf32>
        %parallel_loop3A_359 = arith.index_cast %parallel_loop3A_283 : i32 to index
        %parallel_loop3A_360 = arith.constant 48 : index
        %parallel_loop3A_361 = tpu.vector_load %arg16[%parallel_loop3A_359, %parallel_loop3A_360] {strides = array<i32>} : memref<200x64xf32, #tpu.memory_space<vmem>>, vector<1x16xf32>,
        %parallel_loop3A_362 = vector.shape_cast %parallel_loop3A_361 : vector<1x16xf32> to vector<16xf32>
        %parallel_loop3A_363 = arith.addf %parallel_loop3A_358, %parallel_loop3A_362 : vector<16xf32>
        %parallel_loop3A_364 = arith.index_cast %parallel_loop3A_283 : i32 to index
        %parallel_loop3A_365 = arith.constant 48 : index
        %parallel_loop3A_366 = tpu.vector_load %arg13[%parallel_loop3A_364, %parallel_loop3A_365] {strides = array<i32>} : memref<200x128xf32, #tpu.memory_space<vmem>>, vector<1x16xf32>,
        %parallel_loop3A_367 = vector.shape_cast %parallel_loop3A_366 : vector<1x16xf32> to vector<16xf32>
        %parallel_loop3A_368 = vector.shape_cast %parallel_loop3A_363 : vector<16xf32> to vector<1x16xf32>
        tpu.vector_store %arg13[%parallel_loop3A_364, %parallel_loop3A_365], %parallel_loop3A_368 {strides = array<i32>} : memref<200x128xf32, #tpu.memory_space<vmem>>, vector<1x16xf32>,
      } else {
      }
    } {sc.loop_unroll_factor = 2 : i64, sc.parallel_access}
    %add3A_74 = arith.constant 0 : i32
    %add3A_75 = arith.addi %mul3A_2, %add3A_74 : i32
    %dma_start3A_76 = arith.constant 0 : i32
    %dma_start3A_77 = arith.constant 0 : i32
    %dma_start3A_78 = tpu.memref_slice %arg6[%add3A_75, %dma_start3A_76, %dma_start3A_77] : memref<4096x200x128xf32, #tpu.memory_space<hbm>> -> memref<1x200x128xf32, #tpu.memory_space<hbm>>
    %dma_start3A_79 = tpu.memref_squeeze %dma_start3A_78 : memref<1x200x128xf32, #tpu.memory_space<hbm>> -> memref<200x128xf32, #tpu.memory_space<hbm>>
    %dma_start3A_80 = arith.constant 0 : i32
    %dma_start3A_81 = arith.constant 0 : i32
    %dma_start3A_82 = tpu.memref_slice %arg6[%add3A_75, %dma_start3A_80, %dma_start3A_81] : memref<4096x200x128xf32, #tpu.memory_space<hbm>> -> memref<1x200x128xf32, #tpu.memory_space<hbm>>
    %dma_start3A_83 = tpu.memref_squeeze %dma_start3A_82 : memref<1x200x128xf32, #tpu.memory_space<hbm>> -> memref<200x128xf32, #tpu.memory_space<hbm>>
    tpu.enqueue_dma source(%arg13 : memref<200x128xf32, #tpu.memory_space<vmem>>) target(%dma_start3A_83 : memref<200x128xf32, #tpu.memory_space<hbm>>) target_semaphore(%arg23 : memref<!tpu.dma_semaphore, #tpu.memory_space<semaphore_mem>>)
    %add3A_84 = arith.constant 600 : i32
    %add3A_85 = arith.addi %mul3A_4, %add3A_84 : i32
    %dma_start3A_86 = arith.constant 0 : i32
    %dma_start3A_87 = tpu.memref_slice %arg7[%dma_start3A_86] : memref<216xi32, #tpu.memory_space<vmem>> -> memref<200xi32, #tpu.memory_space<vmem>>
    %dma_start3A_88 = tpu.memref_slice %arg3[%add3A_85] : memref<819200xi32, #tpu.memory_space<hbm>> -> memref<200xi32, #tpu.memory_space<hbm>>
    %dma_start3A_89 = arith.constant 0 : i32
    %dma_start3A_90 = tpu.memref_slice %arg7[%dma_start3A_89] : memref<216xi32, #tpu.memory_space<vmem>> -> memref<200xi32, #tpu.memory_space<vmem>>
    %dma_start3A_91 = tpu.memref_slice %arg3[%add3A_85] : memref<819200xi32, #tpu.memory_space<hbm>> -> memref<200xi32, #tpu.memory_space<hbm>>
    tpu.enqueue_dma source(%dma_start3A_91 : memref<200xi32, #tpu.memory_space<hbm>>) target(%dma_start3A_90 : memref<200xi32, #tpu.memory_space<vmem>>) target_semaphore(%arg17 : memref<!tpu.dma_semaphore, #tpu.memory_space<semaphore_mem>>)
    %add3A_92 = arith.constant 600 : i32
    %add3A_93 = arith.addi %mul3A_4, %add3A_92 : i32
    %dma_start3A_94 = tpu.memref_slice %arg4[%add3A_93] : memref<819200xi32, #tpu.memory_space<hbm>> -> memref<200xi32, #tpu.memory_space<hbm>>
    %dma_start3A_95 = tpu.memref_slice %arg4[%add3A_93] : memref<819200xi32, #tpu.memory_space<hbm>> -> memref<200xi32, #tpu.memory_space<hbm>>
    tpu.enqueue_dma source(%dma_start3A_95 : memref<200xi32, #tpu.memory_space<hbm>>) target(%arg10 : memref<200xi32, #tpu.memory_space<vmem>>) target_semaphore(%arg17 : memref<!tpu.dma_semaphore, #tpu.memory_space<semaphore_mem>>)
    %add3A_96 = arith.constant 400 : i32
    %add3A_97 = arith.addi %mul3A_4, %add3A_96 : i32
    %dma_wait3A_98 = arith.constant 0 : i32
    %dma_wait3A_99 = tpu.memref_slice %arg9[%dma_wait3A_98] : memref<216xi32, #tpu.memory_space<vmem>> -> memref<200xi32, #tpu.memory_space<vmem>>
    %dma_wait3A_100 = tpu.memref_slice %arg3[%add3A_97] : memref<819200xi32, #tpu.memory_space<hbm>> -> memref<200xi32, #tpu.memory_space<hbm>>
    %dma_wait3A_101 = arith.constant 0 : i32
    %dma_wait3A_102 = tpu.memref_slice %arg9[%dma_wait3A_101] : memref<216xi32, #tpu.memory_space<vmem>> -> memref<200xi32, #tpu.memory_space<vmem>>
    %dma_wait3A_103 = tpu.memref_slice %arg3[%add3A_97] : memref<819200xi32, #tpu.memory_space<hbm>> -> memref<200xi32, #tpu.memory_space<hbm>>
    tpu.wait_dma2 semaphore(%arg19 : memref<!tpu.dma_semaphore, #tpu.memory_space<semaphore_mem>>) src(%dma_wait3A_103 : memref<200xi32, #tpu.memory_space<hbm>>) dst(%dma_wait3A_102 : memref<200xi32, #tpu.memory_space<vmem>>)
    %add3A_104 = arith.constant 400 : i32
    %add3A_105 = arith.addi %mul3A_4, %add3A_104 : i32
    %dma_wait3A_106 = tpu.memref_slice %arg4[%add3A_105] : memref<819200xi32, #tpu.memory_space<hbm>> -> memref<200xi32, #tpu.memory_space<hbm>>
    %dma_wait3A_107 = tpu.memref_slice %arg4[%add3A_105] : memref<819200xi32, #tpu.memory_space<hbm>> -> memref<200xi32, #tpu.memory_space<hbm>>
    tpu.wait_dma2 semaphore(%arg19 : memref<!tpu.dma_semaphore, #tpu.memory_space<semaphore_mem>>) src(%dma_wait3A_107 : memref<200xi32, #tpu.memory_space<hbm>>) dst(%arg12 : memref<200xi32, #tpu.memory_space<vmem>>)
    %dma_start3A_108 = arith.constant 0 : i32
    %dma_start3A_109 = arith.constant 0 : i32
    %dma_start3A_110 = tpu.memref_slice %arg2[%dma_start3A_108, %dma_start3A_109] : memref<500000x128xf32, #tpu.memory_space<hbm>> -> memref<500000x128xf32, #tpu.memory_space<hbm>>
    tpu.enqueue_indirect_dma source(%dma_start3A_110 : memref<500000x128xf32, #tpu.memory_space<hbm>>) target(%arg15 : memref<200x128xf32, #tpu.memory_space<vmem>>) offsets(%arg12 : memref<200xi32, #tpu.memory_space<vmem>>) semaphore(%arg22 : memref<!tpu.dma_semaphore, #tpu.memory_space<semaphore_mem>>)
    %dma_wait3A_111 = arith.constant 0 : i32
    %dma_wait3A_112 = arith.constant 0 : i32
    %dma_wait3A_113 = tpu.memref_slice %arg2[%dma_wait3A_111, %dma_wait3A_112] : memref<500000x128xf32, #tpu.memory_space<hbm>> -> memref<500000x128xf32, #tpu.memory_space<hbm>>
    tpu.wait_indirect_dma semaphore(%arg21 : memref<!tpu.dma_semaphore, #tpu.memory_space<semaphore_mem>>) src(%dma_wait3A_113 : memref<500000x128xf32, #tpu.memory_space<hbm>>) dst(%arg14 : memref<200x128xf32, #tpu.memory_space<vmem>>)
    %parallel_loop3A_114 = arith.constant 0 : i32
    %parallel_loop3A_115 = arith.constant 200 : i32
    %parallel_loop3A_116 = arith.constant 1 : i32
    scf.for %parallel_loop3A_283 = %parallel_loop3A_114 to %parallel_loop3A_115 step %parallel_loop3A_116  : i32 {
      %parallel_loop3A_284 = arith.index_cast %parallel_loop3A_283 : i32 to index
      %parallel_loop3A_285 = tpu.vector_load %arg8[%parallel_loop3A_284] {strides = array<i32>} : memref<216xi32, #tpu.memory_space<vmem>>, vector<16xi32>,
      %parallel_loop3A_286 = vector.shape_cast %parallel_loop3A_285 : vector<16xi32> to vector<16xi32>
      %parallel_loop3A_287 = vector.extract_strided_slice %parallel_loop3A_286 {offsets = [0], sizes = [1], strides = [1]} : vector<16xi32> to vector<1xi32>
      %parallel_loop3A_288 = vector.extract %parallel_loop3A_287[0] : i32 from vector<1xi32>
      %parallel_loop3A_289 = arith.constant 1 : i32
      %parallel_loop3A_290 = arith.andi %parallel_loop3A_288, %parallel_loop3A_289 : i32
      %parallel_loop3A_291 = arith.constant 1 : i32
      %parallel_loop3A_292 = arith.cmpi eq, %parallel_loop3A_290, %parallel_loop3A_291 : i32
      %parallel_loop3A_293 = arith.extui %parallel_loop3A_292 : i1 to i32
      %parallel_loop3A_294 = arith.constant 0 : i32
      %parallel_loop3A_295 = arith.cmpi ne, %parallel_loop3A_293, %parallel_loop3A_294 : i32
      scf.if %parallel_loop3A_295 {
        %parallel_loop3A_301 = arith.index_cast %parallel_loop3A_283 : i32 to index
        %parallel_loop3A_302 = arith.constant 64 : index
        %parallel_loop3A_303 = tpu.vector_load %arg14[%parallel_loop3A_301, %parallel_loop3A_302] {strides = array<i32>} : memref<200x128xf32, #tpu.memory_space<vmem>>, vector<1x16xf32>,
        %parallel_loop3A_304 = vector.shape_cast %parallel_loop3A_303 : vector<1x16xf32> to vector<16xf32>
        %parallel_loop3A_305 = arith.constant 8.000000e+00 : f32
        %parallel_loop3A_306 = vector.broadcast %parallel_loop3A_305 : f32 to vector<16xf32>
        %parallel_loop3A_307 = arith.mulf %parallel_loop3A_304, %parallel_loop3A_306 : vector<16xf32>
        %parallel_loop3A_308 = arith.index_cast %parallel_loop3A_283 : i32 to index
        %parallel_loop3A_309 = arith.constant 0 : index
        %parallel_loop3A_310 = tpu.vector_load %arg16[%parallel_loop3A_308, %parallel_loop3A_309] {strides = array<i32>} : memref<200x64xf32, #tpu.memory_space<vmem>>, vector<1x16xf32>,
        %parallel_loop3A_311 = vector.shape_cast %parallel_loop3A_310 : vector<1x16xf32> to vector<16xf32>
        %parallel_loop3A_312 = arith.addf %parallel_loop3A_307, %parallel_loop3A_311 : vector<16xf32>
        %parallel_loop3A_313 = arith.index_cast %parallel_loop3A_283 : i32 to index
        %parallel_loop3A_314 = arith.constant 0 : index
        %parallel_loop3A_315 = tpu.vector_load %arg14[%parallel_loop3A_313, %parallel_loop3A_314] {strides = array<i32>} : memref<200x128xf32, #tpu.memory_space<vmem>>, vector<1x16xf32>,
        %parallel_loop3A_316 = vector.shape_cast %parallel_loop3A_315 : vector<1x16xf32> to vector<16xf32>
        %parallel_loop3A_317 = vector.shape_cast %parallel_loop3A_312 : vector<16xf32> to vector<1x16xf32>
        tpu.vector_store %arg14[%parallel_loop3A_313, %parallel_loop3A_314], %parallel_loop3A_317 {strides = array<i32>} : memref<200x128xf32, #tpu.memory_space<vmem>>, vector<1x16xf32>,
        %parallel_loop3A_318 = arith.index_cast %parallel_loop3A_283 : i32 to index
        %parallel_loop3A_319 = arith.constant 80 : index
        %parallel_loop3A_320 = tpu.vector_load %arg14[%parallel_loop3A_318, %parallel_loop3A_319] {strides = array<i32>} : memref<200x128xf32, #tpu.memory_space<vmem>>, vector<1x16xf32>,
        %parallel_loop3A_321 = vector.shape_cast %parallel_loop3A_320 : vector<1x16xf32> to vector<16xf32>
        %parallel_loop3A_322 = arith.constant 8.000000e+00 : f32
        %parallel_loop3A_323 = vector.broadcast %parallel_loop3A_322 : f32 to vector<16xf32>
        %parallel_loop3A_324 = arith.mulf %parallel_loop3A_321, %parallel_loop3A_323 : vector<16xf32>
        %parallel_loop3A_325 = arith.index_cast %parallel_loop3A_283 : i32 to index
        %parallel_loop3A_326 = arith.constant 16 : index
        %parallel_loop3A_327 = tpu.vector_load %arg16[%parallel_loop3A_325, %parallel_loop3A_326] {strides = array<i32>} : memref<200x64xf32, #tpu.memory_space<vmem>>, vector<1x16xf32>,
        %parallel_loop3A_328 = vector.shape_cast %parallel_loop3A_327 : vector<1x16xf32> to vector<16xf32>
        %parallel_loop3A_329 = arith.addf %parallel_loop3A_324, %parallel_loop3A_328 : vector<16xf32>
        %parallel_loop3A_330 = arith.index_cast %parallel_loop3A_283 : i32 to index
        %parallel_loop3A_331 = arith.constant 16 : index
        %parallel_loop3A_332 = tpu.vector_load %arg14[%parallel_loop3A_330, %parallel_loop3A_331] {strides = array<i32>} : memref<200x128xf32, #tpu.memory_space<vmem>>, vector<1x16xf32>,
        %parallel_loop3A_333 = vector.shape_cast %parallel_loop3A_332 : vector<1x16xf32> to vector<16xf32>
        %parallel_loop3A_334 = vector.shape_cast %parallel_loop3A_329 : vector<16xf32> to vector<1x16xf32>
        tpu.vector_store %arg14[%parallel_loop3A_330, %parallel_loop3A_331], %parallel_loop3A_334 {strides = array<i32>} : memref<200x128xf32, #tpu.memory_space<vmem>>, vector<1x16xf32>,
        %parallel_loop3A_335 = arith.index_cast %parallel_loop3A_283 : i32 to index
        %parallel_loop3A_336 = arith.constant 96 : index
        %parallel_loop3A_337 = tpu.vector_load %arg14[%parallel_loop3A_335, %parallel_loop3A_336] {strides = array<i32>} : memref<200x128xf32, #tpu.memory_space<vmem>>, vector<1x16xf32>,
        %parallel_loop3A_338 = vector.shape_cast %parallel_loop3A_337 : vector<1x16xf32> to vector<16xf32>
        %parallel_loop3A_339 = arith.constant 8.000000e+00 : f32
        %parallel_loop3A_340 = vector.broadcast %parallel_loop3A_339 : f32 to vector<16xf32>
        %parallel_loop3A_341 = arith.mulf %parallel_loop3A_338, %parallel_loop3A_340 : vector<16xf32>
        %parallel_loop3A_342 = arith.index_cast %parallel_loop3A_283 : i32 to index
        %parallel_loop3A_343 = arith.constant 32 : index
        %parallel_loop3A_344 = tpu.vector_load %arg16[%parallel_loop3A_342, %parallel_loop3A_343] {strides = array<i32>} : memref<200x64xf32, #tpu.memory_space<vmem>>, vector<1x16xf32>,
        %parallel_loop3A_345 = vector.shape_cast %parallel_loop3A_344 : vector<1x16xf32> to vector<16xf32>
        %parallel_loop3A_346 = arith.addf %parallel_loop3A_341, %parallel_loop3A_345 : vector<16xf32>
        %parallel_loop3A_347 = arith.index_cast %parallel_loop3A_283 : i32 to index
        %parallel_loop3A_348 = arith.constant 32 : index
        %parallel_loop3A_349 = tpu.vector_load %arg14[%parallel_loop3A_347, %parallel_loop3A_348] {strides = array<i32>} : memref<200x128xf32, #tpu.memory_space<vmem>>, vector<1x16xf32>,
        %parallel_loop3A_350 = vector.shape_cast %parallel_loop3A_349 : vector<1x16xf32> to vector<16xf32>
        %parallel_loop3A_351 = vector.shape_cast %parallel_loop3A_346 : vector<16xf32> to vector<1x16xf32>
        tpu.vector_store %arg14[%parallel_loop3A_347, %parallel_loop3A_348], %parallel_loop3A_351 {strides = array<i32>} : memref<200x128xf32, #tpu.memory_space<vmem>>, vector<1x16xf32>,
        %parallel_loop3A_352 = arith.index_cast %parallel_loop3A_283 : i32 to index
        %parallel_loop3A_353 = arith.constant 112 : index
        %parallel_loop3A_354 = tpu.vector_load %arg14[%parallel_loop3A_352, %parallel_loop3A_353] {strides = array<i32>} : memref<200x128xf32, #tpu.memory_space<vmem>>, vector<1x16xf32>,
        %parallel_loop3A_355 = vector.shape_cast %parallel_loop3A_354 : vector<1x16xf32> to vector<16xf32>
        %parallel_loop3A_356 = arith.constant 8.000000e+00 : f32
        %parallel_loop3A_357 = vector.broadcast %parallel_loop3A_356 : f32 to vector<16xf32>
        %parallel_loop3A_358 = arith.mulf %parallel_loop3A_355, %parallel_loop3A_357 : vector<16xf32>
        %parallel_loop3A_359 = arith.index_cast %parallel_loop3A_283 : i32 to index
        %parallel_loop3A_360 = arith.constant 48 : index
        %parallel_loop3A_361 = tpu.vector_load %arg16[%parallel_loop3A_359, %parallel_loop3A_360] {strides = array<i32>} : memref<200x64xf32, #tpu.memory_space<vmem>>, vector<1x16xf32>,
        %parallel_loop3A_362 = vector.shape_cast %parallel_loop3A_361 : vector<1x16xf32> to vector<16xf32>
        %parallel_loop3A_363 = arith.addf %parallel_loop3A_358, %parallel_loop3A_362 : vector<16xf32>
        %parallel_loop3A_364 = arith.index_cast %parallel_loop3A_283 : i32 to index
        %parallel_loop3A_365 = arith.constant 48 : index
        %parallel_loop3A_366 = tpu.vector_load %arg14[%parallel_loop3A_364, %parallel_loop3A_365] {strides = array<i32>} : memref<200x128xf32, #tpu.memory_space<vmem>>, vector<1x16xf32>,
        %parallel_loop3A_367 = vector.shape_cast %parallel_loop3A_366 : vector<1x16xf32> to vector<16xf32>
        %parallel_loop3A_368 = vector.shape_cast %parallel_loop3A_363 : vector<16xf32> to vector<1x16xf32>
        tpu.vector_store %arg14[%parallel_loop3A_364, %parallel_loop3A_365], %parallel_loop3A_368 {strides = array<i32>} : memref<200x128xf32, #tpu.memory_space<vmem>>, vector<1x16xf32>,
      } else {
      }
      %parallel_loop3A_296 = arith.constant true
      %parallel_loop3A_297 = arith.xori %parallel_loop3A_292, %parallel_loop3A_296 : i1
      %parallel_loop3A_298 = arith.extui %parallel_loop3A_297 : i1 to i32
      %parallel_loop3A_299 = arith.constant 0 : i32
      %parallel_loop3A_300 = arith.cmpi ne, %parallel_loop3A_298, %parallel_loop3A_299 : i32
      scf.if %parallel_loop3A_300 {
        %parallel_loop3A_301 = arith.index_cast %parallel_loop3A_283 : i32 to index
        %parallel_loop3A_302 = arith.constant 0 : index
        %parallel_loop3A_303 = tpu.vector_load %arg14[%parallel_loop3A_301, %parallel_loop3A_302] {strides = array<i32>} : memref<200x128xf32, #tpu.memory_space<vmem>>, vector<1x16xf32>,
        %parallel_loop3A_304 = vector.shape_cast %parallel_loop3A_303 : vector<1x16xf32> to vector<16xf32>
        %parallel_loop3A_305 = arith.constant 8.000000e+00 : f32
        %parallel_loop3A_306 = vector.broadcast %parallel_loop3A_305 : f32 to vector<16xf32>
        %parallel_loop3A_307 = arith.mulf %parallel_loop3A_304, %parallel_loop3A_306 : vector<16xf32>
        %parallel_loop3A_308 = arith.index_cast %parallel_loop3A_283 : i32 to index
        %parallel_loop3A_309 = arith.constant 0 : index
        %parallel_loop3A_310 = tpu.vector_load %arg16[%parallel_loop3A_308, %parallel_loop3A_309] {strides = array<i32>} : memref<200x64xf32, #tpu.memory_space<vmem>>, vector<1x16xf32>,
        %parallel_loop3A_311 = vector.shape_cast %parallel_loop3A_310 : vector<1x16xf32> to vector<16xf32>
        %parallel_loop3A_312 = arith.addf %parallel_loop3A_307, %parallel_loop3A_311 : vector<16xf32>
        %parallel_loop3A_313 = arith.index_cast %parallel_loop3A_283 : i32 to index
        %parallel_loop3A_314 = arith.constant 0 : index
        %parallel_loop3A_315 = tpu.vector_load %arg14[%parallel_loop3A_313, %parallel_loop3A_314] {strides = array<i32>} : memref<200x128xf32, #tpu.memory_space<vmem>>, vector<1x16xf32>,
        %parallel_loop3A_316 = vector.shape_cast %parallel_loop3A_315 : vector<1x16xf32> to vector<16xf32>
        %parallel_loop3A_317 = vector.shape_cast %parallel_loop3A_312 : vector<16xf32> to vector<1x16xf32>
        tpu.vector_store %arg14[%parallel_loop3A_313, %parallel_loop3A_314], %parallel_loop3A_317 {strides = array<i32>} : memref<200x128xf32, #tpu.memory_space<vmem>>, vector<1x16xf32>,
        %parallel_loop3A_318 = arith.index_cast %parallel_loop3A_283 : i32 to index
        %parallel_loop3A_319 = arith.constant 16 : index
        %parallel_loop3A_320 = tpu.vector_load %arg14[%parallel_loop3A_318, %parallel_loop3A_319] {strides = array<i32>} : memref<200x128xf32, #tpu.memory_space<vmem>>, vector<1x16xf32>,
        %parallel_loop3A_321 = vector.shape_cast %parallel_loop3A_320 : vector<1x16xf32> to vector<16xf32>
        %parallel_loop3A_322 = arith.constant 8.000000e+00 : f32
        %parallel_loop3A_323 = vector.broadcast %parallel_loop3A_322 : f32 to vector<16xf32>
        %parallel_loop3A_324 = arith.mulf %parallel_loop3A_321, %parallel_loop3A_323 : vector<16xf32>
        %parallel_loop3A_325 = arith.index_cast %parallel_loop3A_283 : i32 to index
        %parallel_loop3A_326 = arith.constant 16 : index
        %parallel_loop3A_327 = tpu.vector_load %arg16[%parallel_loop3A_325, %parallel_loop3A_326] {strides = array<i32>} : memref<200x64xf32, #tpu.memory_space<vmem>>, vector<1x16xf32>,
        %parallel_loop3A_328 = vector.shape_cast %parallel_loop3A_327 : vector<1x16xf32> to vector<16xf32>
        %parallel_loop3A_329 = arith.addf %parallel_loop3A_324, %parallel_loop3A_328 : vector<16xf32>
        %parallel_loop3A_330 = arith.index_cast %parallel_loop3A_283 : i32 to index
        %parallel_loop3A_331 = arith.constant 16 : index
        %parallel_loop3A_332 = tpu.vector_load %arg14[%parallel_loop3A_330, %parallel_loop3A_331] {strides = array<i32>} : memref<200x128xf32, #tpu.memory_space<vmem>>, vector<1x16xf32>,
        %parallel_loop3A_333 = vector.shape_cast %parallel_loop3A_332 : vector<1x16xf32> to vector<16xf32>
        %parallel_loop3A_334 = vector.shape_cast %parallel_loop3A_329 : vector<16xf32> to vector<1x16xf32>
        tpu.vector_store %arg14[%parallel_loop3A_330, %parallel_loop3A_331], %parallel_loop3A_334 {strides = array<i32>} : memref<200x128xf32, #tpu.memory_space<vmem>>, vector<1x16xf32>,
        %parallel_loop3A_335 = arith.index_cast %parallel_loop3A_283 : i32 to index
        %parallel_loop3A_336 = arith.constant 32 : index
        %parallel_loop3A_337 = tpu.vector_load %arg14[%parallel_loop3A_335, %parallel_loop3A_336] {strides = array<i32>} : memref<200x128xf32, #tpu.memory_space<vmem>>, vector<1x16xf32>,
        %parallel_loop3A_338 = vector.shape_cast %parallel_loop3A_337 : vector<1x16xf32> to vector<16xf32>
        %parallel_loop3A_339 = arith.constant 8.000000e+00 : f32
        %parallel_loop3A_340 = vector.broadcast %parallel_loop3A_339 : f32 to vector<16xf32>
        %parallel_loop3A_341 = arith.mulf %parallel_loop3A_338, %parallel_loop3A_340 : vector<16xf32>
        %parallel_loop3A_342 = arith.index_cast %parallel_loop3A_283 : i32 to index
        %parallel_loop3A_343 = arith.constant 32 : index
        %parallel_loop3A_344 = tpu.vector_load %arg16[%parallel_loop3A_342, %parallel_loop3A_343] {strides = array<i32>} : memref<200x64xf32, #tpu.memory_space<vmem>>, vector<1x16xf32>,
        %parallel_loop3A_345 = vector.shape_cast %parallel_loop3A_344 : vector<1x16xf32> to vector<16xf32>
        %parallel_loop3A_346 = arith.addf %parallel_loop3A_341, %parallel_loop3A_345 : vector<16xf32>
        %parallel_loop3A_347 = arith.index_cast %parallel_loop3A_283 : i32 to index
        %parallel_loop3A_348 = arith.constant 32 : index
        %parallel_loop3A_349 = tpu.vector_load %arg14[%parallel_loop3A_347, %parallel_loop3A_348] {strides = array<i32>} : memref<200x128xf32, #tpu.memory_space<vmem>>, vector<1x16xf32>,
        %parallel_loop3A_350 = vector.shape_cast %parallel_loop3A_349 : vector<1x16xf32> to vector<16xf32>
        %parallel_loop3A_351 = vector.shape_cast %parallel_loop3A_346 : vector<16xf32> to vector<1x16xf32>
        tpu.vector_store %arg14[%parallel_loop3A_347, %parallel_loop3A_348], %parallel_loop3A_351 {strides = array<i32>} : memref<200x128xf32, #tpu.memory_space<vmem>>, vector<1x16xf32>,
        %parallel_loop3A_352 = arith.index_cast %parallel_loop3A_283 : i32 to index
        %parallel_loop3A_353 = arith.constant 48 : index
        %parallel_loop3A_354 = tpu.vector_load %arg14[%parallel_loop3A_352, %parallel_loop3A_353] {strides = array<i32>} : memref<200x128xf32, #tpu.memory_space<vmem>>, vector<1x16xf32>,
        %parallel_loop3A_355 = vector.shape_cast %parallel_loop3A_354 : vector<1x16xf32> to vector<16xf32>
        %parallel_loop3A_356 = arith.constant 8.000000e+00 : f32
        %parallel_loop3A_357 = vector.broadcast %parallel_loop3A_356 : f32 to vector<16xf32>
        %parallel_loop3A_358 = arith.mulf %parallel_loop3A_355, %parallel_loop3A_357 : vector<16xf32>
        %parallel_loop3A_359 = arith.index_cast %parallel_loop3A_283 : i32 to index
        %parallel_loop3A_360 = arith.constant 48 : index
        %parallel_loop3A_361 = tpu.vector_load %arg16[%parallel_loop3A_359, %parallel_loop3A_360] {strides = array<i32>} : memref<200x64xf32, #tpu.memory_space<vmem>>, vector<1x16xf32>,
        %parallel_loop3A_362 = vector.shape_cast %parallel_loop3A_361 : vector<1x16xf32> to vector<16xf32>
        %parallel_loop3A_363 = arith.addf %parallel_loop3A_358, %parallel_loop3A_362 : vector<16xf32>
        %parallel_loop3A_364 = arith.index_cast %parallel_loop3A_283 : i32 to index
        %parallel_loop3A_365 = arith.constant 48 : index
        %parallel_loop3A_366 = tpu.vector_load %arg14[%parallel_loop3A_364, %parallel_loop3A_365] {strides = array<i32>} : memref<200x128xf32, #tpu.memory_space<vmem>>, vector<1x16xf32>,
        %parallel_loop3A_367 = vector.shape_cast %parallel_loop3A_366 : vector<1x16xf32> to vector<16xf32>
        %parallel_loop3A_368 = vector.shape_cast %parallel_loop3A_363 : vector<16xf32> to vector<1x16xf32>
        tpu.vector_store %arg14[%parallel_loop3A_364, %parallel_loop3A_365], %parallel_loop3A_368 {strides = array<i32>} : memref<200x128xf32, #tpu.memory_space<vmem>>, vector<1x16xf32>,
      } else {
      }
    } {sc.loop_unroll_factor = 2 : i64, sc.parallel_access}
    %add3A_117 = arith.constant 1 : i32
    %add3A_118 = arith.addi %mul3A_2, %add3A_117 : i32
    %dma_start3A_119 = arith.constant 0 : i32
    %dma_start3A_120 = arith.constant 0 : i32
    %dma_start3A_121 = tpu.memref_slice %arg6[%add3A_118, %dma_start3A_119, %dma_start3A_120] : memref<4096x200x128xf32, #tpu.memory_space<hbm>> -> memref<1x200x128xf32, #tpu.memory_space<hbm>>
    %dma_start3A_122 = tpu.memref_squeeze %dma_start3A_121 : memref<1x200x128xf32, #tpu.memory_space<hbm>> -> memref<200x128xf32, #tpu.memory_space<hbm>>
    %dma_start3A_123 = arith.constant 0 : i32
    %dma_start3A_124 = arith.constant 0 : i32
    %dma_start3A_125 = tpu.memref_slice %arg6[%add3A_118, %dma_start3A_123, %dma_start3A_124] : memref<4096x200x128xf32, #tpu.memory_space<hbm>> -> memref<1x200x128xf32, #tpu.memory_space<hbm>>
    %dma_start3A_126 = tpu.memref_squeeze %dma_start3A_125 : memref<1x200x128xf32, #tpu.memory_space<hbm>> -> memref<200x128xf32, #tpu.memory_space<hbm>>
    tpu.enqueue_dma source(%arg14 : memref<200x128xf32, #tpu.memory_space<vmem>>) target(%dma_start3A_126 : memref<200x128xf32, #tpu.memory_space<hbm>>) target_semaphore(%arg24 : memref<!tpu.dma_semaphore, #tpu.memory_space<semaphore_mem>>)
    %add3A_127 = arith.constant 800 : i32
    %add3A_128 = arith.addi %mul3A_4, %add3A_127 : i32
    %dma_start3A_129 = arith.constant 0 : i32
    %dma_start3A_130 = tpu.memref_slice %arg8[%dma_start3A_129] : memref<216xi32, #tpu.memory_space<vmem>> -> memref<200xi32, #tpu.memory_space<vmem>>
    %dma_start3A_131 = tpu.memref_slice %arg3[%add3A_128] : memref<819200xi32, #tpu.memory_space<hbm>> -> memref<200xi32, #tpu.memory_space<hbm>>
    %dma_start3A_132 = arith.constant 0 : i32
    %dma_start3A_133 = tpu.memref_slice %arg8[%dma_start3A_132] : memref<216xi32, #tpu.memory_space<vmem>> -> memref<200xi32, #tpu.memory_space<vmem>>
    %dma_start3A_134 = tpu.memref_slice %arg3[%add3A_128] : memref<819200xi32, #tpu.memory_space<hbm>> -> memref<200xi32, #tpu.memory_space<hbm>>
    tpu.enqueue_dma source(%dma_start3A_134 : memref<200xi32, #tpu.memory_space<hbm>>) target(%dma_start3A_133 : memref<200xi32, #tpu.memory_space<vmem>>) target_semaphore(%arg18 : memref<!tpu.dma_semaphore, #tpu.memory_space<semaphore_mem>>)
    %add3A_135 = arith.constant 800 : i32
    %add3A_136 = arith.addi %mul3A_4, %add3A_135 : i32
    %dma_start3A_137 = tpu.memref_slice %arg4[%add3A_136] : memref<819200xi32, #tpu.memory_space<hbm>> -> memref<200xi32, #tpu.memory_space<hbm>>
    %dma_start3A_138 = tpu.memref_slice %arg4[%add3A_136] : memref<819200xi32, #tpu.memory_space<hbm>> -> memref<200xi32, #tpu.memory_space<hbm>>
    tpu.enqueue_dma source(%dma_start3A_138 : memref<200xi32, #tpu.memory_space<hbm>>) target(%arg11 : memref<200xi32, #tpu.memory_space<vmem>>) target_semaphore(%arg18 : memref<!tpu.dma_semaphore, #tpu.memory_space<semaphore_mem>>)
    %add3A_139 = arith.constant 0 : i32
    %add3A_140 = arith.addi %mul3A_2, %add3A_139 : i32
    %dma_wait3A_141 = arith.constant 0 : i32
    %dma_wait3A_142 = arith.constant 0 : i32
    %dma_wait3A_143 = tpu.memref_slice %arg6[%add3A_140, %dma_wait3A_141, %dma_wait3A_142] : memref<4096x200x128xf32, #tpu.memory_space<hbm>> -> memref<1x200x128xf32, #tpu.memory_space<hbm>>
    %dma_wait3A_144 = tpu.memref_squeeze %dma_wait3A_143 : memref<1x200x128xf32, #tpu.memory_space<hbm>> -> memref<200x128xf32, #tpu.memory_space<hbm>>
    %dma_wait3A_145 = arith.constant 0 : i32
    %dma_wait3A_146 = arith.constant 0 : i32
    %dma_wait3A_147 = tpu.memref_slice %arg6[%add3A_140, %dma_wait3A_145, %dma_wait3A_146] : memref<4096x200x128xf32, #tpu.memory_space<hbm>> -> memref<1x200x128xf32, #tpu.memory_space<hbm>>
    %dma_wait3A_148 = tpu.memref_squeeze %dma_wait3A_147 : memref<1x200x128xf32, #tpu.memory_space<hbm>> -> memref<200x128xf32, #tpu.memory_space<hbm>>
    tpu.wait_dma2 semaphore(%arg23 : memref<!tpu.dma_semaphore, #tpu.memory_space<semaphore_mem>>) src(%arg13 : memref<200x128xf32, #tpu.memory_space<vmem>>) dst(%dma_wait3A_148 : memref<200x128xf32, #tpu.memory_space<hbm>>)
    %add3A_149 = arith.constant 600 : i32
    %add3A_150 = arith.addi %mul3A_4, %add3A_149 : i32
    %dma_wait3A_151 = arith.constant 0 : i32
    %dma_wait3A_152 = tpu.memref_slice %arg7[%dma_wait3A_151] : memref<216xi32, #tpu.memory_space<vmem>> -> memref<200xi32, #tpu.memory_space<vmem>>
    %dma_wait3A_153 = tpu.memref_slice %arg3[%add3A_150] : memref<819200xi32, #tpu.memory_space<hbm>> -> memref<200xi32, #tpu.memory_space<hbm>>
    %dma_wait3A_154 = arith.constant 0 : i32
    %dma_wait3A_155 = tpu.memref_slice %arg7[%dma_wait3A_154] : memref<216xi32, #tpu.memory_space<vmem>> -> memref<200xi32, #tpu.memory_space<vmem>>
    %dma_wait3A_156 = tpu.memref_slice %arg3[%add3A_150] : memref<819200xi32, #tpu.memory_space<hbm>> -> memref<200xi32, #tpu.memory_space<hbm>>
    tpu.wait_dma2 semaphore(%arg17 : memref<!tpu.dma_semaphore, #tpu.memory_space<semaphore_mem>>) src(%dma_wait3A_156 : memref<200xi32, #tpu.memory_space<hbm>>) dst(%dma_wait3A_155 : memref<200xi32, #tpu.memory_space<vmem>>)
    %add3A_157 = arith.constant 600 : i32
    %add3A_158 = arith.addi %mul3A_4, %add3A_157 : i32
    %dma_wait3A_159 = tpu.memref_slice %arg4[%add3A_158] : memref<819200xi32, #tpu.memory_space<hbm>> -> memref<200xi32, #tpu.memory_space<hbm>>
    %dma_wait3A_160 = tpu.memref_slice %arg4[%add3A_158] : memref<819200xi32, #tpu.memory_space<hbm>> -> memref<200xi32, #tpu.memory_space<hbm>>
    tpu.wait_dma2 semaphore(%arg17 : memref<!tpu.dma_semaphore, #tpu.memory_space<semaphore_mem>>) src(%dma_wait3A_160 : memref<200xi32, #tpu.memory_space<hbm>>) dst(%arg10 : memref<200xi32, #tpu.memory_space<vmem>>)
    %dma_start3A_161 = arith.constant 0 : i32
    %dma_start3A_162 = arith.constant 0 : i32
    %dma_start3A_163 = tpu.memref_slice %arg2[%dma_start3A_161, %dma_start3A_162] : memref<500000x128xf32, #tpu.memory_space<hbm>> -> memref<500000x128xf32, #tpu.memory_space<hbm>>
    tpu.enqueue_indirect_dma source(%dma_start3A_163 : memref<500000x128xf32, #tpu.memory_space<hbm>>) target(%arg13 : memref<200x128xf32, #tpu.memory_space<vmem>>) offsets(%arg10 : memref<200xi32, #tpu.memory_space<vmem>>) semaphore(%arg20 : memref<!tpu.dma_semaphore, #tpu.memory_space<semaphore_mem>>)
    %dma_wait3A_164 = arith.constant 0 : i32
    %dma_wait3A_165 = arith.constant 0 : i32
    %dma_wait3A_166 = tpu.memref_slice %arg2[%dma_wait3A_164, %dma_wait3A_165] : memref<500000x128xf32, #tpu.memory_space<hbm>> -> memref<500000x128xf32, #tpu.memory_space<hbm>>
    tpu.wait_indirect_dma semaphore(%arg22 : memref<!tpu.dma_semaphore, #tpu.memory_space<semaphore_mem>>) src(%dma_wait3A_166 : memref<500000x128xf32, #tpu.memory_space<hbm>>) dst(%arg15 : memref<200x128xf32, #tpu.memory_space<vmem>>)
    %parallel_loop3A_167 = arith.constant 0 : i32
    %parallel_loop3A_168 = arith.constant 200 : i32
    %parallel_loop3A_169 = arith.constant 1 : i32
    scf.for %parallel_loop3A_283 = %parallel_loop3A_167 to %parallel_loop3A_168 step %parallel_loop3A_169  : i32 {
      %parallel_loop3A_284 = arith.index_cast %parallel_loop3A_283 : i32 to index
      %parallel_loop3A_285 = tpu.vector_load %arg9[%parallel_loop3A_284] {strides = array<i32>} : memref<216xi32, #tpu.memory_space<vmem>>, vector<16xi32>,
      %parallel_loop3A_286 = vector.shape_cast %parallel_loop3A_285 : vector<16xi32> to vector<16xi32>
      %parallel_loop3A_287 = vector.extract_strided_slice %parallel_loop3A_286 {offsets = [0], sizes = [1], strides = [1]} : vector<16xi32> to vector<1xi32>
      %parallel_loop3A_288 = vector.extract %parallel_loop3A_287[0] : i32 from vector<1xi32>
      %parallel_loop3A_289 = arith.constant 1 : i32
      %parallel_loop3A_290 = arith.andi %parallel_loop3A_288, %parallel_loop3A_289 : i32
      %parallel_loop3A_291 = arith.constant 1 : i32
      %parallel_loop3A_292 = arith.cmpi eq, %parallel_loop3A_290, %parallel_loop3A_291 : i32
      %parallel_loop3A_293 = arith.extui %parallel_loop3A_292 : i1 to i32
      %parallel_loop3A_294 = arith.constant 0 : i32
      %parallel_loop3A_295 = arith.cmpi ne, %parallel_loop3A_293, %parallel_loop3A_294 : i32
      scf.if %parallel_loop3A_295 {
        %parallel_loop3A_301 = arith.index_cast %parallel_loop3A_283 : i32 to index
        %parallel_loop3A_302 = arith.constant 64 : index
        %parallel_loop3A_303 = tpu.vector_load %arg15[%parallel_loop3A_301, %parallel_loop3A_302] {strides = array<i32>} : memref<200x128xf32, #tpu.memory_space<vmem>>, vector<1x16xf32>,
        %parallel_loop3A_304 = vector.shape_cast %parallel_loop3A_303 : vector<1x16xf32> to vector<16xf32>
        %parallel_loop3A_305 = arith.constant 8.000000e+00 : f32
        %parallel_loop3A_306 = vector.broadcast %parallel_loop3A_305 : f32 to vector<16xf32>
        %parallel_loop3A_307 = arith.mulf %parallel_loop3A_304, %parallel_loop3A_306 : vector<16xf32>
        %parallel_loop3A_308 = arith.index_cast %parallel_loop3A_283 : i32 to index
        %parallel_loop3A_309 = arith.constant 0 : index
        %parallel_loop3A_310 = tpu.vector_load %arg16[%parallel_loop3A_308, %parallel_loop3A_309] {strides = array<i32>} : memref<200x64xf32, #tpu.memory_space<vmem>>, vector<1x16xf32>,
        %parallel_loop3A_311 = vector.shape_cast %parallel_loop3A_310 : vector<1x16xf32> to vector<16xf32>
        %parallel_loop3A_312 = arith.addf %parallel_loop3A_307, %parallel_loop3A_311 : vector<16xf32>
        %parallel_loop3A_313 = arith.index_cast %parallel_loop3A_283 : i32 to index
        %parallel_loop3A_314 = arith.constant 0 : index
        %parallel_loop3A_315 = tpu.vector_load %arg15[%parallel_loop3A_313, %parallel_loop3A_314] {strides = array<i32>} : memref<200x128xf32, #tpu.memory_space<vmem>>, vector<1x16xf32>,
        %parallel_loop3A_316 = vector.shape_cast %parallel_loop3A_315 : vector<1x16xf32> to vector<16xf32>
        %parallel_loop3A_317 = vector.shape_cast %parallel_loop3A_312 : vector<16xf32> to vector<1x16xf32>
        tpu.vector_store %arg15[%parallel_loop3A_313, %parallel_loop3A_314], %parallel_loop3A_317 {strides = array<i32>} : memref<200x128xf32, #tpu.memory_space<vmem>>, vector<1x16xf32>,
        %parallel_loop3A_318 = arith.index_cast %parallel_loop3A_283 : i32 to index
        %parallel_loop3A_319 = arith.constant 80 : index
        %parallel_loop3A_320 = tpu.vector_load %arg15[%parallel_loop3A_318, %parallel_loop3A_319] {strides = array<i32>} : memref<200x128xf32, #tpu.memory_space<vmem>>, vector<1x16xf32>,
        %parallel_loop3A_321 = vector.shape_cast %parallel_loop3A_320 : vector<1x16xf32> to vector<16xf32>
        %parallel_loop3A_322 = arith.constant 8.000000e+00 : f32
        %parallel_loop3A_323 = vector.broadcast %parallel_loop3A_322 : f32 to vector<16xf32>
        %parallel_loop3A_324 = arith.mulf %parallel_loop3A_321, %parallel_loop3A_323 : vector<16xf32>
        %parallel_loop3A_325 = arith.index_cast %parallel_loop3A_283 : i32 to index
        %parallel_loop3A_326 = arith.constant 16 : index
        %parallel_loop3A_327 = tpu.vector_load %arg16[%parallel_loop3A_325, %parallel_loop3A_326] {strides = array<i32>} : memref<200x64xf32, #tpu.memory_space<vmem>>, vector<1x16xf32>,
        %parallel_loop3A_328 = vector.shape_cast %parallel_loop3A_327 : vector<1x16xf32> to vector<16xf32>
        %parallel_loop3A_329 = arith.addf %parallel_loop3A_324, %parallel_loop3A_328 : vector<16xf32>
        %parallel_loop3A_330 = arith.index_cast %parallel_loop3A_283 : i32 to index
        %parallel_loop3A_331 = arith.constant 16 : index
        %parallel_loop3A_332 = tpu.vector_load %arg15[%parallel_loop3A_330, %parallel_loop3A_331] {strides = array<i32>} : memref<200x128xf32, #tpu.memory_space<vmem>>, vector<1x16xf32>,
        %parallel_loop3A_333 = vector.shape_cast %parallel_loop3A_332 : vector<1x16xf32> to vector<16xf32>
        %parallel_loop3A_334 = vector.shape_cast %parallel_loop3A_329 : vector<16xf32> to vector<1x16xf32>
        tpu.vector_store %arg15[%parallel_loop3A_330, %parallel_loop3A_331], %parallel_loop3A_334 {strides = array<i32>} : memref<200x128xf32, #tpu.memory_space<vmem>>, vector<1x16xf32>,
        %parallel_loop3A_335 = arith.index_cast %parallel_loop3A_283 : i32 to index
        %parallel_loop3A_336 = arith.constant 96 : index
        %parallel_loop3A_337 = tpu.vector_load %arg15[%parallel_loop3A_335, %parallel_loop3A_336] {strides = array<i32>} : memref<200x128xf32, #tpu.memory_space<vmem>>, vector<1x16xf32>,
        %parallel_loop3A_338 = vector.shape_cast %parallel_loop3A_337 : vector<1x16xf32> to vector<16xf32>
        %parallel_loop3A_339 = arith.constant 8.000000e+00 : f32
        %parallel_loop3A_340 = vector.broadcast %parallel_loop3A_339 : f32 to vector<16xf32>
        %parallel_loop3A_341 = arith.mulf %parallel_loop3A_338, %parallel_loop3A_340 : vector<16xf32>
        %parallel_loop3A_342 = arith.index_cast %parallel_loop3A_283 : i32 to index
        %parallel_loop3A_343 = arith.constant 32 : index
        %parallel_loop3A_344 = tpu.vector_load %arg16[%parallel_loop3A_342, %parallel_loop3A_343] {strides = array<i32>} : memref<200x64xf32, #tpu.memory_space<vmem>>, vector<1x16xf32>,
        %parallel_loop3A_345 = vector.shape_cast %parallel_loop3A_344 : vector<1x16xf32> to vector<16xf32>
        %parallel_loop3A_346 = arith.addf %parallel_loop3A_341, %parallel_loop3A_345 : vector<16xf32>
        %parallel_loop3A_347 = arith.index_cast %parallel_loop3A_283 : i32 to index
        %parallel_loop3A_348 = arith.constant 32 : index
        %parallel_loop3A_349 = tpu.vector_load %arg15[%parallel_loop3A_347, %parallel_loop3A_348] {strides = array<i32>} : memref<200x128xf32, #tpu.memory_space<vmem>>, vector<1x16xf32>,
        %parallel_loop3A_350 = vector.shape_cast %parallel_loop3A_349 : vector<1x16xf32> to vector<16xf32>
        %parallel_loop3A_351 = vector.shape_cast %parallel_loop3A_346 : vector<16xf32> to vector<1x16xf32>
        tpu.vector_store %arg15[%parallel_loop3A_347, %parallel_loop3A_348], %parallel_loop3A_351 {strides = array<i32>} : memref<200x128xf32, #tpu.memory_space<vmem>>, vector<1x16xf32>,
        %parallel_loop3A_352 = arith.index_cast %parallel_loop3A_283 : i32 to index
        %parallel_loop3A_353 = arith.constant 112 : index
        %parallel_loop3A_354 = tpu.vector_load %arg15[%parallel_loop3A_352, %parallel_loop3A_353] {strides = array<i32>} : memref<200x128xf32, #tpu.memory_space<vmem>>, vector<1x16xf32>,
        %parallel_loop3A_355 = vector.shape_cast %parallel_loop3A_354 : vector<1x16xf32> to vector<16xf32>
        %parallel_loop3A_356 = arith.constant 8.000000e+00 : f32
        %parallel_loop3A_357 = vector.broadcast %parallel_loop3A_356 : f32 to vector<16xf32>
        %parallel_loop3A_358 = arith.mulf %parallel_loop3A_355, %parallel_loop3A_357 : vector<16xf32>
        %parallel_loop3A_359 = arith.index_cast %parallel_loop3A_283 : i32 to index
        %parallel_loop3A_360 = arith.constant 48 : index
        %parallel_loop3A_361 = tpu.vector_load %arg16[%parallel_loop3A_359, %parallel_loop3A_360] {strides = array<i32>} : memref<200x64xf32, #tpu.memory_space<vmem>>, vector<1x16xf32>,
        %parallel_loop3A_362 = vector.shape_cast %parallel_loop3A_361 : vector<1x16xf32> to vector<16xf32>
        %parallel_loop3A_363 = arith.addf %parallel_loop3A_358, %parallel_loop3A_362 : vector<16xf32>
        %parallel_loop3A_364 = arith.index_cast %parallel_loop3A_283 : i32 to index
        %parallel_loop3A_365 = arith.constant 48 : index
        %parallel_loop3A_366 = tpu.vector_load %arg15[%parallel_loop3A_364, %parallel_loop3A_365] {strides = array<i32>} : memref<200x128xf32, #tpu.memory_space<vmem>>, vector<1x16xf32>,
        %parallel_loop3A_367 = vector.shape_cast %parallel_loop3A_366 : vector<1x16xf32> to vector<16xf32>
        %parallel_loop3A_368 = vector.shape_cast %parallel_loop3A_363 : vector<16xf32> to vector<1x16xf32>
        tpu.vector_store %arg15[%parallel_loop3A_364, %parallel_loop3A_365], %parallel_loop3A_368 {strides = array<i32>} : memref<200x128xf32, #tpu.memory_space<vmem>>, vector<1x16xf32>,
      } else {
      }
      %parallel_loop3A_296 = arith.constant true
      %parallel_loop3A_297 = arith.xori %parallel_loop3A_292, %parallel_loop3A_296 : i1
      %parallel_loop3A_298 = arith.extui %parallel_loop3A_297 : i1 to i32
      %parallel_loop3A_299 = arith.constant 0 : i32
      %parallel_loop3A_300 = arith.cmpi ne, %parallel_loop3A_298, %parallel_loop3A_299 : i32
      scf.if %parallel_loop3A_300 {
        %parallel_loop3A_301 = arith.index_cast %parallel_loop3A_283 : i32 to index
        %parallel_loop3A_302 = arith.constant 0 : index
        %parallel_loop3A_303 = tpu.vector_load %arg15[%parallel_loop3A_301, %parallel_loop3A_302] {strides = array<i32>} : memref<200x128xf32, #tpu.memory_space<vmem>>, vector<1x16xf32>,
        %parallel_loop3A_304 = vector.shape_cast %parallel_loop3A_303 : vector<1x16xf32> to vector<16xf32>
        %parallel_loop3A_305 = arith.constant 8.000000e+00 : f32
        %parallel_loop3A_306 = vector.broadcast %parallel_loop3A_305 : f32 to vector<16xf32>
        %parallel_loop3A_307 = arith.mulf %parallel_loop3A_304, %parallel_loop3A_306 : vector<16xf32>
        %parallel_loop3A_308 = arith.index_cast %parallel_loop3A_283 : i32 to index
        %parallel_loop3A_309 = arith.constant 0 : index
        %parallel_loop3A_310 = tpu.vector_load %arg16[%parallel_loop3A_308, %parallel_loop3A_309] {strides = array<i32>} : memref<200x64xf32, #tpu.memory_space<vmem>>, vector<1x16xf32>,
        %parallel_loop3A_311 = vector.shape_cast %parallel_loop3A_310 : vector<1x16xf32> to vector<16xf32>
        %parallel_loop3A_312 = arith.addf %parallel_loop3A_307, %parallel_loop3A_311 : vector<16xf32>
        %parallel_loop3A_313 = arith.index_cast %parallel_loop3A_283 : i32 to index
        %parallel_loop3A_314 = arith.constant 0 : index
        %parallel_loop3A_315 = tpu.vector_load %arg15[%parallel_loop3A_313, %parallel_loop3A_314] {strides = array<i32>} : memref<200x128xf32, #tpu.memory_space<vmem>>, vector<1x16xf32>,
        %parallel_loop3A_316 = vector.shape_cast %parallel_loop3A_315 : vector<1x16xf32> to vector<16xf32>
        %parallel_loop3A_317 = vector.shape_cast %parallel_loop3A_312 : vector<16xf32> to vector<1x16xf32>
        tpu.vector_store %arg15[%parallel_loop3A_313, %parallel_loop3A_314], %parallel_loop3A_317 {strides = array<i32>} : memref<200x128xf32, #tpu.memory_space<vmem>>, vector<1x16xf32>,
        %parallel_loop3A_318 = arith.index_cast %parallel_loop3A_283 : i32 to index
        %parallel_loop3A_319 = arith.constant 16 : index
        %parallel_loop3A_320 = tpu.vector_load %arg15[%parallel_loop3A_318, %parallel_loop3A_319] {strides = array<i32>} : memref<200x128xf32, #tpu.memory_space<vmem>>, vector<1x16xf32>,
        %parallel_loop3A_321 = vector.shape_cast %parallel_loop3A_320 : vector<1x16xf32> to vector<16xf32>
        %parallel_loop3A_322 = arith.constant 8.000000e+00 : f32
        %parallel_loop3A_323 = vector.broadcast %parallel_loop3A_322 : f32 to vector<16xf32>
        %parallel_loop3A_324 = arith.mulf %parallel_loop3A_321, %parallel_loop3A_323 : vector<16xf32>
        %parallel_loop3A_325 = arith.index_cast %parallel_loop3A_283 : i32 to index
        %parallel_loop3A_326 = arith.constant 16 : index
        %parallel_loop3A_327 = tpu.vector_load %arg16[%parallel_loop3A_325, %parallel_loop3A_326] {strides = array<i32>} : memref<200x64xf32, #tpu.memory_space<vmem>>, vector<1x16xf32>,
        %parallel_loop3A_328 = vector.shape_cast %parallel_loop3A_327 : vector<1x16xf32> to vector<16xf32>
        %parallel_loop3A_329 = arith.addf %parallel_loop3A_324, %parallel_loop3A_328 : vector<16xf32>
        %parallel_loop3A_330 = arith.index_cast %parallel_loop3A_283 : i32 to index
        %parallel_loop3A_331 = arith.constant 16 : index
        %parallel_loop3A_332 = tpu.vector_load %arg15[%parallel_loop3A_330, %parallel_loop3A_331] {strides = array<i32>} : memref<200x128xf32, #tpu.memory_space<vmem>>, vector<1x16xf32>,
        %parallel_loop3A_333 = vector.shape_cast %parallel_loop3A_332 : vector<1x16xf32> to vector<16xf32>
        %parallel_loop3A_334 = vector.shape_cast %parallel_loop3A_329 : vector<16xf32> to vector<1x16xf32>
        tpu.vector_store %arg15[%parallel_loop3A_330, %parallel_loop3A_331], %parallel_loop3A_334 {strides = array<i32>} : memref<200x128xf32, #tpu.memory_space<vmem>>, vector<1x16xf32>,
        %parallel_loop3A_335 = arith.index_cast %parallel_loop3A_283 : i32 to index
        %parallel_loop3A_336 = arith.constant 32 : index
        %parallel_loop3A_337 = tpu.vector_load %arg15[%parallel_loop3A_335, %parallel_loop3A_336] {strides = array<i32>} : memref<200x128xf32, #tpu.memory_space<vmem>>, vector<1x16xf32>,
        %parallel_loop3A_338 = vector.shape_cast %parallel_loop3A_337 : vector<1x16xf32> to vector<16xf32>
        %parallel_loop3A_339 = arith.constant 8.000000e+00 : f32
        %parallel_loop3A_340 = vector.broadcast %parallel_loop3A_339 : f32 to vector<16xf32>
        %parallel_loop3A_341 = arith.mulf %parallel_loop3A_338, %parallel_loop3A_340 : vector<16xf32>
        %parallel_loop3A_342 = arith.index_cast %parallel_loop3A_283 : i32 to index
        %parallel_loop3A_343 = arith.constant 32 : index
        %parallel_loop3A_344 = tpu.vector_load %arg16[%parallel_loop3A_342, %parallel_loop3A_343] {strides = array<i32>} : memref<200x64xf32, #tpu.memory_space<vmem>>, vector<1x16xf32>,
        %parallel_loop3A_345 = vector.shape_cast %parallel_loop3A_344 : vector<1x16xf32> to vector<16xf32>
        %parallel_loop3A_346 = arith.addf %parallel_loop3A_341, %parallel_loop3A_345 : vector<16xf32>
        %parallel_loop3A_347 = arith.index_cast %parallel_loop3A_283 : i32 to index
        %parallel_loop3A_348 = arith.constant 32 : index
        %parallel_loop3A_349 = tpu.vector_load %arg15[%parallel_loop3A_347, %parallel_loop3A_348] {strides = array<i32>} : memref<200x128xf32, #tpu.memory_space<vmem>>, vector<1x16xf32>,
        %parallel_loop3A_350 = vector.shape_cast %parallel_loop3A_349 : vector<1x16xf32> to vector<16xf32>
        %parallel_loop3A_351 = vector.shape_cast %parallel_loop3A_346 : vector<16xf32> to vector<1x16xf32>
        tpu.vector_store %arg15[%parallel_loop3A_347, %parallel_loop3A_348], %parallel_loop3A_351 {strides = array<i32>} : memref<200x128xf32, #tpu.memory_space<vmem>>, vector<1x16xf32>,
        %parallel_loop3A_352 = arith.index_cast %parallel_loop3A_283 : i32 to index
        %parallel_loop3A_353 = arith.constant 48 : index
        %parallel_loop3A_354 = tpu.vector_load %arg15[%parallel_loop3A_352, %parallel_loop3A_353] {strides = array<i32>} : memref<200x128xf32, #tpu.memory_space<vmem>>, vector<1x16xf32>,
        %parallel_loop3A_355 = vector.shape_cast %parallel_loop3A_354 : vector<1x16xf32> to vector<16xf32>
        %parallel_loop3A_356 = arith.constant 8.000000e+00 : f32
        %parallel_loop3A_357 = vector.broadcast %parallel_loop3A_356 : f32 to vector<16xf32>
        %parallel_loop3A_358 = arith.mulf %parallel_loop3A_355, %parallel_loop3A_357 : vector<16xf32>
        %parallel_loop3A_359 = arith.index_cast %parallel_loop3A_283 : i32 to index
        %parallel_loop3A_360 = arith.constant 48 : index
        %parallel_loop3A_361 = tpu.vector_load %arg16[%parallel_loop3A_359, %parallel_loop3A_360] {strides = array<i32>} : memref<200x64xf32, #tpu.memory_space<vmem>>, vector<1x16xf32>,
        %parallel_loop3A_362 = vector.shape_cast %parallel_loop3A_361 : vector<1x16xf32> to vector<16xf32>
        %parallel_loop3A_363 = arith.addf %parallel_loop3A_358, %parallel_loop3A_362 : vector<16xf32>
        %parallel_loop3A_364 = arith.index_cast %parallel_loop3A_283 : i32 to index
        %parallel_loop3A_365 = arith.constant 48 : index
        %parallel_loop3A_366 = tpu.vector_load %arg15[%parallel_loop3A_364, %parallel_loop3A_365] {strides = array<i32>} : memref<200x128xf32, #tpu.memory_space<vmem>>, vector<1x16xf32>,
        %parallel_loop3A_367 = vector.shape_cast %parallel_loop3A_366 : vector<1x16xf32> to vector<16xf32>
        %parallel_loop3A_368 = vector.shape_cast %parallel_loop3A_363 : vector<16xf32> to vector<1x16xf32>
        tpu.vector_store %arg15[%parallel_loop3A_364, %parallel_loop3A_365], %parallel_loop3A_368 {strides = array<i32>} : memref<200x128xf32, #tpu.memory_space<vmem>>, vector<1x16xf32>,
      } else {
      }
    } {sc.loop_unroll_factor = 2 : i64, sc.parallel_access}
    %add3A_170 = arith.constant 2 : i32
    %add3A_171 = arith.addi %mul3A_2, %add3A_170 : i32
    %dma_start3A_172 = arith.constant 0 : i32
    %dma_start3A_173 = arith.constant 0 : i32
    %dma_start3A_174 = tpu.memref_slice %arg6[%add3A_171, %dma_start3A_172, %dma_start3A_173] : memref<4096x200x128xf32, #tpu.memory_space<hbm>> -> memref<1x200x128xf32, #tpu.memory_space<hbm>>
    %dma_start3A_175 = tpu.memref_squeeze %dma_start3A_174 : memref<1x200x128xf32, #tpu.memory_space<hbm>> -> memref<200x128xf32, #tpu.memory_space<hbm>>
    %dma_start3A_176 = arith.constant 0 : i32
    %dma_start3A_177 = arith.constant 0 : i32
    %dma_start3A_178 = tpu.memref_slice %arg6[%add3A_171, %dma_start3A_176, %dma_start3A_177] : memref<4096x200x128xf32, #tpu.memory_space<hbm>> -> memref<1x200x128xf32, #tpu.memory_space<hbm>>
    %dma_start3A_179 = tpu.memref_squeeze %dma_start3A_178 : memref<1x200x128xf32, #tpu.memory_space<hbm>> -> memref<200x128xf32, #tpu.memory_space<hbm>>
    tpu.enqueue_dma source(%arg15 : memref<200x128xf32, #tpu.memory_space<vmem>>) target(%dma_start3A_179 : memref<200x128xf32, #tpu.memory_space<hbm>>) target_semaphore(%arg25 : memref<!tpu.dma_semaphore, #tpu.memory_space<semaphore_mem>>)
    %add3A_180 = arith.constant 1000 : i32
    %add3A_181 = arith.addi %mul3A_4, %add3A_180 : i32
    %dma_start3A_182 = arith.constant 0 : i32
    %dma_start3A_183 = tpu.memref_slice %arg9[%dma_start3A_182] : memref<216xi32, #tpu.memory_space<vmem>> -> memref<200xi32, #tpu.memory_space<vmem>>
    %dma_start3A_184 = tpu.memref_slice %arg3[%add3A_181] : memref<819200xi32, #tpu.memory_space<hbm>> -> memref<200xi32, #tpu.memory_space<hbm>>
    %dma_start3A_185 = arith.constant 0 : i32
    %dma_start3A_186 = tpu.memref_slice %arg9[%dma_start3A_185] : memref<216xi32, #tpu.memory_space<vmem>> -> memref<200xi32, #tpu.memory_space<vmem>>
    %dma_start3A_187 = tpu.memref_slice %arg3[%add3A_181] : memref<819200xi32, #tpu.memory_space<hbm>> -> memref<200xi32, #tpu.memory_space<hbm>>
    tpu.enqueue_dma source(%dma_start3A_187 : memref<200xi32, #tpu.memory_space<hbm>>) target(%dma_start3A_186 : memref<200xi32, #tpu.memory_space<vmem>>) target_semaphore(%arg19 : memref<!tpu.dma_semaphore, #tpu.memory_space<semaphore_mem>>)
    %add3A_188 = arith.constant 1000 : i32
    %add3A_189 = arith.addi %mul3A_4, %add3A_188 : i32
    %dma_start3A_190 = tpu.memref_slice %arg4[%add3A_189] : memref<819200xi32, #tpu.memory_space<hbm>> -> memref<200xi32, #tpu.memory_space<hbm>>
    %dma_start3A_191 = tpu.memref_slice %arg4[%add3A_189] : memref<819200xi32, #tpu.memory_space<hbm>> -> memref<200xi32, #tpu.memory_space<hbm>>
    tpu.enqueue_dma source(%dma_start3A_191 : memref<200xi32, #tpu.memory_space<hbm>>) target(%arg12 : memref<200xi32, #tpu.memory_space<vmem>>) target_semaphore(%arg19 : memref<!tpu.dma_semaphore, #tpu.memory_space<semaphore_mem>>)
    %add3A_192 = arith.constant 1 : i32
    %add3A_193 = arith.addi %mul3A_2, %add3A_192 : i32
    %dma_wait3A_194 = arith.constant 0 : i32
    %dma_wait3A_195 = arith.constant 0 : i32
    %dma_wait3A_196 = tpu.memref_slice %arg6[%add3A_193, %dma_wait3A_194, %dma_wait3A_195] : memref<4096x200x128xf32, #tpu.memory_space<hbm>> -> memref<1x200x128xf32, #tpu.memory_space<hbm>>
    %dma_wait3A_197 = tpu.memref_squeeze %dma_wait3A_196 : memref<1x200x128xf32, #tpu.memory_space<hbm>> -> memref<200x128xf32, #tpu.memory_space<hbm>>
    %dma_wait3A_198 = arith.constant 0 : i32
    %dma_wait3A_199 = arith.constant 0 : i32
    %dma_wait3A_200 = tpu.memref_slice %arg6[%add3A_193, %dma_wait3A_198, %dma_wait3A_199] : memref<4096x200x128xf32, #tpu.memory_space<hbm>> -> memref<1x200x128xf32, #tpu.memory_space<hbm>>
    %dma_wait3A_201 = tpu.memref_squeeze %dma_wait3A_200 : memref<1x200x128xf32, #tpu.memory_space<hbm>> -> memref<200x128xf32, #tpu.memory_space<hbm>>
    tpu.wait_dma2 semaphore(%arg24 : memref<!tpu.dma_semaphore, #tpu.memory_space<semaphore_mem>>) src(%arg14 : memref<200x128xf32, #tpu.memory_space<vmem>>) dst(%dma_wait3A_201 : memref<200x128xf32, #tpu.memory_space<hbm>>)
    %add3A_202 = arith.constant 800 : i32
    %add3A_203 = arith.addi %mul3A_4, %add3A_202 : i32
    %dma_wait3A_204 = arith.constant 0 : i32
    %dma_wait3A_205 = tpu.memref_slice %arg8[%dma_wait3A_204] : memref<216xi32, #tpu.memory_space<vmem>> -> memref<200xi32, #tpu.memory_space<vmem>>
    %dma_wait3A_206 = tpu.memref_slice %arg3[%add3A_203] : memref<819200xi32, #tpu.memory_space<hbm>> -> memref<200xi32, #tpu.memory_space<hbm>>
    %dma_wait3A_207 = arith.constant 0 : i32
    %dma_wait3A_208 = tpu.memref_slice %arg8[%dma_wait3A_207] : memref<216xi32, #tpu.memory_space<vmem>> -> memref<200xi32, #tpu.memory_space<vmem>>
    %dma_wait3A_209 = tpu.memref_slice %arg3[%add3A_203] : memref<819200xi32, #tpu.memory_space<hbm>> -> memref<200xi32, #tpu.memory_space<hbm>>
    tpu.wait_dma2 semaphore(%arg18 : memref<!tpu.dma_semaphore, #tpu.memory_space<semaphore_mem>>) src(%dma_wait3A_209 : memref<200xi32, #tpu.memory_space<hbm>>) dst(%dma_wait3A_208 : memref<200xi32, #tpu.memory_space<vmem>>)
    %add3A_210 = arith.constant 800 : i32
    %add3A_211 = arith.addi %mul3A_4, %add3A_210 : i32
    %dma_wait3A_212 = tpu.memref_slice %arg4[%add3A_211] : memref<819200xi32, #tpu.memory_space<hbm>> -> memref<200xi32, #tpu.memory_space<hbm>>
    %dma_wait3A_213 = tpu.memref_slice %arg4[%add3A_211] : memref<819200xi32, #tpu.memory_space<hbm>> -> memref<200xi32, #tpu.memory_space<hbm>>
    tpu.wait_dma2 semaphore(%arg18 : memref<!tpu.dma_semaphore, #tpu.memory_space<semaphore_mem>>) src(%dma_wait3A_213 : memref<200xi32, #tpu.memory_space<hbm>>) dst(%arg11 : memref<200xi32, #tpu.memory_space<vmem>>)
    %dma_start3A_214 = arith.constant 0 : i32
    %dma_start3A_215 = arith.constant 0 : i32
    %dma_start3A_216 = tpu.memref_slice %arg2[%dma_start3A_214, %dma_start3A_215] : memref<500000x128xf32, #tpu.memory_space<hbm>> -> memref<500000x128xf32, #tpu.memory_space<hbm>>
    tpu.enqueue_indirect_dma source(%dma_start3A_216 : memref<500000x128xf32, #tpu.memory_space<hbm>>) target(%arg14 : memref<200x128xf32, #tpu.memory_space<vmem>>) offsets(%arg11 : memref<200xi32, #tpu.memory_space<vmem>>) semaphore(%arg21 : memref<!tpu.dma_semaphore, #tpu.memory_space<semaphore_mem>>)
    %scan3A = arith.constant 0 : i32
    %scan3A_217 = arith.constant 41 : i32
    %scan3A_218 = arith.addi %scan3A, %scan3A_217 : i32
    %scan3A_219 = arith.constant 1 : i32
    scf.for %scan3A_283 = %scan3A to %scan3A_218 step %scan3A_219  : i32 {
      %mul3A_284 = arith.constant 1 : i32
      %mul3A_285 = arith.muli %scan3A_283, %mul3A_284 : i32
      %add3A_286 = arith.constant 1 : i32
      %add3A_287 = arith.addi %add3A_286, %mul3A_285 : i32
      %mul3A_288 = arith.constant 3 : i32
      %mul3A_289 = arith.muli %add3A_287, %mul3A_288 : i32
      %add3A_290 = arith.constant 0 : i32
      %add3A_291 = arith.addi %mul3A_289, %add3A_290 : i32
      %dma_wait3A_292 = arith.constant 0 : i32
      %dma_wait3A_293 = arith.constant 0 : i32
      %dma_wait3A_294 = tpu.memref_slice %arg2[%dma_wait3A_292, %dma_wait3A_293] : memref<500000x128xf32, #tpu.memory_space<hbm>> -> memref<500000x128xf32, #tpu.memory_space<hbm>>
      tpu.wait_indirect_dma semaphore(%arg20 : memref<!tpu.dma_semaphore, #tpu.memory_space<semaphore_mem>>) src(%dma_wait3A_294 : memref<500000x128xf32, #tpu.memory_space<hbm>>) dst(%arg13 : memref<200x128xf32, #tpu.memory_space<vmem>>)
      %parallel_loop3A_295 = arith.constant 0 : i32
      %parallel_loop3A_296 = arith.constant 200 : i32
      %parallel_loop3A_297 = arith.constant 1 : i32
      scf.for %parallel_loop3A_412 = %parallel_loop3A_295 to %parallel_loop3A_296 step %parallel_loop3A_297  : i32 {
        %parallel_loop3A_413 = arith.index_cast %parallel_loop3A_412 : i32 to index
        %parallel_loop3A_414 = tpu.vector_load %arg7[%parallel_loop3A_413] {strides = array<i32>} : memref<216xi32, #tpu.memory_space<vmem>>, vector<16xi32>,
        %parallel_loop3A_415 = vector.shape_cast %parallel_loop3A_414 : vector<16xi32> to vector<16xi32>
        %parallel_loop3A_416 = vector.extract_strided_slice %parallel_loop3A_415 {offsets = [0], sizes = [1], strides = [1]} : vector<16xi32> to vector<1xi32>
        %parallel_loop3A_417 = vector.extract %parallel_loop3A_416[0] : i32 from vector<1xi32>
        %parallel_loop3A_418 = arith.constant 1 : i32
        %parallel_loop3A_419 = arith.andi %parallel_loop3A_417, %parallel_loop3A_418 : i32
        %parallel_loop3A_420 = arith.constant 1 : i32
        %parallel_loop3A_421 = arith.cmpi eq, %parallel_loop3A_419, %parallel_loop3A_420 : i32
        %parallel_loop3A_422 = arith.extui %parallel_loop3A_421 : i1 to i32
        %parallel_loop3A_423 = arith.constant 0 : i32
        %parallel_loop3A_424 = arith.cmpi ne, %parallel_loop3A_422, %parallel_loop3A_423 : i32
        scf.if %parallel_loop3A_424 {
          %parallel_loop3A_430 = arith.index_cast %parallel_loop3A_412 : i32 to index
          %parallel_loop3A_431 = arith.constant 64 : index
          %parallel_loop3A_432 = tpu.vector_load %arg13[%parallel_loop3A_430, %parallel_loop3A_431] {strides = array<i32>} : memref<200x128xf32, #tpu.memory_space<vmem>>, vector<1x16xf32>,
          %parallel_loop3A_433 = vector.shape_cast %parallel_loop3A_432 : vector<1x16xf32> to vector<16xf32>
          %parallel_loop3A_434 = arith.constant 8.000000e+00 : f32
          %parallel_loop3A_435 = vector.broadcast %parallel_loop3A_434 : f32 to vector<16xf32>
          %parallel_loop3A_436 = arith.mulf %parallel_loop3A_433, %parallel_loop3A_435 : vector<16xf32>
          %parallel_loop3A_437 = arith.index_cast %parallel_loop3A_412 : i32 to index
          %parallel_loop3A_438 = arith.constant 0 : index
          %parallel_loop3A_439 = tpu.vector_load %arg16[%parallel_loop3A_437, %parallel_loop3A_438] {strides = array<i32>} : memref<200x64xf32, #tpu.memory_space<vmem>>, vector<1x16xf32>,
          %parallel_loop3A_440 = vector.shape_cast %parallel_loop3A_439 : vector<1x16xf32> to vector<16xf32>
          %parallel_loop3A_441 = arith.addf %parallel_loop3A_436, %parallel_loop3A_440 : vector<16xf32>
          %parallel_loop3A_442 = arith.index_cast %parallel_loop3A_412 : i32 to index
          %parallel_loop3A_443 = arith.constant 0 : index
          %parallel_loop3A_444 = tpu.vector_load %arg13[%parallel_loop3A_442, %parallel_loop3A_443] {strides = array<i32>} : memref<200x128xf32, #tpu.memory_space<vmem>>, vector<1x16xf32>,
          %parallel_loop3A_445 = vector.shape_cast %parallel_loop3A_444 : vector<1x16xf32> to vector<16xf32>
          %parallel_loop3A_446 = vector.shape_cast %parallel_loop3A_441 : vector<16xf32> to vector<1x16xf32>
          tpu.vector_store %arg13[%parallel_loop3A_442, %parallel_loop3A_443], %parallel_loop3A_446 {strides = array<i32>} : memref<200x128xf32, #tpu.memory_space<vmem>>, vector<1x16xf32>,
          %parallel_loop3A_447 = arith.index_cast %parallel_loop3A_412 : i32 to index
          %parallel_loop3A_448 = arith.constant 80 : index
          %parallel_loop3A_449 = tpu.vector_load %arg13[%parallel_loop3A_447, %parallel_loop3A_448] {strides = array<i32>} : memref<200x128xf32, #tpu.memory_space<vmem>>, vector<1x16xf32>,
          %parallel_loop3A_450 = vector.shape_cast %parallel_loop3A_449 : vector<1x16xf32> to vector<16xf32>
          %parallel_loop3A_451 = arith.constant 8.000000e+00 : f32
          %parallel_loop3A_452 = vector.broadcast %parallel_loop3A_451 : f32 to vector<16xf32>
          %parallel_loop3A_453 = arith.mulf %parallel_loop3A_450, %parallel_loop3A_452 : vector<16xf32>
          %parallel_loop3A_454 = arith.index_cast %parallel_loop3A_412 : i32 to index
          %parallel_loop3A_455 = arith.constant 16 : index
          %parallel_loop3A_456 = tpu.vector_load %arg16[%parallel_loop3A_454, %parallel_loop3A_455] {strides = array<i32>} : memref<200x64xf32, #tpu.memory_space<vmem>>, vector<1x16xf32>,
          %parallel_loop3A_457 = vector.shape_cast %parallel_loop3A_456 : vector<1x16xf32> to vector<16xf32>
          %parallel_loop3A_458 = arith.addf %parallel_loop3A_453, %parallel_loop3A_457 : vector<16xf32>
          %parallel_loop3A_459 = arith.index_cast %parallel_loop3A_412 : i32 to index
          %parallel_loop3A_460 = arith.constant 16 : index
          %parallel_loop3A_461 = tpu.vector_load %arg13[%parallel_loop3A_459, %parallel_loop3A_460] {strides = array<i32>} : memref<200x128xf32, #tpu.memory_space<vmem>>, vector<1x16xf32>,
          %parallel_loop3A_462 = vector.shape_cast %parallel_loop3A_461 : vector<1x16xf32> to vector<16xf32>
          %parallel_loop3A_463 = vector.shape_cast %parallel_loop3A_458 : vector<16xf32> to vector<1x16xf32>
          tpu.vector_store %arg13[%parallel_loop3A_459, %parallel_loop3A_460], %parallel_loop3A_463 {strides = array<i32>} : memref<200x128xf32, #tpu.memory_space<vmem>>, vector<1x16xf32>,
          %parallel_loop3A_464 = arith.index_cast %parallel_loop3A_412 : i32 to index
          %parallel_loop3A_465 = arith.constant 96 : index
          %parallel_loop3A_466 = tpu.vector_load %arg13[%parallel_loop3A_464, %parallel_loop3A_465] {strides = array<i32>} : memref<200x128xf32, #tpu.memory_space<vmem>>, vector<1x16xf32>,
          %parallel_loop3A_467 = vector.shape_cast %parallel_loop3A_466 : vector<1x16xf32> to vector<16xf32>
          %parallel_loop3A_468 = arith.constant 8.000000e+00 : f32
          %parallel_loop3A_469 = vector.broadcast %parallel_loop3A_468 : f32 to vector<16xf32>
          %parallel_loop3A_470 = arith.mulf %parallel_loop3A_467, %parallel_loop3A_469 : vector<16xf32>
          %parallel_loop3A_471 = arith.index_cast %parallel_loop3A_412 : i32 to index
          %parallel_loop3A_472 = arith.constant 32 : index
          %parallel_loop3A_473 = tpu.vector_load %arg16[%parallel_loop3A_471, %parallel_loop3A_472] {strides = array<i32>} : memref<200x64xf32, #tpu.memory_space<vmem>>, vector<1x16xf32>,
          %parallel_loop3A_474 = vector.shape_cast %parallel_loop3A_473 : vector<1x16xf32> to vector<16xf32>
          %parallel_loop3A_475 = arith.addf %parallel_loop3A_470, %parallel_loop3A_474 : vector<16xf32>
          %parallel_loop3A_476 = arith.index_cast %parallel_loop3A_412 : i32 to index
          %parallel_loop3A_477 = arith.constant 32 : index
          %parallel_loop3A_478 = tpu.vector_load %arg13[%parallel_loop3A_476, %parallel_loop3A_477] {strides = array<i32>} : memref<200x128xf32, #tpu.memory_space<vmem>>, vector<1x16xf32>,
          %parallel_loop3A_479 = vector.shape_cast %parallel_loop3A_478 : vector<1x16xf32> to vector<16xf32>
          %parallel_loop3A_480 = vector.shape_cast %parallel_loop3A_475 : vector<16xf32> to vector<1x16xf32>
          tpu.vector_store %arg13[%parallel_loop3A_476, %parallel_loop3A_477], %parallel_loop3A_480 {strides = array<i32>} : memref<200x128xf32, #tpu.memory_space<vmem>>, vector<1x16xf32>,
          %parallel_loop3A_481 = arith.index_cast %parallel_loop3A_412 : i32 to index
          %parallel_loop3A_482 = arith.constant 112 : index
          %parallel_loop3A_483 = tpu.vector_load %arg13[%parallel_loop3A_481, %parallel_loop3A_482] {strides = array<i32>} : memref<200x128xf32, #tpu.memory_space<vmem>>, vector<1x16xf32>,
          %parallel_loop3A_484 = vector.shape_cast %parallel_loop3A_483 : vector<1x16xf32> to vector<16xf32>
          %parallel_loop3A_485 = arith.constant 8.000000e+00 : f32
          %parallel_loop3A_486 = vector.broadcast %parallel_loop3A_485 : f32 to vector<16xf32>
          %parallel_loop3A_487 = arith.mulf %parallel_loop3A_484, %parallel_loop3A_486 : vector<16xf32>
          %parallel_loop3A_488 = arith.index_cast %parallel_loop3A_412 : i32 to index
          %parallel_loop3A_489 = arith.constant 48 : index
          %parallel_loop3A_490 = tpu.vector_load %arg16[%parallel_loop3A_488, %parallel_loop3A_489] {strides = array<i32>} : memref<200x64xf32, #tpu.memory_space<vmem>>, vector<1x16xf32>,
          %parallel_loop3A_491 = vector.shape_cast %parallel_loop3A_490 : vector<1x16xf32> to vector<16xf32>
          %parallel_loop3A_492 = arith.addf %parallel_loop3A_487, %parallel_loop3A_491 : vector<16xf32>
          %parallel_loop3A_493 = arith.index_cast %parallel_loop3A_412 : i32 to index
          %parallel_loop3A_494 = arith.constant 48 : index
          %parallel_loop3A_495 = tpu.vector_load %arg13[%parallel_loop3A_493, %parallel_loop3A_494] {strides = array<i32>} : memref<200x128xf32, #tpu.memory_space<vmem>>, vector<1x16xf32>,
          %parallel_loop3A_496 = vector.shape_cast %parallel_loop3A_495 : vector<1x16xf32> to vector<16xf32>
          %parallel_loop3A_497 = vector.shape_cast %parallel_loop3A_492 : vector<16xf32> to vector<1x16xf32>
          tpu.vector_store %arg13[%parallel_loop3A_493, %parallel_loop3A_494], %parallel_loop3A_497 {strides = array<i32>} : memref<200x128xf32, #tpu.memory_space<vmem>>, vector<1x16xf32>,
        } else {
        }
        %parallel_loop3A_425 = arith.constant true
        %parallel_loop3A_426 = arith.xori %parallel_loop3A_421, %parallel_loop3A_425 : i1
        %parallel_loop3A_427 = arith.extui %parallel_loop3A_426 : i1 to i32
        %parallel_loop3A_428 = arith.constant 0 : i32
        %parallel_loop3A_429 = arith.cmpi ne, %parallel_loop3A_427, %parallel_loop3A_428 : i32
        scf.if %parallel_loop3A_429 {
          %parallel_loop3A_430 = arith.index_cast %parallel_loop3A_412 : i32 to index
          %parallel_loop3A_431 = arith.constant 0 : index
          %parallel_loop3A_432 = tpu.vector_load %arg13[%parallel_loop3A_430, %parallel_loop3A_431] {strides = array<i32>} : memref<200x128xf32, #tpu.memory_space<vmem>>, vector<1x16xf32>,
          %parallel_loop3A_433 = vector.shape_cast %parallel_loop3A_432 : vector<1x16xf32> to vector<16xf32>
          %parallel_loop3A_434 = arith.constant 8.000000e+00 : f32
          %parallel_loop3A_435 = vector.broadcast %parallel_loop3A_434 : f32 to vector<16xf32>
          %parallel_loop3A_436 = arith.mulf %parallel_loop3A_433, %parallel_loop3A_435 : vector<16xf32>
          %parallel_loop3A_437 = arith.index_cast %parallel_loop3A_412 : i32 to index
          %parallel_loop3A_438 = arith.constant 0 : index
          %parallel_loop3A_439 = tpu.vector_load %arg16[%parallel_loop3A_437, %parallel_loop3A_438] {strides = array<i32>} : memref<200x64xf32, #tpu.memory_space<vmem>>, vector<1x16xf32>,
          %parallel_loop3A_440 = vector.shape_cast %parallel_loop3A_439 : vector<1x16xf32> to vector<16xf32>
          %parallel_loop3A_441 = arith.addf %parallel_loop3A_436, %parallel_loop3A_440 : vector<16xf32>
          %parallel_loop3A_442 = arith.index_cast %parallel_loop3A_412 : i32 to index
          %parallel_loop3A_443 = arith.constant 0 : index
          %parallel_loop3A_444 = tpu.vector_load %arg13[%parallel_loop3A_442, %parallel_loop3A_443] {strides = array<i32>} : memref<200x128xf32, #tpu.memory_space<vmem>>, vector<1x16xf32>,
          %parallel_loop3A_445 = vector.shape_cast %parallel_loop3A_444 : vector<1x16xf32> to vector<16xf32>
          %parallel_loop3A_446 = vector.shape_cast %parallel_loop3A_441 : vector<16xf32> to vector<1x16xf32>
          tpu.vector_store %arg13[%parallel_loop3A_442, %parallel_loop3A_443], %parallel_loop3A_446 {strides = array<i32>} : memref<200x128xf32, #tpu.memory_space<vmem>>, vector<1x16xf32>,
          %parallel_loop3A_447 = arith.index_cast %parallel_loop3A_412 : i32 to index
          %parallel_loop3A_448 = arith.constant 16 : index
          %parallel_loop3A_449 = tpu.vector_load %arg13[%parallel_loop3A_447, %parallel_loop3A_448] {strides = array<i32>} : memref<200x128xf32, #tpu.memory_space<vmem>>, vector<1x16xf32>,
          %parallel_loop3A_450 = vector.shape_cast %parallel_loop3A_449 : vector<1x16xf32> to vector<16xf32>
          %parallel_loop3A_451 = arith.constant 8.000000e+00 : f32
          %parallel_loop3A_452 = vector.broadcast %parallel_loop3A_451 : f32 to vector<16xf32>
          %parallel_loop3A_453 = arith.mulf %parallel_loop3A_450, %parallel_loop3A_452 : vector<16xf32>
          %parallel_loop3A_454 = arith.index_cast %parallel_loop3A_412 : i32 to index
          %parallel_loop3A_455 = arith.constant 16 : index
          %parallel_loop3A_456 = tpu.vector_load %arg16[%parallel_loop3A_454, %parallel_loop3A_455] {strides = array<i32>} : memref<200x64xf32, #tpu.memory_space<vmem>>, vector<1x16xf32>,
          %parallel_loop3A_457 = vector.shape_cast %parallel_loop3A_456 : vector<1x16xf32> to vector<16xf32>
          %parallel_loop3A_458 = arith.addf %parallel_loop3A_453, %parallel_loop3A_457 : vector<16xf32>
          %parallel_loop3A_459 = arith.index_cast %parallel_loop3A_412 : i32 to index
          %parallel_loop3A_460 = arith.constant 16 : index
          %parallel_loop3A_461 = tpu.vector_load %arg13[%parallel_loop3A_459, %parallel_loop3A_460] {strides = array<i32>} : memref<200x128xf32, #tpu.memory_space<vmem>>, vector<1x16xf32>,
          %parallel_loop3A_462 = vector.shape_cast %parallel_loop3A_461 : vector<1x16xf32> to vector<16xf32>
          %parallel_loop3A_463 = vector.shape_cast %parallel_loop3A_458 : vector<16xf32> to vector<1x16xf32>
          tpu.vector_store %arg13[%parallel_loop3A_459, %parallel_loop3A_460], %parallel_loop3A_463 {strides = array<i32>} : memref<200x128xf32, #tpu.memory_space<vmem>>, vector<1x16xf32>,
          %parallel_loop3A_464 = arith.index_cast %parallel_loop3A_412 : i32 to index
          %parallel_loop3A_465 = arith.constant 32 : index
          %parallel_loop3A_466 = tpu.vector_load %arg13[%parallel_loop3A_464, %parallel_loop3A_465] {strides = array<i32>} : memref<200x128xf32, #tpu.memory_space<vmem>>, vector<1x16xf32>,
          %parallel_loop3A_467 = vector.shape_cast %parallel_loop3A_466 : vector<1x16xf32> to vector<16xf32>
          %parallel_loop3A_468 = arith.constant 8.000000e+00 : f32
          %parallel_loop3A_469 = vector.broadcast %parallel_loop3A_468 : f32 to vector<16xf32>
          %parallel_loop3A_470 = arith.mulf %parallel_loop3A_467, %parallel_loop3A_469 : vector<16xf32>
          %parallel_loop3A_471 = arith.index_cast %parallel_loop3A_412 : i32 to index
          %parallel_loop3A_472 = arith.constant 32 : index
          %parallel_loop3A_473 = tpu.vector_load %arg16[%parallel_loop3A_471, %parallel_loop3A_472] {strides = array<i32>} : memref<200x64xf32, #tpu.memory_space<vmem>>, vector<1x16xf32>,
          %parallel_loop3A_474 = vector.shape_cast %parallel_loop3A_473 : vector<1x16xf32> to vector<16xf32>
          %parallel_loop3A_475 = arith.addf %parallel_loop3A_470, %parallel_loop3A_474 : vector<16xf32>
          %parallel_loop3A_476 = arith.index_cast %parallel_loop3A_412 : i32 to index
          %parallel_loop3A_477 = arith.constant 32 : index
          %parallel_loop3A_478 = tpu.vector_load %arg13[%parallel_loop3A_476, %parallel_loop3A_477] {strides = array<i32>} : memref<200x128xf32, #tpu.memory_space<vmem>>, vector<1x16xf32>,
          %parallel_loop3A_479 = vector.shape_cast %parallel_loop3A_478 : vector<1x16xf32> to vector<16xf32>
          %parallel_loop3A_480 = vector.shape_cast %parallel_loop3A_475 : vector<16xf32> to vector<1x16xf32>
          tpu.vector_store %arg13[%parallel_loop3A_476, %parallel_loop3A_477], %parallel_loop3A_480 {strides = array<i32>} : memref<200x128xf32, #tpu.memory_space<vmem>>, vector<1x16xf32>,
          %parallel_loop3A_481 = arith.index_cast %parallel_loop3A_412 : i32 to index
          %parallel_loop3A_482 = arith.constant 48 : index
          %parallel_loop3A_483 = tpu.vector_load %arg13[%parallel_loop3A_481, %parallel_loop3A_482] {strides = array<i32>} : memref<200x128xf32, #tpu.memory_space<vmem>>, vector<1x16xf32>,
          %parallel_loop3A_484 = vector.shape_cast %parallel_loop3A_483 : vector<1x16xf32> to vector<16xf32>
          %parallel_loop3A_485 = arith.constant 8.000000e+00 : f32
          %parallel_loop3A_486 = vector.broadcast %parallel_loop3A_485 : f32 to vector<16xf32>
          %parallel_loop3A_487 = arith.mulf %parallel_loop3A_484, %parallel_loop3A_486 : vector<16xf32>
          %parallel_loop3A_488 = arith.index_cast %parallel_loop3A_412 : i32 to index
          %parallel_loop3A_489 = arith.constant 48 : index
          %parallel_loop3A_490 = tpu.vector_load %arg16[%parallel_loop3A_488, %parallel_loop3A_489] {strides = array<i32>} : memref<200x64xf32, #tpu.memory_space<vmem>>, vector<1x16xf32>,
          %parallel_loop3A_491 = vector.shape_cast %parallel_loop3A_490 : vector<1x16xf32> to vector<16xf32>
          %parallel_loop3A_492 = arith.addf %parallel_loop3A_487, %parallel_loop3A_491 : vector<16xf32>
          %parallel_loop3A_493 = arith.index_cast %parallel_loop3A_412 : i32 to index
          %parallel_loop3A_494 = arith.constant 48 : index
          %parallel_loop3A_495 = tpu.vector_load %arg13[%parallel_loop3A_493, %parallel_loop3A_494] {strides = array<i32>} : memref<200x128xf32, #tpu.memory_space<vmem>>, vector<1x16xf32>,
          %parallel_loop3A_496 = vector.shape_cast %parallel_loop3A_495 : vector<1x16xf32> to vector<16xf32>
          %parallel_loop3A_497 = vector.shape_cast %parallel_loop3A_492 : vector<16xf32> to vector<1x16xf32>
          tpu.vector_store %arg13[%parallel_loop3A_493, %parallel_loop3A_494], %parallel_loop3A_497 {strides = array<i32>} : memref<200x128xf32, #tpu.memory_space<vmem>>, vector<1x16xf32>,
        } else {
        }
      } {sc.loop_unroll_factor = 2 : i64, sc.parallel_access}
      %add3A_298 = arith.addi %mul3A_2, %add3A_291 : i32
      %dma_start3A_299 = arith.constant 0 : i32
      %dma_start3A_300 = arith.constant 0 : i32
      %dma_start3A_301 = tpu.memref_slice %arg6[%add3A_298, %dma_start3A_299, %dma_start3A_300] : memref<4096x200x128xf32, #tpu.memory_space<hbm>> -> memref<1x200x128xf32, #tpu.memory_space<hbm>>
      %dma_start3A_302 = tpu.memref_squeeze %dma_start3A_301 : memref<1x200x128xf32, #tpu.memory_space<hbm>> -> memref<200x128xf32, #tpu.memory_space<hbm>>
      %dma_start3A_303 = arith.constant 0 : i32
      %dma_start3A_304 = arith.constant 0 : i32
      %dma_start3A_305 = tpu.memref_slice %arg6[%add3A_298, %dma_start3A_303, %dma_start3A_304] : memref<4096x200x128xf32, #tpu.memory_space<hbm>> -> memref<1x200x128xf32, #tpu.memory_space<hbm>>
      %dma_start3A_306 = tpu.memref_squeeze %dma_start3A_305 : memref<1x200x128xf32, #tpu.memory_space<hbm>> -> memref<200x128xf32, #tpu.memory_space<hbm>>
      tpu.enqueue_dma source(%arg13 : memref<200x128xf32, #tpu.memory_space<vmem>>) target(%dma_start3A_306 : memref<200x128xf32, #tpu.memory_space<hbm>>) target_semaphore(%arg23 : memref<!tpu.dma_semaphore, #tpu.memory_space<semaphore_mem>>)
      %add3A_307 = arith.constant 3 : i32
      %add3A_308 = arith.addi %add3A_291, %add3A_307 : i32
      %lt3A = arith.constant 128 : i32
      %lt3A_309 = arith.cmpi slt, %add3A_308, %lt3A : i32
      %convert_element_type3A = arith.extui %lt3A_309 : i1 to i32
      %cond3A = arith.constant 0 : i32
      %cond3A_310 = arith.cmpi ne, %convert_element_type3A, %cond3A : i32
      scf.if %cond3A_310 {
        %add3A_412 = arith.constant 3 : i32
        %add3A_413 = arith.addi %add3A_291, %add3A_412 : i32
        %mul3A_414 = arith.constant 200 : i32
        %mul3A_415 = arith.muli %add3A_413, %mul3A_414 : i32
        %add3A_416 = arith.addi %mul3A_4, %mul3A_415 : i32
        %dma_start3A_417 = arith.constant 0 : i32
        %dma_start3A_418 = tpu.memref_slice %arg7[%dma_start3A_417] : memref<216xi32, #tpu.memory_space<vmem>> -> memref<200xi32, #tpu.memory_space<vmem>>
        %dma_start3A_419 = tpu.memref_slice %arg3[%add3A_416] : memref<819200xi32, #tpu.memory_space<hbm>> -> memref<200xi32, #tpu.memory_space<hbm>>
        %dma_start3A_420 = arith.constant 0 : i32
        %dma_start3A_421 = tpu.memref_slice %arg7[%dma_start3A_420] : memref<216xi32, #tpu.memory_space<vmem>> -> memref<200xi32, #tpu.memory_space<vmem>>
        %dma_start3A_422 = tpu.memref_slice %arg3[%add3A_416] : memref<819200xi32, #tpu.memory_space<hbm>> -> memref<200xi32, #tpu.memory_space<hbm>>
        tpu.enqueue_dma source(%dma_start3A_422 : memref<200xi32, #tpu.memory_space<hbm>>) target(%dma_start3A_421 : memref<200xi32, #tpu.memory_space<vmem>>) target_semaphore(%arg17 : memref<!tpu.dma_semaphore, #tpu.memory_space<semaphore_mem>>)
        %mul3A_423 = arith.constant 200 : i32
        %mul3A_424 = arith.muli %add3A_413, %mul3A_423 : i32
        %add3A_425 = arith.addi %mul3A_4, %mul3A_424 : i32
        %dma_start3A_426 = tpu.memref_slice %arg4[%add3A_425] : memref<819200xi32, #tpu.memory_space<hbm>> -> memref<200xi32, #tpu.memory_space<hbm>>
        %dma_start3A_427 = tpu.memref_slice %arg4[%add3A_425] : memref<819200xi32, #tpu.memory_space<hbm>> -> memref<200xi32, #tpu.memory_space<hbm>>
        tpu.enqueue_dma source(%dma_start3A_427 : memref<200xi32, #tpu.memory_space<hbm>>) target(%arg10 : memref<200xi32, #tpu.memory_space<vmem>>) target_semaphore(%arg17 : memref<!tpu.dma_semaphore, #tpu.memory_space<semaphore_mem>>)
      } else {
      }
      %sub3A = arith.constant 1 : i32
      %sub3A_311 = arith.subi %add3A_291, %sub3A : i32
      %add3A_312 = arith.addi %mul3A_2, %sub3A_311 : i32
      %dma_wait3A_313 = arith.constant 0 : i32
      %dma_wait3A_314 = arith.constant 0 : i32
      %dma_wait3A_315 = tpu.memref_slice %arg6[%add3A_312, %dma_wait3A_313, %dma_wait3A_314] : memref<4096x200x128xf32, #tpu.memory_space<hbm>> -> memref<1x200x128xf32, #tpu.memory_space<hbm>>
      %dma_wait3A_316 = tpu.memref_squeeze %dma_wait3A_315 : memref<1x200x128xf32, #tpu.memory_space<hbm>> -> memref<200x128xf32, #tpu.memory_space<hbm>>
      %dma_wait3A_317 = arith.constant 0 : i32
      %dma_wait3A_318 = arith.constant 0 : i32
      %dma_wait3A_319 = tpu.memref_slice %arg6[%add3A_312, %dma_wait3A_317, %dma_wait3A_318] : memref<4096x200x128xf32, #tpu.memory_space<hbm>> -> memref<1x200x128xf32, #tpu.memory_space<hbm>>
      %dma_wait3A_320 = tpu.memref_squeeze %dma_wait3A_319 : memref<1x200x128xf32, #tpu.memory_space<hbm>> -> memref<200x128xf32, #tpu.memory_space<hbm>>
      tpu.wait_dma2 semaphore(%arg25 : memref<!tpu.dma_semaphore, #tpu.memory_space<semaphore_mem>>) src(%arg15 : memref<200x128xf32, #tpu.memory_space<vmem>>) dst(%dma_wait3A_320 : memref<200x128xf32, #tpu.memory_space<hbm>>)
      %add3A_321 = arith.constant 2 : i32
      %add3A_322 = arith.addi %add3A_291, %add3A_321 : i32
      %lt3A_323 = arith.constant 128 : i32
      %lt3A_324 = arith.cmpi slt, %add3A_322, %lt3A_323 : i32
      %convert_element_type3A_325 = arith.extui %lt3A_324 : i1 to i32
      %cond3A_326 = arith.constant 0 : i32
      %cond3A_327 = arith.cmpi ne, %convert_element_type3A_325, %cond3A_326 : i32
      scf.if %cond3A_327 {
        %add3A_412 = arith.constant 2 : i32
        %add3A_413 = arith.addi %add3A_291, %add3A_412 : i32
        %mul3A_414 = arith.constant 200 : i32
        %mul3A_415 = arith.muli %add3A_413, %mul3A_414 : i32
        %add3A_416 = arith.addi %mul3A_4, %mul3A_415 : i32
        %dma_wait3A_417 = arith.constant 0 : i32
        %dma_wait3A_418 = tpu.memref_slice %arg9[%dma_wait3A_417] : memref<216xi32, #tpu.memory_space<vmem>> -> memref<200xi32, #tpu.memory_space<vmem>>
        %dma_wait3A_419 = tpu.memref_slice %arg3[%add3A_416] : memref<819200xi32, #tpu.memory_space<hbm>> -> memref<200xi32, #tpu.memory_space<hbm>>
        %dma_wait3A_420 = arith.constant 0 : i32
        %dma_wait3A_421 = tpu.memref_slice %arg9[%dma_wait3A_420] : memref<216xi32, #tpu.memory_space<vmem>> -> memref<200xi32, #tpu.memory_space<vmem>>
        %dma_wait3A_422 = tpu.memref_slice %arg3[%add3A_416] : memref<819200xi32, #tpu.memory_space<hbm>> -> memref<200xi32, #tpu.memory_space<hbm>>
        tpu.wait_dma2 semaphore(%arg19 : memref<!tpu.dma_semaphore, #tpu.memory_space<semaphore_mem>>) src(%dma_wait3A_422 : memref<200xi32, #tpu.memory_space<hbm>>) dst(%dma_wait3A_421 : memref<200xi32, #tpu.memory_space<vmem>>)
        %mul3A_423 = arith.constant 200 : i32
        %mul3A_424 = arith.muli %add3A_413, %mul3A_423 : i32
        %add3A_425 = arith.addi %mul3A_4, %mul3A_424 : i32
        %dma_wait3A_426 = tpu.memref_slice %arg4[%add3A_425] : memref<819200xi32, #tpu.memory_space<hbm>> -> memref<200xi32, #tpu.memory_space<hbm>>
        %dma_wait3A_427 = tpu.memref_slice %arg4[%add3A_425] : memref<819200xi32, #tpu.memory_space<hbm>> -> memref<200xi32, #tpu.memory_space<hbm>>
        tpu.wait_dma2 semaphore(%arg19 : memref<!tpu.dma_semaphore, #tpu.memory_space<semaphore_mem>>) src(%dma_wait3A_427 : memref<200xi32, #tpu.memory_space<hbm>>) dst(%arg12 : memref<200xi32, #tpu.memory_space<vmem>>)
        %dma_start3A_428 = arith.constant 0 : i32
        %dma_start3A_429 = arith.constant 0 : i32
        %dma_start3A_430 = tpu.memref_slice %arg2[%dma_start3A_428, %dma_start3A_429] : memref<500000x128xf32, #tpu.memory_space<hbm>> -> memref<500000x128xf32, #tpu.memory_space<hbm>>
        tpu.enqueue_indirect_dma source(%dma_start3A_430 : memref<500000x128xf32, #tpu.memory_space<hbm>>) target(%arg15 : memref<200x128xf32, #tpu.memory_space<vmem>>) offsets(%arg12 : memref<200xi32, #tpu.memory_space<vmem>>) semaphore(%arg22 : memref<!tpu.dma_semaphore, #tpu.memory_space<semaphore_mem>>)
      } else {
      }
      %add3A_328 = arith.constant 1 : i32
      %add3A_329 = arith.addi %mul3A_289, %add3A_328 : i32
      %dma_wait3A_330 = arith.constant 0 : i32
      %dma_wait3A_331 = arith.constant 0 : i32
      %dma_wait3A_332 = tpu.memref_slice %arg2[%dma_wait3A_330, %dma_wait3A_331] : memref<500000x128xf32, #tpu.memory_space<hbm>> -> memref<500000x128xf32, #tpu.memory_space<hbm>>
      tpu.wait_indirect_dma semaphore(%arg21 : memref<!tpu.dma_semaphore, #tpu.memory_space<semaphore_mem>>) src(%dma_wait3A_332 : memref<500000x128xf32, #tpu.memory_space<hbm>>) dst(%arg14 : memref<200x128xf32, #tpu.memory_space<vmem>>)
      %parallel_loop3A_333 = arith.constant 0 : i32
      %parallel_loop3A_334 = arith.constant 200 : i32
      %parallel_loop3A_335 = arith.constant 1 : i32
      scf.for %parallel_loop3A_412 = %parallel_loop3A_333 to %parallel_loop3A_334 step %parallel_loop3A_335  : i32 {
        %parallel_loop3A_413 = arith.index_cast %parallel_loop3A_412 : i32 to index
        %parallel_loop3A_414 = tpu.vector_load %arg8[%parallel_loop3A_413] {strides = array<i32>} : memref<216xi32, #tpu.memory_space<vmem>>, vector<16xi32>,
        %parallel_loop3A_415 = vector.shape_cast %parallel_loop3A_414 : vector<16xi32> to vector<16xi32>
        %parallel_loop3A_416 = vector.extract_strided_slice %parallel_loop3A_415 {offsets = [0], sizes = [1], strides = [1]} : vector<16xi32> to vector<1xi32>
        %parallel_loop3A_417 = vector.extract %parallel_loop3A_416[0] : i32 from vector<1xi32>
        %parallel_loop3A_418 = arith.constant 1 : i32
        %parallel_loop3A_419 = arith.andi %parallel_loop3A_417, %parallel_loop3A_418 : i32
        %parallel_loop3A_420 = arith.constant 1 : i32
        %parallel_loop3A_421 = arith.cmpi eq, %parallel_loop3A_419, %parallel_loop3A_420 : i32
        %parallel_loop3A_422 = arith.extui %parallel_loop3A_421 : i1 to i32
        %parallel_loop3A_423 = arith.constant 0 : i32
        %parallel_loop3A_424 = arith.cmpi ne, %parallel_loop3A_422, %parallel_loop3A_423 : i32
        scf.if %parallel_loop3A_424 {
          %parallel_loop3A_430 = arith.index_cast %parallel_loop3A_412 : i32 to index
          %parallel_loop3A_431 = arith.constant 64 : index
          %parallel_loop3A_432 = tpu.vector_load %arg14[%parallel_loop3A_430, %parallel_loop3A_431] {strides = array<i32>} : memref<200x128xf32, #tpu.memory_space<vmem>>, vector<1x16xf32>,
          %parallel_loop3A_433 = vector.shape_cast %parallel_loop3A_432 : vector<1x16xf32> to vector<16xf32>
          %parallel_loop3A_434 = arith.constant 8.000000e+00 : f32
          %parallel_loop3A_435 = vector.broadcast %parallel_loop3A_434 : f32 to vector<16xf32>
          %parallel_loop3A_436 = arith.mulf %parallel_loop3A_433, %parallel_loop3A_435 : vector<16xf32>
          %parallel_loop3A_437 = arith.index_cast %parallel_loop3A_412 : i32 to index
          %parallel_loop3A_438 = arith.constant 0 : index
          %parallel_loop3A_439 = tpu.vector_load %arg16[%parallel_loop3A_437, %parallel_loop3A_438] {strides = array<i32>} : memref<200x64xf32, #tpu.memory_space<vmem>>, vector<1x16xf32>,
          %parallel_loop3A_440 = vector.shape_cast %parallel_loop3A_439 : vector<1x16xf32> to vector<16xf32>
          %parallel_loop3A_441 = arith.addf %parallel_loop3A_436, %parallel_loop3A_440 : vector<16xf32>
          %parallel_loop3A_442 = arith.index_cast %parallel_loop3A_412 : i32 to index
          %parallel_loop3A_443 = arith.constant 0 : index
          %parallel_loop3A_444 = tpu.vector_load %arg14[%parallel_loop3A_442, %parallel_loop3A_443] {strides = array<i32>} : memref<200x128xf32, #tpu.memory_space<vmem>>, vector<1x16xf32>,
          %parallel_loop3A_445 = vector.shape_cast %parallel_loop3A_444 : vector<1x16xf32> to vector<16xf32>
          %parallel_loop3A_446 = vector.shape_cast %parallel_loop3A_441 : vector<16xf32> to vector<1x16xf32>
          tpu.vector_store %arg14[%parallel_loop3A_442, %parallel_loop3A_443], %parallel_loop3A_446 {strides = array<i32>} : memref<200x128xf32, #tpu.memory_space<vmem>>, vector<1x16xf32>,
          %parallel_loop3A_447 = arith.index_cast %parallel_loop3A_412 : i32 to index
          %parallel_loop3A_448 = arith.constant 80 : index
          %parallel_loop3A_449 = tpu.vector_load %arg14[%parallel_loop3A_447, %parallel_loop3A_448] {strides = array<i32>} : memref<200x128xf32, #tpu.memory_space<vmem>>, vector<1x16xf32>,
          %parallel_loop3A_450 = vector.shape_cast %parallel_loop3A_449 : vector<1x16xf32> to vector<16xf32>
          %parallel_loop3A_451 = arith.constant 8.000000e+00 : f32
          %parallel_loop3A_452 = vector.broadcast %parallel_loop3A_451 : f32 to vector<16xf32>
          %parallel_loop3A_453 = arith.mulf %parallel_loop3A_450, %parallel_loop3A_452 : vector<16xf32>
          %parallel_loop3A_454 = arith.index_cast %parallel_loop3A_412 : i32 to index
          %parallel_loop3A_455 = arith.constant 16 : index
          %parallel_loop3A_456 = tpu.vector_load %arg16[%parallel_loop3A_454, %parallel_loop3A_455] {strides = array<i32>} : memref<200x64xf32, #tpu.memory_space<vmem>>, vector<1x16xf32>,
          %parallel_loop3A_457 = vector.shape_cast %parallel_loop3A_456 : vector<1x16xf32> to vector<16xf32>
          %parallel_loop3A_458 = arith.addf %parallel_loop3A_453, %parallel_loop3A_457 : vector<16xf32>
          %parallel_loop3A_459 = arith.index_cast %parallel_loop3A_412 : i32 to index
          %parallel_loop3A_460 = arith.constant 16 : index
          %parallel_loop3A_461 = tpu.vector_load %arg14[%parallel_loop3A_459, %parallel_loop3A_460] {strides = array<i32>} : memref<200x128xf32, #tpu.memory_space<vmem>>, vector<1x16xf32>,
          %parallel_loop3A_462 = vector.shape_cast %parallel_loop3A_461 : vector<1x16xf32> to vector<16xf32>
          %parallel_loop3A_463 = vector.shape_cast %parallel_loop3A_458 : vector<16xf32> to vector<1x16xf32>
          tpu.vector_store %arg14[%parallel_loop3A_459, %parallel_loop3A_460], %parallel_loop3A_463 {strides = array<i32>} : memref<200x128xf32, #tpu.memory_space<vmem>>, vector<1x16xf32>,
          %parallel_loop3A_464 = arith.index_cast %parallel_loop3A_412 : i32 to index
          %parallel_loop3A_465 = arith.constant 96 : index
          %parallel_loop3A_466 = tpu.vector_load %arg14[%parallel_loop3A_464, %parallel_loop3A_465] {strides = array<i32>} : memref<200x128xf32, #tpu.memory_space<vmem>>, vector<1x16xf32>,
          %parallel_loop3A_467 = vector.shape_cast %parallel_loop3A_466 : vector<1x16xf32> to vector<16xf32>
          %parallel_loop3A_468 = arith.constant 8.000000e+00 : f32
          %parallel_loop3A_469 = vector.broadcast %parallel_loop3A_468 : f32 to vector<16xf32>
          %parallel_loop3A_470 = arith.mulf %parallel_loop3A_467, %parallel_loop3A_469 : vector<16xf32>
          %parallel_loop3A_471 = arith.index_cast %parallel_loop3A_412 : i32 to index
          %parallel_loop3A_472 = arith.constant 32 : index
          %parallel_loop3A_473 = tpu.vector_load %arg16[%parallel_loop3A_471, %parallel_loop3A_472] {strides = array<i32>} : memref<200x64xf32, #tpu.memory_space<vmem>>, vector<1x16xf32>,
          %parallel_loop3A_474 = vector.shape_cast %parallel_loop3A_473 : vector<1x16xf32> to vector<16xf32>
          %parallel_loop3A_475 = arith.addf %parallel_loop3A_470, %parallel_loop3A_474 : vector<16xf32>
          %parallel_loop3A_476 = arith.index_cast %parallel_loop3A_412 : i32 to index
          %parallel_loop3A_477 = arith.constant 32 : index
          %parallel_loop3A_478 = tpu.vector_load %arg14[%parallel_loop3A_476, %parallel_loop3A_477] {strides = array<i32>} : memref<200x128xf32, #tpu.memory_space<vmem>>, vector<1x16xf32>,
          %parallel_loop3A_479 = vector.shape_cast %parallel_loop3A_478 : vector<1x16xf32> to vector<16xf32>
          %parallel_loop3A_480 = vector.shape_cast %parallel_loop3A_475 : vector<16xf32> to vector<1x16xf32>
          tpu.vector_store %arg14[%parallel_loop3A_476, %parallel_loop3A_477], %parallel_loop3A_480 {strides = array<i32>} : memref<200x128xf32, #tpu.memory_space<vmem>>, vector<1x16xf32>,
          %parallel_loop3A_481 = arith.index_cast %parallel_loop3A_412 : i32 to index
          %parallel_loop3A_482 = arith.constant 112 : index
          %parallel_loop3A_483 = tpu.vector_load %arg14[%parallel_loop3A_481, %parallel_loop3A_482] {strides = array<i32>} : memref<200x128xf32, #tpu.memory_space<vmem>>, vector<1x16xf32>,
          %parallel_loop3A_484 = vector.shape_cast %parallel_loop3A_483 : vector<1x16xf32> to vector<16xf32>
          %parallel_loop3A_485 = arith.constant 8.000000e+00 : f32
          %parallel_loop3A_486 = vector.broadcast %parallel_loop3A_485 : f32 to vector<16xf32>
          %parallel_loop3A_487 = arith.mulf %parallel_loop3A_484, %parallel_loop3A_486 : vector<16xf32>
          %parallel_loop3A_488 = arith.index_cast %parallel_loop3A_412 : i32 to index
          %parallel_loop3A_489 = arith.constant 48 : index
          %parallel_loop3A_490 = tpu.vector_load %arg16[%parallel_loop3A_488, %parallel_loop3A_489] {strides = array<i32>} : memref<200x64xf32, #tpu.memory_space<vmem>>, vector<1x16xf32>,
          %parallel_loop3A_491 = vector.shape_cast %parallel_loop3A_490 : vector<1x16xf32> to vector<16xf32>
          %parallel_loop3A_492 = arith.addf %parallel_loop3A_487, %parallel_loop3A_491 : vector<16xf32>
          %parallel_loop3A_493 = arith.index_cast %parallel_loop3A_412 : i32 to index
          %parallel_loop3A_494 = arith.constant 48 : index
          %parallel_loop3A_495 = tpu.vector_load %arg14[%parallel_loop3A_493, %parallel_loop3A_494] {strides = array<i32>} : memref<200x128xf32, #tpu.memory_space<vmem>>, vector<1x16xf32>,
          %parallel_loop3A_496 = vector.shape_cast %parallel_loop3A_495 : vector<1x16xf32> to vector<16xf32>
          %parallel_loop3A_497 = vector.shape_cast %parallel_loop3A_492 : vector<16xf32> to vector<1x16xf32>
          tpu.vector_store %arg14[%parallel_loop3A_493, %parallel_loop3A_494], %parallel_loop3A_497 {strides = array<i32>} : memref<200x128xf32, #tpu.memory_space<vmem>>, vector<1x16xf32>,
        } else {
        }
        %parallel_loop3A_425 = arith.constant true
        %parallel_loop3A_426 = arith.xori %parallel_loop3A_421, %parallel_loop3A_425 : i1
        %parallel_loop3A_427 = arith.extui %parallel_loop3A_426 : i1 to i32
        %parallel_loop3A_428 = arith.constant 0 : i32
        %parallel_loop3A_429 = arith.cmpi ne, %parallel_loop3A_427, %parallel_loop3A_428 : i32
        scf.if %parallel_loop3A_429 {
          %parallel_loop3A_430 = arith.index_cast %parallel_loop3A_412 : i32 to index
          %parallel_loop3A_431 = arith.constant 0 : index
          %parallel_loop3A_432 = tpu.vector_load %arg14[%parallel_loop3A_430, %parallel_loop3A_431] {strides = array<i32>} : memref<200x128xf32, #tpu.memory_space<vmem>>, vector<1x16xf32>,
          %parallel_loop3A_433 = vector.shape_cast %parallel_loop3A_432 : vector<1x16xf32> to vector<16xf32>
          %parallel_loop3A_434 = arith.constant 8.000000e+00 : f32
          %parallel_loop3A_435 = vector.broadcast %parallel_loop3A_434 : f32 to vector<16xf32>
          %parallel_loop3A_436 = arith.mulf %parallel_loop3A_433, %parallel_loop3A_435 : vector<16xf32>
          %parallel_loop3A_437 = arith.index_cast %parallel_loop3A_412 : i32 to index
          %parallel_loop3A_438 = arith.constant 0 : index
          %parallel_loop3A_439 = tpu.vector_load %arg16[%parallel_loop3A_437, %parallel_loop3A_438] {strides = array<i32>} : memref<200x64xf32, #tpu.memory_space<vmem>>, vector<1x16xf32>,
          %parallel_loop3A_440 = vector.shape_cast %parallel_loop3A_439 : vector<1x16xf32> to vector<16xf32>
          %parallel_loop3A_441 = arith.addf %parallel_loop3A_436, %parallel_loop3A_440 : vector<16xf32>
          %parallel_loop3A_442 = arith.index_cast %parallel_loop3A_412 : i32 to index
          %parallel_loop3A_443 = arith.constant 0 : index
          %parallel_loop3A_444 = tpu.vector_load %arg14[%parallel_loop3A_442, %parallel_loop3A_443] {strides = array<i32>} : memref<200x128xf32, #tpu.memory_space<vmem>>, vector<1x16xf32>,
          %parallel_loop3A_445 = vector.shape_cast %parallel_loop3A_444 : vector<1x16xf32> to vector<16xf32>
          %parallel_loop3A_446 = vector.shape_cast %parallel_loop3A_441 : vector<16xf32> to vector<1x16xf32>
          tpu.vector_store %arg14[%parallel_loop3A_442, %parallel_loop3A_443], %parallel_loop3A_446 {strides = array<i32>} : memref<200x128xf32, #tpu.memory_space<vmem>>, vector<1x16xf32>,
          %parallel_loop3A_447 = arith.index_cast %parallel_loop3A_412 : i32 to index
          %parallel_loop3A_448 = arith.constant 16 : index
          %parallel_loop3A_449 = tpu.vector_load %arg14[%parallel_loop3A_447, %parallel_loop3A_448] {strides = array<i32>} : memref<200x128xf32, #tpu.memory_space<vmem>>, vector<1x16xf32>,
          %parallel_loop3A_450 = vector.shape_cast %parallel_loop3A_449 : vector<1x16xf32> to vector<16xf32>
          %parallel_loop3A_451 = arith.constant 8.000000e+00 : f32
          %parallel_loop3A_452 = vector.broadcast %parallel_loop3A_451 : f32 to vector<16xf32>
          %parallel_loop3A_453 = arith.mulf %parallel_loop3A_450, %parallel_loop3A_452 : vector<16xf32>
          %parallel_loop3A_454 = arith.index_cast %parallel_loop3A_412 : i32 to index
          %parallel_loop3A_455 = arith.constant 16 : index
          %parallel_loop3A_456 = tpu.vector_load %arg16[%parallel_loop3A_454, %parallel_loop3A_455] {strides = array<i32>} : memref<200x64xf32, #tpu.memory_space<vmem>>, vector<1x16xf32>,
          %parallel_loop3A_457 = vector.shape_cast %parallel_loop3A_456 : vector<1x16xf32> to vector<16xf32>
          %parallel_loop3A_458 = arith.addf %parallel_loop3A_453, %parallel_loop3A_457 : vector<16xf32>
          %parallel_loop3A_459 = arith.index_cast %parallel_loop3A_412 : i32 to index
          %parallel_loop3A_460 = arith.constant 16 : index
          %parallel_loop3A_461 = tpu.vector_load %arg14[%parallel_loop3A_459, %parallel_loop3A_460] {strides = array<i32>} : memref<200x128xf32, #tpu.memory_space<vmem>>, vector<1x16xf32>,
          %parallel_loop3A_462 = vector.shape_cast %parallel_loop3A_461 : vector<1x16xf32> to vector<16xf32>
          %parallel_loop3A_463 = vector.shape_cast %parallel_loop3A_458 : vector<16xf32> to vector<1x16xf32>
          tpu.vector_store %arg14[%parallel_loop3A_459, %parallel_loop3A_460], %parallel_loop3A_463 {strides = array<i32>} : memref<200x128xf32, #tpu.memory_space<vmem>>, vector<1x16xf32>,
          %parallel_loop3A_464 = arith.index_cast %parallel_loop3A_412 : i32 to index
          %parallel_loop3A_465 = arith.constant 32 : index
          %parallel_loop3A_466 = tpu.vector_load %arg14[%parallel_loop3A_464, %parallel_loop3A_465] {strides = array<i32>} : memref<200x128xf32, #tpu.memory_space<vmem>>, vector<1x16xf32>,
          %parallel_loop3A_467 = vector.shape_cast %parallel_loop3A_466 : vector<1x16xf32> to vector<16xf32>
          %parallel_loop3A_468 = arith.constant 8.000000e+00 : f32
          %parallel_loop3A_469 = vector.broadcast %parallel_loop3A_468 : f32 to vector<16xf32>
          %parallel_loop3A_470 = arith.mulf %parallel_loop3A_467, %parallel_loop3A_469 : vector<16xf32>
          %parallel_loop3A_471 = arith.index_cast %parallel_loop3A_412 : i32 to index
          %parallel_loop3A_472 = arith.constant 32 : index
          %parallel_loop3A_473 = tpu.vector_load %arg16[%parallel_loop3A_471, %parallel_loop3A_472] {strides = array<i32>} : memref<200x64xf32, #tpu.memory_space<vmem>>, vector<1x16xf32>,
          %parallel_loop3A_474 = vector.shape_cast %parallel_loop3A_473 : vector<1x16xf32> to vector<16xf32>
          %parallel_loop3A_475 = arith.addf %parallel_loop3A_470, %parallel_loop3A_474 : vector<16xf32>
          %parallel_loop3A_476 = arith.index_cast %parallel_loop3A_412 : i32 to index
          %parallel_loop3A_477 = arith.constant 32 : index
          %parallel_loop3A_478 = tpu.vector_load %arg14[%parallel_loop3A_476, %parallel_loop3A_477] {strides = array<i32>} : memref<200x128xf32, #tpu.memory_space<vmem>>, vector<1x16xf32>,
          %parallel_loop3A_479 = vector.shape_cast %parallel_loop3A_478 : vector<1x16xf32> to vector<16xf32>
          %parallel_loop3A_480 = vector.shape_cast %parallel_loop3A_475 : vector<16xf32> to vector<1x16xf32>
          tpu.vector_store %arg14[%parallel_loop3A_476, %parallel_loop3A_477], %parallel_loop3A_480 {strides = array<i32>} : memref<200x128xf32, #tpu.memory_space<vmem>>, vector<1x16xf32>,
          %parallel_loop3A_481 = arith.index_cast %parallel_loop3A_412 : i32 to index
          %parallel_loop3A_482 = arith.constant 48 : index
          %parallel_loop3A_483 = tpu.vector_load %arg14[%parallel_loop3A_481, %parallel_loop3A_482] {strides = array<i32>} : memref<200x128xf32, #tpu.memory_space<vmem>>, vector<1x16xf32>,
          %parallel_loop3A_484 = vector.shape_cast %parallel_loop3A_483 : vector<1x16xf32> to vector<16xf32>
          %parallel_loop3A_485 = arith.constant 8.000000e+00 : f32
          %parallel_loop3A_486 = vector.broadcast %parallel_loop3A_485 : f32 to vector<16xf32>
          %parallel_loop3A_487 = arith.mulf %parallel_loop3A_484, %parallel_loop3A_486 : vector<16xf32>
          %parallel_loop3A_488 = arith.index_cast %parallel_loop3A_412 : i32 to index
          %parallel_loop3A_489 = arith.constant 48 : index
          %parallel_loop3A_490 = tpu.vector_load %arg16[%parallel_loop3A_488, %parallel_loop3A_489] {strides = array<i32>} : memref<200x64xf32, #tpu.memory_space<vmem>>, vector<1x16xf32>,
          %parallel_loop3A_491 = vector.shape_cast %parallel_loop3A_490 : vector<1x16xf32> to vector<16xf32>
          %parallel_loop3A_492 = arith.addf %parallel_loop3A_487, %parallel_loop3A_491 : vector<16xf32>
          %parallel_loop3A_493 = arith.index_cast %parallel_loop3A_412 : i32 to index
          %parallel_loop3A_494 = arith.constant 48 : index
          %parallel_loop3A_495 = tpu.vector_load %arg14[%parallel_loop3A_493, %parallel_loop3A_494] {strides = array<i32>} : memref<200x128xf32, #tpu.memory_space<vmem>>, vector<1x16xf32>,
          %parallel_loop3A_496 = vector.shape_cast %parallel_loop3A_495 : vector<1x16xf32> to vector<16xf32>
          %parallel_loop3A_497 = vector.shape_cast %parallel_loop3A_492 : vector<16xf32> to vector<1x16xf32>
          tpu.vector_store %arg14[%parallel_loop3A_493, %parallel_loop3A_494], %parallel_loop3A_497 {strides = array<i32>} : memref<200x128xf32, #tpu.memory_space<vmem>>, vector<1x16xf32>,
        } else {
        }
      } {sc.loop_unroll_factor = 2 : i64, sc.parallel_access}
      %add3A_336 = arith.addi %mul3A_2, %add3A_329 : i32
      %dma_start3A_337 = arith.constant 0 : i32
      %dma_start3A_338 = arith.constant 0 : i32
      %dma_start3A_339 = tpu.memref_slice %arg6[%add3A_336, %dma_start3A_337, %dma_start3A_338] : memref<4096x200x128xf32, #tpu.memory_space<hbm>> -> memref<1x200x128xf32, #tpu.memory_space<hbm>>
      %dma_start3A_340 = tpu.memref_squeeze %dma_start3A_339 : memref<1x200x128xf32, #tpu.memory_space<hbm>> -> memref<200x128xf32, #tpu.memory_space<hbm>>
      %dma_start3A_341 = arith.constant 0 : i32
      %dma_start3A_342 = arith.constant 0 : i32
      %dma_start3A_343 = tpu.memref_slice %arg6[%add3A_336, %dma_start3A_341, %dma_start3A_342] : memref<4096x200x128xf32, #tpu.memory_space<hbm>> -> memref<1x200x128xf32, #tpu.memory_space<hbm>>
      %dma_start3A_344 = tpu.memref_squeeze %dma_start3A_343 : memref<1x200x128xf32, #tpu.memory_space<hbm>> -> memref<200x128xf32, #tpu.memory_space<hbm>>
      tpu.enqueue_dma source(%arg14 : memref<200x128xf32, #tpu.memory_space<vmem>>) target(%dma_start3A_344 : memref<200x128xf32, #tpu.memory_space<hbm>>) target_semaphore(%arg24 : memref<!tpu.dma_semaphore, #tpu.memory_space<semaphore_mem>>)
      %add3A_345 = arith.constant 3 : i32
      %add3A_346 = arith.addi %add3A_329, %add3A_345 : i32
      %lt3A_347 = arith.constant 128 : i32
      %lt3A_348 = arith.cmpi slt, %add3A_346, %lt3A_347 : i32
      %convert_element_type3A_349 = arith.extui %lt3A_348 : i1 to i32
      %cond3A_350 = arith.constant 0 : i32
      %cond3A_351 = arith.cmpi ne, %convert_element_type3A_349, %cond3A_350 : i32
      scf.if %cond3A_351 {
        %add3A_412 = arith.constant 3 : i32
        %add3A_413 = arith.addi %add3A_329, %add3A_412 : i32
        %mul3A_414 = arith.constant 200 : i32
        %mul3A_415 = arith.muli %add3A_413, %mul3A_414 : i32
        %add3A_416 = arith.addi %mul3A_4, %mul3A_415 : i32
        %dma_start3A_417 = arith.constant 0 : i32
        %dma_start3A_418 = tpu.memref_slice %arg8[%dma_start3A_417] : memref<216xi32, #tpu.memory_space<vmem>> -> memref<200xi32, #tpu.memory_space<vmem>>
        %dma_start3A_419 = tpu.memref_slice %arg3[%add3A_416] : memref<819200xi32, #tpu.memory_space<hbm>> -> memref<200xi32, #tpu.memory_space<hbm>>
        %dma_start3A_420 = arith.constant 0 : i32
        %dma_start3A_421 = tpu.memref_slice %arg8[%dma_start3A_420] : memref<216xi32, #tpu.memory_space<vmem>> -> memref<200xi32, #tpu.memory_space<vmem>>
        %dma_start3A_422 = tpu.memref_slice %arg3[%add3A_416] : memref<819200xi32, #tpu.memory_space<hbm>> -> memref<200xi32, #tpu.memory_space<hbm>>
        tpu.enqueue_dma source(%dma_start3A_422 : memref<200xi32, #tpu.memory_space<hbm>>) target(%dma_start3A_421 : memref<200xi32, #tpu.memory_space<vmem>>) target_semaphore(%arg18 : memref<!tpu.dma_semaphore, #tpu.memory_space<semaphore_mem>>)
        %mul3A_423 = arith.constant 200 : i32
        %mul3A_424 = arith.muli %add3A_413, %mul3A_423 : i32
        %add3A_425 = arith.addi %mul3A_4, %mul3A_424 : i32
        %dma_start3A_426 = tpu.memref_slice %arg4[%add3A_425] : memref<819200xi32, #tpu.memory_space<hbm>> -> memref<200xi32, #tpu.memory_space<hbm>>
        %dma_start3A_427 = tpu.memref_slice %arg4[%add3A_425] : memref<819200xi32, #tpu.memory_space<hbm>> -> memref<200xi32, #tpu.memory_space<hbm>>
        tpu.enqueue_dma source(%dma_start3A_427 : memref<200xi32, #tpu.memory_space<hbm>>) target(%arg11 : memref<200xi32, #tpu.memory_space<vmem>>) target_semaphore(%arg18 : memref<!tpu.dma_semaphore, #tpu.memory_space<semaphore_mem>>)
      } else {
      }
      %sub3A_352 = arith.constant 1 : i32
      %sub3A_353 = arith.subi %add3A_329, %sub3A_352 : i32
      %add3A_354 = arith.addi %mul3A_2, %sub3A_353 : i32
      %dma_wait3A_355 = arith.constant 0 : i32
      %dma_wait3A_356 = arith.constant 0 : i32
      %dma_wait3A_357 = tpu.memref_slice %arg6[%add3A_354, %dma_wait3A_355, %dma_wait3A_356] : memref<4096x200x128xf32, #tpu.memory_space<hbm>> -> memref<1x200x128xf32, #tpu.memory_space<hbm>>
      %dma_wait3A_358 = tpu.memref_squeeze %dma_wait3A_357 : memref<1x200x128xf32, #tpu.memory_space<hbm>> -> memref<200x128xf32, #tpu.memory_space<hbm>>
      %dma_wait3A_359 = arith.constant 0 : i32
      %dma_wait3A_360 = arith.constant 0 : i32
      %dma_wait3A_361 = tpu.memref_slice %arg6[%add3A_354, %dma_wait3A_359, %dma_wait3A_360] : memref<4096x200x128xf32, #tpu.memory_space<hbm>> -> memref<1x200x128xf32, #tpu.memory_space<hbm>>
      %dma_wait3A_362 = tpu.memref_squeeze %dma_wait3A_361 : memref<1x200x128xf32, #tpu.memory_space<hbm>> -> memref<200x128xf32, #tpu.memory_space<hbm>>
      tpu.wait_dma2 semaphore(%arg23 : memref<!tpu.dma_semaphore, #tpu.memory_space<semaphore_mem>>) src(%arg13 : memref<200x128xf32, #tpu.memory_space<vmem>>) dst(%dma_wait3A_362 : memref<200x128xf32, #tpu.memory_space<hbm>>)
      %add3A_363 = arith.constant 2 : i32
      %add3A_364 = arith.addi %add3A_329, %add3A_363 : i32
      %lt3A_365 = arith.constant 128 : i32
      %lt3A_366 = arith.cmpi slt, %add3A_364, %lt3A_365 : i32
      %convert_element_type3A_367 = arith.extui %lt3A_366 : i1 to i32
      %cond3A_368 = arith.constant 0 : i32
      %cond3A_369 = arith.cmpi ne, %convert_element_type3A_367, %cond3A_368 : i32
      scf.if %cond3A_369 {
        %add3A_412 = arith.constant 2 : i32
        %add3A_413 = arith.addi %add3A_329, %add3A_412 : i32
        %mul3A_414 = arith.constant 200 : i32
        %mul3A_415 = arith.muli %add3A_413, %mul3A_414 : i32
        %add3A_416 = arith.addi %mul3A_4, %mul3A_415 : i32
        %dma_wait3A_417 = arith.constant 0 : i32
        %dma_wait3A_418 = tpu.memref_slice %arg7[%dma_wait3A_417] : memref<216xi32, #tpu.memory_space<vmem>> -> memref<200xi32, #tpu.memory_space<vmem>>
        %dma_wait3A_419 = tpu.memref_slice %arg3[%add3A_416] : memref<819200xi32, #tpu.memory_space<hbm>> -> memref<200xi32, #tpu.memory_space<hbm>>
        %dma_wait3A_420 = arith.constant 0 : i32
        %dma_wait3A_421 = tpu.memref_slice %arg7[%dma_wait3A_420] : memref<216xi32, #tpu.memory_space<vmem>> -> memref<200xi32, #tpu.memory_space<vmem>>
        %dma_wait3A_422 = tpu.memref_slice %arg3[%add3A_416] : memref<819200xi32, #tpu.memory_space<hbm>> -> memref<200xi32, #tpu.memory_space<hbm>>
        tpu.wait_dma2 semaphore(%arg17 : memref<!tpu.dma_semaphore, #tpu.memory_space<semaphore_mem>>) src(%dma_wait3A_422 : memref<200xi32, #tpu.memory_space<hbm>>) dst(%dma_wait3A_421 : memref<200xi32, #tpu.memory_space<vmem>>)
        %mul3A_423 = arith.constant 200 : i32
        %mul3A_424 = arith.muli %add3A_413, %mul3A_423 : i32
        %add3A_425 = arith.addi %mul3A_4, %mul3A_424 : i32
        %dma_wait3A_426 = tpu.memref_slice %arg4[%add3A_425] : memref<819200xi32, #tpu.memory_space<hbm>> -> memref<200xi32, #tpu.memory_space<hbm>>
        %dma_wait3A_427 = tpu.memref_slice %arg4[%add3A_425] : memref<819200xi32, #tpu.memory_space<hbm>> -> memref<200xi32, #tpu.memory_space<hbm>>
        tpu.wait_dma2 semaphore(%arg17 : memref<!tpu.dma_semaphore, #tpu.memory_space<semaphore_mem>>) src(%dma_wait3A_427 : memref<200xi32, #tpu.memory_space<hbm>>) dst(%arg10 : memref<200xi32, #tpu.memory_space<vmem>>)
        %dma_start3A_428 = arith.constant 0 : i32
        %dma_start3A_429 = arith.constant 0 : i32
        %dma_start3A_430 = tpu.memref_slice %arg2[%dma_start3A_428, %dma_start3A_429] : memref<500000x128xf32, #tpu.memory_space<hbm>> -> memref<500000x128xf32, #tpu.memory_space<hbm>>
        tpu.enqueue_indirect_dma source(%dma_start3A_430 : memref<500000x128xf32, #tpu.memory_space<hbm>>) target(%arg13 : memref<200x128xf32, #tpu.memory_space<vmem>>) offsets(%arg10 : memref<200xi32, #tpu.memory_space<vmem>>) semaphore(%arg20 : memref<!tpu.dma_semaphore, #tpu.memory_space<semaphore_mem>>)
      } else {
      }
      %add3A_370 = arith.constant 2 : i32
      %add3A_371 = arith.addi %mul3A_289, %add3A_370 : i32
      %dma_wait3A_372 = arith.constant 0 : i32
      %dma_wait3A_373 = arith.constant 0 : i32
      %dma_wait3A_374 = tpu.memref_slice %arg2[%dma_wait3A_372, %dma_wait3A_373] : memref<500000x128xf32, #tpu.memory_space<hbm>> -> memref<500000x128xf32, #tpu.memory_space<hbm>>
      tpu.wait_indirect_dma semaphore(%arg22 : memref<!tpu.dma_semaphore, #tpu.memory_space<semaphore_mem>>) src(%dma_wait3A_374 : memref<500000x128xf32, #tpu.memory_space<hbm>>) dst(%arg15 : memref<200x128xf32, #tpu.memory_space<vmem>>)
      %parallel_loop3A_375 = arith.constant 0 : i32
      %parallel_loop3A_376 = arith.constant 200 : i32
      %parallel_loop3A_377 = arith.constant 1 : i32
      scf.for %parallel_loop3A_412 = %parallel_loop3A_375 to %parallel_loop3A_376 step %parallel_loop3A_377  : i32 {
        %parallel_loop3A_413 = arith.index_cast %parallel_loop3A_412 : i32 to index
        %parallel_loop3A_414 = tpu.vector_load %arg9[%parallel_loop3A_413] {strides = array<i32>} : memref<216xi32, #tpu.memory_space<vmem>>, vector<16xi32>,
        %parallel_loop3A_415 = vector.shape_cast %parallel_loop3A_414 : vector<16xi32> to vector<16xi32>
        %parallel_loop3A_416 = vector.extract_strided_slice %parallel_loop3A_415 {offsets = [0], sizes = [1], strides = [1]} : vector<16xi32> to vector<1xi32>
        %parallel_loop3A_417 = vector.extract %parallel_loop3A_416[0] : i32 from vector<1xi32>
        %parallel_loop3A_418 = arith.constant 1 : i32
        %parallel_loop3A_419 = arith.andi %parallel_loop3A_417, %parallel_loop3A_418 : i32
        %parallel_loop3A_420 = arith.constant 1 : i32
        %parallel_loop3A_421 = arith.cmpi eq, %parallel_loop3A_419, %parallel_loop3A_420 : i32
        %parallel_loop3A_422 = arith.extui %parallel_loop3A_421 : i1 to i32
        %parallel_loop3A_423 = arith.constant 0 : i32
        %parallel_loop3A_424 = arith.cmpi ne, %parallel_loop3A_422, %parallel_loop3A_423 : i32
        scf.if %parallel_loop3A_424 {
          %parallel_loop3A_430 = arith.index_cast %parallel_loop3A_412 : i32 to index
          %parallel_loop3A_431 = arith.constant 64 : index
          %parallel_loop3A_432 = tpu.vector_load %arg15[%parallel_loop3A_430, %parallel_loop3A_431] {strides = array<i32>} : memref<200x128xf32, #tpu.memory_space<vmem>>, vector<1x16xf32>,
          %parallel_loop3A_433 = vector.shape_cast %parallel_loop3A_432 : vector<1x16xf32> to vector<16xf32>
          %parallel_loop3A_434 = arith.constant 8.000000e+00 : f32
          %parallel_loop3A_435 = vector.broadcast %parallel_loop3A_434 : f32 to vector<16xf32>
          %parallel_loop3A_436 = arith.mulf %parallel_loop3A_433, %parallel_loop3A_435 : vector<16xf32>
          %parallel_loop3A_437 = arith.index_cast %parallel_loop3A_412 : i32 to index
          %parallel_loop3A_438 = arith.constant 0 : index
          %parallel_loop3A_439 = tpu.vector_load %arg16[%parallel_loop3A_437, %parallel_loop3A_438] {strides = array<i32>} : memref<200x64xf32, #tpu.memory_space<vmem>>, vector<1x16xf32>,
          %parallel_loop3A_440 = vector.shape_cast %parallel_loop3A_439 : vector<1x16xf32> to vector<16xf32>
          %parallel_loop3A_441 = arith.addf %parallel_loop3A_436, %parallel_loop3A_440 : vector<16xf32>
          %parallel_loop3A_442 = arith.index_cast %parallel_loop3A_412 : i32 to index
          %parallel_loop3A_443 = arith.constant 0 : index
          %parallel_loop3A_444 = tpu.vector_load %arg15[%parallel_loop3A_442, %parallel_loop3A_443] {strides = array<i32>} : memref<200x128xf32, #tpu.memory_space<vmem>>, vector<1x16xf32>,
          %parallel_loop3A_445 = vector.shape_cast %parallel_loop3A_444 : vector<1x16xf32> to vector<16xf32>
          %parallel_loop3A_446 = vector.shape_cast %parallel_loop3A_441 : vector<16xf32> to vector<1x16xf32>
          tpu.vector_store %arg15[%parallel_loop3A_442, %parallel_loop3A_443], %parallel_loop3A_446 {strides = array<i32>} : memref<200x128xf32, #tpu.memory_space<vmem>>, vector<1x16xf32>,
          %parallel_loop3A_447 = arith.index_cast %parallel_loop3A_412 : i32 to index
          %parallel_loop3A_448 = arith.constant 80 : index
          %parallel_loop3A_449 = tpu.vector_load %arg15[%parallel_loop3A_447, %parallel_loop3A_448] {strides = array<i32>} : memref<200x128xf32, #tpu.memory_space<vmem>>, vector<1x16xf32>,
          %parallel_loop3A_450 = vector.shape_cast %parallel_loop3A_449 : vector<1x16xf32> to vector<16xf32>
          %parallel_loop3A_451 = arith.constant 8.000000e+00 : f32
          %parallel_loop3A_452 = vector.broadcast %parallel_loop3A_451 : f32 to vector<16xf32>
          %parallel_loop3A_453 = arith.mulf %parallel_loop3A_450, %parallel_loop3A_452 : vector<16xf32>
          %parallel_loop3A_454 = arith.index_cast %parallel_loop3A_412 : i32 to index
          %parallel_loop3A_455 = arith.constant 16 : index
          %parallel_loop3A_456 = tpu.vector_load %arg16[%parallel_loop3A_454, %parallel_loop3A_455] {strides = array<i32>} : memref<200x64xf32, #tpu.memory_space<vmem>>, vector<1x16xf32>,
          %parallel_loop3A_457 = vector.shape_cast %parallel_loop3A_456 : vector<1x16xf32> to vector<16xf32>
          %parallel_loop3A_458 = arith.addf %parallel_loop3A_453, %parallel_loop3A_457 : vector<16xf32>
          %parallel_loop3A_459 = arith.index_cast %parallel_loop3A_412 : i32 to index
          %parallel_loop3A_460 = arith.constant 16 : index
          %parallel_loop3A_461 = tpu.vector_load %arg15[%parallel_loop3A_459, %parallel_loop3A_460] {strides = array<i32>} : memref<200x128xf32, #tpu.memory_space<vmem>>, vector<1x16xf32>,
          %parallel_loop3A_462 = vector.shape_cast %parallel_loop3A_461 : vector<1x16xf32> to vector<16xf32>
          %parallel_loop3A_463 = vector.shape_cast %parallel_loop3A_458 : vector<16xf32> to vector<1x16xf32>
          tpu.vector_store %arg15[%parallel_loop3A_459, %parallel_loop3A_460], %parallel_loop3A_463 {strides = array<i32>} : memref<200x128xf32, #tpu.memory_space<vmem>>, vector<1x16xf32>,
          %parallel_loop3A_464 = arith.index_cast %parallel_loop3A_412 : i32 to index
          %parallel_loop3A_465 = arith.constant 96 : index
          %parallel_loop3A_466 = tpu.vector_load %arg15[%parallel_loop3A_464, %parallel_loop3A_465] {strides = array<i32>} : memref<200x128xf32, #tpu.memory_space<vmem>>, vector<1x16xf32>,
          %parallel_loop3A_467 = vector.shape_cast %parallel_loop3A_466 : vector<1x16xf32> to vector<16xf32>
          %parallel_loop3A_468 = arith.constant 8.000000e+00 : f32
          %parallel_loop3A_469 = vector.broadcast %parallel_loop3A_468 : f32 to vector<16xf32>
          %parallel_loop3A_470 = arith.mulf %parallel_loop3A_467, %parallel_loop3A_469 : vector<16xf32>
          %parallel_loop3A_471 = arith.index_cast %parallel_loop3A_412 : i32 to index
          %parallel_loop3A_472 = arith.constant 32 : index
          %parallel_loop3A_473 = tpu.vector_load %arg16[%parallel_loop3A_471, %parallel_loop3A_472] {strides = array<i32>} : memref<200x64xf32, #tpu.memory_space<vmem>>, vector<1x16xf32>,
          %parallel_loop3A_474 = vector.shape_cast %parallel_loop3A_473 : vector<1x16xf32> to vector<16xf32>
          %parallel_loop3A_475 = arith.addf %parallel_loop3A_470, %parallel_loop3A_474 : vector<16xf32>
          %parallel_loop3A_476 = arith.index_cast %parallel_loop3A_412 : i32 to index
          %parallel_loop3A_477 = arith.constant 32 : index
          %parallel_loop3A_478 = tpu.vector_load %arg15[%parallel_loop3A_476, %parallel_loop3A_477] {strides = array<i32>} : memref<200x128xf32, #tpu.memory_space<vmem>>, vector<1x16xf32>,
          %parallel_loop3A_479 = vector.shape_cast %parallel_loop3A_478 : vector<1x16xf32> to vector<16xf32>
          %parallel_loop3A_480 = vector.shape_cast %parallel_loop3A_475 : vector<16xf32> to vector<1x16xf32>
          tpu.vector_store %arg15[%parallel_loop3A_476, %parallel_loop3A_477], %parallel_loop3A_480 {strides = array<i32>} : memref<200x128xf32, #tpu.memory_space<vmem>>, vector<1x16xf32>,
          %parallel_loop3A_481 = arith.index_cast %parallel_loop3A_412 : i32 to index
          %parallel_loop3A_482 = arith.constant 112 : index
          %parallel_loop3A_483 = tpu.vector_load %arg15[%parallel_loop3A_481, %parallel_loop3A_482] {strides = array<i32>} : memref<200x128xf32, #tpu.memory_space<vmem>>, vector<1x16xf32>,
          %parallel_loop3A_484 = vector.shape_cast %parallel_loop3A_483 : vector<1x16xf32> to vector<16xf32>
          %parallel_loop3A_485 = arith.constant 8.000000e+00 : f32
          %parallel_loop3A_486 = vector.broadcast %parallel_loop3A_485 : f32 to vector<16xf32>
          %parallel_loop3A_487 = arith.mulf %parallel_loop3A_484, %parallel_loop3A_486 : vector<16xf32>
          %parallel_loop3A_488 = arith.index_cast %parallel_loop3A_412 : i32 to index
          %parallel_loop3A_489 = arith.constant 48 : index
          %parallel_loop3A_490 = tpu.vector_load %arg16[%parallel_loop3A_488, %parallel_loop3A_489] {strides = array<i32>} : memref<200x64xf32, #tpu.memory_space<vmem>>, vector<1x16xf32>,
          %parallel_loop3A_491 = vector.shape_cast %parallel_loop3A_490 : vector<1x16xf32> to vector<16xf32>
          %parallel_loop3A_492 = arith.addf %parallel_loop3A_487, %parallel_loop3A_491 : vector<16xf32>
          %parallel_loop3A_493 = arith.index_cast %parallel_loop3A_412 : i32 to index
          %parallel_loop3A_494 = arith.constant 48 : index
          %parallel_loop3A_495 = tpu.vector_load %arg15[%parallel_loop3A_493, %parallel_loop3A_494] {strides = array<i32>} : memref<200x128xf32, #tpu.memory_space<vmem>>, vector<1x16xf32>,
          %parallel_loop3A_496 = vector.shape_cast %parallel_loop3A_495 : vector<1x16xf32> to vector<16xf32>
          %parallel_loop3A_497 = vector.shape_cast %parallel_loop3A_492 : vector<16xf32> to vector<1x16xf32>
          tpu.vector_store %arg15[%parallel_loop3A_493, %parallel_loop3A_494], %parallel_loop3A_497 {strides = array<i32>} : memref<200x128xf32, #tpu.memory_space<vmem>>, vector<1x16xf32>,
        } else {
        }
        %parallel_loop3A_425 = arith.constant true
        %parallel_loop3A_426 = arith.xori %parallel_loop3A_421, %parallel_loop3A_425 : i1
        %parallel_loop3A_427 = arith.extui %parallel_loop3A_426 : i1 to i32
        %parallel_loop3A_428 = arith.constant 0 : i32
        %parallel_loop3A_429 = arith.cmpi ne, %parallel_loop3A_427, %parallel_loop3A_428 : i32
        scf.if %parallel_loop3A_429 {
          %parallel_loop3A_430 = arith.index_cast %parallel_loop3A_412 : i32 to index
          %parallel_loop3A_431 = arith.constant 0 : index
          %parallel_loop3A_432 = tpu.vector_load %arg15[%parallel_loop3A_430, %parallel_loop3A_431] {strides = array<i32>} : memref<200x128xf32, #tpu.memory_space<vmem>>, vector<1x16xf32>,
          %parallel_loop3A_433 = vector.shape_cast %parallel_loop3A_432 : vector<1x16xf32> to vector<16xf32>
          %parallel_loop3A_434 = arith.constant 8.000000e+00 : f32
          %parallel_loop3A_435 = vector.broadcast %parallel_loop3A_434 : f32 to vector<16xf32>
          %parallel_loop3A_436 = arith.mulf %parallel_loop3A_433, %parallel_loop3A_435 : vector<16xf32>
          %parallel_loop3A_437 = arith.index_cast %parallel_loop3A_412 : i32 to index
          %parallel_loop3A_438 = arith.constant 0 : index
          %parallel_loop3A_439 = tpu.vector_load %arg16[%parallel_loop3A_437, %parallel_loop3A_438] {strides = array<i32>} : memref<200x64xf32, #tpu.memory_space<vmem>>, vector<1x16xf32>,
          %parallel_loop3A_440 = vector.shape_cast %parallel_loop3A_439 : vector<1x16xf32> to vector<16xf32>
          %parallel_loop3A_441 = arith.addf %parallel_loop3A_436, %parallel_loop3A_440 : vector<16xf32>
          %parallel_loop3A_442 = arith.index_cast %parallel_loop3A_412 : i32 to index
          %parallel_loop3A_443 = arith.constant 0 : index
          %parallel_loop3A_444 = tpu.vector_load %arg15[%parallel_loop3A_442, %parallel_loop3A_443] {strides = array<i32>} : memref<200x128xf32, #tpu.memory_space<vmem>>, vector<1x16xf32>,
          %parallel_loop3A_445 = vector.shape_cast %parallel_loop3A_444 : vector<1x16xf32> to vector<16xf32>
          %parallel_loop3A_446 = vector.shape_cast %parallel_loop3A_441 : vector<16xf32> to vector<1x16xf32>
          tpu.vector_store %arg15[%parallel_loop3A_442, %parallel_loop3A_443], %parallel_loop3A_446 {strides = array<i32>} : memref<200x128xf32, #tpu.memory_space<vmem>>, vector<1x16xf32>,
          %parallel_loop3A_447 = arith.index_cast %parallel_loop3A_412 : i32 to index
          %parallel_loop3A_448 = arith.constant 16 : index
          %parallel_loop3A_449 = tpu.vector_load %arg15[%parallel_loop3A_447, %parallel_loop3A_448] {strides = array<i32>} : memref<200x128xf32, #tpu.memory_space<vmem>>, vector<1x16xf32>,
          %parallel_loop3A_450 = vector.shape_cast %parallel_loop3A_449 : vector<1x16xf32> to vector<16xf32>
          %parallel_loop3A_451 = arith.constant 8.000000e+00 : f32
          %parallel_loop3A_452 = vector.broadcast %parallel_loop3A_451 : f32 to vector<16xf32>
          %parallel_loop3A_453 = arith.mulf %parallel_loop3A_450, %parallel_loop3A_452 : vector<16xf32>
          %parallel_loop3A_454 = arith.index_cast %parallel_loop3A_412 : i32 to index
          %parallel_loop3A_455 = arith.constant 16 : index
          %parallel_loop3A_456 = tpu.vector_load %arg16[%parallel_loop3A_454, %parallel_loop3A_455] {strides = array<i32>} : memref<200x64xf32, #tpu.memory_space<vmem>>, vector<1x16xf32>,
          %parallel_loop3A_457 = vector.shape_cast %parallel_loop3A_456 : vector<1x16xf32> to vector<16xf32>
          %parallel_loop3A_458 = arith.addf %parallel_loop3A_453, %parallel_loop3A_457 : vector<16xf32>
          %parallel_loop3A_459 = arith.index_cast %parallel_loop3A_412 : i32 to index
          %parallel_loop3A_460 = arith.constant 16 : index
          %parallel_loop3A_461 = tpu.vector_load %arg15[%parallel_loop3A_459, %parallel_loop3A_460] {strides = array<i32>} : memref<200x128xf32, #tpu.memory_space<vmem>>, vector<1x16xf32>,
          %parallel_loop3A_462 = vector.shape_cast %parallel_loop3A_461 : vector<1x16xf32> to vector<16xf32>
          %parallel_loop3A_463 = vector.shape_cast %parallel_loop3A_458 : vector<16xf32> to vector<1x16xf32>
          tpu.vector_store %arg15[%parallel_loop3A_459, %parallel_loop3A_460], %parallel_loop3A_463 {strides = array<i32>} : memref<200x128xf32, #tpu.memory_space<vmem>>, vector<1x16xf32>,
          %parallel_loop3A_464 = arith.index_cast %parallel_loop3A_412 : i32 to index
          %parallel_loop3A_465 = arith.constant 32 : index
          %parallel_loop3A_466 = tpu.vector_load %arg15[%parallel_loop3A_464, %parallel_loop3A_465] {strides = array<i32>} : memref<200x128xf32, #tpu.memory_space<vmem>>, vector<1x16xf32>,
          %parallel_loop3A_467 = vector.shape_cast %parallel_loop3A_466 : vector<1x16xf32> to vector<16xf32>
          %parallel_loop3A_468 = arith.constant 8.000000e+00 : f32
          %parallel_loop3A_469 = vector.broadcast %parallel_loop3A_468 : f32 to vector<16xf32>
          %parallel_loop3A_470 = arith.mulf %parallel_loop3A_467, %parallel_loop3A_469 : vector<16xf32>
          %parallel_loop3A_471 = arith.index_cast %parallel_loop3A_412 : i32 to index
          %parallel_loop3A_472 = arith.constant 32 : index
          %parallel_loop3A_473 = tpu.vector_load %arg16[%parallel_loop3A_471, %parallel_loop3A_472] {strides = array<i32>} : memref<200x64xf32, #tpu.memory_space<vmem>>, vector<1x16xf32>,
          %parallel_loop3A_474 = vector.shape_cast %parallel_loop3A_473 : vector<1x16xf32> to vector<16xf32>
          %parallel_loop3A_475 = arith.addf %parallel_loop3A_470, %parallel_loop3A_474 : vector<16xf32>
          %parallel_loop3A_476 = arith.index_cast %parallel_loop3A_412 : i32 to index
          %parallel_loop3A_477 = arith.constant 32 : index
          %parallel_loop3A_478 = tpu.vector_load %arg15[%parallel_loop3A_476, %parallel_loop3A_477] {strides = array<i32>} : memref<200x128xf32, #tpu.memory_space<vmem>>, vector<1x16xf32>,
          %parallel_loop3A_479 = vector.shape_cast %parallel_loop3A_478 : vector<1x16xf32> to vector<16xf32>
          %parallel_loop3A_480 = vector.shape_cast %parallel_loop3A_475 : vector<16xf32> to vector<1x16xf32>
          tpu.vector_store %arg15[%parallel_loop3A_476, %parallel_loop3A_477], %parallel_loop3A_480 {strides = array<i32>} : memref<200x128xf32, #tpu.memory_space<vmem>>, vector<1x16xf32>,
          %parallel_loop3A_481 = arith.index_cast %parallel_loop3A_412 : i32 to index
          %parallel_loop3A_482 = arith.constant 48 : index
          %parallel_loop3A_483 = tpu.vector_load %arg15[%parallel_loop3A_481, %parallel_loop3A_482] {strides = array<i32>} : memref<200x128xf32, #tpu.memory_space<vmem>>, vector<1x16xf32>,
          %parallel_loop3A_484 = vector.shape_cast %parallel_loop3A_483 : vector<1x16xf32> to vector<16xf32>
          %parallel_loop3A_485 = arith.constant 8.000000e+00 : f32
          %parallel_loop3A_486 = vector.broadcast %parallel_loop3A_485 : f32 to vector<16xf32>
          %parallel_loop3A_487 = arith.mulf %parallel_loop3A_484, %parallel_loop3A_486 : vector<16xf32>
          %parallel_loop3A_488 = arith.index_cast %parallel_loop3A_412 : i32 to index
          %parallel_loop3A_489 = arith.constant 48 : index
          %parallel_loop3A_490 = tpu.vector_load %arg16[%parallel_loop3A_488, %parallel_loop3A_489] {strides = array<i32>} : memref<200x64xf32, #tpu.memory_space<vmem>>, vector<1x16xf32>,
          %parallel_loop3A_491 = vector.shape_cast %parallel_loop3A_490 : vector<1x16xf32> to vector<16xf32>
          %parallel_loop3A_492 = arith.addf %parallel_loop3A_487, %parallel_loop3A_491 : vector<16xf32>
          %parallel_loop3A_493 = arith.index_cast %parallel_loop3A_412 : i32 to index
          %parallel_loop3A_494 = arith.constant 48 : index
          %parallel_loop3A_495 = tpu.vector_load %arg15[%parallel_loop3A_493, %parallel_loop3A_494] {strides = array<i32>} : memref<200x128xf32, #tpu.memory_space<vmem>>, vector<1x16xf32>,
          %parallel_loop3A_496 = vector.shape_cast %parallel_loop3A_495 : vector<1x16xf32> to vector<16xf32>
          %parallel_loop3A_497 = vector.shape_cast %parallel_loop3A_492 : vector<16xf32> to vector<1x16xf32>
          tpu.vector_store %arg15[%parallel_loop3A_493, %parallel_loop3A_494], %parallel_loop3A_497 {strides = array<i32>} : memref<200x128xf32, #tpu.memory_space<vmem>>, vector<1x16xf32>,
        } else {
        }
      } {sc.loop_unroll_factor = 2 : i64, sc.parallel_access}
      %add3A_378 = arith.addi %mul3A_2, %add3A_371 : i32
      %dma_start3A_379 = arith.constant 0 : i32
      %dma_start3A_380 = arith.constant 0 : i32
      %dma_start3A_381 = tpu.memref_slice %arg6[%add3A_378, %dma_start3A_379, %dma_start3A_380] : memref<4096x200x128xf32, #tpu.memory_space<hbm>> -> memref<1x200x128xf32, #tpu.memory_space<hbm>>
      %dma_start3A_382 = tpu.memref_squeeze %dma_start3A_381 : memref<1x200x128xf32, #tpu.memory_space<hbm>> -> memref<200x128xf32, #tpu.memory_space<hbm>>
      %dma_start3A_383 = arith.constant 0 : i32
      %dma_start3A_384 = arith.constant 0 : i32
      %dma_start3A_385 = tpu.memref_slice %arg6[%add3A_378, %dma_start3A_383, %dma_start3A_384] : memref<4096x200x128xf32, #tpu.memory_space<hbm>> -> memref<1x200x128xf32, #tpu.memory_space<hbm>>
      %dma_start3A_386 = tpu.memref_squeeze %dma_start3A_385 : memref<1x200x128xf32, #tpu.memory_space<hbm>> -> memref<200x128xf32, #tpu.memory_space<hbm>>
      tpu.enqueue_dma source(%arg15 : memref<200x128xf32, #tpu.memory_space<vmem>>) target(%dma_start3A_386 : memref<200x128xf32, #tpu.memory_space<hbm>>) target_semaphore(%arg25 : memref<!tpu.dma_semaphore, #tpu.memory_space<semaphore_mem>>)
      %add3A_387 = arith.constant 3 : i32
      %add3A_388 = arith.addi %add3A_371, %add3A_387 : i32
      %lt3A_389 = arith.constant 128 : i32
      %lt3A_390 = arith.cmpi slt, %add3A_388, %lt3A_389 : i32
      %convert_element_type3A_391 = arith.extui %lt3A_390 : i1 to i32
      %cond3A_392 = arith.constant 0 : i32
      %cond3A_393 = arith.cmpi ne, %convert_element_type3A_391, %cond3A_392 : i32
      scf.if %cond3A_393 {
        %add3A_412 = arith.constant 3 : i32
        %add3A_413 = arith.addi %add3A_371, %add3A_412 : i32
        %mul3A_414 = arith.constant 200 : i32
        %mul3A_415 = arith.muli %add3A_413, %mul3A_414 : i32
        %add3A_416 = arith.addi %mul3A_4, %mul3A_415 : i32
        %dma_start3A_417 = arith.constant 0 : i32
        %dma_start3A_418 = tpu.memref_slice %arg9[%dma_start3A_417] : memref<216xi32, #tpu.memory_space<vmem>> -> memref<200xi32, #tpu.memory_space<vmem>>
        %dma_start3A_419 = tpu.memref_slice %arg3[%add3A_416] : memref<819200xi32, #tpu.memory_space<hbm>> -> memref<200xi32, #tpu.memory_space<hbm>>
        %dma_start3A_420 = arith.constant 0 : i32
        %dma_start3A_421 = tpu.memref_slice %arg9[%dma_start3A_420] : memref<216xi32, #tpu.memory_space<vmem>> -> memref<200xi32, #tpu.memory_space<vmem>>
        %dma_start3A_422 = tpu.memref_slice %arg3[%add3A_416] : memref<819200xi32, #tpu.memory_space<hbm>> -> memref<200xi32, #tpu.memory_space<hbm>>
        tpu.enqueue_dma source(%dma_start3A_422 : memref<200xi32, #tpu.memory_space<hbm>>) target(%dma_start3A_421 : memref<200xi32, #tpu.memory_space<vmem>>) target_semaphore(%arg19 : memref<!tpu.dma_semaphore, #tpu.memory_space<semaphore_mem>>)
        %mul3A_423 = arith.constant 200 : i32
        %mul3A_424 = arith.muli %add3A_413, %mul3A_423 : i32
        %add3A_425 = arith.addi %mul3A_4, %mul3A_424 : i32
        %dma_start3A_426 = tpu.memref_slice %arg4[%add3A_425] : memref<819200xi32, #tpu.memory_space<hbm>> -> memref<200xi32, #tpu.memory_space<hbm>>
        %dma_start3A_427 = tpu.memref_slice %arg4[%add3A_425] : memref<819200xi32, #tpu.memory_space<hbm>> -> memref<200xi32, #tpu.memory_space<hbm>>
        tpu.enqueue_dma source(%dma_start3A_427 : memref<200xi32, #tpu.memory_space<hbm>>) target(%arg12 : memref<200xi32, #tpu.memory_space<vmem>>) target_semaphore(%arg19 : memref<!tpu.dma_semaphore, #tpu.memory_space<semaphore_mem>>)
      } else {
      }
      %sub3A_394 = arith.constant 1 : i32
      %sub3A_395 = arith.subi %add3A_371, %sub3A_394 : i32
      %add3A_396 = arith.addi %mul3A_2, %sub3A_395 : i32
      %dma_wait3A_397 = arith.constant 0 : i32
      %dma_wait3A_398 = arith.constant 0 : i32
      %dma_wait3A_399 = tpu.memref_slice %arg6[%add3A_396, %dma_wait3A_397, %dma_wait3A_398] : memref<4096x200x128xf32, #tpu.memory_space<hbm>> -> memref<1x200x128xf32, #tpu.memory_space<hbm>>
      %dma_wait3A_400 = tpu.memref_squeeze %dma_wait3A_399 : memref<1x200x128xf32, #tpu.memory_space<hbm>> -> memref<200x128xf32, #tpu.memory_space<hbm>>
      %dma_wait3A_401 = arith.constant 0 : i32
      %dma_wait3A_402 = arith.constant 0 : i32
      %dma_wait3A_403 = tpu.memref_slice %arg6[%add3A_396, %dma_wait3A_401, %dma_wait3A_402] : memref<4096x200x128xf32, #tpu.memory_space<hbm>> -> memref<1x200x128xf32, #tpu.memory_space<hbm>>
      %dma_wait3A_404 = tpu.memref_squeeze %dma_wait3A_403 : memref<1x200x128xf32, #tpu.memory_space<hbm>> -> memref<200x128xf32, #tpu.memory_space<hbm>>
      tpu.wait_dma2 semaphore(%arg24 : memref<!tpu.dma_semaphore, #tpu.memory_space<semaphore_mem>>) src(%arg14 : memref<200x128xf32, #tpu.memory_space<vmem>>) dst(%dma_wait3A_404 : memref<200x128xf32, #tpu.memory_space<hbm>>)
      %add3A_405 = arith.constant 2 : i32
      %add3A_406 = arith.addi %add3A_371, %add3A_405 : i32
      %lt3A_407 = arith.constant 128 : i32
      %lt3A_408 = arith.cmpi slt, %add3A_406, %lt3A_407 : i32
      %convert_element_type3A_409 = arith.extui %lt3A_408 : i1 to i32
      %cond3A_410 = arith.constant 0 : i32
      %cond3A_411 = arith.cmpi ne, %convert_element_type3A_409, %cond3A_410 : i32
      scf.if %cond3A_411 {
        %add3A_412 = arith.constant 2 : i32
        %add3A_413 = arith.addi %add3A_371, %add3A_412 : i32
        %mul3A_414 = arith.constant 200 : i32
        %mul3A_415 = arith.muli %add3A_413, %mul3A_414 : i32
        %add3A_416 = arith.addi %mul3A_4, %mul3A_415 : i32
        %dma_wait3A_417 = arith.constant 0 : i32
        %dma_wait3A_418 = tpu.memref_slice %arg8[%dma_wait3A_417] : memref<216xi32, #tpu.memory_space<vmem>> -> memref<200xi32, #tpu.memory_space<vmem>>
        %dma_wait3A_419 = tpu.memref_slice %arg3[%add3A_416] : memref<819200xi32, #tpu.memory_space<hbm>> -> memref<200xi32, #tpu.memory_space<hbm>>
        %dma_wait3A_420 = arith.constant 0 : i32
        %dma_wait3A_421 = tpu.memref_slice %arg8[%dma_wait3A_420] : memref<216xi32, #tpu.memory_space<vmem>> -> memref<200xi32, #tpu.memory_space<vmem>>
        %dma_wait3A_422 = tpu.memref_slice %arg3[%add3A_416] : memref<819200xi32, #tpu.memory_space<hbm>> -> memref<200xi32, #tpu.memory_space<hbm>>
        tpu.wait_dma2 semaphore(%arg18 : memref<!tpu.dma_semaphore, #tpu.memory_space<semaphore_mem>>) src(%dma_wait3A_422 : memref<200xi32, #tpu.memory_space<hbm>>) dst(%dma_wait3A_421 : memref<200xi32, #tpu.memory_space<vmem>>)
        %mul3A_423 = arith.constant 200 : i32
        %mul3A_424 = arith.muli %add3A_413, %mul3A_423 : i32
        %add3A_425 = arith.addi %mul3A_4, %mul3A_424 : i32
        %dma_wait3A_426 = tpu.memref_slice %arg4[%add3A_425] : memref<819200xi32, #tpu.memory_space<hbm>> -> memref<200xi32, #tpu.memory_space<hbm>>
        %dma_wait3A_427 = tpu.memref_slice %arg4[%add3A_425] : memref<819200xi32, #tpu.memory_space<hbm>> -> memref<200xi32, #tpu.memory_space<hbm>>
        tpu.wait_dma2 semaphore(%arg18 : memref<!tpu.dma_semaphore, #tpu.memory_space<semaphore_mem>>) src(%dma_wait3A_427 : memref<200xi32, #tpu.memory_space<hbm>>) dst(%arg11 : memref<200xi32, #tpu.memory_space<vmem>>)
        %dma_start3A_428 = arith.constant 0 : i32
        %dma_start3A_429 = arith.constant 0 : i32
        %dma_start3A_430 = tpu.memref_slice %arg2[%dma_start3A_428, %dma_start3A_429] : memref<500000x128xf32, #tpu.memory_space<hbm>> -> memref<500000x128xf32, #tpu.memory_space<hbm>>
        tpu.enqueue_indirect_dma source(%dma_start3A_430 : memref<500000x128xf32, #tpu.memory_space<hbm>>) target(%arg14 : memref<200x128xf32, #tpu.memory_space<vmem>>) offsets(%arg11 : memref<200xi32, #tpu.memory_space<vmem>>) semaphore(%arg21 : memref<!tpu.dma_semaphore, #tpu.memory_space<semaphore_mem>>)
      } else {
      }
    }
    %scan3A_220 = arith.constant 41 : i32
    %dma_wait3A_221 = arith.constant 0 : i32
    %dma_wait3A_222 = arith.constant 0 : i32
    %dma_wait3A_223 = tpu.memref_slice %arg2[%dma_wait3A_221, %dma_wait3A_222] : memref<500000x128xf32, #tpu.memory_space<hbm>> -> memref<500000x128xf32, #tpu.memory_space<hbm>>
    tpu.wait_indirect_dma semaphore(%arg20 : memref<!tpu.dma_semaphore, #tpu.memory_space<semaphore_mem>>) src(%dma_wait3A_223 : memref<500000x128xf32, #tpu.memory_space<hbm>>) dst(%arg13 : memref<200x128xf32, #tpu.memory_space<vmem>>)
    %parallel_loop3A_224 = arith.constant 0 : i32
    %parallel_loop3A_225 = arith.constant 200 : i32
    %parallel_loop3A_226 = arith.constant 1 : i32
    scf.for %parallel_loop3A_283 = %parallel_loop3A_224 to %parallel_loop3A_225 step %parallel_loop3A_226  : i32 {
      %parallel_loop3A_284 = arith.index_cast %parallel_loop3A_283 : i32 to index
      %parallel_loop3A_285 = tpu.vector_load %arg7[%parallel_loop3A_284] {strides = array<i32>} : memref<216xi32, #tpu.memory_space<vmem>>, vector<16xi32>,
      %parallel_loop3A_286 = vector.shape_cast %parallel_loop3A_285 : vector<16xi32> to vector<16xi32>
      %parallel_loop3A_287 = vector.extract_strided_slice %parallel_loop3A_286 {offsets = [0], sizes = [1], strides = [1]} : vector<16xi32> to vector<1xi32>
      %parallel_loop3A_288 = vector.extract %parallel_loop3A_287[0] : i32 from vector<1xi32>
      %parallel_loop3A_289 = arith.constant 1 : i32
      %parallel_loop3A_290 = arith.andi %parallel_loop3A_288, %parallel_loop3A_289 : i32
      %parallel_loop3A_291 = arith.constant 1 : i32
      %parallel_loop3A_292 = arith.cmpi eq, %parallel_loop3A_290, %parallel_loop3A_291 : i32
      %parallel_loop3A_293 = arith.extui %parallel_loop3A_292 : i1 to i32
      %parallel_loop3A_294 = arith.constant 0 : i32
      %parallel_loop3A_295 = arith.cmpi ne, %parallel_loop3A_293, %parallel_loop3A_294 : i32
      scf.if %parallel_loop3A_295 {
        %parallel_loop3A_301 = arith.index_cast %parallel_loop3A_283 : i32 to index
        %parallel_loop3A_302 = arith.constant 64 : index
        %parallel_loop3A_303 = tpu.vector_load %arg13[%parallel_loop3A_301, %parallel_loop3A_302] {strides = array<i32>} : memref<200x128xf32, #tpu.memory_space<vmem>>, vector<1x16xf32>,
        %parallel_loop3A_304 = vector.shape_cast %parallel_loop3A_303 : vector<1x16xf32> to vector<16xf32>
        %parallel_loop3A_305 = arith.constant 8.000000e+00 : f32
        %parallel_loop3A_306 = vector.broadcast %parallel_loop3A_305 : f32 to vector<16xf32>
        %parallel_loop3A_307 = arith.mulf %parallel_loop3A_304, %parallel_loop3A_306 : vector<16xf32>
        %parallel_loop3A_308 = arith.index_cast %parallel_loop3A_283 : i32 to index
        %parallel_loop3A_309 = arith.constant 0 : index
        %parallel_loop3A_310 = tpu.vector_load %arg16[%parallel_loop3A_308, %parallel_loop3A_309] {strides = array<i32>} : memref<200x64xf32, #tpu.memory_space<vmem>>, vector<1x16xf32>,
        %parallel_loop3A_311 = vector.shape_cast %parallel_loop3A_310 : vector<1x16xf32> to vector<16xf32>
        %parallel_loop3A_312 = arith.addf %parallel_loop3A_307, %parallel_loop3A_311 : vector<16xf32>
        %parallel_loop3A_313 = arith.index_cast %parallel_loop3A_283 : i32 to index
        %parallel_loop3A_314 = arith.constant 0 : index
        %parallel_loop3A_315 = tpu.vector_load %arg13[%parallel_loop3A_313, %parallel_loop3A_314] {strides = array<i32>} : memref<200x128xf32, #tpu.memory_space<vmem>>, vector<1x16xf32>,
        %parallel_loop3A_316 = vector.shape_cast %parallel_loop3A_315 : vector<1x16xf32> to vector<16xf32>
        %parallel_loop3A_317 = vector.shape_cast %parallel_loop3A_312 : vector<16xf32> to vector<1x16xf32>
        tpu.vector_store %arg13[%parallel_loop3A_313, %parallel_loop3A_314], %parallel_loop3A_317 {strides = array<i32>} : memref<200x128xf32, #tpu.memory_space<vmem>>, vector<1x16xf32>,
        %parallel_loop3A_318 = arith.index_cast %parallel_loop3A_283 : i32 to index
        %parallel_loop3A_319 = arith.constant 80 : index
        %parallel_loop3A_320 = tpu.vector_load %arg13[%parallel_loop3A_318, %parallel_loop3A_319] {strides = array<i32>} : memref<200x128xf32, #tpu.memory_space<vmem>>, vector<1x16xf32>,
        %parallel_loop3A_321 = vector.shape_cast %parallel_loop3A_320 : vector<1x16xf32> to vector<16xf32>
        %parallel_loop3A_322 = arith.constant 8.000000e+00 : f32
        %parallel_loop3A_323 = vector.broadcast %parallel_loop3A_322 : f32 to vector<16xf32>
        %parallel_loop3A_324 = arith.mulf %parallel_loop3A_321, %parallel_loop3A_323 : vector<16xf32>
        %parallel_loop3A_325 = arith.index_cast %parallel_loop3A_283 : i32 to index
        %parallel_loop3A_326 = arith.constant 16 : index
        %parallel_loop3A_327 = tpu.vector_load %arg16[%parallel_loop3A_325, %parallel_loop3A_326] {strides = array<i32>} : memref<200x64xf32, #tpu.memory_space<vmem>>, vector<1x16xf32>,
        %parallel_loop3A_328 = vector.shape_cast %parallel_loop3A_327 : vector<1x16xf32> to vector<16xf32>
        %parallel_loop3A_329 = arith.addf %parallel_loop3A_324, %parallel_loop3A_328 : vector<16xf32>
        %parallel_loop3A_330 = arith.index_cast %parallel_loop3A_283 : i32 to index
        %parallel_loop3A_331 = arith.constant 16 : index
        %parallel_loop3A_332 = tpu.vector_load %arg13[%parallel_loop3A_330, %parallel_loop3A_331] {strides = array<i32>} : memref<200x128xf32, #tpu.memory_space<vmem>>, vector<1x16xf32>,
        %parallel_loop3A_333 = vector.shape_cast %parallel_loop3A_332 : vector<1x16xf32> to vector<16xf32>
        %parallel_loop3A_334 = vector.shape_cast %parallel_loop3A_329 : vector<16xf32> to vector<1x16xf32>
        tpu.vector_store %arg13[%parallel_loop3A_330, %parallel_loop3A_331], %parallel_loop3A_334 {strides = array<i32>} : memref<200x128xf32, #tpu.memory_space<vmem>>, vector<1x16xf32>,
        %parallel_loop3A_335 = arith.index_cast %parallel_loop3A_283 : i32 to index
        %parallel_loop3A_336 = arith.constant 96 : index
        %parallel_loop3A_337 = tpu.vector_load %arg13[%parallel_loop3A_335, %parallel_loop3A_336] {strides = array<i32>} : memref<200x128xf32, #tpu.memory_space<vmem>>, vector<1x16xf32>,
        %parallel_loop3A_338 = vector.shape_cast %parallel_loop3A_337 : vector<1x16xf32> to vector<16xf32>
        %parallel_loop3A_339 = arith.constant 8.000000e+00 : f32
        %parallel_loop3A_340 = vector.broadcast %parallel_loop3A_339 : f32 to vector<16xf32>
        %parallel_loop3A_341 = arith.mulf %parallel_loop3A_338, %parallel_loop3A_340 : vector<16xf32>
        %parallel_loop3A_342 = arith.index_cast %parallel_loop3A_283 : i32 to index
        %parallel_loop3A_343 = arith.constant 32 : index
        %parallel_loop3A_344 = tpu.vector_load %arg16[%parallel_loop3A_342, %parallel_loop3A_343] {strides = array<i32>} : memref<200x64xf32, #tpu.memory_space<vmem>>, vector<1x16xf32>,
        %parallel_loop3A_345 = vector.shape_cast %parallel_loop3A_344 : vector<1x16xf32> to vector<16xf32>
        %parallel_loop3A_346 = arith.addf %parallel_loop3A_341, %parallel_loop3A_345 : vector<16xf32>
        %parallel_loop3A_347 = arith.index_cast %parallel_loop3A_283 : i32 to index
        %parallel_loop3A_348 = arith.constant 32 : index
        %parallel_loop3A_349 = tpu.vector_load %arg13[%parallel_loop3A_347, %parallel_loop3A_348] {strides = array<i32>} : memref<200x128xf32, #tpu.memory_space<vmem>>, vector<1x16xf32>,
        %parallel_loop3A_350 = vector.shape_cast %parallel_loop3A_349 : vector<1x16xf32> to vector<16xf32>
        %parallel_loop3A_351 = vector.shape_cast %parallel_loop3A_346 : vector<16xf32> to vector<1x16xf32>
        tpu.vector_store %arg13[%parallel_loop3A_347, %parallel_loop3A_348], %parallel_loop3A_351 {strides = array<i32>} : memref<200x128xf32, #tpu.memory_space<vmem>>, vector<1x16xf32>,
        %parallel_loop3A_352 = arith.index_cast %parallel_loop3A_283 : i32 to index
        %parallel_loop3A_353 = arith.constant 112 : index
        %parallel_loop3A_354 = tpu.vector_load %arg13[%parallel_loop3A_352, %parallel_loop3A_353] {strides = array<i32>} : memref<200x128xf32, #tpu.memory_space<vmem>>, vector<1x16xf32>,
        %parallel_loop3A_355 = vector.shape_cast %parallel_loop3A_354 : vector<1x16xf32> to vector<16xf32>
        %parallel_loop3A_356 = arith.constant 8.000000e+00 : f32
        %parallel_loop3A_357 = vector.broadcast %parallel_loop3A_356 : f32 to vector<16xf32>
        %parallel_loop3A_358 = arith.mulf %parallel_loop3A_355, %parallel_loop3A_357 : vector<16xf32>
        %parallel_loop3A_359 = arith.index_cast %parallel_loop3A_283 : i32 to index
        %parallel_loop3A_360 = arith.constant 48 : index
        %parallel_loop3A_361 = tpu.vector_load %arg16[%parallel_loop3A_359, %parallel_loop3A_360] {strides = array<i32>} : memref<200x64xf32, #tpu.memory_space<vmem>>, vector<1x16xf32>,
        %parallel_loop3A_362 = vector.shape_cast %parallel_loop3A_361 : vector<1x16xf32> to vector<16xf32>
        %parallel_loop3A_363 = arith.addf %parallel_loop3A_358, %parallel_loop3A_362 : vector<16xf32>
        %parallel_loop3A_364 = arith.index_cast %parallel_loop3A_283 : i32 to index
        %parallel_loop3A_365 = arith.constant 48 : index
        %parallel_loop3A_366 = tpu.vector_load %arg13[%parallel_loop3A_364, %parallel_loop3A_365] {strides = array<i32>} : memref<200x128xf32, #tpu.memory_space<vmem>>, vector<1x16xf32>,
        %parallel_loop3A_367 = vector.shape_cast %parallel_loop3A_366 : vector<1x16xf32> to vector<16xf32>
        %parallel_loop3A_368 = vector.shape_cast %parallel_loop3A_363 : vector<16xf32> to vector<1x16xf32>
        tpu.vector_store %arg13[%parallel_loop3A_364, %parallel_loop3A_365], %parallel_loop3A_368 {strides = array<i32>} : memref<200x128xf32, #tpu.memory_space<vmem>>, vector<1x16xf32>,
      } else {
      }
      %parallel_loop3A_296 = arith.constant true
      %parallel_loop3A_297 = arith.xori %parallel_loop3A_292, %parallel_loop3A_296 : i1
      %parallel_loop3A_298 = arith.extui %parallel_loop3A_297 : i1 to i32
      %parallel_loop3A_299 = arith.constant 0 : i32
      %parallel_loop3A_300 = arith.cmpi ne, %parallel_loop3A_298, %parallel_loop3A_299 : i32
      scf.if %parallel_loop3A_300 {
        %parallel_loop3A_301 = arith.index_cast %parallel_loop3A_283 : i32 to index
        %parallel_loop3A_302 = arith.constant 0 : index
        %parallel_loop3A_303 = tpu.vector_load %arg13[%parallel_loop3A_301, %parallel_loop3A_302] {strides = array<i32>} : memref<200x128xf32, #tpu.memory_space<vmem>>, vector<1x16xf32>,
        %parallel_loop3A_304 = vector.shape_cast %parallel_loop3A_303 : vector<1x16xf32> to vector<16xf32>
        %parallel_loop3A_305 = arith.constant 8.000000e+00 : f32
        %parallel_loop3A_306 = vector.broadcast %parallel_loop3A_305 : f32 to vector<16xf32>
        %parallel_loop3A_307 = arith.mulf %parallel_loop3A_304, %parallel_loop3A_306 : vector<16xf32>
        %parallel_loop3A_308 = arith.index_cast %parallel_loop3A_283 : i32 to index
        %parallel_loop3A_309 = arith.constant 0 : index
        %parallel_loop3A_310 = tpu.vector_load %arg16[%parallel_loop3A_308, %parallel_loop3A_309] {strides = array<i32>} : memref<200x64xf32, #tpu.memory_space<vmem>>, vector<1x16xf32>,
        %parallel_loop3A_311 = vector.shape_cast %parallel_loop3A_310 : vector<1x16xf32> to vector<16xf32>
        %parallel_loop3A_312 = arith.addf %parallel_loop3A_307, %parallel_loop3A_311 : vector<16xf32>
        %parallel_loop3A_313 = arith.index_cast %parallel_loop3A_283 : i32 to index
        %parallel_loop3A_314 = arith.constant 0 : index
        %parallel_loop3A_315 = tpu.vector_load %arg13[%parallel_loop3A_313, %parallel_loop3A_314] {strides = array<i32>} : memref<200x128xf32, #tpu.memory_space<vmem>>, vector<1x16xf32>,
        %parallel_loop3A_316 = vector.shape_cast %parallel_loop3A_315 : vector<1x16xf32> to vector<16xf32>
        %parallel_loop3A_317 = vector.shape_cast %parallel_loop3A_312 : vector<16xf32> to vector<1x16xf32>
        tpu.vector_store %arg13[%parallel_loop3A_313, %parallel_loop3A_314], %parallel_loop3A_317 {strides = array<i32>} : memref<200x128xf32, #tpu.memory_space<vmem>>, vector<1x16xf32>,
        %parallel_loop3A_318 = arith.index_cast %parallel_loop3A_283 : i32 to index
        %parallel_loop3A_319 = arith.constant 16 : index
        %parallel_loop3A_320 = tpu.vector_load %arg13[%parallel_loop3A_318, %parallel_loop3A_319] {strides = array<i32>} : memref<200x128xf32, #tpu.memory_space<vmem>>, vector<1x16xf32>,
        %parallel_loop3A_321 = vector.shape_cast %parallel_loop3A_320 : vector<1x16xf32> to vector<16xf32>
        %parallel_loop3A_322 = arith.constant 8.000000e+00 : f32
        %parallel_loop3A_323 = vector.broadcast %parallel_loop3A_322 : f32 to vector<16xf32>
        %parallel_loop3A_324 = arith.mulf %parallel_loop3A_321, %parallel_loop3A_323 : vector<16xf32>
        %parallel_loop3A_325 = arith.index_cast %parallel_loop3A_283 : i32 to index
        %parallel_loop3A_326 = arith.constant 16 : index
        %parallel_loop3A_327 = tpu.vector_load %arg16[%parallel_loop3A_325, %parallel_loop3A_326] {strides = array<i32>} : memref<200x64xf32, #tpu.memory_space<vmem>>, vector<1x16xf32>,
        %parallel_loop3A_328 = vector.shape_cast %parallel_loop3A_327 : vector<1x16xf32> to vector<16xf32>
        %parallel_loop3A_329 = arith.addf %parallel_loop3A_324, %parallel_loop3A_328 : vector<16xf32>
        %parallel_loop3A_330 = arith.index_cast %parallel_loop3A_283 : i32 to index
        %parallel_loop3A_331 = arith.constant 16 : index
        %parallel_loop3A_332 = tpu.vector_load %arg13[%parallel_loop3A_330, %parallel_loop3A_331] {strides = array<i32>} : memref<200x128xf32, #tpu.memory_space<vmem>>, vector<1x16xf32>,
        %parallel_loop3A_333 = vector.shape_cast %parallel_loop3A_332 : vector<1x16xf32> to vector<16xf32>
        %parallel_loop3A_334 = vector.shape_cast %parallel_loop3A_329 : vector<16xf32> to vector<1x16xf32>
        tpu.vector_store %arg13[%parallel_loop3A_330, %parallel_loop3A_331], %parallel_loop3A_334 {strides = array<i32>} : memref<200x128xf32, #tpu.memory_space<vmem>>, vector<1x16xf32>,
        %parallel_loop3A_335 = arith.index_cast %parallel_loop3A_283 : i32 to index
        %parallel_loop3A_336 = arith.constant 32 : index
        %parallel_loop3A_337 = tpu.vector_load %arg13[%parallel_loop3A_335, %parallel_loop3A_336] {strides = array<i32>} : memref<200x128xf32, #tpu.memory_space<vmem>>, vector<1x16xf32>,
        %parallel_loop3A_338 = vector.shape_cast %parallel_loop3A_337 : vector<1x16xf32> to vector<16xf32>
        %parallel_loop3A_339 = arith.constant 8.000000e+00 : f32
        %parallel_loop3A_340 = vector.broadcast %parallel_loop3A_339 : f32 to vector<16xf32>
        %parallel_loop3A_341 = arith.mulf %parallel_loop3A_338, %parallel_loop3A_340 : vector<16xf32>
        %parallel_loop3A_342 = arith.index_cast %parallel_loop3A_283 : i32 to index
        %parallel_loop3A_343 = arith.constant 32 : index
        %parallel_loop3A_344 = tpu.vector_load %arg16[%parallel_loop3A_342, %parallel_loop3A_343] {strides = array<i32>} : memref<200x64xf32, #tpu.memory_space<vmem>>, vector<1x16xf32>,
        %parallel_loop3A_345 = vector.shape_cast %parallel_loop3A_344 : vector<1x16xf32> to vector<16xf32>
        %parallel_loop3A_346 = arith.addf %parallel_loop3A_341, %parallel_loop3A_345 : vector<16xf32>
        %parallel_loop3A_347 = arith.index_cast %parallel_loop3A_283 : i32 to index
        %parallel_loop3A_348 = arith.constant 32 : index
        %parallel_loop3A_349 = tpu.vector_load %arg13[%parallel_loop3A_347, %parallel_loop3A_348] {strides = array<i32>} : memref<200x128xf32, #tpu.memory_space<vmem>>, vector<1x16xf32>,
        %parallel_loop3A_350 = vector.shape_cast %parallel_loop3A_349 : vector<1x16xf32> to vector<16xf32>
        %parallel_loop3A_351 = vector.shape_cast %parallel_loop3A_346 : vector<16xf32> to vector<1x16xf32>
        tpu.vector_store %arg13[%parallel_loop3A_347, %parallel_loop3A_348], %parallel_loop3A_351 {strides = array<i32>} : memref<200x128xf32, #tpu.memory_space<vmem>>, vector<1x16xf32>,
        %parallel_loop3A_352 = arith.index_cast %parallel_loop3A_283 : i32 to index
        %parallel_loop3A_353 = arith.constant 48 : index
        %parallel_loop3A_354 = tpu.vector_load %arg13[%parallel_loop3A_352, %parallel_loop3A_353] {strides = array<i32>} : memref<200x128xf32, #tpu.memory_space<vmem>>, vector<1x16xf32>,
        %parallel_loop3A_355 = vector.shape_cast %parallel_loop3A_354 : vector<1x16xf32> to vector<16xf32>
        %parallel_loop3A_356 = arith.constant 8.000000e+00 : f32
        %parallel_loop3A_357 = vector.broadcast %parallel_loop3A_356 : f32 to vector<16xf32>
        %parallel_loop3A_358 = arith.mulf %parallel_loop3A_355, %parallel_loop3A_357 : vector<16xf32>
        %parallel_loop3A_359 = arith.index_cast %parallel_loop3A_283 : i32 to index
        %parallel_loop3A_360 = arith.constant 48 : index
        %parallel_loop3A_361 = tpu.vector_load %arg16[%parallel_loop3A_359, %parallel_loop3A_360] {strides = array<i32>} : memref<200x64xf32, #tpu.memory_space<vmem>>, vector<1x16xf32>,
        %parallel_loop3A_362 = vector.shape_cast %parallel_loop3A_361 : vector<1x16xf32> to vector<16xf32>
        %parallel_loop3A_363 = arith.addf %parallel_loop3A_358, %parallel_loop3A_362 : vector<16xf32>
        %parallel_loop3A_364 = arith.index_cast %parallel_loop3A_283 : i32 to index
        %parallel_loop3A_365 = arith.constant 48 : index
        %parallel_loop3A_366 = tpu.vector_load %arg13[%parallel_loop3A_364, %parallel_loop3A_365] {strides = array<i32>} : memref<200x128xf32, #tpu.memory_space<vmem>>, vector<1x16xf32>,
        %parallel_loop3A_367 = vector.shape_cast %parallel_loop3A_366 : vector<1x16xf32> to vector<16xf32>
        %parallel_loop3A_368 = vector.shape_cast %parallel_loop3A_363 : vector<16xf32> to vector<1x16xf32>
        tpu.vector_store %arg13[%parallel_loop3A_364, %parallel_loop3A_365], %parallel_loop3A_368 {strides = array<i32>} : memref<200x128xf32, #tpu.memory_space<vmem>>, vector<1x16xf32>,
      } else {
      }
    } {sc.loop_unroll_factor = 2 : i64, sc.parallel_access}
    %add3A_227 = arith.constant 126 : i32
    %add3A_228 = arith.addi %mul3A_2, %add3A_227 : i32
    %dma_start3A_229 = arith.constant 0 : i32
    %dma_start3A_230 = arith.constant 0 : i32
    %dma_start3A_231 = tpu.memref_slice %arg6[%add3A_228, %dma_start3A_229, %dma_start3A_230] : memref<4096x200x128xf32, #tpu.memory_space<hbm>> -> memref<1x200x128xf32, #tpu.memory_space<hbm>>
    %dma_start3A_232 = tpu.memref_squeeze %dma_start3A_231 : memref<1x200x128xf32, #tpu.memory_space<hbm>> -> memref<200x128xf32, #tpu.memory_space<hbm>>
    %dma_start3A_233 = arith.constant 0 : i32
    %dma_start3A_234 = arith.constant 0 : i32
    %dma_start3A_235 = tpu.memref_slice %arg6[%add3A_228, %dma_start3A_233, %dma_start3A_234] : memref<4096x200x128xf32, #tpu.memory_space<hbm>> -> memref<1x200x128xf32, #tpu.memory_space<hbm>>
    %dma_start3A_236 = tpu.memref_squeeze %dma_start3A_235 : memref<1x200x128xf32, #tpu.memory_space<hbm>> -> memref<200x128xf32, #tpu.memory_space<hbm>>
    tpu.enqueue_dma source(%arg13 : memref<200x128xf32, #tpu.memory_space<vmem>>) target(%dma_start3A_236 : memref<200x128xf32, #tpu.memory_space<hbm>>) target_semaphore(%arg23 : memref<!tpu.dma_semaphore, #tpu.memory_space<semaphore_mem>>)
    %add3A_237 = arith.constant 125 : i32
    %add3A_238 = arith.addi %mul3A_2, %add3A_237 : i32
    %dma_wait3A_239 = arith.constant 0 : i32
    %dma_wait3A_240 = arith.constant 0 : i32
    %dma_wait3A_241 = tpu.memref_slice %arg6[%add3A_238, %dma_wait3A_239, %dma_wait3A_240] : memref<4096x200x128xf32, #tpu.memory_space<hbm>> -> memref<1x200x128xf32, #tpu.memory_space<hbm>>
    %dma_wait3A_242 = tpu.memref_squeeze %dma_wait3A_241 : memref<1x200x128xf32, #tpu.memory_space<hbm>> -> memref<200x128xf32, #tpu.memory_space<hbm>>
    %dma_wait3A_243 = arith.constant 0 : i32
    %dma_wait3A_244 = arith.constant 0 : i32
    %dma_wait3A_245 = tpu.memref_slice %arg6[%add3A_238, %dma_wait3A_243, %dma_wait3A_244] : memref<4096x200x128xf32, #tpu.memory_space<hbm>> -> memref<1x200x128xf32, #tpu.memory_space<hbm>>
    %dma_wait3A_246 = tpu.memref_squeeze %dma_wait3A_245 : memref<1x200x128xf32, #tpu.memory_space<hbm>> -> memref<200x128xf32, #tpu.memory_space<hbm>>
    tpu.wait_dma2 semaphore(%arg25 : memref<!tpu.dma_semaphore, #tpu.memory_space<semaphore_mem>>) src(%arg15 : memref<200x128xf32, #tpu.memory_space<vmem>>) dst(%dma_wait3A_246 : memref<200x128xf32, #tpu.memory_space<hbm>>)
    %dma_wait3A_247 = arith.constant 0 : i32
    %dma_wait3A_248 = arith.constant 0 : i32
    %dma_wait3A_249 = tpu.memref_slice %arg2[%dma_wait3A_247, %dma_wait3A_248] : memref<500000x128xf32, #tpu.memory_space<hbm>> -> memref<500000x128xf32, #tpu.memory_space<hbm>>
    tpu.wait_indirect_dma semaphore(%arg21 : memref<!tpu.dma_semaphore, #tpu.memory_space<semaphore_mem>>) src(%dma_wait3A_249 : memref<500000x128xf32, #tpu.memory_space<hbm>>) dst(%arg14 : memref<200x128xf32, #tpu.memory_space<vmem>>)
    %parallel_loop3A_250 = arith.constant 0 : i32
    %parallel_loop3A_251 = arith.constant 200 : i32
    %parallel_loop3A_252 = arith.constant 1 : i32
    scf.for %parallel_loop3A_283 = %parallel_loop3A_250 to %parallel_loop3A_251 step %parallel_loop3A_252  : i32 {
      %parallel_loop3A_284 = arith.index_cast %parallel_loop3A_283 : i32 to index
      %parallel_loop3A_285 = tpu.vector_load %arg8[%parallel_loop3A_284] {strides = array<i32>} : memref<216xi32, #tpu.memory_space<vmem>>, vector<16xi32>,
      %parallel_loop3A_286 = vector.shape_cast %parallel_loop3A_285 : vector<16xi32> to vector<16xi32>
      %parallel_loop3A_287 = vector.extract_strided_slice %parallel_loop3A_286 {offsets = [0], sizes = [1], strides = [1]} : vector<16xi32> to vector<1xi32>
      %parallel_loop3A_288 = vector.extract %parallel_loop3A_287[0] : i32 from vector<1xi32>
      %parallel_loop3A_289 = arith.constant 1 : i32
      %parallel_loop3A_290 = arith.andi %parallel_loop3A_288, %parallel_loop3A_289 : i32
      %parallel_loop3A_291 = arith.constant 1 : i32
      %parallel_loop3A_292 = arith.cmpi eq, %parallel_loop3A_290, %parallel_loop3A_291 : i32
      %parallel_loop3A_293 = arith.extui %parallel_loop3A_292 : i1 to i32
      %parallel_loop3A_294 = arith.constant 0 : i32
      %parallel_loop3A_295 = arith.cmpi ne, %parallel_loop3A_293, %parallel_loop3A_294 : i32
      scf.if %parallel_loop3A_295 {
        %parallel_loop3A_301 = arith.index_cast %parallel_loop3A_283 : i32 to index
        %parallel_loop3A_302 = arith.constant 64 : index
        %parallel_loop3A_303 = tpu.vector_load %arg14[%parallel_loop3A_301, %parallel_loop3A_302] {strides = array<i32>} : memref<200x128xf32, #tpu.memory_space<vmem>>, vector<1x16xf32>,
        %parallel_loop3A_304 = vector.shape_cast %parallel_loop3A_303 : vector<1x16xf32> to vector<16xf32>
        %parallel_loop3A_305 = arith.constant 8.000000e+00 : f32
        %parallel_loop3A_306 = vector.broadcast %parallel_loop3A_305 : f32 to vector<16xf32>
        %parallel_loop3A_307 = arith.mulf %parallel_loop3A_304, %parallel_loop3A_306 : vector<16xf32>
        %parallel_loop3A_308 = arith.index_cast %parallel_loop3A_283 : i32 to index
        %parallel_loop3A_309 = arith.constant 0 : index
        %parallel_loop3A_310 = tpu.vector_load %arg16[%parallel_loop3A_308, %parallel_loop3A_309] {strides = array<i32>} : memref<200x64xf32, #tpu.memory_space<vmem>>, vector<1x16xf32>,
        %parallel_loop3A_311 = vector.shape_cast %parallel_loop3A_310 : vector<1x16xf32> to vector<16xf32>
        %parallel_loop3A_312 = arith.addf %parallel_loop3A_307, %parallel_loop3A_311 : vector<16xf32>
        %parallel_loop3A_313 = arith.index_cast %parallel_loop3A_283 : i32 to index
        %parallel_loop3A_314 = arith.constant 0 : index
        %parallel_loop3A_315 = tpu.vector_load %arg14[%parallel_loop3A_313, %parallel_loop3A_314] {strides = array<i32>} : memref<200x128xf32, #tpu.memory_space<vmem>>, vector<1x16xf32>,
        %parallel_loop3A_316 = vector.shape_cast %parallel_loop3A_315 : vector<1x16xf32> to vector<16xf32>
        %parallel_loop3A_317 = vector.shape_cast %parallel_loop3A_312 : vector<16xf32> to vector<1x16xf32>
        tpu.vector_store %arg14[%parallel_loop3A_313, %parallel_loop3A_314], %parallel_loop3A_317 {strides = array<i32>} : memref<200x128xf32, #tpu.memory_space<vmem>>, vector<1x16xf32>,
        %parallel_loop3A_318 = arith.index_cast %parallel_loop3A_283 : i32 to index
        %parallel_loop3A_319 = arith.constant 80 : index
        %parallel_loop3A_320 = tpu.vector_load %arg14[%parallel_loop3A_318, %parallel_loop3A_319] {strides = array<i32>} : memref<200x128xf32, #tpu.memory_space<vmem>>, vector<1x16xf32>,
        %parallel_loop3A_321 = vector.shape_cast %parallel_loop3A_320 : vector<1x16xf32> to vector<16xf32>
        %parallel_loop3A_322 = arith.constant 8.000000e+00 : f32
        %parallel_loop3A_323 = vector.broadcast %parallel_loop3A_322 : f32 to vector<16xf32>
        %parallel_loop3A_324 = arith.mulf %parallel_loop3A_321, %parallel_loop3A_323 : vector<16xf32>
        %parallel_loop3A_325 = arith.index_cast %parallel_loop3A_283 : i32 to index
        %parallel_loop3A_326 = arith.constant 16 : index
        %parallel_loop3A_327 = tpu.vector_load %arg16[%parallel_loop3A_325, %parallel_loop3A_326] {strides = array<i32>} : memref<200x64xf32, #tpu.memory_space<vmem>>, vector<1x16xf32>,
        %parallel_loop3A_328 = vector.shape_cast %parallel_loop3A_327 : vector<1x16xf32> to vector<16xf32>
        %parallel_loop3A_329 = arith.addf %parallel_loop3A_324, %parallel_loop3A_328 : vector<16xf32>
        %parallel_loop3A_330 = arith.index_cast %parallel_loop3A_283 : i32 to index
        %parallel_loop3A_331 = arith.constant 16 : index
        %parallel_loop3A_332 = tpu.vector_load %arg14[%parallel_loop3A_330, %parallel_loop3A_331] {strides = array<i32>} : memref<200x128xf32, #tpu.memory_space<vmem>>, vector<1x16xf32>,
        %parallel_loop3A_333 = vector.shape_cast %parallel_loop3A_332 : vector<1x16xf32> to vector<16xf32>
        %parallel_loop3A_334 = vector.shape_cast %parallel_loop3A_329 : vector<16xf32> to vector<1x16xf32>
        tpu.vector_store %arg14[%parallel_loop3A_330, %parallel_loop3A_331], %parallel_loop3A_334 {strides = array<i32>} : memref<200x128xf32, #tpu.memory_space<vmem>>, vector<1x16xf32>,
        %parallel_loop3A_335 = arith.index_cast %parallel_loop3A_283 : i32 to index
        %parallel_loop3A_336 = arith.constant 96 : index
        %parallel_loop3A_337 = tpu.vector_load %arg14[%parallel_loop3A_335, %parallel_loop3A_336] {strides = array<i32>} : memref<200x128xf32, #tpu.memory_space<vmem>>, vector<1x16xf32>,
        %parallel_loop3A_338 = vector.shape_cast %parallel_loop3A_337 : vector<1x16xf32> to vector<16xf32>
        %parallel_loop3A_339 = arith.constant 8.000000e+00 : f32
        %parallel_loop3A_340 = vector.broadcast %parallel_loop3A_339 : f32 to vector<16xf32>
        %parallel_loop3A_341 = arith.mulf %parallel_loop3A_338, %parallel_loop3A_340 : vector<16xf32>
        %parallel_loop3A_342 = arith.index_cast %parallel_loop3A_283 : i32 to index
        %parallel_loop3A_343 = arith.constant 32 : index
        %parallel_loop3A_344 = tpu.vector_load %arg16[%parallel_loop3A_342, %parallel_loop3A_343] {strides = array<i32>} : memref<200x64xf32, #tpu.memory_space<vmem>>, vector<1x16xf32>,
        %parallel_loop3A_345 = vector.shape_cast %parallel_loop3A_344 : vector<1x16xf32> to vector<16xf32>
        %parallel_loop3A_346 = arith.addf %parallel_loop3A_341, %parallel_loop3A_345 : vector<16xf32>
        %parallel_loop3A_347 = arith.index_cast %parallel_loop3A_283 : i32 to index
        %parallel_loop3A_348 = arith.constant 32 : index
        %parallel_loop3A_349 = tpu.vector_load %arg14[%parallel_loop3A_347, %parallel_loop3A_348] {strides = array<i32>} : memref<200x128xf32, #tpu.memory_space<vmem>>, vector<1x16xf32>,
        %parallel_loop3A_350 = vector.shape_cast %parallel_loop3A_349 : vector<1x16xf32> to vector<16xf32>
        %parallel_loop3A_351 = vector.shape_cast %parallel_loop3A_346 : vector<16xf32> to vector<1x16xf32>
        tpu.vector_store %arg14[%parallel_loop3A_347, %parallel_loop3A_348], %parallel_loop3A_351 {strides = array<i32>} : memref<200x128xf32, #tpu.memory_space<vmem>>, vector<1x16xf32>,
        %parallel_loop3A_352 = arith.index_cast %parallel_loop3A_283 : i32 to index
        %parallel_loop3A_353 = arith.constant 112 : index
        %parallel_loop3A_354 = tpu.vector_load %arg14[%parallel_loop3A_352, %parallel_loop3A_353] {strides = array<i32>} : memref<200x128xf32, #tpu.memory_space<vmem>>, vector<1x16xf32>,
        %parallel_loop3A_355 = vector.shape_cast %parallel_loop3A_354 : vector<1x16xf32> to vector<16xf32>
        %parallel_loop3A_356 = arith.constant 8.000000e+00 : f32
        %parallel_loop3A_357 = vector.broadcast %parallel_loop3A_356 : f32 to vector<16xf32>
        %parallel_loop3A_358 = arith.mulf %parallel_loop3A_355, %parallel_loop3A_357 : vector<16xf32>
        %parallel_loop3A_359 = arith.index_cast %parallel_loop3A_283 : i32 to index
        %parallel_loop3A_360 = arith.constant 48 : index
        %parallel_loop3A_361 = tpu.vector_load %arg16[%parallel_loop3A_359, %parallel_loop3A_360] {strides = array<i32>} : memref<200x64xf32, #tpu.memory_space<vmem>>, vector<1x16xf32>,
        %parallel_loop3A_362 = vector.shape_cast %parallel_loop3A_361 : vector<1x16xf32> to vector<16xf32>
        %parallel_loop3A_363 = arith.addf %parallel_loop3A_358, %parallel_loop3A_362 : vector<16xf32>
        %parallel_loop3A_364 = arith.index_cast %parallel_loop3A_283 : i32 to index
        %parallel_loop3A_365 = arith.constant 48 : index
        %parallel_loop3A_366 = tpu.vector_load %arg14[%parallel_loop3A_364, %parallel_loop3A_365] {strides = array<i32>} : memref<200x128xf32, #tpu.memory_space<vmem>>, vector<1x16xf32>,
        %parallel_loop3A_367 = vector.shape_cast %parallel_loop3A_366 : vector<1x16xf32> to vector<16xf32>
        %parallel_loop3A_368 = vector.shape_cast %parallel_loop3A_363 : vector<16xf32> to vector<1x16xf32>
        tpu.vector_store %arg14[%parallel_loop3A_364, %parallel_loop3A_365], %parallel_loop3A_368 {strides = array<i32>} : memref<200x128xf32, #tpu.memory_space<vmem>>, vector<1x16xf32>,
      } else {
      }
      %parallel_loop3A_296 = arith.constant true
      %parallel_loop3A_297 = arith.xori %parallel_loop3A_292, %parallel_loop3A_296 : i1
      %parallel_loop3A_298 = arith.extui %parallel_loop3A_297 : i1 to i32
      %parallel_loop3A_299 = arith.constant 0 : i32
      %parallel_loop3A_300 = arith.cmpi ne, %parallel_loop3A_298, %parallel_loop3A_299 : i32
      scf.if %parallel_loop3A_300 {
        %parallel_loop3A_301 = arith.index_cast %parallel_loop3A_283 : i32 to index
        %parallel_loop3A_302 = arith.constant 0 : index
        %parallel_loop3A_303 = tpu.vector_load %arg14[%parallel_loop3A_301, %parallel_loop3A_302] {strides = array<i32>} : memref<200x128xf32, #tpu.memory_space<vmem>>, vector<1x16xf32>,
        %parallel_loop3A_304 = vector.shape_cast %parallel_loop3A_303 : vector<1x16xf32> to vector<16xf32>
        %parallel_loop3A_305 = arith.constant 8.000000e+00 : f32
        %parallel_loop3A_306 = vector.broadcast %parallel_loop3A_305 : f32 to vector<16xf32>
        %parallel_loop3A_307 = arith.mulf %parallel_loop3A_304, %parallel_loop3A_306 : vector<16xf32>
        %parallel_loop3A_308 = arith.index_cast %parallel_loop3A_283 : i32 to index
        %parallel_loop3A_309 = arith.constant 0 : index
        %parallel_loop3A_310 = tpu.vector_load %arg16[%parallel_loop3A_308, %parallel_loop3A_309] {strides = array<i32>} : memref<200x64xf32, #tpu.memory_space<vmem>>, vector<1x16xf32>,
        %parallel_loop3A_311 = vector.shape_cast %parallel_loop3A_310 : vector<1x16xf32> to vector<16xf32>
        %parallel_loop3A_312 = arith.addf %parallel_loop3A_307, %parallel_loop3A_311 : vector<16xf32>
        %parallel_loop3A_313 = arith.index_cast %parallel_loop3A_283 : i32 to index
        %parallel_loop3A_314 = arith.constant 0 : index
        %parallel_loop3A_315 = tpu.vector_load %arg14[%parallel_loop3A_313, %parallel_loop3A_314] {strides = array<i32>} : memref<200x128xf32, #tpu.memory_space<vmem>>, vector<1x16xf32>,
        %parallel_loop3A_316 = vector.shape_cast %parallel_loop3A_315 : vector<1x16xf32> to vector<16xf32>
        %parallel_loop3A_317 = vector.shape_cast %parallel_loop3A_312 : vector<16xf32> to vector<1x16xf32>
        tpu.vector_store %arg14[%parallel_loop3A_313, %parallel_loop3A_314], %parallel_loop3A_317 {strides = array<i32>} : memref<200x128xf32, #tpu.memory_space<vmem>>, vector<1x16xf32>,
        %parallel_loop3A_318 = arith.index_cast %parallel_loop3A_283 : i32 to index
        %parallel_loop3A_319 = arith.constant 16 : index
        %parallel_loop3A_320 = tpu.vector_load %arg14[%parallel_loop3A_318, %parallel_loop3A_319] {strides = array<i32>} : memref<200x128xf32, #tpu.memory_space<vmem>>, vector<1x16xf32>,
        %parallel_loop3A_321 = vector.shape_cast %parallel_loop3A_320 : vector<1x16xf32> to vector<16xf32>
        %parallel_loop3A_322 = arith.constant 8.000000e+00 : f32
        %parallel_loop3A_323 = vector.broadcast %parallel_loop3A_322 : f32 to vector<16xf32>
        %parallel_loop3A_324 = arith.mulf %parallel_loop3A_321, %parallel_loop3A_323 : vector<16xf32>
        %parallel_loop3A_325 = arith.index_cast %parallel_loop3A_283 : i32 to index
        %parallel_loop3A_326 = arith.constant 16 : index
        %parallel_loop3A_327 = tpu.vector_load %arg16[%parallel_loop3A_325, %parallel_loop3A_326] {strides = array<i32>} : memref<200x64xf32, #tpu.memory_space<vmem>>, vector<1x16xf32>,
        %parallel_loop3A_328 = vector.shape_cast %parallel_loop3A_327 : vector<1x16xf32> to vector<16xf32>
        %parallel_loop3A_329 = arith.addf %parallel_loop3A_324, %parallel_loop3A_328 : vector<16xf32>
        %parallel_loop3A_330 = arith.index_cast %parallel_loop3A_283 : i32 to index
        %parallel_loop3A_331 = arith.constant 16 : index
        %parallel_loop3A_332 = tpu.vector_load %arg14[%parallel_loop3A_330, %parallel_loop3A_331] {strides = array<i32>} : memref<200x128xf32, #tpu.memory_space<vmem>>, vector<1x16xf32>,
        %parallel_loop3A_333 = vector.shape_cast %parallel_loop3A_332 : vector<1x16xf32> to vector<16xf32>
        %parallel_loop3A_334 = vector.shape_cast %parallel_loop3A_329 : vector<16xf32> to vector<1x16xf32>
        tpu.vector_store %arg14[%parallel_loop3A_330, %parallel_loop3A_331], %parallel_loop3A_334 {strides = array<i32>} : memref<200x128xf32, #tpu.memory_space<vmem>>, vector<1x16xf32>,
        %parallel_loop3A_335 = arith.index_cast %parallel_loop3A_283 : i32 to index
        %parallel_loop3A_336 = arith.constant 32 : index
        %parallel_loop3A_337 = tpu.vector_load %arg14[%parallel_loop3A_335, %parallel_loop3A_336] {strides = array<i32>} : memref<200x128xf32, #tpu.memory_space<vmem>>, vector<1x16xf32>,
        %parallel_loop3A_338 = vector.shape_cast %parallel_loop3A_337 : vector<1x16xf32> to vector<16xf32>
        %parallel_loop3A_339 = arith.constant 8.000000e+00 : f32
        %parallel_loop3A_340 = vector.broadcast %parallel_loop3A_339 : f32 to vector<16xf32>
        %parallel_loop3A_341 = arith.mulf %parallel_loop3A_338, %parallel_loop3A_340 : vector<16xf32>
        %parallel_loop3A_342 = arith.index_cast %parallel_loop3A_283 : i32 to index
        %parallel_loop3A_343 = arith.constant 32 : index
        %parallel_loop3A_344 = tpu.vector_load %arg16[%parallel_loop3A_342, %parallel_loop3A_343] {strides = array<i32>} : memref<200x64xf32, #tpu.memory_space<vmem>>, vector<1x16xf32>,
        %parallel_loop3A_345 = vector.shape_cast %parallel_loop3A_344 : vector<1x16xf32> to vector<16xf32>
        %parallel_loop3A_346 = arith.addf %parallel_loop3A_341, %parallel_loop3A_345 : vector<16xf32>
        %parallel_loop3A_347 = arith.index_cast %parallel_loop3A_283 : i32 to index
        %parallel_loop3A_348 = arith.constant 32 : index
        %parallel_loop3A_349 = tpu.vector_load %arg14[%parallel_loop3A_347, %parallel_loop3A_348] {strides = array<i32>} : memref<200x128xf32, #tpu.memory_space<vmem>>, vector<1x16xf32>,
        %parallel_loop3A_350 = vector.shape_cast %parallel_loop3A_349 : vector<1x16xf32> to vector<16xf32>
        %parallel_loop3A_351 = vector.shape_cast %parallel_loop3A_346 : vector<16xf32> to vector<1x16xf32>
        tpu.vector_store %arg14[%parallel_loop3A_347, %parallel_loop3A_348], %parallel_loop3A_351 {strides = array<i32>} : memref<200x128xf32, #tpu.memory_space<vmem>>, vector<1x16xf32>,
        %parallel_loop3A_352 = arith.index_cast %parallel_loop3A_283 : i32 to index
        %parallel_loop3A_353 = arith.constant 48 : index
        %parallel_loop3A_354 = tpu.vector_load %arg14[%parallel_loop3A_352, %parallel_loop3A_353] {strides = array<i32>} : memref<200x128xf32, #tpu.memory_space<vmem>>, vector<1x16xf32>,
        %parallel_loop3A_355 = vector.shape_cast %parallel_loop3A_354 : vector<1x16xf32> to vector<16xf32>
        %parallel_loop3A_356 = arith.constant 8.000000e+00 : f32
        %parallel_loop3A_357 = vector.broadcast %parallel_loop3A_356 : f32 to vector<16xf32>
        %parallel_loop3A_358 = arith.mulf %parallel_loop3A_355, %parallel_loop3A_357 : vector<16xf32>
        %parallel_loop3A_359 = arith.index_cast %parallel_loop3A_283 : i32 to index
        %parallel_loop3A_360 = arith.constant 48 : index
        %parallel_loop3A_361 = tpu.vector_load %arg16[%parallel_loop3A_359, %parallel_loop3A_360] {strides = array<i32>} : memref<200x64xf32, #tpu.memory_space<vmem>>, vector<1x16xf32>,
        %parallel_loop3A_362 = vector.shape_cast %parallel_loop3A_361 : vector<1x16xf32> to vector<16xf32>
        %parallel_loop3A_363 = arith.addf %parallel_loop3A_358, %parallel_loop3A_362 : vector<16xf32>
        %parallel_loop3A_364 = arith.index_cast %parallel_loop3A_283 : i32 to index
        %parallel_loop3A_365 = arith.constant 48 : index
        %parallel_loop3A_366 = tpu.vector_load %arg14[%parallel_loop3A_364, %parallel_loop3A_365] {strides = array<i32>} : memref<200x128xf32, #tpu.memory_space<vmem>>, vector<1x16xf32>,
        %parallel_loop3A_367 = vector.shape_cast %parallel_loop3A_366 : vector<1x16xf32> to vector<16xf32>
        %parallel_loop3A_368 = vector.shape_cast %parallel_loop3A_363 : vector<16xf32> to vector<1x16xf32>
        tpu.vector_store %arg14[%parallel_loop3A_364, %parallel_loop3A_365], %parallel_loop3A_368 {strides = array<i32>} : memref<200x128xf32, #tpu.memory_space<vmem>>, vector<1x16xf32>,
      } else {
      }
    } {sc.loop_unroll_factor = 2 : i64, sc.parallel_access}
    %add3A_253 = arith.constant 127 : i32
    %add3A_254 = arith.addi %mul3A_2, %add3A_253 : i32
    %dma_start3A_255 = arith.constant 0 : i32
    %dma_start3A_256 = arith.constant 0 : i32
    %dma_start3A_257 = tpu.memref_slice %arg6[%add3A_254, %dma_start3A_255, %dma_start3A_256] : memref<4096x200x128xf32, #tpu.memory_space<hbm>> -> memref<1x200x128xf32, #tpu.memory_space<hbm>>
    %dma_start3A_258 = tpu.memref_squeeze %dma_start3A_257 : memref<1x200x128xf32, #tpu.memory_space<hbm>> -> memref<200x128xf32, #tpu.memory_space<hbm>>
    %dma_start3A_259 = arith.constant 0 : i32
    %dma_start3A_260 = arith.constant 0 : i32
    %dma_start3A_261 = tpu.memref_slice %arg6[%add3A_254, %dma_start3A_259, %dma_start3A_260] : memref<4096x200x128xf32, #tpu.memory_space<hbm>> -> memref<1x200x128xf32, #tpu.memory_space<hbm>>
    %dma_start3A_262 = tpu.memref_squeeze %dma_start3A_261 : memref<1x200x128xf32, #tpu.memory_space<hbm>> -> memref<200x128xf32, #tpu.memory_space<hbm>>
    tpu.enqueue_dma source(%arg14 : memref<200x128xf32, #tpu.memory_space<vmem>>) target(%dma_start3A_262 : memref<200x128xf32, #tpu.memory_space<hbm>>) target_semaphore(%arg24 : memref<!tpu.dma_semaphore, #tpu.memory_space<semaphore_mem>>)
    %add3A_263 = arith.constant 126 : i32
    %add3A_264 = arith.addi %mul3A_2, %add3A_263 : i32
    %dma_wait3A_265 = arith.constant 0 : i32
    %dma_wait3A_266 = arith.constant 0 : i32
    %dma_wait3A_267 = tpu.memref_slice %arg6[%add3A_264, %dma_wait3A_265, %dma_wait3A_266] : memref<4096x200x128xf32, #tpu.memory_space<hbm>> -> memref<1x200x128xf32, #tpu.memory_space<hbm>>
    %dma_wait3A_268 = tpu.memref_squeeze %dma_wait3A_267 : memref<1x200x128xf32, #tpu.memory_space<hbm>> -> memref<200x128xf32, #tpu.memory_space<hbm>>
    %dma_wait3A_269 = arith.constant 0 : i32
    %dma_wait3A_270 = arith.constant 0 : i32
    %dma_wait3A_271 = tpu.memref_slice %arg6[%add3A_264, %dma_wait3A_269, %dma_wait3A_270] : memref<4096x200x128xf32, #tpu.memory_space<hbm>> -> memref<1x200x128xf32, #tpu.memory_space<hbm>>
    %dma_wait3A_272 = tpu.memref_squeeze %dma_wait3A_271 : memref<1x200x128xf32, #tpu.memory_space<hbm>> -> memref<200x128xf32, #tpu.memory_space<hbm>>
    tpu.wait_dma2 semaphore(%arg23 : memref<!tpu.dma_semaphore, #tpu.memory_space<semaphore_mem>>) src(%arg13 : memref<200x128xf32, #tpu.memory_space<vmem>>) dst(%dma_wait3A_272 : memref<200x128xf32, #tpu.memory_space<hbm>>)
    %add3A_273 = arith.constant 127 : i32
    %add3A_274 = arith.addi %mul3A_2, %add3A_273 : i32
    %dma_wait3A_275 = arith.constant 0 : i32
    %dma_wait3A_276 = arith.constant 0 : i32
    %dma_wait3A_277 = tpu.memref_slice %arg6[%add3A_274, %dma_wait3A_275, %dma_wait3A_276] : memref<4096x200x128xf32, #tpu.memory_space<hbm>> -> memref<1x200x128xf32, #tpu.memory_space<hbm>>
    %dma_wait3A_278 = tpu.memref_squeeze %dma_wait3A_277 : memref<1x200x128xf32, #tpu.memory_space<hbm>> -> memref<200x128xf32, #tpu.memory_space<hbm>>
    %dma_wait3A_279 = arith.constant 0 : i32
    %dma_wait3A_280 = arith.constant 0 : i32
    %dma_wait3A_281 = tpu.memref_slice %arg6[%add3A_274, %dma_wait3A_279, %dma_wait3A_280] : memref<4096x200x128xf32, #tpu.memory_space<hbm>> -> memref<1x200x128xf32, #tpu.memory_space<hbm>>
    %dma_wait3A_282 = tpu.memref_squeeze %dma_wait3A_281 : memref<1x200x128xf32, #tpu.memory_space<hbm>> -> memref<200x128xf32, #tpu.memory_space<hbm>>
    tpu.wait_dma2 semaphore(%arg24 : memref<!tpu.dma_semaphore, #tpu.memory_space<semaphore_mem>>) src(%arg14 : memref<200x128xf32, #tpu.memory_space<vmem>>) dst(%dma_wait3A_282 : memref<200x128xf32, #tpu.memory_space<hbm>>)
    return
  }
}

</mosaic_0001>

<sc_bundles>
// kernel: kernel.3.cloned.1.call-start
scs
__scs_entry_jumppad:
0x0: {  	(pc) =	sbr.rel $0x88, $3  }
0x1: {  	(tag) =	ssettag $0x0;
	lr =	simm.s32 $0x1  }
0x2: {  	[smem:$0x3F9F] =	sst lr;
	_ =	strace $0xD0000000  }
0x3: {  	_ = 	snop  }
0x4: {  	_ = 	snop  }
0x5: {  	_ = 	snop  }
0x6: {  	_ = 	snop  }
0x7: {  	_ = 	snop  }
__scs_overlays_trampoline_lowered:
0x8: {  	[smem:$0x3FAE] =	sst s0  }
0x9: {  	[smem:$0x3FAF] =	sst s1  }
0xa: {  	[smem:$0x3FB0] =	sst s2  }
0xb: {  	[smem:$0x3FB1] =	sst s3  }
0xc: {  	[smem:$0x3FB2] =	sst s4  }
0xd: {  	[smem:$0x3FB3] =	sst s5  }
0xe: {  	[smem:$0x3FB4] =	sst s6  }
0xf: {  	[smem:$0x3FB5] =	sst s7  }
0x10: {  	[smem:$0x3FB6] =	sst s8  }
0x11: {  	[smem:$0x3FB7] =	sst s9;
	s0 =	simm.s32 @!p0 $0x0  }
0x12: {  	s1 =	sld [smem:$0x3F9D];
	s0 =	simm.s32 @p0 $0x1  }
0x13: {  	[smem:$0x3FB8] =	sst s0;
	s0 =	simm.s32 @!p1 $0x0  }
0x14: {  	s2 =	sld [smem:$0x3F9C];
	s0 =	simm.s32 @p1 $0x1  }
0x15: {  	[smem:$0x3FB9] =	sst s0;
	s0 =	simm.s32 @!p2 $0x0  }
0x16: {  	s3 =	sld [smem:$0x3FDB];
	s0 =	simm.s32 @p2 $0x1  }
0x17: {  	s4 =	simm.s32 $0x1BF5;
	[smem:$0x3FBB] =	sst s0  }
0x18: {  	s0 =	sld [smem:$0x3F9E];
	_ =	swait.ge [sflag:s4], $0x0  }
0x19: {  	s7 =	sld [smem:$0x3F9F]  }
0x1a: {  	s8 =	sadd.s32 $0xFFFFE003, lr  }
0x1b: {  	s9 =	sadd.s32 $0xFFFFFEF7, lr;
	s5 =	simm.s32 $0xFFFFFFFF;
	p2 =	slt.u32 s8, $0xFFFFF086  }
0x1c: {  	p1 =	slt.u32 s9, $0xF7A;
	s5 =	simm.s32 @!p2 $0x0  }
0x1d: {  	s5 =	simm.s32 @p1 $0x1;
	p0 =	seq.s32 s7, s2  }
0x1e: {  	s7 =	smul.u32 @!p0 $0xF7A, s2;
	p2 =	seq.s32 @!p0 s5, $0x0  }
0x1f: {  	s9 =	smul.u32 $0xF7A, s1;
	s8 =	simm.s32 @!p0 $0x1BF5;
	p2 =	por !p2, p0  }
0x20: {  	[sflag:s8] =	ssyncset.s32 @!p0 $0xFFFFF086;
	s6 =	sadd.s32 @!p0 s3, s7;
	s7 =	simm.s32 @!p0 $0x108  }
0x21: {  	s3 =	sadd.s32 s3, s9;
	s6 =	sadd.s32 @!p0 $0x88, s6;
	s7 =	simm.s32 @p2 $0x1082  }
0x22: {  	[simem:s7], [sflag:s8] =	dma.local @!p0 [hbm:s6], $0xF7A  }
0x23: {  	s9 =	sor.u32 $0xD0000000, s2;
	s6 =	simm.s32 $0x108;
	_ =	swait.ge @!p0 [sflag:s8], $0x0  }
0x24: {  	s3 =	sadd.s32 $0x88, s3;
	s6 =	simm.s32 @!p1 $0x1082;
	[sflag:s4] =	ssyncset.s32 $0xFFFFF086  }
0x25: {  	[simem:s6], [sflag:s4] =	dma.local [hbm:s3], $0xF7A  }
0x26: {  	[smem:$0x3F9F] =	sst s1;
	(tag) =	ssettag s2;
	_ =	strace s9  }
0x27: {  	s1 =	sld [smem:$0x3FAF]  }
0x28: {  	s2 =	sld [smem:$0x3FB0]  }
0x29: {  	s4 =	sld [smem:$0x3FB2]  }
0x2a: {  	p0 =	seq.s32 s5, $0x0;
	s5 =	sld [smem:$0x3FB3]  }
0x2b: {  	s6 =	sld [smem:$0x3FB4]  }
0x2c: {  	s7 =	sld [smem:$0x3FB5]  }
0x2d: {  	s3 =	simm.s32 $0x108;
	s8 =	sld [smem:$0x3FB6]  }
0x2e: {  	s3 =	simm.s32 @!p0 $0x1082;
	s9 =	sld [smem:$0x3FB7]  }
0x2f: {  	lr =	sadd.s32 s0, s3;
	s0 =	sld [smem:$0x3FAE]  }
0x30: {  	s3 =	sld [smem:$0x3FB1]  }
0x31: {  	[smem:$0x3FBA] =	sst s10  }
0x32: {  	s10 =	sld [smem:$0x3FB8];
	_ =	sdelay $0x3  }
0x33: {  	p0 =	seq.s32 s10, $0x1;
	s10 =	sld [smem:$0x3FBA];
	_ =	sdelay $0x3  }
0x34: {  	[smem:$0x3FBA] =	sst s10  }
0x35: {  	s10 =	sld [smem:$0x3FB9];
	_ =	sdelay $0x3  }
0x36: {  	p1 =	seq.s32 s10, $0x1;
	s10 =	sld [smem:$0x3FBA];
	_ =	sdelay $0x3  }
0x37: {  	[smem:$0x3FBA] =	sst s10  }
0x38: {  	s10 =	sld [smem:$0x3FBB]  }
0x39: {  	_ = 	snop;
	(pc) =	sbr.ind lr, $3  }
0x3a: {  	_ = 	snop  }
0x3b: {  	_ = 	snop  }
0x3c: {  	p2 =	seq.s32 s10, $0x1;
	s10 =	sld [smem:$0x3FBA]  }
0x3d: {  	_ =	shalt  }
0x3e: {  	_ =	shalt  }
0x3f: {  	_ =	shalt  }
0x40: {  	_ =	shalt  }
0x41: {  	_ =	shalt  }
0x42: {  	_ =	shalt  }
0x43: {  	_ =	shalt  }
0x44: {  	_ =	shalt  }
0x45: {  	_ =	shalt  }
0x46: {  	_ =	shalt  }
0x47: {  	_ =	shalt  }
0x48: {  	_ =	shalt  }
0x49: {  	_ =	shalt  }
0x4a: {  	_ =	shalt  }
0x4b: {  	_ =	shalt  }
0x4c: {  	_ =	shalt  }
0x4d: {  	_ =	shalt  }
0x4e: {  	_ =	shalt  }
0x4f: {  	_ =	shalt  }
0x50: {  	_ =	shalt  }
0x51: {  	_ =	shalt  }
0x52: {  	_ =	shalt  }
0x53: {  	_ =	shalt  }
0x54: {  	_ =	shalt  }
0x55: {  	_ =	shalt  }
0x56: {  	_ =	shalt  }
0x57: {  	_ =	shalt  }
0x58: {  	_ =	shalt  }
0x59: {  	_ =	shalt  }
0x5a: {  	_ =	shalt  }
0x5b: {  	_ =	shalt  }
0x5c: {  	_ =	shalt  }
0x5d: {  	_ =	shalt  }
0x5e: {  	_ =	shalt  }
0x5f: {  	_ =	shalt  }
0x60: {  	_ =	shalt  }
0x61: {  	_ =	shalt  }
0x62: {  	_ =	shalt  }
0x63: {  	_ =	shalt  }
0x64: {  	_ =	shalt  }
0x65: {  	_ =	shalt  }
0x66: {  	_ =	shalt  }
0x67: {  	_ =	shalt  }
0x68: {  	_ =	shalt  }
0x69: {  	_ =	shalt  }
0x6a: {  	_ =	shalt  }
0x6b: {  	_ =	shalt  }
0x6c: {  	_ =	shalt  }
0x6d: {  	_ =	shalt  }
0x6e: {  	_ =	shalt  }
0x6f: {  	_ =	shalt  }
0x70: {  	_ =	shalt  }
0x71: {  	_ =	shalt  }
0x72: {  	_ =	shalt  }
0x73: {  	_ =	shalt  }
0x74: {  	_ =	shalt  }
0x75: {  	_ =	shalt  }
0x76: {  	_ =	shalt  }
0x77: {  	_ =	shalt  }
0x78: {  	_ =	shalt  }
0x79: {  	_ =	shalt  }
0x7a: {  	_ =	shalt  }
0x7b: {  	_ =	shalt  }
0x7c: {  	_ =	shalt  }
0x7d: {  	_ =	shalt  }
0x7e: {  	_ =	shalt  }
0x7f: {  	_ =	shalt  }
0x80: {  	_ =	shalt  }
0x81: {  	_ =	shalt  }
0x82: {  	_ =	shalt  }
0x83: {  	_ =	shalt  }
0x84: {  	_ =	shalt  }
0x85: {  	_ =	shalt  }
0x86: {  	_ =	shalt  }
0x87: {  	_ =	shalt  }
.Lfunc_end0:
.L_simem_size_0:
called_computation.1_lowered:
.L_overlay_start_0:
0x88: {  	s2 =	sld [smem:$0x3FD9]  }
0x89: {  	s3 =	sld [smem:$0x3FFE];
	_ =	sdelay $0x1  }
0x8a: {  	s1 =	srdreg.scid  }
0x8b: {  	s0 =	sand.u32 $0x1, s1  }
0x8c: {  	s17 =	sshll.u32 s0, $0xA;
	s2 =	sadd.s32 s3, s2  }
0x8d: {  	s2 =	sadd.s32 s2, s17  }
0x8e: {  	[smem:$0x3FC6] =	sst s2  }
0x8f: {  	_ = 	snop  }
0x90: {  	s2 =	sld [smem:$0x3FD0];
	(tm) =	ssettm $0x1  }
0x91: {  	s18 =	sld [smem:$0x3FFB];
	_ =	sdelay $0x3  }
0x92: {  	_ =	strace s18  }
0x93: {  	s3 =	sld [smem:$0x3FFC];
	_ =	sdelay $0x3  }
0x94: {  	_ =	strace s3  }
0x95: {  	s3 =	sld [smem:$0x3FFD];
	_ =	sdelay $0x3  }
0x96: {  	_ =	strace s3  }
0x97: {  	_ =	strace $0x8FFFFFFF  }
0x98: {  	s19 =	sld [smem:$0x3FDB];
	_ =	sdelay $0x1  }
0x99: {  	s4 =	simm.s32 $_scs_section_size  }
0x9a: {  	s5 =	simm.s32 $_size__tile_overlayer_lowered;
	s6 =	simm.s32 $_tile_overlayer_lowered  }
0x9b: {  	s22 =	simm.s32 $0x1BFF;
	s21 =	sshll.u32 s6, $0x1;
	s3 =	sadd.s32 s4, s19  }
0x9c: {  	s7 =	simm.s32 $0x0;
	s20 =	sshll.u32 s5, $0x1;
	s5 =	sadd.s32 s21, s3  }
0x9d: {  	[timem:s7], [sflag:s22] =	dma.local [hbm:s5], s20  }
0x9e: {  	_ =	swait.ge [sflag:s22], s20  }
0x9f: {  	s4 =	ssub.s32 $0x0, s20;
	[sflag:s22] =	ssyncset.done $0x0  }
0xa0: {  	[sflag:s22] =	ssyncadd.s32 s4;
	_ =	sdelay $0x1  }
0xa1: {  	s23 =	simm.s32 $0x1B8B  }
0xa2: {  	_ =	swait.ge [sflag:s23], $0x1  }
0xa3: {  	[sflag:s23] =	ssyncset.done $0x0  }
0xa4: {  	s25 =	simm.s32 $0x1B8E;
	s24 =	sld [smem:$0x3FFE];
	[sflag:s23] =	ssyncadd.s32 $0xFFFFFFFF  }
0xa5: {  	s26 =	simm.s32 $execute0_lowered;
	[smem:$0x3FD2] =	sst s25  }
0xa6: {  	s5 =	sshll.u32 s26, $0x1;
	_ =	strace $0x80000046;
	[dreg:$0x1] =	wrdreg $0xFFFFFFFF  }
0xa7: {  	s28 =	simm.s32 $_size_execute0_lowered;
	s3 =	sadd.s32 s3, s5;
	[dreg:$0x0] =	wrdreg $0x0  }
0xa8: {  	s5 =	sshll.u32 s28, $0x1;
	[dreg:$0x2] =	wrdreg s3  }
0xa9: {  	[dreg:$0x3] =	wrdreg s5  }
0xaa: {  	[dreg:$0x4] =	wrdreg $0xC0  }
0xab: {  	_ =	task [dreg:s7], $0x5FFFF  }
0xac: {  	[dreg:$0x1] =	wrdreg $0xFFFFFFFF  }
0xad: {  	[dreg:$0x0] =	wrdreg $0x60  }
0xae: {  	[dreg:$0x2] =	wrdreg s24  }
0xaf: {  	[dreg:$0x3] =	wrdreg s2  }
0xb0: {  	[dreg:$0x4] =	wrdreg $0x9  }
0xb1: {  	_ =	task.clear_ibuf [dreg:s7], $0x5FFFF;
	_ =	strace $0x90000046  }
0xb2: {  	s29 =	simm.s32 $0x9;
	_ =	strace $0x80000048  }
0xb3: {  	_ =	swait.ge [sflag:s29], $0x1  }
0xb4: {  	[sflag:s29] =	ssyncadd.s32 $0xFFFFFFFF  }
0xb5: {  	_ =	strace $0x90000048  }
0xb6: {  	_ =	sfence  }
0xb7: {  	s30 =	sld [smem:$0x0];
	_ =	sdelay $0x2  }
0xb8: {  	s31 =	sshll.u32 s1, $0xD;
	s1 =	sshrl.u32 s1, $0x2  }
0xb9: {  	s3 =	sand.u32 $0x4000, s31;
	s1 =	sadd.s32 s1, s30  }
0xba: {  	s0 =	sor.u32 s3, s0;
	s1 =	sshll.u32 s1, $0x11  }
0xbb: {  	s0 =	sor.u32 s1, s0  }
0xbc: {  	s0 =	sadd.s32 $0x8F2B, s0  }
0xbd: {  	[sflag:s0] =	ssyncadd.remote.s32 $0x1  }
0xbe: {  	_ =	sfence.sel $0xFFFF  }
0xbf: {  	[dreg:$0x0] =	wrdreg $0xFFFFFFFF;
	(pc) =	sbr.abs _section_cstart, $3  }
0xc0: {  	[dreg:$0x1] =	wrdreg $0xFFFFFFFF  }
0xc1: {  	_ =	task.clear_ibuf [dreg:s7], $0x2FFFF;
	_ =	strace $0x9FFFFFFF  }
0xc2: {  	(tm) =	ssettm $0x7FFFFFFF  }
0xc3: {  	_ =	shalt  }
tec
execute0_lowered:
.L_overlay_start_1:
0x0: {  	(tag) =	ssettag $0x1  }
0x1: {  	s0 =	rddreg [dreg:$0x0]  }
0x2: {  	s12 =	rddreg [dreg:$0x1];
	s3 =	simm.s32 $0x0;
	s1 =	srdreg.scid  }
0x3: {  	s2 =	stileid.u32;
	[smem:$0x7FF] =	sst s3  }
0x4: {  	s1 =	sand.u32 $0x1, s1;
	s4 =	sshll.u32 s2, $0x1;
	s5 =	sadd.s32 $0xE00, s0  }
0x5: {  	s19 =	sadd.s32 $0x19E00, s0;
	s7 =	sadd.s32 $0x1A600, s0;
	_ =	strace $0x80000047  }
0x6: {  	s6 =	sor.u32 s1, s4;
	s4 =	sadd.s32 $0xF43200, s0;
	s1 =	ssub.s32 $0x2, s1  }
0x7: {  	[dreg:$0x3] =	wrdreg s19;
	s8 =	smul.u32 $0x6400, s6;
	s9 =	sshrl.u32 s1, $0x1  }
0x8: {  	s2 =	sshll.u32 s6, $0x7;
	s11 =	smul.u32 $0x64000, s6;
	s0 =	ssub.s32 s1, s9  }
0x9: {  	[dreg:$0x4] =	wrdreg s2;
	s20 =	sshrl.u32 s8, $0x3;
	s18 =	sor.u32 $0x258, s8  }
0xa: {  	s11 =	sadd.s32 s7, s11;
	s0 =	smax.u32 s0, $0x1;
	[dreg:$0x12] =	wrdreg s18  }
0xb: {  	s21 =	sadd.s32 s12, s20;
	s22 =	sadd.s32 s5, s20;
	[dreg:$0x17] =	wrdreg s0  }
0xc: {  	s23 =	sor.u32 $0x19, s20;
	s10 =	sor.u32 $0x32, s20;
	[dreg:$0xb] =	wrdreg s11  }
0xd: {  	s26 =	sor.u32 $0x4B, s20;
	s14 =	sor.u32 $0x64, s20;
	[dreg:$0x5] =	wrdreg s21  }
0xe: {  	s1 =	sor.u32 $0x7D, s20;
	s20 =	sor.u32 $0x320, s8;
	[dreg:$0x6] =	wrdreg s22  }
0xf: {  	s13 =	sadd.s32 s12, s23;
	[dreg:$0x13] =	wrdreg s20  }
0x10: {  	s9 =	sadd.s32 s5, s23;
	[dreg:$0x7] =	wrdreg s13  }
0x11: {  	s24 =	sadd.s32 s12, s10;
	[dreg:$0x8] =	wrdreg s9  }
0x12: {  	s25 =	sadd.s32 s5, s10;
	[dreg:$0x9] =	wrdreg s24  }
0x13: {  	s15 =	sadd.s32 s12, s14;
	[dreg:$0xa] =	wrdreg s25  }
0x14: {  	s6 =	smul.u32 $0x320000, s6;
	s16 =	sadd.s32 s5, s14;
	[dreg:$0xe] =	wrdreg s15  }
0x15: {  	s30 =	simm.s32 $0x68E0;
	s17 =	sadd.s32 s12, s1;
	[dreg:$0xf] =	wrdreg s16  }
0x16: {  	s6 =	sshrl.u32 s6, $0x3;
	s1 =	sadd.s32 s5, s1;
	[dreg:$0x10] =	wrdreg s17  }
0x17: {  	s19 =	sadd.s32 s7, s6;
	s21 =	sor.u32 $0x3E8, s8;
	[dreg:$0x11] =	wrdreg s1  }
0x18: {  	s31 =	simm.s32 $0xCCE0;
	s22 =	sadd.s32 $0x62700, s19;
	[dreg:$0x14] =	wrdreg s21  }
0x19: {  	s28 =	simm.s32 $0x8;
	s23 =	sadd.s32 $0xC80, s11;
	[dreg:$0x15] =	wrdreg s22  }
0x1a: {  	s29 =	simm.s32 $0x9;
	s13 =	sadd.s32 s12, s26;
	[dreg:$0x18] =	wrdreg s23  }
0x1b: {  	s18 =	simm.s32 $0x3;
	s9 =	sadd.s32 s5, s26;
	[dreg:$0xc] =	wrdreg s13  }
0x1c: {  	s14 =	simm.s32 $0x2;
	s1 =	sadd.s32 $0x63380, s19;
	[dreg:$0xd] =	wrdreg s9  }
0x1d: {  	s20 =	simm.s32 $0x5;
	s24 =	sadd.s32 $0x1900, s11;
	[dreg:$0x16] =	wrdreg s1  }
0x1e: {  	s25 =	sor.u32 $0x1, s2;
	s26 =	sor.u32 $0x2, s2;
	[dreg:$0x19] =	wrdreg s24  }
0x1f: {  	s16 =	simm.s32 $0x1B0;
	s12 =	simm.s32 $0xC8;
	[dreg:$0x1a] =	wrdreg s25  }
0x20: {  	s17 =	simm.s32 $0x4;
	s21 =	simm.s32 $0x7;
	[dreg:$0x1b] =	wrdreg s26  }
0x21: {  	s25 =	simm.s32 $0x1;
	s1 =	simm.s32 $0x0;
	s26 =	simm.s32 $0x68E0  }
.LBB2_1:
0x22: {  	[dreg:$0x1c] =	wrdreg s1  }
0x23: {  	s0 =	rddreg [dreg:$0x3];
	s10 =	simm.s32 $0x130E0;
	s11 =	simm.s32 $0xA  }
0x24: {  	[tilespmem:s10], [sflag:$0xA] =	stream.linear.gather [hbm4b:s0+s3], $0x3200, $0x38;
	[tilespmem:$0x162E0] =	vst v63  }
0x25: {  	_ =	swait.ge [sflag:s11], $0x3200  }
0x26: {  	[sflag:s11] =	ssyncset.done $0x0  }
0x27: {  	s13 =	rddreg [dreg:$0x5];
	[sflag:s11] =	ssyncadd.s32 $0xFFFFCE00  }
0x28: {  	[tilespmem:s3], [sflag:$0x1] =	stream.linear.gather [hbm4b:s13+s3], $0xC8, $0x38;
	[tilespmem:$0x162E0] =	vst v63  }
0x29: {  	s19 =	simm.s32 $0x288;
	s15 =	rddreg [dreg:$0x6]  }
0x2a: {  	[tilespmem:s19], [sflag:$0x1] =	stream.linear.gather [hbm4b:s15+s3], $0xC8, $0x38;
	[tilespmem:$0x162E0] =	vst v63  }
0x2b: {  	s2 =	simm.s32 $0xD8;
	s22 =	rddreg [dreg:$0x7]  }
0x2c: {  	[tilespmem:s2], [sflag:$0x2] =	stream.linear.gather [hbm4b:s22+s3], $0xC8, $0x38;
	[tilespmem:$0x162E0] =	vst v63  }
0x2d: {  	s24 =	simm.s32 $0x350;
	s23 =	rddreg [dreg:$0x8]  }
0x2e: {  	[tilespmem:s24], [sflag:$0x2] =	stream.linear.gather [hbm4b:s23+s3], $0xC8, $0x38;
	[tilespmem:$0x162E0] =	vst v63  }
0x2f: {  	s8 =	rddreg [dreg:$0x9]  }
0x30: {  	[tilespmem:s16], [sflag:$0x3] =	stream.linear.gather [hbm4b:s8+s3], $0xC8, $0x38;
	[tilespmem:$0x162E0] =	vst v63  }
0x31: {  	s6 =	simm.s32 $0x418;
	s9 =	rddreg [dreg:$0xa]  }
0x32: {  	[tilespmem:s6], [sflag:$0x3] =	stream.linear.gather [hbm4b:s9+s3], $0xC8, $0x38;
	[tilespmem:$0x162E0] =	vst v63  }
0x33: {  	_ =	swait.ge [sflag:s25], $0xC8  }
0x34: {  	[sflag:s25] =	ssyncset.done $0x0  }
0x35: {  	[sflag:s25] =	ssyncadd.s32 $0xFFFFFF38  }
0x36: {  	_ =	swait.ge [sflag:s25], $0xC8  }
0x37: {  	[sflag:s25] =	ssyncset.done $0x0  }
0x38: {  	s10 =	simm.s32 $0x4E0;
	[sflag:s25] =	ssyncadd.s32 $0xFFFFFF38  }
0x39: {  	[tilespmem:s10], [sflag:$0x4] =	stream.indirect.gather [hbm4b:s4+s12], $0x80, s19, s12, $0xb8;
	[tilespmem:$0x162E0] =	vst v63  }
0x3a: {  	_ =	swait.ge [sflag:s14], $0xC8  }
0x3b: {  	[sflag:s14] =	ssyncset.done $0x0  }
0x3c: {  	[sflag:s14] =	ssyncadd.s32 $0xFFFFFF38  }
0x3d: {  	_ =	swait.ge [sflag:s14], $0xC8  }
0x3e: {  	[sflag:s14] =	ssyncset.done $0x0  }
0x3f: {  	[sflag:s14] =	ssyncadd.s32 $0xFFFFFF38  }
0x40: {  	[tilespmem:s30], [sflag:$0x5] =	stream.indirect.gather [hbm4b:s4+s12], $0x80, s24, s12, $0xb8;
	[tilespmem:$0x162E0] =	vst v63  }
0x41: {  	_ =	swait.ge [sflag:s17], $0x6400  }
0x42: {  	[sflag:s17] =	ssyncset.done $0x0  }
0x43: {  	[sflag:s17] =	ssyncadd.s32 $0xFFFF9C00  }
0x44: {  	v0 =	vld [tilespmem:s25+$0x0];
	_ =	sdelay $0x3  }
0x45: {  	v1 =	vld [tilespmem:s25+$0xFFFFFFFF]  }
0x46: {  	(v2sf) =	vpush v0, $0x0;
	_ =	sdelay $0x3  }
0x47: {  	(v2sf) =	vpush v1, $0x0;
	_ =	sdelay $0xa  }
0x48: {  	s11 =	spop (v2sf)  }
0x49: {  	s0 =	sand.u32 $0x1, s11  }
0x4a: {  	s1 =	simm.s32 $0x560;
	p0 =	seq.s32 s0, $0x0  }
0x4b: {  	v0 =	vld @p0 [tilespmem:s1+$0x0]  }
0x4c: {  	s9 =	simm.s32 $0x13120;
	s13 =	spop (v2sf);
	p0 =	por p0, p0  }
0x4d: {  	s0 =	sand.u32 $0x1, s13;
	v1 =	vld @p0 [tilespmem:s9+$0x0]  }
0x4e: {  	p1 =	seq.s32 s0, $0x0  }
0x4f: {  	v2 =	vld @p1 [tilespmem:s1+$0xFFFFFF80]  }
0x50: {  	v0 =	vmul.f32 @p0 $8.000000000e+00, v0  }
0x51: {  	s15 =	simm.s32 $0x3;
	v3 =	vld @p1 [tilespmem:s9+$0xFFFFFFC0]  }
0x52: {  	v4 =	vld [tilespmem:s15+$0x0];
	v0 =	vadd.f32 @p0 v1, v0  }
0x53: {  	v1 =	vld @p0 [tilespmem:s1+$0x10]  }
0x54: {  	v2 =	vmul.f32 @p1 $8.000000000e+00, v2;
	[tilespmem:s1+$0x0] =	vst @p0 v0  }
0x55: {  	p2 =	por p1, p1;
	v0 =	vld @p0 [tilespmem:s9+$0x10]  }
0x56: {  	v2 =	vadd.f32 @p2 v3, v2  }
0x57: {  	v5 =	vld @p1 [tilespmem:s1+$0xFFFFFF90]  }
0x58: {  	(v2sf) =	vpush v4, $0x0;
	v3 =	vld [tilespmem:s15+$0xFFFFFFFF];
	[tilespmem:s1+$0xFFFFFF80] =	vst @p2 v2;
	v1 =	vmul.f32 @p0 $8.000000000e+00, v1  }
0x59: {  	v2 =	vld @p2 [tilespmem:s9+$0xFFFFFFD0]  }
0x5a: {  	v0 =	vadd.f32 @p0 v0, v1  }
0x5b: {  	v1 =	vld @p0 [tilespmem:s1+$0x20]  }
0x5c: {  	v4 =	vmul.f32 @p2 $8.000000000e+00, v5;
	[tilespmem:s1+$0x10] =	vst @p0 v0  }
0x5d: {  	(v2sf) =	vpush v3, $0x0;
	v0 =	vld @p0 [tilespmem:s9+$0x20]  }
0x5e: {  	v2 =	vadd.f32 @p2 v2, v4  }
0x5f: {  	v6 =	vld @p1 [tilespmem:s1+$0xFFFFFFA0]  }
0x60: {  	[tilespmem:s1+$0xFFFFFF90] =	vst @p2 v2;
	v1 =	vmul.f32 @p0 $8.000000000e+00, v1  }
0x61: {  	v2 =	vld @p2 [tilespmem:s9+$0xFFFFFFE0]  }
0x62: {  	v0 =	vadd.f32 @p0 v0, v1  }
0x63: {  	v5 =	vld @p0 [tilespmem:s1+$0x30]  }
0x64: {  	v6 =	vmul.f32 @p2 $8.000000000e+00, v6;
	[tilespmem:s1+$0x20] =	vst @p0 v0  }
0x65: {  	v7 =	vld @p0 [tilespmem:s9+$0x30]  }
0x66: {  	v2 =	vadd.f32 @p2 v2, v6  }
0x67: {  	s19 =	spop (v2sf);
	v3 =	vld @p2 [tilespmem:s1+$0xFFFFFFB0]  }
0x68: {  	s0 =	sand.u32 $0x1, s19;
	v4 =	vld @!p2 [tilespmem:s1+$0xFFFFFFC0];
	[tilespmem:s1+$0xFFFFFFA0] =	vst @p2 v2;
	v2 =	vmul.f32 @p0 $8.000000000e+00, v5  }
0x69: {  	s8 =	simm.s32 $0x660;
	p1 =	seq.s32 s0, $0x0;
	v1 =	vld @!p2 [tilespmem:s1+$0xFFFFFFD0]  }
0x6a: {  	v6 =	vld @p1 [tilespmem:s8+$0x0];
	v2 =	vadd.f32 @p0 v7, v2  }
0x6b: {  	v0 =	vld @!p2 [tilespmem:s1+$0xFFFFFFE0]  }
0x6c: {  	s11 =	simm.s32 $0x131A0;
	s22 =	spop (v2sf);
	v7 =	vld @!p0 [tilespmem:s1+$0x40];
	[tilespmem:s1+$0x30] =	vst @p0 v2  }
0x6d: {  	p5 =	por p1, p1;
	s0 =	sand.u32 $0x1, s22;
	v8 =	vld @!p0 [tilespmem:s9+$0x0];
	p0 =	por p0, p0  }
0x6e: {  	p1 =	seq.s32 s0, $0x0;
	v2 =	vld @p5 [tilespmem:s11+$0x0];
	s0 =	simm.s32 @!p0 $0x0  }
0x6f: {  	v5 =	vld @p2 [tilespmem:s9+$0xFFFFFFF0];
	s0 =	simm.s32 @p0 $0x1  }
0x70: {  	v9 =	vld @p1 [tilespmem:s8+$0xFFFFFF80];
	[smem:$0x7FB] =	sst s0  }
0x71: {  	v6 =	vmul.f32 @p5 $8.000000000e+00, v6;
	v10 =	vld @p1 [tilespmem:s11+$0xFFFFFFC0]  }
0x72: {  	v7 =	vmul.f32 @!p0 $8.000000000e+00, v7;
	v11 =	vld @p1 [tilespmem:s8+$0xFFFFFF90]  }
0x73: {  	v12 =	vld @!p0 [tilespmem:s1+$0x50];
	v2 =	vadd.f32 @p5 v2, v6  }
0x74: {  	s23 =	simm.s32 $0x5;
	v6 =	vadd.f32 @!p0 v8, v7;
	v7 =	vld @p5 [tilespmem:s8+$0x10]  }
0x75: {  	v8 =	vld [tilespmem:s23+$0x0];
	[tilespmem:s8+$0x0] =	vst @p5 v2  }
0x76: {  	v2 =	vmul.f32 @p1 $8.000000000e+00, v9;
	[tilespmem:s1+$0x0] =	vst @!p0 v6;
	v6 =	vld @p5 [tilespmem:s11+$0x10]  }
0x77: {  	p3 =	por p1, p1;
	v13 =	vld [tilespmem:s23+$0xFFFFFFFF]  }
0x78: {  	v3 =	vmul.f32 @p2 $8.000000000e+00, v3;
	v9 =	vld @!p0 [tilespmem:s9+$0x10];
	v10 =	vadd.f32 @p3 v10, v2  }
0x79: {  	v14 =	vld @p1 [tilespmem:s8+$0xFFFFFFA0];
	v7 =	vmul.f32 @p5 $8.000000000e+00, v7  }
0x7a: {  	v3 =	vadd.f32 @p2 v5, v3;
	v5 =	vld @p3 [tilespmem:s8+$0xFFFFFFB0];
	[tilespmem:s8+$0xFFFFFF80] =	vst @p3 v10  }
0x7b: {  	(v2sf) =	vpush v8, $0x0;
	v10 =	vmul.f32 @!p0 $8.000000000e+00, v12;
	v12 =	vld @p3 [tilespmem:s11+$0xFFFFFFD0];
	v6 =	vadd.f32 @p5 v6, v7  }
0x7c: {  	v7 =	vld @p5 [tilespmem:s8+$0x20]  }
0x7d: {  	v8 =	vadd.f32 @!p0 v9, v10;
	v9 =	vld @!p0 [tilespmem:s1+$0x60];
	[tilespmem:s8+$0x10] =	vst @p5 v6  }
0x7e: {  	[tilespmem:s1+$0xFFFFFFB0] =	vst @p2 v3;
	v6 =	vmul.f32 @p3 $8.000000000e+00, v11;
	v10 =	vld @p5 [tilespmem:s11+$0x20]  }
0x7f: {  	v3 =	vld @!p3 [tilespmem:s8+$0xFFFFFFC0];
	(v2sf) =	vpush v13, $0x0;
	[tilespmem:s1+$0x10] =	vst @!p0 v8  }
0x80: {  	v8 =	vld @!p0 [tilespmem:s9+$0x20];
	v6 =	vadd.f32 @p3 v12, v6  }
0x81: {  	p4 =	por p2, p2;
	v2 =	vld @!p2 [tilespmem:s1+$0xFFFFFFF0];
	v7 =	vmul.f32 @p5 $8.000000000e+00, v7  }
0x82: {  	s0 =	simm.s32 @!p2 $0x0;
	[tilespmem:s8+$0xFFFFFF90] =	vst @p3 v6;
	v6 =	vld @!p4 [tilespmem:s9+$0xFFFFFFC0]  }
0x83: {  	s0 =	simm.s32 @p2 $0x1;
	v9 =	vmul.f32 @!p0 $8.000000000e+00, v9;
	v11 =	vld @p3 [tilespmem:s11+$0xFFFFFFE0];
	v7 =	vadd.f32 @p5 v10, v7  }
0x84: {  	v10 =	vld @p5 [tilespmem:s8+$0x30];
	[smem:$0x7FA] =	sst s0  }
0x85: {  	v4 =	vmul.f32 @!p2 $8.000000000e+00, v4;
	v8 =	vadd.f32 @!p0 v8, v9;
	v9 =	vld @!p0 [tilespmem:s1+$0x70];
	[tilespmem:s8+$0x20] =	vst @p5 v7  }
0x86: {  	v12 =	vld @p5 [tilespmem:s11+$0x30]  }
0x87: {  	s13 =	simm.s32 $0x7;
	v13 =	vld @!p3 [tilespmem:s8+$0xFFFFFFD0];
	v4 =	vadd.f32 @!p4 v6, v4  }
0x88: {  	v19 =	vld [tilespmem:s13+$0x0];
	v7 =	vmul.f32 @p3 $8.000000000e+00, v14;
	[tilespmem:s1+$0x20] =	vst @!p0 v8  }
0x89: {  	v8 =	vld @!p3 [tilespmem:s8+$0xFFFFFFE0];
	[tilespmem:s1+$0xFFFFFF80] =	vst @!p4 v4;
	v4 =	vmul.f32 @p5 $8.000000000e+00, v10  }
0x8a: {  	v6 =	vld @!p0 [tilespmem:s9+$0x30];
	v7 =	vadd.f32 @p3 v11, v7;
	s24 =	spop (v2sf)  }
0x8b: {  	v11 =	vld @!p5 [tilespmem:s8+$0x40];
	s0 =	sand.u32 $0x1, s24;
	v4 =	vadd.f32 @p5 v12, v4  }
0x8c: {  	s15 =	simm.s32 $0x760;
	[tilespmem:s8+$0xFFFFFFA0] =	vst @p3 v7;
	v7 =	vld @!p4 [tilespmem:s9+$0xFFFFFFD0];
	p0 =	seq.s32 s0, $0x0  }
0x8d: {  	v12 =	vld @p0 [tilespmem:s15+$0x0];
	[tilespmem:s8+$0x30] =	vst @p5 v4  }
0x8e: {  	s22 =	simm.s32 $0x13220;
	s2 =	spop (v2sf);
	p0 =	por p0, p0;
	v4 =	vld @!p5 [tilespmem:s11+$0x0]  }
0x8f: {  	s10 =	sand.u32 $0x1, s2;
	v15 =	vld @p0 [tilespmem:s22+$0x0]  }
0x90: {  	p6 =	por p5, p5;
	v10 =	vld @p3 [tilespmem:s11+$0xFFFFFFF0];
	p1 =	seq.s32 s10, $0x0  }
0x91: {  	v14 =	vld @p1 [tilespmem:s15+$0xFFFFFF80];
	v11 =	vmul.f32 @!p6 $8.000000000e+00, v11  }
0x92: {  	v16 =	vld @p1 [tilespmem:s22+$0xFFFFFFC0];
	v12 =	vmul.f32 @p0 $8.000000000e+00, v12  }
0x93: {  	v17 =	vld @p1 [tilespmem:s15+$0xFFFFFF90];
	v4 =	vadd.f32 @!p6 v4, v11  }
0x94: {  	v12 =	vadd.f32 @p0 v15, v12;
	v11 =	vld @!p6 [tilespmem:s8+$0x50]  }
0x95: {  	v5 =	vmul.f32 @p3 $8.000000000e+00, v5;
	v15 =	vld @p0 [tilespmem:s15+$0x10];
	[tilespmem:s8+$0x0] =	vst @!p6 v4  }
0x96: {  	[tilespmem:s15+$0x0] =	vst @p0 v12;
	v4 =	vmul.f32 @p1 $8.000000000e+00, v14;
	v14 =	vld @!p6 [tilespmem:s11+$0x10]  }
0x97: {  	p5 =	por p1, p1;
	v5 =	vadd.f32 @p3 v10, v5;
	v12 =	vld @p0 [tilespmem:s22+$0x10]  }
0x98: {  	v18 =	vld @p1 [tilespmem:s15+$0xFFFFFFA0];
	v4 =	vadd.f32 @p5 v16, v4  }
0x99: {  	[tilespmem:s8+$0xFFFFFFB0] =	vst @p3 v5;
	v5 =	vld @!p5 [tilespmem:s15+$0xFFFFFFC0];
	v11 =	vmul.f32 @!p6 $8.000000000e+00, v11  }
0x9a: {  	v16 =	vld @!p3 [tilespmem:s8+$0xFFFFFFF0];
	v15 =	vmul.f32 @p0 $8.000000000e+00, v15;
	[tilespmem:s15+$0xFFFFFF80] =	vst @p5 v4  }
0x9b: {  	v20 =	vld @p5 [tilespmem:s22+$0xFFFFFFD0];
	v11 =	vadd.f32 @!p6 v14, v11  }
0x9c: {  	v4 =	vld [tilespmem:s13+$0xFFFFFFFF];
	v12 =	vadd.f32 @p0 v12, v15  }
0x9d: {  	[tilespmem:s8+$0x10] =	vst @!p6 v11;
	v11 =	vld @p0 [tilespmem:s15+$0x20]  }
0x9e: {  	v17 =	vmul.f32 @p5 $8.000000000e+00, v17;
	p1 =	por p3, p3;
	v15 =	vld @!p6 [tilespmem:s8+$0x60];
	[tilespmem:s15+$0x10] =	vst @p0 v12  }
0x9f: {  	s0 =	simm.s32 @!p1 $0x0;
	v12 =	vld @p0 [tilespmem:s22+$0x20]  }
0xa0: {  	(v2sf) =	vpush v19, $0x0;
	s0 =	simm.s32 @p1 $0x1;
	v14 =	vld @p5 [tilespmem:s15+$0xFFFFFFB0];
	v10 =	vadd.f32 @p5 v20, v17  }
0xa1: {  	(v2sf) =	vpush v4, $0x0;
	v4 =	vld @!p6 [tilespmem:s11+$0x20];
	[smem:$0x7FC] =	sst s0  }
0xa2: {  	[tilespmem:s15+$0xFFFFFF90] =	vst @p5 v10;
	v10 =	vld @!p1 [tilespmem:s11+$0xFFFFFFC0];
	v11 =	vmul.f32 @p0 $8.000000000e+00, v11;
	_ =	sdelay $0x1  }
0xa3: {  	v1 =	vmul.f32 @!p2 $8.000000000e+00, v1;
	v17 =	vld @p5 [tilespmem:s22+$0xFFFFFFE0];
	v11 =	vadd.f32 @p0 v12, v11  }
0xa4: {  	v3 =	vmul.f32 @!p3 $8.000000000e+00, v3;
	v12 =	vmul.f32 @p5 $8.000000000e+00, v18;
	v18 =	vld @p0 [tilespmem:s15+$0x30]  }
0xa5: {  	v1 =	vadd.f32 @!p4 v7, v1;
	v15 =	vmul.f32 @!p6 $8.000000000e+00, v15;
	[tilespmem:s15+$0x20] =	vst @p0 v11  }
0xa6: {  	v3 =	vadd.f32 @!p1 v10, v3;
	v11 =	vld @p0 [tilespmem:s22+$0x30]  }
0xa7: {  	[tilespmem:s1+$0xFFFFFF90] =	vst @!p4 v1;
	v4 =	vadd.f32 @!p6 v4, v15  }
0xa8: {  	v19 =	vld @!p5 [tilespmem:s15+$0xFFFFFFD0];
	v10 =	vadd.f32 @p5 v17, v12;
	[tilespmem:s8+$0xFFFFFF80] =	vst @!p1 v3  }
0xa9: {  	[tilespmem:s8+$0x20] =	vst @!p6 v4;
	v3 =	vld @!p1 [tilespmem:s11+$0xFFFFFFD0];
	p1 =	por p4, p4;
	v1 =	vmul.f32 @p0 $8.000000000e+00, v18  }
0xaa: {  	v15 =	vld @!p6 [tilespmem:s8+$0x70];
	[tilespmem:s15+$0xFFFFFFA0] =	vst @p5 v10;
	s0 =	simm.s32 @!p1 $0x0  }
0xab: {  	v4 =	vld @!p6 [tilespmem:s11+$0x30];
	s24 =	sld [smem:$0x7FB];
	s0 =	simm.s32 @p1 $0x1;
	v1 =	vadd.f32 @p0 v11, v1  }
0xac: {  	v12 =	vld @!p5 [tilespmem:s15+$0xFFFFFFE0];
	[smem:$0x7FD] =	sst s0  }
0xad: {  	[tilespmem:s15+$0x30] =	vst @p0 v1  }
0xae: {  	v10 =	vld @!p1 [tilespmem:s9+$0xFFFFFFE0];
	p1 =	seq.s32 s24, $0x1;
	s6 =	sld [smem:$0x7FA]  }
0xaf: {  	v9 =	vmul.f32 @!p1 $8.000000000e+00, v9;
	s10 =	sld [smem:$0x7FB]  }
0xb0: {  	v1 =	vmul.f32 @!p6 $8.000000000e+00, v15  }
0xb1: {  	s19 =	spop (v2sf);
	v7 =	vld @p5 [tilespmem:s22+$0xFFFFFFF0];
	v6 =	vadd.f32 @!p1 v6, v9;
	p1 =	seq.s32 s6, $0x1  }
0xb2: {  	s0 =	sand.u32 $0x1, s19;
	v17 =	vld @!p5 [tilespmem:s15+$0xFFFFFFF0];
	v1 =	vadd.f32 @!p6 v4, v1;
	v9 =	vmul.f32 @!p1 $8.000000000e+00, v0;
	v0 =	vmul.f32 @!p1 $8.000000000e+00, v2;
	p1 =	seq.s32 s10, $0x1  }
0xb3: {  	s19 =	simm.s32 $0x860;
	s23 =	spop (v2sf);
	v11 =	vld @!p0 [tilespmem:s15+$0x40];
	p4 =	seq.s32 s0, $0x0;
	[tilespmem:s1+$0x30] =	vst @!p1 v6  }
0xb4: {  	s2 =	sand.u32 $0x1, s23;
	v18 =	vld @p4 [tilespmem:s19+$0x0];
	s13 =	sld [smem:$0x7FC];
	[tilespmem:s8+$0x30] =	vst @!p6 v1  }
0xb5: {  	v15 =	vld @!p0 [tilespmem:s22+$0x0];
	p2 =	seq.s32 s2, $0x0;
	s24 =	sld [smem:$0x7FD]  }
0xb6: {  	v13 =	vmul.f32 @!p3 $8.000000000e+00, v13;
	p4 =	por p4, p4;
	s23 =	simm.s32 $0x132A0;
	v20 =	vld @p2 [tilespmem:s19+$0xFFFFFF80]  }
0xb7: {  	p0 =	por p0, p0;
	v21 =	vld @p4 [tilespmem:s23+$0x0];
	v2 =	vmul.f32 @!p3 $8.000000000e+00, v8;
	v8 =	vmul.f32 @p5 $8.000000000e+00, v14;
	p1 =	seq.s32 s13, $0x1  }
0xb8: {  	v4 =	vmul.f32 @!p0 $8.000000000e+00, v11;
	v3 =	vadd.f32 @!p1 v3, v13;
	v13 =	vld @p2 [tilespmem:s23+$0xFFFFFFC0];
	p6 =	seq.s32 s24, $0x1  }
0xb9: {  	v8 =	vadd.f32 @p5 v7, v8;
	v7 =	vld @!p0 [tilespmem:s15+$0x50];
	v11 =	vadd.f32 @!p6 v10, v9  }
0xba: {  	v14 =	vmul.f32 @p4 $8.000000000e+00, v18;
	v10 =	vld @p2 [tilespmem:s19+$0xFFFFFF90];
	[tilespmem:s8+$0xFFFFFF90] =	vst @!p1 v3;
	v3 =	vadd.f32 @!p0 v15, v4  }
0xbb: {  	s0 =	simm.s32 $0x860;
	v6 =	vmul.f32 @!p5 $8.000000000e+00, v5;
	v9 =	vld @p2 [tilespmem:s19+$0xFFFFFFA0];
	v15 =	vmul.f32 @p2 $8.000000000e+00, v20;
	[tilespmem:s1+$0xFFFFFFA0] =	vst @!p6 v11  }
0xbc: {  	s6 =	simm.s32 $0x6;
	v1 =	vmul.f32 @!p3 $8.000000000e+00, v16;
	p3 =	por p1, p1;
	v4 =	vmul.f32 @!p5 $8.000000000e+00, v12;
	p1 =	por p2, p2;
	v12 =	vadd.f32 @p4 v21, v14;
	v11 =	vld @p4 [tilespmem:s19+$0x10];
	[tilespmem:s15+$0x0] =	vst @!p0 v3  }
0xbd: {  	s10 =	simm.s32 $0x9;
	v5 =	vmul.f32 @!p5 $8.000000000e+00, v19;
	[tilespmem:s15+$0xFFFFFFB0] =	vst @p5 v8;
	p6 =	por p6, p6;
	v3 =	vmul.f32 @!p5 $8.000000000e+00, v17;
	p5 =	por p5, p5;
	v13 =	vadd.f32 @p1 v13, v15;
	v8 =	vld @!p0 [tilespmem:s22+$0x10]  }
.LBB2_2:
0xbe: {  	v14 =	vld [tilespmem:s10+$0x0];
	[tilespmem:s19+$0x0] =	vst @p4 v12  }
0xbf: {  	[tilespmem:s19+$0xFFFFFF80] =	vst @p1 v13;
	v12 =	vld @p4 [tilespmem:s23+$0x10]  }
0xc0: {  	v13 =	vld [tilespmem:s10+$0xFFFFFFFF]  }
0xc1: {  	v15 =	vld @p1 [tilespmem:s23+$0xFFFFFFD0]  }
0xc2: {  	v7 =	vmul.f32 @!p0 $8.000000000e+00, v7  }
0xc3: {  	v16 =	vld @p1 [tilespmem:s19+$0xFFFFFFB0];
	v11 =	vmul.f32 @p4 $8.000000000e+00, v11  }
0xc4: {  	v10 =	vmul.f32 @p1 $8.000000000e+00, v10;
	v7 =	vadd.f32 @!p0 v8, v7;
	v8 =	vld @!p0 [tilespmem:s15+$0x60]  }
0xc5: {  	(v2sf) =	vpush v14, $0x0;
	v11 =	vadd.f32 @p4 v12, v11;
	v12 =	vld @p4 [tilespmem:s19+$0x20]  }
0xc6: {  	(v2sf) =	vpush v13, $0x0;
	v10 =	vadd.f32 @p1 v15, v10;
	v13 =	vld @!p1 [tilespmem:s19+$0xFFFFFFC0];
	[tilespmem:s15+$0x10] =	vst @!p0 v7  }
0xc7: {  	v7 =	vld @!p0 [tilespmem:s22+$0x20];
	[tilespmem:s19+$0x10] =	vst @p4 v11  }
0xc8: {  	[tilespmem:s19+$0xFFFFFF90] =	vst @p1 v10;
	v14 =	vld @p4 [tilespmem:s23+$0x20]  }
0xc9: {  	v10 =	vld @!p5 [tilespmem:s22+$0xFFFFFFC0]  }
0xca: {  	v15 =	vld @p1 [tilespmem:s23+$0xFFFFFFE0];
	v8 =	vmul.f32 @!p0 $8.000000000e+00, v8;
	_ =	sdelay $0x1  }
0xcb: {  	v12 =	vmul.f32 @p4 $8.000000000e+00, v12;
	v7 =	vadd.f32 @!p0 v7, v8  }
0xcc: {  	v9 =	vmul.f32 @p1 $8.000000000e+00, v9;
	v8 =	vmul.f32 @!p1 $8.000000000e+00, v13;
	v13 =	vld @!p0 [tilespmem:s15+$0x70]  }
0xcd: {  	v12 =	vadd.f32 @p4 v14, v12;
	v14 =	vld @p4 [tilespmem:s19+$0x30];
	[tilespmem:s15+$0x20] =	vst @!p0 v7;
	v7 =	vadd.f32 @!p5 v10, v6  }
0xce: {  	v11 =	vmul.f32 @p1 $8.000000000e+00, v16;
	v16 =	vld @!p1 [tilespmem:s19+$0xFFFFFFD0];
	v6 =	vmov v8;
	v8 =	vadd.f32 @p1 v15, v9  }
0xcf: {  	v10 =	vld @!p0 [tilespmem:s22+$0x30];
	[tilespmem:s15+$0xFFFFFF80] =	vst @!p5 v7  }
0xd0: {  	v9 =	vld @!p1 [tilespmem:s19+$0xFFFFFFE0];
	[tilespmem:s19+$0xFFFFFFA0] =	vst @p1 v8  }
0xd1: {  	s2 =	simm.s32 @!p6 $0x0;
	s6 =	sadd.s32 $0x2, s6;
	[tilespmem:s19+$0x20] =	vst @p4 v12;
	v7 =	vld @!p5 [tilespmem:s22+$0xFFFFFFD0]  }
0xd2: {  	s2 =	simm.s32 @p6 $0x1;
	p2 =	slt.u32 s6, $0xC6;
	v15 =	vld @p4 [tilespmem:s23+$0x30];
	v8 =	vmul.f32 @!p0 $8.000000000e+00, v13  }
0xd3: {  	[smem:$0x7F8] =	sst s2;
	s2 =	simm.s32 @!p2 $0x0;
	v13 =	vld @p1 [tilespmem:s23+$0xFFFFFFF0]  }
0xd4: {  	s2 =	simm.s32 @p2 $0x1;
	v8 =	vadd.f32 @!p0 v10, v8;
	v10 =	vld @!p3 [tilespmem:s11+$0xFFFFFFE0]  }
0xd5: {  	[smem:$0x7F9] =	sst s2;
	v12 =	vmul.f32 @!p1 $8.000000000e+00, v16;
	v16 =	vld @!p1 [tilespmem:s19+$0xFFFFFFF0];
	v14 =	vmul.f32 @p4 $8.000000000e+00, v14;
	s13 =	spop (v2sf)  }
0xd6: {  	s19 =	sadd.s32 $0x100, s19;
	s13 =	sand.u32 $0x1, s13;
	s24 =	spop (v2sf);
	[tilespmem:s15+$0x30] =	vst @!p0 v8;
	v8 =	vld @!p6 [tilespmem:s9+$0xFFFFFFF0];
	v7 =	vadd.f32 @!p5 v7, v5  }
0xd7: {  	v14 =	vadd.f32 @p4 v15, v14;
	s2 =	sand.u32 $0x1, s24;
	p6 =	seq.s32 s13, $0x0;
	s13 =	sld [smem:$0x7F8];
	v15 =	vld @!p4 [tilespmem:s0+$0x40]  }
0xd8: {  	s9 =	smov.u32 s11;
	p2 =	seq.s32 s2, $0x0;
	v5 =	vmov v12;
	v12 =	vld @p6 [tilespmem:s19+$0x0];
	v11 =	vadd.f32 @p1 v13, v11;
	[tilespmem:s15+$0xFFFFFF90] =	vst @!p5 v7  }
0xd9: {  	s11 =	smov.u32 s22;
	s22 =	smov.u32 s23;
	p0 =	por p4, p4;
	[tilespmem:s0+$0x30] =	vst @p4 v14;
	v7 =	vadd.f32 @!p3 v10, v2;
	v14 =	vld @p2 [tilespmem:s19+$0xFFFFFF80]  }
0xda: {  	v9 =	vmul.f32 @!p1 $8.000000000e+00, v9;
	v13 =	vld @!p4 [tilespmem:s23+$0x0];
	p4 =	por p6, p6;
	s23 =	sadd.s32 $0x80, s23;
	p6 =	seq.s32 s13, $0x1;
	[tilespmem:s0+$0xFFFFFFB0] =	vst @p1 v11  }
0xdb: {  	s24 =	sld [smem:$0x7F9];
	v11 =	vld @p4 [tilespmem:s23+$0x0];
	[tilespmem:s8+$0xFFFFFFA0] =	vst @!p3 v7;
	v7 =	vadd.f32 @!p6 v8, v0  }
0xdc: {  	v2 =	vmov v4;
	v4 =	vmov v9;
	v9 =	vmul.f32 @!p1 $8.000000000e+00, v16;
	v8 =	vld @p2 [tilespmem:s23+$0xFFFFFFC0]  }
0xdd: {  	v10 =	vld @p2 [tilespmem:s19+$0xFFFFFF90];
	[tilespmem:s1+$0xFFFFFFB0] =	vst @!p6 v7;
	p6 =	por p3, p3;
	p3 =	por p5, p5  }
0xde: {  	v0 =	vmovc v1;
	v1 =	vmovc v3;
	v3 =	vmov v9;
	v15 =	vmul.f32 @!p0 $8.000000000e+00, v15;
	p5 =	por p1, p1;
	p1 =	por p2, p2;
	v9 =	vld @p2 [tilespmem:s19+$0xFFFFFFA0];
	v14 =	vmul.f32 @p2 $8.000000000e+00, v14;
	p2 =	seq.s32 s24, $0x1  }
.Ltmp0:
0xdf: {  	_ = 	snop;
	(pc) =	sbr.rel @p2 .LBB2_2-.Ltmp0, $4  }
0xe0: {  	v12 =	vmul.f32 @p4 $8.000000000e+00, v12;
	s1 =	smov.u32 s8;
	s8 =	smov.u32 s15;
	s15 =	smov.u32 s0;
	v13 =	vadd.f32 @!p0 v13, v15  }
0xe1: {  	v7 =	vld @!p0 [tilespmem:s15+$0x50]  }
0xe2: {  	v12 =	vadd.f32 @p4 v11, v12;
	v11 =	vld @p4 [tilespmem:s19+$0x10];
	[tilespmem:s15+$0x0] =	vst @!p0 v13  }
0xe3: {  	s10 =	sadd.s32 $0x2, s10;
	s0 =	smov.u32 s19;
	v13 =	vadd.f32 @p1 v8, v14;
	v8 =	vld @!p0 [tilespmem:s22+$0x10]  }
0xe4: {  	[tilespmem:s19+$0x0] =	vst @p4 v12  }
0xe5: {  	v12 =	vld @p4 [tilespmem:s23+$0x10]  }
0xe6: {  	[tilespmem:s19+$0xFFFFFF80] =	vst @p1 v13  }
0xe7: {  	v13 =	vld @p1 [tilespmem:s23+$0xFFFFFFD0]  }
0xe8: {  	v11 =	vmul.f32 @p4 $8.000000000e+00, v11;
	_ =	sdelay $0x1  }
0xe9: {  	v10 =	vmul.f32 @p1 $8.000000000e+00, v10;
	v11 =	vadd.f32 @p4 v12, v11  }
0xea: {  	v12 =	vld @p4 [tilespmem:s19+$0x20]  }
0xeb: {  	v10 =	vadd.f32 @p1 v13, v10;
	[tilespmem:s19+$0x10] =	vst @p4 v11  }
0xec: {  	v11 =	vld @p4 [tilespmem:s23+$0x20]  }
0xed: {  	[tilespmem:s19+$0xFFFFFF90] =	vst @p1 v10  }
0xee: {  	v10 =	vld @p1 [tilespmem:s23+$0xFFFFFFE0]  }
0xef: {  	v12 =	vmul.f32 @p4 $8.000000000e+00, v12;
	_ =	sdelay $0x1  }
0xf0: {  	v9 =	vmul.f32 @p1 $8.000000000e+00, v9;
	v11 =	vadd.f32 @p4 v11, v12  }
0xf1: {  	v12 =	vld @p4 [tilespmem:s19+$0x30]  }
0xf2: {  	v14 =	vld @p1 [tilespmem:s19+$0xFFFFFFB0];
	v9 =	vadd.f32 @p1 v10, v9;
	[tilespmem:s19+$0x20] =	vst @p4 v11  }
0xf3: {  	v10 =	vld @p4 [tilespmem:s23+$0x30]  }
0xf4: {  	[tilespmem:s19+$0xFFFFFFA0] =	vst @p1 v9  }
0xf5: {  	v9 =	vld @p1 [tilespmem:s23+$0xFFFFFFF0]  }
0xf6: {  	v15 =	vld @!p1 [tilespmem:s19+$0xFFFFFFD0];
	v12 =	vmul.f32 @p4 $8.000000000e+00, v12  }
0xf7: {  	v16 =	vld @!p5 [tilespmem:s22+$0xFFFFFFC0]  }
0xf8: {  	v10 =	vadd.f32 @p4 v10, v12;
	v12 =	vmul.f32 @p1 $8.000000000e+00, v14;
	v14 =	vld @!p4 [tilespmem:s0+$0x40]  }
0xf9: {  	v13 =	vld @!p1 [tilespmem:s19+$0xFFFFFFC0]  }
0xfa: {  	v11 =	vld @!p1 [tilespmem:s19+$0xFFFFFFE0];
	[tilespmem:s0+$0x30] =	vst @p4 v10;
	v9 =	vadd.f32 @p1 v9, v12  }
0xfb: {  	v10 =	vld @!p4 [tilespmem:s23+$0x0]  }
0xfc: {  	p2 =	por p1, p1;
	v12 =	vld @!p1 [tilespmem:s19+$0xFFFFFFF0];
	p4 =	por p4, p4;
	[tilespmem:s0+$0xFFFFFFB0] =	vst @p1 v9  }
0xfd: {  	v6 =	vadd.f32 @!p5 v16, v6;
	v9 =	vmul.f32 @!p4 $8.000000000e+00, v14;
	v14 =	vld @!p2 [tilespmem:s23+$0xFFFFFFC0]  }
0xfe: {  	v7 =	vmul.f32 @!p0 $8.000000000e+00, v7  }
0xff: {  	[tilespmem:s15+$0xFFFFFF80] =	vst @!p5 v6  }
0x100: {  	v6 =	vadd.f32 @!p0 v8, v7;
	v7 =	vld @!p5 [tilespmem:s22+$0xFFFFFFD0];
	v9 =	vadd.f32 @!p4 v10, v9;
	v10 =	vmul.f32 @!p1 $8.000000000e+00, v13  }
0x101: {  	v13 =	vld @!p4 [tilespmem:s0+$0x50]  }
0x102: {  	[tilespmem:s0+$0x0] =	vst @!p4 v9;
	v10 =	vadd.f32 @!p2 v14, v10;
	v14 =	vld @!p0 [tilespmem:s15+$0x60]  }
0x103: {  	[tilespmem:s15+$0x10] =	vst @!p0 v6;
	v9 =	vld @!p4 [tilespmem:s23+$0x10]  }
0x104: {  	v6 =	vld @!p0 [tilespmem:s22+$0x20];
	[tilespmem:s0+$0xFFFFFF80] =	vst @!p2 v10  }
0x105: {  	v10 =	vld @!p2 [tilespmem:s23+$0xFFFFFFD0]  }
0x106: {  	v5 =	vadd.f32 @!p5 v7, v5;
	v8 =	vmul.f32 @!p4 $8.000000000e+00, v13  }
0x107: {  	v7 =	vmul.f32 @!p0 $8.000000000e+00, v14  }
0x108: {  	[tilespmem:s15+$0xFFFFFF90] =	vst @!p5 v5;
	p5 =	por p5, p5;
	v13 =	vld @!p4 [tilespmem:s0+$0x60];
	v8 =	vadd.f32 @!p4 v9, v8;
	v9 =	vmul.f32 @!p1 $8.000000000e+00, v15  }
0x109: {  	v5 =	vadd.f32 @!p0 v6, v7;
	v6 =	vld @!p5 [tilespmem:s22+$0xFFFFFFE0]  }
0x10a: {  	[tilespmem:s0+$0x10] =	vst @!p4 v8;
	v9 =	vadd.f32 @!p2 v10, v9;
	v10 =	vld @!p3 [tilespmem:s11+$0xFFFFFFE0]  }
0x10b: {  	v8 =	vld @!p4 [tilespmem:s23+$0x20]  }
0x10c: {  	[tilespmem:s0+$0xFFFFFF90] =	vst @!p2 v9;
	p2 =	por p2, p2  }
0x10d: {  	v9 =	vld @!p2 [tilespmem:s23+$0xFFFFFFE0]  }
0x10e: {  	v15 =	vld @!p0 [tilespmem:s15+$0x70];
	v7 =	vmul.f32 @!p4 $8.000000000e+00, v13;
	[tilespmem:s15+$0x20] =	vst @!p0 v5  }
0x10f: {  	v5 =	vld @!p0 [tilespmem:s22+$0x30];
	v2 =	vadd.f32 @!p3 v10, v2  }
0x110: {  	v4 =	vadd.f32 @!p5 v6, v4;
	v7 =	vadd.f32 @!p4 v8, v7;
	v8 =	vmul.f32 @!p1 $8.000000000e+00, v11;
	v11 =	vld @!p6 [tilespmem:s9+$0xFFFFFFF0]  }
0x111: {  	v10 =	vld @!p4 [tilespmem:s0+$0x70];
	[tilespmem:s8+$0xFFFFFFA0] =	vst @!p3 v2;
	p3 =	por p3, p3  }
0x112: {  	[tilespmem:s15+$0xFFFFFFA0] =	vst @!p5 v4;
	p5 =	por p5, p5;
	v6 =	vadd.f32 @!p2 v9, v8;
	v8 =	vld @!p3 [tilespmem:s11+$0xFFFFFFF0]  }
0x113: {  	v4 =	vld @!p5 [tilespmem:s22+$0xFFFFFFF0];
	[tilespmem:s0+$0x20] =	vst @!p4 v7;
	v7 =	vmul.f32 @!p0 $8.000000000e+00, v15  }
0x114: {  	v2 =	vld @!p4 [tilespmem:s23+$0x30];
	[tilespmem:s0+$0xFFFFFFA0] =	vst @!p2 v6;
	p2 =	por p2, p2  }
0x115: {  	v5 =	vadd.f32 @!p0 v5, v7;
	v7 =	vld @!p2 [tilespmem:s23+$0xFFFFFFF0];
	v0 =	vadd.f32 @!p6 v11, v0;
	_ =	sdelay $0x1  }
0x116: {  	v6 =	vmul.f32 @!p4 $8.000000000e+00, v10;
	[tilespmem:s1+$0xFFFFFFB0] =	vst @!p6 v0;
	v0 =	vadd.f32 @!p3 v8, v1  }
0x117: {  	[tilespmem:s15+$0x30] =	vst @!p0 v5;
	v5 =	vmul.f32 @!p1 $8.000000000e+00, v12;
	v1 =	vadd.f32 @!p5 v4, v3  }
0x118: {  	v2 =	vadd.f32 @!p4 v2, v6;
	[tilespmem:s8+$0xFFFFFFB0] =	vst @!p3 v0  }
0x119: {  	[tilespmem:s15+$0xFFFFFFB0] =	vst @!p5 v1;
	v0 =	vadd.f32 @!p2 v7, v5  }
0x11a: {  	[tilespmem:s0+$0x30] =	vst @!p4 v2  }
0x11b: {  	[tilespmem:s0+$0xFFFFFFB0] =	vst @!p2 v0  }
0x11c: {  	s6 =	simm.s32 $0x4E0;
	s0 =	rddreg [dreg:$0xb]  }
0x11d: {  	[hbm4b:s0+s3] =	stream.linear.scatter [tilespmem:s6], [sflag:$0x7], $0x6400, $0x38;
	[tilespmem:$0x162E0] =	vst v63  }
0x11e: {  	s8 =	rddreg [dreg:$0xc]  }
0x11f: {  	[tilespmem:s3], [sflag:$0x1] =	stream.linear.gather [hbm4b:s8+s3], $0xC8, $0x38;
	[tilespmem:$0x162E0] =	vst v63  }
0x120: {  	s10 =	simm.s32 $0x288;
	s9 =	rddreg [dreg:$0xd]  }
0x121: {  	[tilespmem:s10], [sflag:$0x1] =	stream.linear.gather [hbm4b:s9+s3], $0xC8, $0x38;
	[tilespmem:$0x162E0] =	vst v63  }
0x122: {  	_ =	swait.ge [sflag:s18], $0xC8  }
0x123: {  	[sflag:s18] =	ssyncset.done $0x0  }
0x124: {  	[sflag:s18] =	ssyncadd.s32 $0xFFFFFF38  }
0x125: {  	_ =	swait.ge [sflag:s18], $0xC8  }
0x126: {  	[sflag:s18] =	ssyncset.done $0x0  }
0x127: {  	s11 =	simm.s32 $0x418;
	[sflag:s18] =	ssyncadd.s32 $0xFFFFFF38  }
0x128: {  	[tilespmem:s31], [sflag:$0x6] =	stream.indirect.gather [hbm4b:s4+s12], $0x80, s11, s12, $0xb8;
	[tilespmem:$0x162E0] =	vst v63  }
0x129: {  	_ =	swait.ge [sflag:s20], $0x6400  }
0x12a: {  	[sflag:s20] =	ssyncset.done $0x0  }
0x12b: {  	s13 =	simm.s32 $0xD9;
	[sflag:s20] =	ssyncadd.s32 $0xFFFF9C00  }
0x12c: {  	v0 =	vld [tilespmem:s13+$0x0];
	_ =	sdelay $0x3  }
0x12d: {  	v1 =	vld [tilespmem:s13+$0xFFFFFFFF]  }
0x12e: {  	(v2sf) =	vpush v0, $0x0;
	_ =	sdelay $0x3  }
0x12f: {  	(v2sf) =	vpush v1, $0x0;
	_ =	sdelay $0xa  }
0x130: {  	s15 =	spop (v2sf)  }
0x131: {  	s0 =	sand.u32 $0x1, s15  }
0x132: {  	s1 =	simm.s32 $0x6960;
	p0 =	seq.s32 s0, $0x0  }
0x133: {  	v0 =	vld @p0 [tilespmem:s1+$0x0]  }
0x134: {  	s9 =	simm.s32 $0x13120;
	s19 =	spop (v2sf);
	p0 =	por p0, p0  }
0x135: {  	s0 =	sand.u32 $0x1, s19;
	v1 =	vld @p0 [tilespmem:s9+$0x0]  }
0x136: {  	p1 =	seq.s32 s0, $0x0  }
0x137: {  	v2 =	vld @p1 [tilespmem:s1+$0xFFFFFF80]  }
0x138: {  	v0 =	vmul.f32 @p0 $8.000000000e+00, v0  }
0x139: {  	s22 =	simm.s32 $0xDB;
	v3 =	vld @p1 [tilespmem:s9+$0xFFFFFFC0]  }
0x13a: {  	v4 =	vld [tilespmem:s22+$0x0];
	v0 =	vadd.f32 @p0 v1, v0  }
0x13b: {  	v1 =	vld @p0 [tilespmem:s1+$0x10]  }
0x13c: {  	v2 =	vmul.f32 @p1 $8.000000000e+00, v2;
	[tilespmem:s1+$0x0] =	vst @p0 v0  }
0x13d: {  	p2 =	por p1, p1;
	v0 =	vld @p0 [tilespmem:s9+$0x10]  }
0x13e: {  	v2 =	vadd.f32 @p2 v3, v2  }
0x13f: {  	v5 =	vld @p1 [tilespmem:s1+$0xFFFFFF90]  }
0x140: {  	(v2sf) =	vpush v4, $0x0;
	v3 =	vld [tilespmem:s22+$0xFFFFFFFF];
	[tilespmem:s1+$0xFFFFFF80] =	vst @p2 v2;
	v1 =	vmul.f32 @p0 $8.000000000e+00, v1  }
0x141: {  	v2 =	vld @p2 [tilespmem:s9+$0xFFFFFFD0]  }
0x142: {  	v0 =	vadd.f32 @p0 v0, v1  }
0x143: {  	v1 =	vld @p0 [tilespmem:s1+$0x20]  }
0x144: {  	v4 =	vmul.f32 @p2 $8.000000000e+00, v5;
	[tilespmem:s1+$0x10] =	vst @p0 v0  }
0x145: {  	(v2sf) =	vpush v3, $0x0;
	v0 =	vld @p0 [tilespmem:s9+$0x20]  }
0x146: {  	v2 =	vadd.f32 @p2 v2, v4  }
0x147: {  	v6 =	vld @p1 [tilespmem:s1+$0xFFFFFFA0]  }
0x148: {  	[tilespmem:s1+$0xFFFFFF90] =	vst @p2 v2;
	v1 =	vmul.f32 @p0 $8.000000000e+00, v1  }
0x149: {  	v2 =	vld @p2 [tilespmem:s9+$0xFFFFFFE0]  }
0x14a: {  	v0 =	vadd.f32 @p0 v0, v1  }
0x14b: {  	v5 =	vld @p0 [tilespmem:s1+$0x30]  }
0x14c: {  	v6 =	vmul.f32 @p2 $8.000000000e+00, v6;
	[tilespmem:s1+$0x20] =	vst @p0 v0  }
0x14d: {  	v7 =	vld @p0 [tilespmem:s9+$0x30]  }
0x14e: {  	v2 =	vadd.f32 @p2 v2, v6  }
0x14f: {  	s23 =	spop (v2sf);
	v3 =	vld @p2 [tilespmem:s1+$0xFFFFFFB0]  }
0x150: {  	s0 =	sand.u32 $0x1, s23;
	v4 =	vld @!p2 [tilespmem:s1+$0xFFFFFFC0];
	[tilespmem:s1+$0xFFFFFFA0] =	vst @p2 v2;
	v2 =	vmul.f32 @p0 $8.000000000e+00, v5  }
0x151: {  	s8 =	simm.s32 $0x6A60;
	p1 =	seq.s32 s0, $0x0;
	v1 =	vld @!p2 [tilespmem:s1+$0xFFFFFFD0]  }
0x152: {  	v6 =	vld @p1 [tilespmem:s8+$0x0];
	v2 =	vadd.f32 @p0 v7, v2  }
0x153: {  	v0 =	vld @!p2 [tilespmem:s1+$0xFFFFFFE0]  }
0x154: {  	s11 =	simm.s32 $0x131A0;
	s24 =	spop (v2sf);
	v7 =	vld @!p0 [tilespmem:s1+$0x40];
	[tilespmem:s1+$0x30] =	vst @p0 v2  }
0x155: {  	p5 =	por p1, p1;
	s0 =	sand.u32 $0x1, s24;
	v8 =	vld @!p0 [tilespmem:s9+$0x0];
	p0 =	por p0, p0  }
0x156: {  	p1 =	seq.s32 s0, $0x0;
	v2 =	vld @p5 [tilespmem:s11+$0x0];
	s0 =	simm.s32 @!p0 $0x0  }
0x157: {  	v5 =	vld @p2 [tilespmem:s9+$0xFFFFFFF0];
	s0 =	simm.s32 @p0 $0x1  }
0x158: {  	v9 =	vld @p1 [tilespmem:s8+$0xFFFFFF80];
	[smem:$0x7F5] =	sst s0  }
0x159: {  	v6 =	vmul.f32 @p5 $8.000000000e+00, v6;
	v10 =	vld @p1 [tilespmem:s11+$0xFFFFFFC0]  }
0x15a: {  	v7 =	vmul.f32 @!p0 $8.000000000e+00, v7;
	v11 =	vld @p1 [tilespmem:s8+$0xFFFFFF90]  }
0x15b: {  	v12 =	vld @!p0 [tilespmem:s1+$0x50];
	v2 =	vadd.f32 @p5 v2, v6  }
0x15c: {  	s2 =	simm.s32 $0xDD;
	v6 =	vadd.f32 @!p0 v8, v7;
	v7 =	vld @p5 [tilespmem:s8+$0x10]  }
0x15d: {  	v8 =	vld [tilespmem:s2+$0x0];
	[tilespmem:s8+$0x0] =	vst @p5 v2  }
0x15e: {  	v2 =	vmul.f32 @p1 $8.000000000e+00, v9;
	[tilespmem:s1+$0x0] =	vst @!p0 v6;
	v6 =	vld @p5 [tilespmem:s11+$0x10]  }
0x15f: {  	p3 =	por p1, p1;
	v13 =	vld [tilespmem:s2+$0xFFFFFFFF]  }
0x160: {  	v3 =	vmul.f32 @p2 $8.000000000e+00, v3;
	v9 =	vld @!p0 [tilespmem:s9+$0x10];
	v10 =	vadd.f32 @p3 v10, v2  }
0x161: {  	v14 =	vld @p1 [tilespmem:s8+$0xFFFFFFA0];
	v7 =	vmul.f32 @p5 $8.000000000e+00, v7  }
0x162: {  	v3 =	vadd.f32 @p2 v5, v3;
	v5 =	vld @p3 [tilespmem:s8+$0xFFFFFFB0];
	[tilespmem:s8+$0xFFFFFF80] =	vst @p3 v10  }
0x163: {  	(v2sf) =	vpush v8, $0x0;
	v10 =	vmul.f32 @!p0 $8.000000000e+00, v12;
	v12 =	vld @p3 [tilespmem:s11+$0xFFFFFFD0];
	v6 =	vadd.f32 @p5 v6, v7  }
0x164: {  	v7 =	vld @p5 [tilespmem:s8+$0x20]  }
0x165: {  	v8 =	vadd.f32 @!p0 v9, v10;
	v9 =	vld @!p0 [tilespmem:s1+$0x60];
	[tilespmem:s8+$0x10] =	vst @p5 v6  }
0x166: {  	[tilespmem:s1+$0xFFFFFFB0] =	vst @p2 v3;
	v6 =	vmul.f32 @p3 $8.000000000e+00, v11;
	v10 =	vld @p5 [tilespmem:s11+$0x20]  }
0x167: {  	v3 =	vld @!p3 [tilespmem:s8+$0xFFFFFFC0];
	(v2sf) =	vpush v13, $0x0;
	[tilespmem:s1+$0x10] =	vst @!p0 v8  }
0x168: {  	v8 =	vld @!p0 [tilespmem:s9+$0x20];
	v6 =	vadd.f32 @p3 v12, v6  }
0x169: {  	p4 =	por p2, p2;
	v2 =	vld @!p2 [tilespmem:s1+$0xFFFFFFF0];
	v7 =	vmul.f32 @p5 $8.000000000e+00, v7  }
0x16a: {  	s0 =	simm.s32 @!p2 $0x0;
	[tilespmem:s8+$0xFFFFFF90] =	vst @p3 v6;
	v6 =	vld @!p4 [tilespmem:s9+$0xFFFFFFC0]  }
0x16b: {  	s0 =	simm.s32 @p2 $0x1;
	v9 =	vmul.f32 @!p0 $8.000000000e+00, v9;
	v11 =	vld @p3 [tilespmem:s11+$0xFFFFFFE0];
	v7 =	vadd.f32 @p5 v10, v7  }
0x16c: {  	v10 =	vld @p5 [tilespmem:s8+$0x30];
	[smem:$0x7F4] =	sst s0  }
0x16d: {  	v4 =	vmul.f32 @!p2 $8.000000000e+00, v4;
	v8 =	vadd.f32 @!p0 v8, v9;
	v9 =	vld @!p0 [tilespmem:s1+$0x70];
	[tilespmem:s8+$0x20] =	vst @p5 v7  }
0x16e: {  	v12 =	vld @p5 [tilespmem:s11+$0x30]  }
0x16f: {  	s13 =	simm.s32 $0xDF;
	v13 =	vld @!p3 [tilespmem:s8+$0xFFFFFFD0];
	v4 =	vadd.f32 @!p4 v6, v4  }
0x170: {  	v19 =	vld [tilespmem:s13+$0x0];
	v7 =	vmul.f32 @p3 $8.000000000e+00, v14;
	[tilespmem:s1+$0x20] =	vst @!p0 v8  }
0x171: {  	v8 =	vld @!p3 [tilespmem:s8+$0xFFFFFFE0];
	[tilespmem:s1+$0xFFFFFF80] =	vst @!p4 v4;
	v4 =	vmul.f32 @p5 $8.000000000e+00, v10  }
0x172: {  	v6 =	vld @!p0 [tilespmem:s9+$0x30];
	v7 =	vadd.f32 @p3 v11, v7;
	s6 =	spop (v2sf)  }
0x173: {  	v11 =	vld @!p5 [tilespmem:s8+$0x40];
	s0 =	sand.u32 $0x1, s6;
	v4 =	vadd.f32 @p5 v12, v4  }
0x174: {  	s15 =	simm.s32 $0x6B60;
	[tilespmem:s8+$0xFFFFFFA0] =	vst @p3 v7;
	v7 =	vld @!p4 [tilespmem:s9+$0xFFFFFFD0];
	p0 =	seq.s32 s0, $0x0  }
0x175: {  	v12 =	vld @p0 [tilespmem:s15+$0x0];
	[tilespmem:s8+$0x30] =	vst @p5 v4  }
0x176: {  	s22 =	simm.s32 $0x13220;
	s6 =	spop (v2sf);
	p0 =	por p0, p0;
	v4 =	vld @!p5 [tilespmem:s11+$0x0]  }
0x177: {  	s10 =	sand.u32 $0x1, s6;
	v15 =	vld @p0 [tilespmem:s22+$0x0]  }
0x178: {  	p6 =	por p5, p5;
	v10 =	vld @p3 [tilespmem:s11+$0xFFFFFFF0];
	p1 =	seq.s32 s10, $0x0  }
0x179: {  	v14 =	vld @p1 [tilespmem:s15+$0xFFFFFF80];
	v11 =	vmul.f32 @!p6 $8.000000000e+00, v11  }
0x17a: {  	v16 =	vld @p1 [tilespmem:s22+$0xFFFFFFC0];
	v12 =	vmul.f32 @p0 $8.000000000e+00, v12  }
0x17b: {  	v17 =	vld @p1 [tilespmem:s15+$0xFFFFFF90];
	v4 =	vadd.f32 @!p6 v4, v11  }
0x17c: {  	v12 =	vadd.f32 @p0 v15, v12;
	v11 =	vld @!p6 [tilespmem:s8+$0x50]  }
0x17d: {  	v5 =	vmul.f32 @p3 $8.000000000e+00, v5;
	v15 =	vld @p0 [tilespmem:s15+$0x10];
	[tilespmem:s8+$0x0] =	vst @!p6 v4  }
0x17e: {  	[tilespmem:s15+$0x0] =	vst @p0 v12;
	v4 =	vmul.f32 @p1 $8.000000000e+00, v14;
	v14 =	vld @!p6 [tilespmem:s11+$0x10]  }
0x17f: {  	p5 =	por p1, p1;
	v5 =	vadd.f32 @p3 v10, v5;
	v12 =	vld @p0 [tilespmem:s22+$0x10]  }
0x180: {  	v18 =	vld @p1 [tilespmem:s15+$0xFFFFFFA0];
	v4 =	vadd.f32 @p5 v16, v4  }
0x181: {  	[tilespmem:s8+$0xFFFFFFB0] =	vst @p3 v5;
	v5 =	vld @!p5 [tilespmem:s15+$0xFFFFFFC0];
	v11 =	vmul.f32 @!p6 $8.000000000e+00, v11  }
0x182: {  	v16 =	vld @!p3 [tilespmem:s8+$0xFFFFFFF0];
	v15 =	vmul.f32 @p0 $8.000000000e+00, v15;
	[tilespmem:s15+$0xFFFFFF80] =	vst @p5 v4  }
0x183: {  	v20 =	vld @p5 [tilespmem:s22+$0xFFFFFFD0];
	v11 =	vadd.f32 @!p6 v14, v11  }
0x184: {  	v4 =	vld [tilespmem:s13+$0xFFFFFFFF];
	v12 =	vadd.f32 @p0 v12, v15  }
0x185: {  	[tilespmem:s8+$0x10] =	vst @!p6 v11;
	v11 =	vld @p0 [tilespmem:s15+$0x20]  }
0x186: {  	v17 =	vmul.f32 @p5 $8.000000000e+00, v17;
	p1 =	por p3, p3;
	v15 =	vld @!p6 [tilespmem:s8+$0x60];
	[tilespmem:s15+$0x10] =	vst @p0 v12  }
0x187: {  	s0 =	simm.s32 @!p1 $0x0;
	v12 =	vld @p0 [tilespmem:s22+$0x20]  }
0x188: {  	(v2sf) =	vpush v19, $0x0;
	s0 =	simm.s32 @p1 $0x1;
	v14 =	vld @p5 [tilespmem:s15+$0xFFFFFFB0];
	v10 =	vadd.f32 @p5 v20, v17  }
0x189: {  	(v2sf) =	vpush v4, $0x0;
	v4 =	vld @!p6 [tilespmem:s11+$0x20];
	[smem:$0x7F6] =	sst s0  }
0x18a: {  	[tilespmem:s15+$0xFFFFFF90] =	vst @p5 v10;
	v10 =	vld @!p1 [tilespmem:s11+$0xFFFFFFC0];
	v11 =	vmul.f32 @p0 $8.000000000e+00, v11;
	_ =	sdelay $0x1  }
0x18b: {  	v1 =	vmul.f32 @!p2 $8.000000000e+00, v1;
	v17 =	vld @p5 [tilespmem:s22+$0xFFFFFFE0];
	v11 =	vadd.f32 @p0 v12, v11  }
0x18c: {  	v3 =	vmul.f32 @!p3 $8.000000000e+00, v3;
	v12 =	vmul.f32 @p5 $8.000000000e+00, v18;
	v18 =	vld @p0 [tilespmem:s15+$0x30]  }
0x18d: {  	v1 =	vadd.f32 @!p4 v7, v1;
	v15 =	vmul.f32 @!p6 $8.000000000e+00, v15;
	[tilespmem:s15+$0x20] =	vst @p0 v11  }
0x18e: {  	v3 =	vadd.f32 @!p1 v10, v3;
	v11 =	vld @p0 [tilespmem:s22+$0x30]  }
0x18f: {  	[tilespmem:s1+$0xFFFFFF90] =	vst @!p4 v1;
	v4 =	vadd.f32 @!p6 v4, v15  }
0x190: {  	v19 =	vld @!p5 [tilespmem:s15+$0xFFFFFFD0];
	v10 =	vadd.f32 @p5 v17, v12;
	[tilespmem:s8+$0xFFFFFF80] =	vst @!p1 v3  }
0x191: {  	[tilespmem:s8+$0x20] =	vst @!p6 v4;
	v3 =	vld @!p1 [tilespmem:s11+$0xFFFFFFD0];
	p1 =	por p4, p4;
	v1 =	vmul.f32 @p0 $8.000000000e+00, v18  }
0x192: {  	v15 =	vld @!p6 [tilespmem:s8+$0x70];
	[tilespmem:s15+$0xFFFFFFA0] =	vst @p5 v10;
	s0 =	simm.s32 @!p1 $0x0  }
0x193: {  	v4 =	vld @!p6 [tilespmem:s11+$0x30];
	s24 =	sld [smem:$0x7F5];
	s0 =	simm.s32 @p1 $0x1;
	v1 =	vadd.f32 @p0 v11, v1  }
0x194: {  	v12 =	vld @!p5 [tilespmem:s15+$0xFFFFFFE0];
	[smem:$0x7F7] =	sst s0  }
0x195: {  	[tilespmem:s15+$0x30] =	vst @p0 v1  }
0x196: {  	v10 =	vld @!p1 [tilespmem:s9+$0xFFFFFFE0];
	p1 =	seq.s32 s24, $0x1;
	s6 =	sld [smem:$0x7F4]  }
0x197: {  	v9 =	vmul.f32 @!p1 $8.000000000e+00, v9;
	s10 =	sld [smem:$0x7F5]  }
0x198: {  	v1 =	vmul.f32 @!p6 $8.000000000e+00, v15  }
0x199: {  	s19 =	spop (v2sf);
	v7 =	vld @p5 [tilespmem:s22+$0xFFFFFFF0];
	v6 =	vadd.f32 @!p1 v6, v9;
	p1 =	seq.s32 s6, $0x1  }
0x19a: {  	s0 =	sand.u32 $0x1, s19;
	v17 =	vld @!p5 [tilespmem:s15+$0xFFFFFFF0];
	v1 =	vadd.f32 @!p6 v4, v1;
	v9 =	vmul.f32 @!p1 $8.000000000e+00, v0;
	v0 =	vmul.f32 @!p1 $8.000000000e+00, v2;
	p1 =	seq.s32 s10, $0x1  }
0x19b: {  	s19 =	simm.s32 $0x6C60;
	s23 =	spop (v2sf);
	v11 =	vld @!p0 [tilespmem:s15+$0x40];
	p4 =	seq.s32 s0, $0x0;
	[tilespmem:s1+$0x30] =	vst @!p1 v6  }
0x19c: {  	s2 =	sand.u32 $0x1, s23;
	v18 =	vld @p4 [tilespmem:s19+$0x0];
	s13 =	sld [smem:$0x7F6];
	[tilespmem:s8+$0x30] =	vst @!p6 v1  }
0x19d: {  	v15 =	vld @!p0 [tilespmem:s22+$0x0];
	p2 =	seq.s32 s2, $0x0;
	s24 =	sld [smem:$0x7F7]  }
0x19e: {  	v13 =	vmul.f32 @!p3 $8.000000000e+00, v13;
	p4 =	por p4, p4;
	s23 =	simm.s32 $0x132A0;
	v20 =	vld @p2 [tilespmem:s19+$0xFFFFFF80]  }
0x19f: {  	p0 =	por p0, p0;
	v21 =	vld @p4 [tilespmem:s23+$0x0];
	v2 =	vmul.f32 @!p3 $8.000000000e+00, v8;
	v8 =	vmul.f32 @p5 $8.000000000e+00, v14;
	p1 =	seq.s32 s13, $0x1  }
0x1a0: {  	v4 =	vmul.f32 @!p0 $8.000000000e+00, v11;
	v3 =	vadd.f32 @!p1 v3, v13;
	v13 =	vld @p2 [tilespmem:s23+$0xFFFFFFC0];
	p6 =	seq.s32 s24, $0x1  }
0x1a1: {  	v8 =	vadd.f32 @p5 v7, v8;
	v7 =	vld @!p0 [tilespmem:s15+$0x50];
	v11 =	vadd.f32 @!p6 v10, v9  }
0x1a2: {  	v14 =	vmul.f32 @p4 $8.000000000e+00, v18;
	v10 =	vld @p2 [tilespmem:s19+$0xFFFFFF90];
	[tilespmem:s8+$0xFFFFFF90] =	vst @!p1 v3;
	v3 =	vadd.f32 @!p0 v15, v4  }
0x1a3: {  	s0 =	simm.s32 $0x6C60;
	v6 =	vmul.f32 @!p5 $8.000000000e+00, v5;
	v9 =	vld @p2 [tilespmem:s19+$0xFFFFFFA0];
	v15 =	vmul.f32 @p2 $8.000000000e+00, v20;
	[tilespmem:s1+$0xFFFFFFA0] =	vst @!p6 v11  }
0x1a4: {  	s6 =	simm.s32 $0x6;
	v1 =	vmul.f32 @!p3 $8.000000000e+00, v16;
	p3 =	por p1, p1;
	v4 =	vmul.f32 @!p5 $8.000000000e+00, v12;
	p1 =	por p2, p2;
	v12 =	vadd.f32 @p4 v21, v14;
	v11 =	vld @p4 [tilespmem:s19+$0x10];
	[tilespmem:s15+$0x0] =	vst @!p0 v3  }
0x1a5: {  	s10 =	simm.s32 $0xE1;
	v5 =	vmul.f32 @!p5 $8.000000000e+00, v19;
	[tilespmem:s15+$0xFFFFFFB0] =	vst @p5 v8;
	p6 =	por p6, p6;
	v3 =	vmul.f32 @!p5 $8.000000000e+00, v17;
	p5 =	por p5, p5;
	v13 =	vadd.f32 @p1 v13, v15;
	v8 =	vld @!p0 [tilespmem:s22+$0x10]  }
.LBB2_4:
0x1a6: {  	v14 =	vld [tilespmem:s10+$0x0];
	[tilespmem:s19+$0x0] =	vst @p4 v12  }
0x1a7: {  	[tilespmem:s19+$0xFFFFFF80] =	vst @p1 v13;
	v12 =	vld @p4 [tilespmem:s23+$0x10]  }
0x1a8: {  	v13 =	vld [tilespmem:s10+$0xFFFFFFFF]  }
0x1a9: {  	v15 =	vld @p1 [tilespmem:s23+$0xFFFFFFD0]  }
0x1aa: {  	v7 =	vmul.f32 @!p0 $8.000000000e+00, v7  }
0x1ab: {  	v16 =	vld @p1 [tilespmem:s19+$0xFFFFFFB0];
	v11 =	vmul.f32 @p4 $8.000000000e+00, v11  }
0x1ac: {  	v10 =	vmul.f32 @p1 $8.000000000e+00, v10;
	v7 =	vadd.f32 @!p0 v8, v7;
	v8 =	vld @!p0 [tilespmem:s15+$0x60]  }
0x1ad: {  	(v2sf) =	vpush v14, $0x0;
	v11 =	vadd.f32 @p4 v12, v11;
	v12 =	vld @p4 [tilespmem:s19+$0x20]  }
0x1ae: {  	(v2sf) =	vpush v13, $0x0;
	v10 =	vadd.f32 @p1 v15, v10;
	v13 =	vld @!p1 [tilespmem:s19+$0xFFFFFFC0];
	[tilespmem:s15+$0x10] =	vst @!p0 v7  }
0x1af: {  	v7 =	vld @!p0 [tilespmem:s22+$0x20];
	[tilespmem:s19+$0x10] =	vst @p4 v11  }
0x1b0: {  	[tilespmem:s19+$0xFFFFFF90] =	vst @p1 v10;
	v14 =	vld @p4 [tilespmem:s23+$0x20]  }
0x1b1: {  	v10 =	vld @!p5 [tilespmem:s22+$0xFFFFFFC0]  }
0x1b2: {  	v15 =	vld @p1 [tilespmem:s23+$0xFFFFFFE0];
	v8 =	vmul.f32 @!p0 $8.000000000e+00, v8;
	_ =	sdelay $0x1  }
0x1b3: {  	v12 =	vmul.f32 @p4 $8.000000000e+00, v12;
	v7 =	vadd.f32 @!p0 v7, v8  }
0x1b4: {  	v9 =	vmul.f32 @p1 $8.000000000e+00, v9;
	v8 =	vmul.f32 @!p1 $8.000000000e+00, v13;
	v13 =	vld @!p0 [tilespmem:s15+$0x70]  }
0x1b5: {  	v12 =	vadd.f32 @p4 v14, v12;
	v14 =	vld @p4 [tilespmem:s19+$0x30];
	[tilespmem:s15+$0x20] =	vst @!p0 v7;
	v7 =	vadd.f32 @!p5 v10, v6  }
0x1b6: {  	v11 =	vmul.f32 @p1 $8.000000000e+00, v16;
	v16 =	vld @!p1 [tilespmem:s19+$0xFFFFFFD0];
	v6 =	vmov v8;
	v8 =	vadd.f32 @p1 v15, v9  }
0x1b7: {  	v10 =	vld @!p0 [tilespmem:s22+$0x30];
	[tilespmem:s15+$0xFFFFFF80] =	vst @!p5 v7  }
0x1b8: {  	v9 =	vld @!p1 [tilespmem:s19+$0xFFFFFFE0];
	[tilespmem:s19+$0xFFFFFFA0] =	vst @p1 v8  }
0x1b9: {  	s2 =	simm.s32 @!p6 $0x0;
	s6 =	sadd.s32 $0x2, s6;
	[tilespmem:s19+$0x20] =	vst @p4 v12;
	v7 =	vld @!p5 [tilespmem:s22+$0xFFFFFFD0]  }
0x1ba: {  	s2 =	simm.s32 @p6 $0x1;
	p2 =	slt.u32 s6, $0xC6;
	v15 =	vld @p4 [tilespmem:s23+$0x30];
	v8 =	vmul.f32 @!p0 $8.000000000e+00, v13  }
0x1bb: {  	[smem:$0x7F2] =	sst s2;
	s2 =	simm.s32 @!p2 $0x0;
	v13 =	vld @p1 [tilespmem:s23+$0xFFFFFFF0]  }
0x1bc: {  	s2 =	simm.s32 @p2 $0x1;
	v8 =	vadd.f32 @!p0 v10, v8;
	v10 =	vld @!p3 [tilespmem:s11+$0xFFFFFFE0]  }
0x1bd: {  	[smem:$0x7F3] =	sst s2;
	v12 =	vmul.f32 @!p1 $8.000000000e+00, v16;
	v16 =	vld @!p1 [tilespmem:s19+$0xFFFFFFF0];
	v14 =	vmul.f32 @p4 $8.000000000e+00, v14;
	s13 =	spop (v2sf)  }
0x1be: {  	s19 =	sadd.s32 $0x100, s19;
	s13 =	sand.u32 $0x1, s13;
	s24 =	spop (v2sf);
	[tilespmem:s15+$0x30] =	vst @!p0 v8;
	v8 =	vld @!p6 [tilespmem:s9+$0xFFFFFFF0];
	v7 =	vadd.f32 @!p5 v7, v5  }
0x1bf: {  	v14 =	vadd.f32 @p4 v15, v14;
	s2 =	sand.u32 $0x1, s24;
	p6 =	seq.s32 s13, $0x0;
	s13 =	sld [smem:$0x7F2];
	v15 =	vld @!p4 [tilespmem:s0+$0x40]  }
0x1c0: {  	s9 =	smov.u32 s11;
	p2 =	seq.s32 s2, $0x0;
	v5 =	vmov v12;
	v12 =	vld @p6 [tilespmem:s19+$0x0];
	v11 =	vadd.f32 @p1 v13, v11;
	[tilespmem:s15+$0xFFFFFF90] =	vst @!p5 v7  }
0x1c1: {  	s11 =	smov.u32 s22;
	s22 =	smov.u32 s23;
	p0 =	por p4, p4;
	[tilespmem:s0+$0x30] =	vst @p4 v14;
	v7 =	vadd.f32 @!p3 v10, v2;
	v14 =	vld @p2 [tilespmem:s19+$0xFFFFFF80]  }
0x1c2: {  	v9 =	vmul.f32 @!p1 $8.000000000e+00, v9;
	v13 =	vld @!p4 [tilespmem:s23+$0x0];
	p4 =	por p6, p6;
	s23 =	sadd.s32 $0x80, s23;
	p6 =	seq.s32 s13, $0x1;
	[tilespmem:s0+$0xFFFFFFB0] =	vst @p1 v11  }
0x1c3: {  	s24 =	sld [smem:$0x7F3];
	v11 =	vld @p4 [tilespmem:s23+$0x0];
	[tilespmem:s8+$0xFFFFFFA0] =	vst @!p3 v7;
	v7 =	vadd.f32 @!p6 v8, v0  }
0x1c4: {  	v2 =	vmov v4;
	v4 =	vmov v9;
	v9 =	vmul.f32 @!p1 $8.000000000e+00, v16;
	v8 =	vld @p2 [tilespmem:s23+$0xFFFFFFC0]  }
0x1c5: {  	v10 =	vld @p2 [tilespmem:s19+$0xFFFFFF90];
	[tilespmem:s1+$0xFFFFFFB0] =	vst @!p6 v7;
	p6 =	por p3, p3;
	p3 =	por p5, p5  }
0x1c6: {  	v0 =	vmovc v1;
	v1 =	vmovc v3;
	v3 =	vmov v9;
	v15 =	vmul.f32 @!p0 $8.000000000e+00, v15;
	p5 =	por p1, p1;
	p1 =	por p2, p2;
	v9 =	vld @p2 [tilespmem:s19+$0xFFFFFFA0];
	v14 =	vmul.f32 @p2 $8.000000000e+00, v14;
	p2 =	seq.s32 s24, $0x1  }
.Ltmp1:
0x1c7: {  	_ = 	snop;
	(pc) =	sbr.rel @p2 .LBB2_4-.Ltmp1, $4  }
0x1c8: {  	v12 =	vmul.f32 @p4 $8.000000000e+00, v12;
	s1 =	smov.u32 s8;
	s8 =	smov.u32 s15;
	s15 =	smov.u32 s0;
	v13 =	vadd.f32 @!p0 v13, v15  }
0x1c9: {  	v7 =	vld @!p0 [tilespmem:s15+$0x50]  }
0x1ca: {  	v12 =	vadd.f32 @p4 v11, v12;
	v11 =	vld @p4 [tilespmem:s19+$0x10];
	[tilespmem:s15+$0x0] =	vst @!p0 v13  }
0x1cb: {  	s10 =	sadd.s32 $0x2, s10;
	s0 =	smov.u32 s19;
	v13 =	vadd.f32 @p1 v8, v14;
	v8 =	vld @!p0 [tilespmem:s22+$0x10]  }
0x1cc: {  	[tilespmem:s19+$0x0] =	vst @p4 v12  }
0x1cd: {  	v12 =	vld @p4 [tilespmem:s23+$0x10]  }
0x1ce: {  	[tilespmem:s19+$0xFFFFFF80] =	vst @p1 v13  }
0x1cf: {  	v13 =	vld @p1 [tilespmem:s23+$0xFFFFFFD0]  }
0x1d0: {  	v11 =	vmul.f32 @p4 $8.000000000e+00, v11;
	_ =	sdelay $0x1  }
0x1d1: {  	v10 =	vmul.f32 @p1 $8.000000000e+00, v10;
	v11 =	vadd.f32 @p4 v12, v11  }
0x1d2: {  	v12 =	vld @p4 [tilespmem:s19+$0x20]  }
0x1d3: {  	v10 =	vadd.f32 @p1 v13, v10;
	[tilespmem:s19+$0x10] =	vst @p4 v11  }
0x1d4: {  	v11 =	vld @p4 [tilespmem:s23+$0x20]  }
0x1d5: {  	[tilespmem:s19+$0xFFFFFF90] =	vst @p1 v10  }
0x1d6: {  	v10 =	vld @p1 [tilespmem:s23+$0xFFFFFFE0]  }
0x1d7: {  	v12 =	vmul.f32 @p4 $8.000000000e+00, v12;
	_ =	sdelay $0x1  }
0x1d8: {  	v9 =	vmul.f32 @p1 $8.000000000e+00, v9;
	v11 =	vadd.f32 @p4 v11, v12  }
0x1d9: {  	v12 =	vld @p4 [tilespmem:s19+$0x30]  }
0x1da: {  	v14 =	vld @p1 [tilespmem:s19+$0xFFFFFFB0];
	v9 =	vadd.f32 @p1 v10, v9;
	[tilespmem:s19+$0x20] =	vst @p4 v11  }
0x1db: {  	v10 =	vld @p4 [tilespmem:s23+$0x30]  }
0x1dc: {  	[tilespmem:s19+$0xFFFFFFA0] =	vst @p1 v9  }
0x1dd: {  	v9 =	vld @p1 [tilespmem:s23+$0xFFFFFFF0]  }
0x1de: {  	v15 =	vld @!p1 [tilespmem:s19+$0xFFFFFFD0];
	v12 =	vmul.f32 @p4 $8.000000000e+00, v12  }
0x1df: {  	v16 =	vld @!p5 [tilespmem:s22+$0xFFFFFFC0]  }
0x1e0: {  	v10 =	vadd.f32 @p4 v10, v12;
	v12 =	vmul.f32 @p1 $8.000000000e+00, v14;
	v14 =	vld @!p4 [tilespmem:s0+$0x40]  }
0x1e1: {  	v13 =	vld @!p1 [tilespmem:s19+$0xFFFFFFC0]  }
0x1e2: {  	v11 =	vld @!p1 [tilespmem:s19+$0xFFFFFFE0];
	[tilespmem:s0+$0x30] =	vst @p4 v10;
	v9 =	vadd.f32 @p1 v9, v12  }
0x1e3: {  	v10 =	vld @!p4 [tilespmem:s23+$0x0]  }
0x1e4: {  	p2 =	por p1, p1;
	v12 =	vld @!p1 [tilespmem:s19+$0xFFFFFFF0];
	p4 =	por p4, p4;
	[tilespmem:s0+$0xFFFFFFB0] =	vst @p1 v9  }
0x1e5: {  	v6 =	vadd.f32 @!p5 v16, v6;
	v9 =	vmul.f32 @!p4 $8.000000000e+00, v14;
	v14 =	vld @!p2 [tilespmem:s23+$0xFFFFFFC0]  }
0x1e6: {  	v7 =	vmul.f32 @!p0 $8.000000000e+00, v7  }
0x1e7: {  	[tilespmem:s15+$0xFFFFFF80] =	vst @!p5 v6  }
0x1e8: {  	v6 =	vadd.f32 @!p0 v8, v7;
	v7 =	vld @!p5 [tilespmem:s22+$0xFFFFFFD0];
	v9 =	vadd.f32 @!p4 v10, v9;
	v10 =	vmul.f32 @!p1 $8.000000000e+00, v13  }
0x1e9: {  	v13 =	vld @!p4 [tilespmem:s0+$0x50]  }
0x1ea: {  	[tilespmem:s0+$0x0] =	vst @!p4 v9;
	v10 =	vadd.f32 @!p2 v14, v10;
	v14 =	vld @!p0 [tilespmem:s15+$0x60]  }
0x1eb: {  	[tilespmem:s15+$0x10] =	vst @!p0 v6;
	v9 =	vld @!p4 [tilespmem:s23+$0x10]  }
0x1ec: {  	v6 =	vld @!p0 [tilespmem:s22+$0x20];
	[tilespmem:s0+$0xFFFFFF80] =	vst @!p2 v10  }
0x1ed: {  	v10 =	vld @!p2 [tilespmem:s23+$0xFFFFFFD0]  }
0x1ee: {  	v5 =	vadd.f32 @!p5 v7, v5;
	v8 =	vmul.f32 @!p4 $8.000000000e+00, v13  }
0x1ef: {  	v7 =	vmul.f32 @!p0 $8.000000000e+00, v14  }
0x1f0: {  	[tilespmem:s15+$0xFFFFFF90] =	vst @!p5 v5;
	p5 =	por p5, p5;
	v13 =	vld @!p4 [tilespmem:s0+$0x60];
	v8 =	vadd.f32 @!p4 v9, v8;
	v9 =	vmul.f32 @!p1 $8.000000000e+00, v15  }
0x1f1: {  	v5 =	vadd.f32 @!p0 v6, v7;
	v6 =	vld @!p5 [tilespmem:s22+$0xFFFFFFE0]  }
0x1f2: {  	[tilespmem:s0+$0x10] =	vst @!p4 v8;
	v9 =	vadd.f32 @!p2 v10, v9;
	v10 =	vld @!p3 [tilespmem:s11+$0xFFFFFFE0]  }
0x1f3: {  	v8 =	vld @!p4 [tilespmem:s23+$0x20]  }
0x1f4: {  	[tilespmem:s0+$0xFFFFFF90] =	vst @!p2 v9;
	p2 =	por p2, p2  }
0x1f5: {  	v9 =	vld @!p2 [tilespmem:s23+$0xFFFFFFE0]  }
0x1f6: {  	v15 =	vld @!p0 [tilespmem:s15+$0x70];
	v7 =	vmul.f32 @!p4 $8.000000000e+00, v13;
	[tilespmem:s15+$0x20] =	vst @!p0 v5  }
0x1f7: {  	v5 =	vld @!p0 [tilespmem:s22+$0x30];
	v2 =	vadd.f32 @!p3 v10, v2  }
0x1f8: {  	v4 =	vadd.f32 @!p5 v6, v4;
	v7 =	vadd.f32 @!p4 v8, v7;
	v8 =	vmul.f32 @!p1 $8.000000000e+00, v11;
	v11 =	vld @!p6 [tilespmem:s9+$0xFFFFFFF0]  }
0x1f9: {  	v10 =	vld @!p4 [tilespmem:s0+$0x70];
	[tilespmem:s8+$0xFFFFFFA0] =	vst @!p3 v2;
	p3 =	por p3, p3  }
0x1fa: {  	[tilespmem:s15+$0xFFFFFFA0] =	vst @!p5 v4;
	p5 =	por p5, p5;
	v6 =	vadd.f32 @!p2 v9, v8;
	v8 =	vld @!p3 [tilespmem:s11+$0xFFFFFFF0]  }
0x1fb: {  	v4 =	vld @!p5 [tilespmem:s22+$0xFFFFFFF0];
	[tilespmem:s0+$0x20] =	vst @!p4 v7;
	v7 =	vmul.f32 @!p0 $8.000000000e+00, v15  }
0x1fc: {  	v2 =	vld @!p4 [tilespmem:s23+$0x30];
	[tilespmem:s0+$0xFFFFFFA0] =	vst @!p2 v6;
	p2 =	por p2, p2  }
0x1fd: {  	v5 =	vadd.f32 @!p0 v5, v7;
	v7 =	vld @!p2 [tilespmem:s23+$0xFFFFFFF0];
	v0 =	vadd.f32 @!p6 v11, v0;
	_ =	sdelay $0x1  }
0x1fe: {  	v6 =	vmul.f32 @!p4 $8.000000000e+00, v10;
	[tilespmem:s1+$0xFFFFFFB0] =	vst @!p6 v0;
	v0 =	vadd.f32 @!p3 v8, v1  }
0x1ff: {  	[tilespmem:s15+$0x30] =	vst @!p0 v5;
	v5 =	vmul.f32 @!p1 $8.000000000e+00, v12;
	v1 =	vadd.f32 @!p5 v4, v3  }
0x200: {  	v2 =	vadd.f32 @!p4 v2, v6;
	[tilespmem:s8+$0xFFFFFFB0] =	vst @!p3 v0  }
0x201: {  	[tilespmem:s15+$0xFFFFFFB0] =	vst @!p5 v1;
	v0 =	vadd.f32 @!p2 v7, v5  }
0x202: {  	[tilespmem:s0+$0x30] =	vst @!p4 v2  }
0x203: {  	[tilespmem:s0+$0xFFFFFFB0] =	vst @!p2 v0  }
0x204: {  	s0 =	rddreg [dreg:$0x18]  }
0x205: {  	[hbm4b:s0+s3] =	stream.linear.scatter [tilespmem:s30], [sflag:$0x8], $0x6400, $0x38;
	[tilespmem:$0x162E0] =	vst v63  }
0x206: {  	s2 =	simm.s32 $0xD8;
	s1 =	rddreg [dreg:$0xe]  }
0x207: {  	[tilespmem:s2], [sflag:$0x2] =	stream.linear.gather [hbm4b:s1+s3], $0xC8, $0x38;
	[tilespmem:$0x162E0] =	vst v63  }
0x208: {  	s8 =	simm.s32 $0x350;
	s6 =	rddreg [dreg:$0xf]  }
0x209: {  	[tilespmem:s8], [sflag:$0x2] =	stream.linear.gather [hbm4b:s6+s3], $0xC8, $0x38;
	[tilespmem:$0x162E0] =	vst v63  }
0x20a: {  	_ =	swait.ge [sflag:s21], $0x6400  }
0x20b: {  	[sflag:s21] =	ssyncset.done $0x0  }
0x20c: {  	[sflag:s21] =	ssyncadd.s32 $0xFFFF9C00  }
0x20d: {  	_ =	swait.ge [sflag:s25], $0xC8  }
0x20e: {  	[sflag:s25] =	ssyncset.done $0x0  }
0x20f: {  	[sflag:s25] =	ssyncadd.s32 $0xFFFFFF38  }
0x210: {  	_ =	swait.ge [sflag:s25], $0xC8  }
0x211: {  	s10 =	simm.s32 $0x4E0;
	[sflag:s25] =	ssyncset.done $0x0  }
0x212: {  	s9 =	simm.s32 $0x288;
	s11 =	simm.s32 $0x6;
	[sflag:s25] =	ssyncadd.s32 $0xFFFFFF38  }
0x213: {  	[tilespmem:s10], [sflag:$0x4] =	stream.indirect.gather [hbm4b:s4+s12], $0x80, s9, s12, $0xb8;
	[tilespmem:$0x162E0] =	vst v63  }
0x214: {  	_ =	swait.ge [sflag:s11], $0x6400  }
0x215: {  	[sflag:s11] =	ssyncset.done $0x0  }
0x216: {  	s13 =	simm.s32 $0x1B1;
	[sflag:s11] =	ssyncadd.s32 $0xFFFF9C00  }
0x217: {  	v0 =	vld [tilespmem:s13+$0x0];
	_ =	sdelay $0x3  }
0x218: {  	v1 =	vld [tilespmem:s13+$0xFFFFFFFF]  }
0x219: {  	(v2sf) =	vpush v0, $0x0;
	_ =	sdelay $0x3  }
0x21a: {  	(v2sf) =	vpush v1, $0x0;
	_ =	sdelay $0xa  }
0x21b: {  	s15 =	spop (v2sf)  }
0x21c: {  	s0 =	sand.u32 $0x1, s15  }
0x21d: {  	s1 =	simm.s32 $0xCD60;
	p0 =	seq.s32 s0, $0x0  }
0x21e: {  	v0 =	vld @p0 [tilespmem:s1+$0x0]  }
0x21f: {  	s9 =	simm.s32 $0x13120;
	s19 =	spop (v2sf);
	p0 =	por p0, p0  }
0x220: {  	s0 =	sand.u32 $0x1, s19;
	v1 =	vld @p0 [tilespmem:s9+$0x0]  }
0x221: {  	p1 =	seq.s32 s0, $0x0  }
0x222: {  	v2 =	vld @p1 [tilespmem:s1+$0xFFFFFF80]  }
0x223: {  	v0 =	vmul.f32 @p0 $8.000000000e+00, v0  }
0x224: {  	s22 =	simm.s32 $0x1B3;
	v3 =	vld @p1 [tilespmem:s9+$0xFFFFFFC0]  }
0x225: {  	v4 =	vld [tilespmem:s22+$0x0];
	v0 =	vadd.f32 @p0 v1, v0  }
0x226: {  	v1 =	vld @p0 [tilespmem:s1+$0x10]  }
0x227: {  	v2 =	vmul.f32 @p1 $8.000000000e+00, v2;
	[tilespmem:s1+$0x0] =	vst @p0 v0  }
0x228: {  	p2 =	por p1, p1;
	v0 =	vld @p0 [tilespmem:s9+$0x10]  }
0x229: {  	v2 =	vadd.f32 @p2 v3, v2  }
0x22a: {  	v5 =	vld @p1 [tilespmem:s1+$0xFFFFFF90]  }
0x22b: {  	(v2sf) =	vpush v4, $0x0;
	v3 =	vld [tilespmem:s22+$0xFFFFFFFF];
	[tilespmem:s1+$0xFFFFFF80] =	vst @p2 v2;
	v1 =	vmul.f32 @p0 $8.000000000e+00, v1  }
0x22c: {  	v2 =	vld @p2 [tilespmem:s9+$0xFFFFFFD0]  }
0x22d: {  	v0 =	vadd.f32 @p0 v0, v1  }
0x22e: {  	v1 =	vld @p0 [tilespmem:s1+$0x20]  }
0x22f: {  	v4 =	vmul.f32 @p2 $8.000000000e+00, v5;
	[tilespmem:s1+$0x10] =	vst @p0 v0  }
0x230: {  	(v2sf) =	vpush v3, $0x0;
	v0 =	vld @p0 [tilespmem:s9+$0x20]  }
0x231: {  	v2 =	vadd.f32 @p2 v2, v4  }
0x232: {  	v6 =	vld @p1 [tilespmem:s1+$0xFFFFFFA0]  }
0x233: {  	[tilespmem:s1+$0xFFFFFF90] =	vst @p2 v2;
	v1 =	vmul.f32 @p0 $8.000000000e+00, v1  }
0x234: {  	v2 =	vld @p2 [tilespmem:s9+$0xFFFFFFE0]  }
0x235: {  	v0 =	vadd.f32 @p0 v0, v1  }
0x236: {  	v5 =	vld @p0 [tilespmem:s1+$0x30]  }
0x237: {  	v6 =	vmul.f32 @p2 $8.000000000e+00, v6;
	[tilespmem:s1+$0x20] =	vst @p0 v0  }
0x238: {  	v7 =	vld @p0 [tilespmem:s9+$0x30]  }
0x239: {  	v2 =	vadd.f32 @p2 v2, v6  }
0x23a: {  	s23 =	spop (v2sf);
	v3 =	vld @p2 [tilespmem:s1+$0xFFFFFFB0]  }
0x23b: {  	s0 =	sand.u32 $0x1, s23;
	v4 =	vld @!p2 [tilespmem:s1+$0xFFFFFFC0];
	[tilespmem:s1+$0xFFFFFFA0] =	vst @p2 v2;
	v2 =	vmul.f32 @p0 $8.000000000e+00, v5  }
0x23c: {  	s8 =	simm.s32 $0xCE60;
	p1 =	seq.s32 s0, $0x0;
	v1 =	vld @!p2 [tilespmem:s1+$0xFFFFFFD0]  }
0x23d: {  	v6 =	vld @p1 [tilespmem:s8+$0x0];
	v2 =	vadd.f32 @p0 v7, v2  }
0x23e: {  	v0 =	vld @!p2 [tilespmem:s1+$0xFFFFFFE0]  }
0x23f: {  	s11 =	simm.s32 $0x131A0;
	s24 =	spop (v2sf);
	v7 =	vld @!p0 [tilespmem:s1+$0x40];
	[tilespmem:s1+$0x30] =	vst @p0 v2  }
0x240: {  	p5 =	por p1, p1;
	s0 =	sand.u32 $0x1, s24;
	v8 =	vld @!p0 [tilespmem:s9+$0x0];
	p0 =	por p0, p0  }
0x241: {  	p1 =	seq.s32 s0, $0x0;
	v2 =	vld @p5 [tilespmem:s11+$0x0];
	s0 =	simm.s32 @!p0 $0x0  }
0x242: {  	v5 =	vld @p2 [tilespmem:s9+$0xFFFFFFF0];
	s0 =	simm.s32 @p0 $0x1  }
0x243: {  	v9 =	vld @p1 [tilespmem:s8+$0xFFFFFF80];
	[smem:$0x7EF] =	sst s0  }
0x244: {  	v6 =	vmul.f32 @p5 $8.000000000e+00, v6;
	v10 =	vld @p1 [tilespmem:s11+$0xFFFFFFC0]  }
0x245: {  	v7 =	vmul.f32 @!p0 $8.000000000e+00, v7;
	v11 =	vld @p1 [tilespmem:s8+$0xFFFFFF90]  }
0x246: {  	v12 =	vld @!p0 [tilespmem:s1+$0x50];
	v2 =	vadd.f32 @p5 v2, v6  }
0x247: {  	s2 =	simm.s32 $0x1B5;
	v6 =	vadd.f32 @!p0 v8, v7;
	v7 =	vld @p5 [tilespmem:s8+$0x10]  }
0x248: {  	v8 =	vld [tilespmem:s2+$0x0];
	[tilespmem:s8+$0x0] =	vst @p5 v2  }
0x249: {  	v2 =	vmul.f32 @p1 $8.000000000e+00, v9;
	[tilespmem:s1+$0x0] =	vst @!p0 v6;
	v6 =	vld @p5 [tilespmem:s11+$0x10]  }
0x24a: {  	p3 =	por p1, p1;
	v13 =	vld [tilespmem:s2+$0xFFFFFFFF]  }
0x24b: {  	v3 =	vmul.f32 @p2 $8.000000000e+00, v3;
	v9 =	vld @!p0 [tilespmem:s9+$0x10];
	v10 =	vadd.f32 @p3 v10, v2  }
0x24c: {  	v14 =	vld @p1 [tilespmem:s8+$0xFFFFFFA0];
	v7 =	vmul.f32 @p5 $8.000000000e+00, v7  }
0x24d: {  	v3 =	vadd.f32 @p2 v5, v3;
	v5 =	vld @p3 [tilespmem:s8+$0xFFFFFFB0];
	[tilespmem:s8+$0xFFFFFF80] =	vst @p3 v10  }
0x24e: {  	(v2sf) =	vpush v8, $0x0;
	v10 =	vmul.f32 @!p0 $8.000000000e+00, v12;
	v12 =	vld @p3 [tilespmem:s11+$0xFFFFFFD0];
	v6 =	vadd.f32 @p5 v6, v7  }
0x24f: {  	v7 =	vld @p5 [tilespmem:s8+$0x20]  }
0x250: {  	v8 =	vadd.f32 @!p0 v9, v10;
	v9 =	vld @!p0 [tilespmem:s1+$0x60];
	[tilespmem:s8+$0x10] =	vst @p5 v6  }
0x251: {  	[tilespmem:s1+$0xFFFFFFB0] =	vst @p2 v3;
	v6 =	vmul.f32 @p3 $8.000000000e+00, v11;
	v10 =	vld @p5 [tilespmem:s11+$0x20]  }
0x252: {  	v3 =	vld @!p3 [tilespmem:s8+$0xFFFFFFC0];
	(v2sf) =	vpush v13, $0x0;
	[tilespmem:s1+$0x10] =	vst @!p0 v8  }
0x253: {  	v8 =	vld @!p0 [tilespmem:s9+$0x20];
	v6 =	vadd.f32 @p3 v12, v6  }
0x254: {  	p4 =	por p2, p2;
	v2 =	vld @!p2 [tilespmem:s1+$0xFFFFFFF0];
	v7 =	vmul.f32 @p5 $8.000000000e+00, v7  }
0x255: {  	s0 =	simm.s32 @!p2 $0x0;
	[tilespmem:s8+$0xFFFFFF90] =	vst @p3 v6;
	v6 =	vld @!p4 [tilespmem:s9+$0xFFFFFFC0]  }
0x256: {  	s0 =	simm.s32 @p2 $0x1;
	v9 =	vmul.f32 @!p0 $8.000000000e+00, v9;
	v11 =	vld @p3 [tilespmem:s11+$0xFFFFFFE0];
	v7 =	vadd.f32 @p5 v10, v7  }
0x257: {  	v10 =	vld @p5 [tilespmem:s8+$0x30];
	[smem:$0x7EE] =	sst s0  }
0x258: {  	v4 =	vmul.f32 @!p2 $8.000000000e+00, v4;
	v8 =	vadd.f32 @!p0 v8, v9;
	v9 =	vld @!p0 [tilespmem:s1+$0x70];
	[tilespmem:s8+$0x20] =	vst @p5 v7  }
0x259: {  	v12 =	vld @p5 [tilespmem:s11+$0x30]  }
0x25a: {  	s13 =	simm.s32 $0x1B7;
	v13 =	vld @!p3 [tilespmem:s8+$0xFFFFFFD0];
	v4 =	vadd.f32 @!p4 v6, v4  }
0x25b: {  	v19 =	vld [tilespmem:s13+$0x0];
	v7 =	vmul.f32 @p3 $8.000000000e+00, v14;
	[tilespmem:s1+$0x20] =	vst @!p0 v8  }
0x25c: {  	v8 =	vld @!p3 [tilespmem:s8+$0xFFFFFFE0];
	[tilespmem:s1+$0xFFFFFF80] =	vst @!p4 v4;
	v4 =	vmul.f32 @p5 $8.000000000e+00, v10  }
0x25d: {  	v6 =	vld @!p0 [tilespmem:s9+$0x30];
	v7 =	vadd.f32 @p3 v11, v7;
	s6 =	spop (v2sf)  }
0x25e: {  	v11 =	vld @!p5 [tilespmem:s8+$0x40];
	s0 =	sand.u32 $0x1, s6;
	v4 =	vadd.f32 @p5 v12, v4  }
0x25f: {  	s15 =	simm.s32 $0xCF60;
	[tilespmem:s8+$0xFFFFFFA0] =	vst @p3 v7;
	v7 =	vld @!p4 [tilespmem:s9+$0xFFFFFFD0];
	p0 =	seq.s32 s0, $0x0  }
0x260: {  	v12 =	vld @p0 [tilespmem:s15+$0x0];
	[tilespmem:s8+$0x30] =	vst @p5 v4  }
0x261: {  	s22 =	simm.s32 $0x13220;
	s6 =	spop (v2sf);
	p0 =	por p0, p0;
	v4 =	vld @!p5 [tilespmem:s11+$0x0]  }
0x262: {  	s10 =	sand.u32 $0x1, s6;
	v15 =	vld @p0 [tilespmem:s22+$0x0]  }
0x263: {  	p6 =	por p5, p5;
	v10 =	vld @p3 [tilespmem:s11+$0xFFFFFFF0];
	p1 =	seq.s32 s10, $0x0  }
0x264: {  	v14 =	vld @p1 [tilespmem:s15+$0xFFFFFF80];
	v11 =	vmul.f32 @!p6 $8.000000000e+00, v11  }
0x265: {  	v16 =	vld @p1 [tilespmem:s22+$0xFFFFFFC0];
	v12 =	vmul.f32 @p0 $8.000000000e+00, v12  }
0x266: {  	v17 =	vld @p1 [tilespmem:s15+$0xFFFFFF90];
	v4 =	vadd.f32 @!p6 v4, v11  }
0x267: {  	v12 =	vadd.f32 @p0 v15, v12;
	v11 =	vld @!p6 [tilespmem:s8+$0x50]  }
0x268: {  	v5 =	vmul.f32 @p3 $8.000000000e+00, v5;
	v15 =	vld @p0 [tilespmem:s15+$0x10];
	[tilespmem:s8+$0x0] =	vst @!p6 v4  }
0x269: {  	[tilespmem:s15+$0x0] =	vst @p0 v12;
	v4 =	vmul.f32 @p1 $8.000000000e+00, v14;
	v14 =	vld @!p6 [tilespmem:s11+$0x10]  }
0x26a: {  	p5 =	por p1, p1;
	v5 =	vadd.f32 @p3 v10, v5;
	v12 =	vld @p0 [tilespmem:s22+$0x10]  }
0x26b: {  	v18 =	vld @p1 [tilespmem:s15+$0xFFFFFFA0];
	v4 =	vadd.f32 @p5 v16, v4  }
0x26c: {  	[tilespmem:s8+$0xFFFFFFB0] =	vst @p3 v5;
	v5 =	vld @!p5 [tilespmem:s15+$0xFFFFFFC0];
	v11 =	vmul.f32 @!p6 $8.000000000e+00, v11  }
0x26d: {  	v16 =	vld @!p3 [tilespmem:s8+$0xFFFFFFF0];
	v15 =	vmul.f32 @p0 $8.000000000e+00, v15;
	[tilespmem:s15+$0xFFFFFF80] =	vst @p5 v4  }
0x26e: {  	v20 =	vld @p5 [tilespmem:s22+$0xFFFFFFD0];
	v11 =	vadd.f32 @!p6 v14, v11  }
0x26f: {  	v4 =	vld [tilespmem:s13+$0xFFFFFFFF];
	v12 =	vadd.f32 @p0 v12, v15  }
0x270: {  	[tilespmem:s8+$0x10] =	vst @!p6 v11;
	v11 =	vld @p0 [tilespmem:s15+$0x20]  }
0x271: {  	v17 =	vmul.f32 @p5 $8.000000000e+00, v17;
	p1 =	por p3, p3;
	v15 =	vld @!p6 [tilespmem:s8+$0x60];
	[tilespmem:s15+$0x10] =	vst @p0 v12  }
0x272: {  	s0 =	simm.s32 @!p1 $0x0;
	v12 =	vld @p0 [tilespmem:s22+$0x20]  }
0x273: {  	(v2sf) =	vpush v19, $0x0;
	s0 =	simm.s32 @p1 $0x1;
	v14 =	vld @p5 [tilespmem:s15+$0xFFFFFFB0];
	v10 =	vadd.f32 @p5 v20, v17  }
0x274: {  	(v2sf) =	vpush v4, $0x0;
	v4 =	vld @!p6 [tilespmem:s11+$0x20];
	[smem:$0x7F0] =	sst s0  }
0x275: {  	[tilespmem:s15+$0xFFFFFF90] =	vst @p5 v10;
	v10 =	vld @!p1 [tilespmem:s11+$0xFFFFFFC0];
	v11 =	vmul.f32 @p0 $8.000000000e+00, v11;
	_ =	sdelay $0x1  }
0x276: {  	v1 =	vmul.f32 @!p2 $8.000000000e+00, v1;
	v17 =	vld @p5 [tilespmem:s22+$0xFFFFFFE0];
	v11 =	vadd.f32 @p0 v12, v11  }
0x277: {  	v3 =	vmul.f32 @!p3 $8.000000000e+00, v3;
	v12 =	vmul.f32 @p5 $8.000000000e+00, v18;
	v18 =	vld @p0 [tilespmem:s15+$0x30]  }
0x278: {  	v1 =	vadd.f32 @!p4 v7, v1;
	v15 =	vmul.f32 @!p6 $8.000000000e+00, v15;
	[tilespmem:s15+$0x20] =	vst @p0 v11  }
0x279: {  	v3 =	vadd.f32 @!p1 v10, v3;
	v11 =	vld @p0 [tilespmem:s22+$0x30]  }
0x27a: {  	[tilespmem:s1+$0xFFFFFF90] =	vst @!p4 v1;
	v4 =	vadd.f32 @!p6 v4, v15  }
0x27b: {  	v19 =	vld @!p5 [tilespmem:s15+$0xFFFFFFD0];
	v10 =	vadd.f32 @p5 v17, v12;
	[tilespmem:s8+$0xFFFFFF80] =	vst @!p1 v3  }
0x27c: {  	[tilespmem:s8+$0x20] =	vst @!p6 v4;
	v3 =	vld @!p1 [tilespmem:s11+$0xFFFFFFD0];
	p1 =	por p4, p4;
	v1 =	vmul.f32 @p0 $8.000000000e+00, v18  }
0x27d: {  	v15 =	vld @!p6 [tilespmem:s8+$0x70];
	[tilespmem:s15+$0xFFFFFFA0] =	vst @p5 v10;
	s0 =	simm.s32 @!p1 $0x0  }
0x27e: {  	v4 =	vld @!p6 [tilespmem:s11+$0x30];
	s24 =	sld [smem:$0x7EF];
	s0 =	simm.s32 @p1 $0x1;
	v1 =	vadd.f32 @p0 v11, v1  }
0x27f: {  	v12 =	vld @!p5 [tilespmem:s15+$0xFFFFFFE0];
	[smem:$0x7F1] =	sst s0  }
0x280: {  	[tilespmem:s15+$0x30] =	vst @p0 v1  }
0x281: {  	v10 =	vld @!p1 [tilespmem:s9+$0xFFFFFFE0];
	p1 =	seq.s32 s24, $0x1;
	s6 =	sld [smem:$0x7EE]  }
0x282: {  	v9 =	vmul.f32 @!p1 $8.000000000e+00, v9;
	s10 =	sld [smem:$0x7EF]  }
0x283: {  	v1 =	vmul.f32 @!p6 $8.000000000e+00, v15  }
0x284: {  	s19 =	spop (v2sf);
	v7 =	vld @p5 [tilespmem:s22+$0xFFFFFFF0];
	v6 =	vadd.f32 @!p1 v6, v9;
	p1 =	seq.s32 s6, $0x1  }
0x285: {  	s0 =	sand.u32 $0x1, s19;
	v17 =	vld @!p5 [tilespmem:s15+$0xFFFFFFF0];
	v1 =	vadd.f32 @!p6 v4, v1;
	v9 =	vmul.f32 @!p1 $8.000000000e+00, v0;
	v0 =	vmul.f32 @!p1 $8.000000000e+00, v2;
	p1 =	seq.s32 s10, $0x1  }
0x286: {  	s19 =	simm.s32 $0xD060;
	s23 =	spop (v2sf);
	v11 =	vld @!p0 [tilespmem:s15+$0x40];
	p4 =	seq.s32 s0, $0x0;
	[tilespmem:s1+$0x30] =	vst @!p1 v6  }
0x287: {  	s2 =	sand.u32 $0x1, s23;
	v18 =	vld @p4 [tilespmem:s19+$0x0];
	s13 =	sld [smem:$0x7F0];
	[tilespmem:s8+$0x30] =	vst @!p6 v1  }
0x288: {  	v15 =	vld @!p0 [tilespmem:s22+$0x0];
	p2 =	seq.s32 s2, $0x0;
	s24 =	sld [smem:$0x7F1]  }
0x289: {  	v13 =	vmul.f32 @!p3 $8.000000000e+00, v13;
	p4 =	por p4, p4;
	s23 =	simm.s32 $0x132A0;
	v20 =	vld @p2 [tilespmem:s19+$0xFFFFFF80]  }
0x28a: {  	p0 =	por p0, p0;
	v21 =	vld @p4 [tilespmem:s23+$0x0];
	v2 =	vmul.f32 @!p3 $8.000000000e+00, v8;
	v8 =	vmul.f32 @p5 $8.000000000e+00, v14;
	p1 =	seq.s32 s13, $0x1  }
0x28b: {  	v4 =	vmul.f32 @!p0 $8.000000000e+00, v11;
	v3 =	vadd.f32 @!p1 v3, v13;
	v13 =	vld @p2 [tilespmem:s23+$0xFFFFFFC0];
	p6 =	seq.s32 s24, $0x1  }
0x28c: {  	v8 =	vadd.f32 @p5 v7, v8;
	v7 =	vld @!p0 [tilespmem:s15+$0x50];
	v11 =	vadd.f32 @!p6 v10, v9  }
0x28d: {  	v14 =	vmul.f32 @p4 $8.000000000e+00, v18;
	v10 =	vld @p2 [tilespmem:s19+$0xFFFFFF90];
	[tilespmem:s8+$0xFFFFFF90] =	vst @!p1 v3;
	v3 =	vadd.f32 @!p0 v15, v4  }
0x28e: {  	s0 =	simm.s32 $0xD060;
	v6 =	vmul.f32 @!p5 $8.000000000e+00, v5;
	v9 =	vld @p2 [tilespmem:s19+$0xFFFFFFA0];
	v15 =	vmul.f32 @p2 $8.000000000e+00, v20;
	[tilespmem:s1+$0xFFFFFFA0] =	vst @!p6 v11  }
0x28f: {  	s6 =	simm.s32 $0x6;
	v1 =	vmul.f32 @!p3 $8.000000000e+00, v16;
	p3 =	por p1, p1;
	v4 =	vmul.f32 @!p5 $8.000000000e+00, v12;
	p1 =	por p2, p2;
	v12 =	vadd.f32 @p4 v21, v14;
	v11 =	vld @p4 [tilespmem:s19+$0x10];
	[tilespmem:s15+$0x0] =	vst @!p0 v3  }
0x290: {  	s10 =	simm.s32 $0x1B9;
	v5 =	vmul.f32 @!p5 $8.000000000e+00, v19;
	[tilespmem:s15+$0xFFFFFFB0] =	vst @p5 v8;
	p6 =	por p6, p6;
	v3 =	vmul.f32 @!p5 $8.000000000e+00, v17;
	p5 =	por p5, p5;
	v13 =	vadd.f32 @p1 v13, v15;
	v8 =	vld @!p0 [tilespmem:s22+$0x10]  }
.LBB2_6:
0x291: {  	v14 =	vld [tilespmem:s10+$0x0];
	[tilespmem:s19+$0x0] =	vst @p4 v12  }
0x292: {  	[tilespmem:s19+$0xFFFFFF80] =	vst @p1 v13;
	v12 =	vld @p4 [tilespmem:s23+$0x10]  }
0x293: {  	v13 =	vld [tilespmem:s10+$0xFFFFFFFF]  }
0x294: {  	v15 =	vld @p1 [tilespmem:s23+$0xFFFFFFD0]  }
0x295: {  	v7 =	vmul.f32 @!p0 $8.000000000e+00, v7  }
0x296: {  	v16 =	vld @p1 [tilespmem:s19+$0xFFFFFFB0];
	v11 =	vmul.f32 @p4 $8.000000000e+00, v11  }
0x297: {  	v10 =	vmul.f32 @p1 $8.000000000e+00, v10;
	v7 =	vadd.f32 @!p0 v8, v7;
	v8 =	vld @!p0 [tilespmem:s15+$0x60]  }
0x298: {  	(v2sf) =	vpush v14, $0x0;
	v11 =	vadd.f32 @p4 v12, v11;
	v12 =	vld @p4 [tilespmem:s19+$0x20]  }
0x299: {  	(v2sf) =	vpush v13, $0x0;
	v10 =	vadd.f32 @p1 v15, v10;
	v13 =	vld @!p1 [tilespmem:s19+$0xFFFFFFC0];
	[tilespmem:s15+$0x10] =	vst @!p0 v7  }
0x29a: {  	v7 =	vld @!p0 [tilespmem:s22+$0x20];
	[tilespmem:s19+$0x10] =	vst @p4 v11  }
0x29b: {  	[tilespmem:s19+$0xFFFFFF90] =	vst @p1 v10;
	v14 =	vld @p4 [tilespmem:s23+$0x20]  }
0x29c: {  	v10 =	vld @!p5 [tilespmem:s22+$0xFFFFFFC0]  }
0x29d: {  	v15 =	vld @p1 [tilespmem:s23+$0xFFFFFFE0];
	v8 =	vmul.f32 @!p0 $8.000000000e+00, v8;
	_ =	sdelay $0x1  }
0x29e: {  	v12 =	vmul.f32 @p4 $8.000000000e+00, v12;
	v7 =	vadd.f32 @!p0 v7, v8  }
0x29f: {  	v9 =	vmul.f32 @p1 $8.000000000e+00, v9;
	v8 =	vmul.f32 @!p1 $8.000000000e+00, v13;
	v13 =	vld @!p0 [tilespmem:s15+$0x70]  }
0x2a0: {  	v12 =	vadd.f32 @p4 v14, v12;
	v14 =	vld @p4 [tilespmem:s19+$0x30];
	[tilespmem:s15+$0x20] =	vst @!p0 v7;
	v7 =	vadd.f32 @!p5 v10, v6  }
0x2a1: {  	v11 =	vmul.f32 @p1 $8.000000000e+00, v16;
	v16 =	vld @!p1 [tilespmem:s19+$0xFFFFFFD0];
	v6 =	vmov v8;
	v8 =	vadd.f32 @p1 v15, v9  }
0x2a2: {  	v10 =	vld @!p0 [tilespmem:s22+$0x30];
	[tilespmem:s15+$0xFFFFFF80] =	vst @!p5 v7  }
0x2a3: {  	v9 =	vld @!p1 [tilespmem:s19+$0xFFFFFFE0];
	[tilespmem:s19+$0xFFFFFFA0] =	vst @p1 v8  }
0x2a4: {  	s2 =	simm.s32 @!p6 $0x0;
	s6 =	sadd.s32 $0x2, s6;
	[tilespmem:s19+$0x20] =	vst @p4 v12;
	v7 =	vld @!p5 [tilespmem:s22+$0xFFFFFFD0]  }
0x2a5: {  	s2 =	simm.s32 @p6 $0x1;
	p2 =	slt.u32 s6, $0xC6;
	v15 =	vld @p4 [tilespmem:s23+$0x30];
	v8 =	vmul.f32 @!p0 $8.000000000e+00, v13  }
0x2a6: {  	[smem:$0x7EC] =	sst s2;
	s2 =	simm.s32 @!p2 $0x0;
	v13 =	vld @p1 [tilespmem:s23+$0xFFFFFFF0]  }
0x2a7: {  	s2 =	simm.s32 @p2 $0x1;
	v8 =	vadd.f32 @!p0 v10, v8;
	v10 =	vld @!p3 [tilespmem:s11+$0xFFFFFFE0]  }
0x2a8: {  	[smem:$0x7ED] =	sst s2;
	v12 =	vmul.f32 @!p1 $8.000000000e+00, v16;
	v16 =	vld @!p1 [tilespmem:s19+$0xFFFFFFF0];
	v14 =	vmul.f32 @p4 $8.000000000e+00, v14;
	s13 =	spop (v2sf)  }
0x2a9: {  	s19 =	sadd.s32 $0x100, s19;
	s13 =	sand.u32 $0x1, s13;
	s24 =	spop (v2sf);
	[tilespmem:s15+$0x30] =	vst @!p0 v8;
	v8 =	vld @!p6 [tilespmem:s9+$0xFFFFFFF0];
	v7 =	vadd.f32 @!p5 v7, v5  }
0x2aa: {  	v14 =	vadd.f32 @p4 v15, v14;
	s2 =	sand.u32 $0x1, s24;
	p6 =	seq.s32 s13, $0x0;
	s13 =	sld [smem:$0x7EC];
	v15 =	vld @!p4 [tilespmem:s0+$0x40]  }
0x2ab: {  	s9 =	smov.u32 s11;
	p2 =	seq.s32 s2, $0x0;
	v5 =	vmov v12;
	v12 =	vld @p6 [tilespmem:s19+$0x0];
	v11 =	vadd.f32 @p1 v13, v11;
	[tilespmem:s15+$0xFFFFFF90] =	vst @!p5 v7  }
0x2ac: {  	s11 =	smov.u32 s22;
	s22 =	smov.u32 s23;
	p0 =	por p4, p4;
	[tilespmem:s0+$0x30] =	vst @p4 v14;
	v7 =	vadd.f32 @!p3 v10, v2;
	v14 =	vld @p2 [tilespmem:s19+$0xFFFFFF80]  }
0x2ad: {  	v9 =	vmul.f32 @!p1 $8.000000000e+00, v9;
	v13 =	vld @!p4 [tilespmem:s23+$0x0];
	p4 =	por p6, p6;
	s23 =	sadd.s32 $0x80, s23;
	p6 =	seq.s32 s13, $0x1;
	[tilespmem:s0+$0xFFFFFFB0] =	vst @p1 v11  }
0x2ae: {  	s24 =	sld [smem:$0x7ED];
	v11 =	vld @p4 [tilespmem:s23+$0x0];
	[tilespmem:s8+$0xFFFFFFA0] =	vst @!p3 v7;
	v7 =	vadd.f32 @!p6 v8, v0  }
0x2af: {  	v2 =	vmov v4;
	v4 =	vmov v9;
	v9 =	vmul.f32 @!p1 $8.000000000e+00, v16;
	v8 =	vld @p2 [tilespmem:s23+$0xFFFFFFC0]  }
0x2b0: {  	v10 =	vld @p2 [tilespmem:s19+$0xFFFFFF90];
	[tilespmem:s1+$0xFFFFFFB0] =	vst @!p6 v7;
	p6 =	por p3, p3;
	p3 =	por p5, p5  }
0x2b1: {  	v0 =	vmovc v1;
	v1 =	vmovc v3;
	v3 =	vmov v9;
	v15 =	vmul.f32 @!p0 $8.000000000e+00, v15;
	p5 =	por p1, p1;
	p1 =	por p2, p2;
	v9 =	vld @p2 [tilespmem:s19+$0xFFFFFFA0];
	v14 =	vmul.f32 @p2 $8.000000000e+00, v14;
	p2 =	seq.s32 s24, $0x1  }
.Ltmp2:
0x2b2: {  	_ = 	snop;
	(pc) =	sbr.rel @p2 .LBB2_6-.Ltmp2, $4  }
0x2b3: {  	v12 =	vmul.f32 @p4 $8.000000000e+00, v12;
	s1 =	smov.u32 s8;
	s8 =	smov.u32 s15;
	s15 =	smov.u32 s0;
	v13 =	vadd.f32 @!p0 v13, v15  }
0x2b4: {  	v7 =	vld @!p0 [tilespmem:s15+$0x50]  }
0x2b5: {  	v12 =	vadd.f32 @p4 v11, v12;
	v11 =	vld @p4 [tilespmem:s19+$0x10];
	[tilespmem:s15+$0x0] =	vst @!p0 v13  }
0x2b6: {  	s10 =	sadd.s32 $0x2, s10;
	s0 =	smov.u32 s19;
	v13 =	vadd.f32 @p1 v8, v14;
	v8 =	vld @!p0 [tilespmem:s22+$0x10]  }
0x2b7: {  	[tilespmem:s19+$0x0] =	vst @p4 v12  }
0x2b8: {  	v12 =	vld @p4 [tilespmem:s23+$0x10]  }
0x2b9: {  	[tilespmem:s19+$0xFFFFFF80] =	vst @p1 v13  }
0x2ba: {  	v13 =	vld @p1 [tilespmem:s23+$0xFFFFFFD0]  }
0x2bb: {  	v11 =	vmul.f32 @p4 $8.000000000e+00, v11;
	_ =	sdelay $0x1  }
0x2bc: {  	v10 =	vmul.f32 @p1 $8.000000000e+00, v10;
	v11 =	vadd.f32 @p4 v12, v11  }
0x2bd: {  	v12 =	vld @p4 [tilespmem:s19+$0x20]  }
0x2be: {  	v10 =	vadd.f32 @p1 v13, v10;
	[tilespmem:s19+$0x10] =	vst @p4 v11  }
0x2bf: {  	v11 =	vld @p4 [tilespmem:s23+$0x20]  }
0x2c0: {  	[tilespmem:s19+$0xFFFFFF90] =	vst @p1 v10  }
0x2c1: {  	v10 =	vld @p1 [tilespmem:s23+$0xFFFFFFE0]  }
0x2c2: {  	v12 =	vmul.f32 @p4 $8.000000000e+00, v12;
	_ =	sdelay $0x1  }
0x2c3: {  	v9 =	vmul.f32 @p1 $8.000000000e+00, v9;
	v11 =	vadd.f32 @p4 v11, v12  }
0x2c4: {  	v12 =	vld @p4 [tilespmem:s19+$0x30]  }
0x2c5: {  	v14 =	vld @p1 [tilespmem:s19+$0xFFFFFFB0];
	v9 =	vadd.f32 @p1 v10, v9;
	[tilespmem:s19+$0x20] =	vst @p4 v11  }
0x2c6: {  	v10 =	vld @p4 [tilespmem:s23+$0x30]  }
0x2c7: {  	[tilespmem:s19+$0xFFFFFFA0] =	vst @p1 v9  }
0x2c8: {  	v9 =	vld @p1 [tilespmem:s23+$0xFFFFFFF0]  }
0x2c9: {  	v15 =	vld @!p1 [tilespmem:s19+$0xFFFFFFD0];
	v12 =	vmul.f32 @p4 $8.000000000e+00, v12  }
0x2ca: {  	v16 =	vld @!p5 [tilespmem:s22+$0xFFFFFFC0]  }
0x2cb: {  	v10 =	vadd.f32 @p4 v10, v12;
	v12 =	vmul.f32 @p1 $8.000000000e+00, v14;
	v14 =	vld @!p4 [tilespmem:s0+$0x40]  }
0x2cc: {  	v13 =	vld @!p1 [tilespmem:s19+$0xFFFFFFC0]  }
0x2cd: {  	v11 =	vld @!p1 [tilespmem:s19+$0xFFFFFFE0];
	[tilespmem:s0+$0x30] =	vst @p4 v10;
	v9 =	vadd.f32 @p1 v9, v12  }
0x2ce: {  	v10 =	vld @!p4 [tilespmem:s23+$0x0]  }
0x2cf: {  	p2 =	por p1, p1;
	v12 =	vld @!p1 [tilespmem:s19+$0xFFFFFFF0];
	p4 =	por p4, p4;
	[tilespmem:s0+$0xFFFFFFB0] =	vst @p1 v9  }
0x2d0: {  	v6 =	vadd.f32 @!p5 v16, v6;
	v9 =	vmul.f32 @!p4 $8.000000000e+00, v14;
	v14 =	vld @!p2 [tilespmem:s23+$0xFFFFFFC0]  }
0x2d1: {  	v7 =	vmul.f32 @!p0 $8.000000000e+00, v7  }
0x2d2: {  	[tilespmem:s15+$0xFFFFFF80] =	vst @!p5 v6  }
0x2d3: {  	v6 =	vadd.f32 @!p0 v8, v7;
	v7 =	vld @!p5 [tilespmem:s22+$0xFFFFFFD0];
	v9 =	vadd.f32 @!p4 v10, v9;
	v10 =	vmul.f32 @!p1 $8.000000000e+00, v13  }
0x2d4: {  	v13 =	vld @!p4 [tilespmem:s0+$0x50]  }
0x2d5: {  	[tilespmem:s0+$0x0] =	vst @!p4 v9;
	v10 =	vadd.f32 @!p2 v14, v10;
	v14 =	vld @!p0 [tilespmem:s15+$0x60]  }
0x2d6: {  	[tilespmem:s15+$0x10] =	vst @!p0 v6;
	v9 =	vld @!p4 [tilespmem:s23+$0x10]  }
0x2d7: {  	v6 =	vld @!p0 [tilespmem:s22+$0x20];
	[tilespmem:s0+$0xFFFFFF80] =	vst @!p2 v10  }
0x2d8: {  	v10 =	vld @!p2 [tilespmem:s23+$0xFFFFFFD0]  }
0x2d9: {  	v5 =	vadd.f32 @!p5 v7, v5;
	v8 =	vmul.f32 @!p4 $8.000000000e+00, v13  }
0x2da: {  	v7 =	vmul.f32 @!p0 $8.000000000e+00, v14  }
0x2db: {  	[tilespmem:s15+$0xFFFFFF90] =	vst @!p5 v5;
	p5 =	por p5, p5;
	v13 =	vld @!p4 [tilespmem:s0+$0x60];
	v8 =	vadd.f32 @!p4 v9, v8;
	v9 =	vmul.f32 @!p1 $8.000000000e+00, v15  }
0x2dc: {  	v5 =	vadd.f32 @!p0 v6, v7;
	v6 =	vld @!p5 [tilespmem:s22+$0xFFFFFFE0]  }
0x2dd: {  	[tilespmem:s0+$0x10] =	vst @!p4 v8;
	v9 =	vadd.f32 @!p2 v10, v9;
	v10 =	vld @!p3 [tilespmem:s11+$0xFFFFFFE0]  }
0x2de: {  	v8 =	vld @!p4 [tilespmem:s23+$0x20]  }
0x2df: {  	[tilespmem:s0+$0xFFFFFF90] =	vst @!p2 v9;
	p2 =	por p2, p2  }
0x2e0: {  	v9 =	vld @!p2 [tilespmem:s23+$0xFFFFFFE0]  }
0x2e1: {  	v15 =	vld @!p0 [tilespmem:s15+$0x70];
	v7 =	vmul.f32 @!p4 $8.000000000e+00, v13;
	[tilespmem:s15+$0x20] =	vst @!p0 v5  }
0x2e2: {  	v5 =	vld @!p0 [tilespmem:s22+$0x30];
	v2 =	vadd.f32 @!p3 v10, v2  }
0x2e3: {  	v4 =	vadd.f32 @!p5 v6, v4;
	v7 =	vadd.f32 @!p4 v8, v7;
	v8 =	vmul.f32 @!p1 $8.000000000e+00, v11;
	v11 =	vld @!p6 [tilespmem:s9+$0xFFFFFFF0]  }
0x2e4: {  	v10 =	vld @!p4 [tilespmem:s0+$0x70];
	[tilespmem:s8+$0xFFFFFFA0] =	vst @!p3 v2;
	p3 =	por p3, p3  }
0x2e5: {  	[tilespmem:s15+$0xFFFFFFA0] =	vst @!p5 v4;
	p5 =	por p5, p5;
	v6 =	vadd.f32 @!p2 v9, v8;
	v8 =	vld @!p3 [tilespmem:s11+$0xFFFFFFF0]  }
0x2e6: {  	v4 =	vld @!p5 [tilespmem:s22+$0xFFFFFFF0];
	[tilespmem:s0+$0x20] =	vst @!p4 v7;
	v7 =	vmul.f32 @!p0 $8.000000000e+00, v15  }
0x2e7: {  	v2 =	vld @!p4 [tilespmem:s23+$0x30];
	[tilespmem:s0+$0xFFFFFFA0] =	vst @!p2 v6;
	p2 =	por p2, p2  }
0x2e8: {  	v5 =	vadd.f32 @!p0 v5, v7;
	v7 =	vld @!p2 [tilespmem:s23+$0xFFFFFFF0];
	v0 =	vadd.f32 @!p6 v11, v0;
	_ =	sdelay $0x1  }
0x2e9: {  	v6 =	vmul.f32 @!p4 $8.000000000e+00, v10;
	[tilespmem:s1+$0xFFFFFFB0] =	vst @!p6 v0;
	v0 =	vadd.f32 @!p3 v8, v1  }
0x2ea: {  	[tilespmem:s15+$0x30] =	vst @!p0 v5;
	v5 =	vmul.f32 @!p1 $8.000000000e+00, v12;
	v1 =	vadd.f32 @!p5 v4, v3  }
0x2eb: {  	v2 =	vadd.f32 @!p4 v2, v6;
	[tilespmem:s8+$0xFFFFFFB0] =	vst @!p3 v0  }
0x2ec: {  	[tilespmem:s15+$0xFFFFFFB0] =	vst @!p5 v1;
	v0 =	vadd.f32 @!p2 v7, v5  }
0x2ed: {  	[tilespmem:s0+$0x30] =	vst @!p4 v2  }
0x2ee: {  	[tilespmem:s0+$0xFFFFFFB0] =	vst @!p2 v0  }
0x2ef: {  	s1 =	simm.s32 $0x0;
	s0 =	rddreg [dreg:$0x19]  }
0x2f0: {  	[hbm4b:s0+s1] =	stream.linear.scatter [tilespmem:s31], [sflag:$0x9], $0x6400, $0x38;
	[tilespmem:$0x162E0] =	vst v63  }
0x2f1: {  	s22 =	rddreg [dreg:$0x10]  }
0x2f2: {  	[tilespmem:s16], [sflag:$0x3] =	stream.linear.gather [hbm4b:s22+s1], $0xC8, $0x38;
	[tilespmem:$0x162E0] =	vst v63  }
0x2f3: {  	s2 =	simm.s32 $0x418;
	s23 =	rddreg [dreg:$0x11]  }
0x2f4: {  	[tilespmem:s2], [sflag:$0x3] =	stream.linear.gather [hbm4b:s23+s1], $0xC8, $0x38;
	[tilespmem:$0x162E0] =	vst v63  }
0x2f5: {  	_ =	swait.ge [sflag:s28], $0x6400  }
0x2f6: {  	[sflag:s28] =	ssyncset.done $0x0  }
0x2f7: {  	[sflag:s28] =	ssyncadd.s32 $0xFFFF9C00  }
0x2f8: {  	_ =	swait.ge [sflag:s14], $0xC8  }
0x2f9: {  	[sflag:s14] =	ssyncset.done $0x0  }
0x2fa: {  	[sflag:s14] =	ssyncadd.s32 $0xFFFFFF38  }
0x2fb: {  	_ =	swait.ge [sflag:s14], $0xC8  }
0x2fc: {  	[sflag:s14] =	ssyncset.done $0x0  }
0x2fd: {  	s24 =	simm.s32 $0x350;
	[sflag:s14] =	ssyncadd.s32 $0xFFFFFF38  }
0x2fe: {  	[tilespmem:s30], [sflag:$0x5] =	stream.indirect.gather [hbm4b:s4+s12], $0x80, s24, s12, $0xb8;
	[tilespmem:$0x162E0] =	vst v63  }
.LBB2_8:
0x2ff: {  	_ =	swait.ge [sflag:s17], $0x6400  }
0x300: {  	[sflag:s17] =	ssyncset.done $0x0  }
0x301: {  	s0 =	simm.s32 $0x1;
	[sflag:s17] =	ssyncadd.s32 $0xFFFF9C00  }
0x302: {  	v0 =	vld [tilespmem:s0+$0x0];
	_ =	sdelay $0x3  }
0x303: {  	v1 =	vld [tilespmem:s0+$0xFFFFFFFF]  }
0x304: {  	(v2sf) =	vpush v0, $0x0;
	_ =	sdelay $0x3  }
0x305: {  	(v2sf) =	vpush v1, $0x0;
	_ =	sdelay $0xa  }
0x306: {  	s23 =	spop (v2sf)  }
0x307: {  	s0 =	sand.u32 $0x1, s23  }
0x308: {  	s9 =	simm.s32 $0x560;
	p0 =	seq.s32 s0, $0x0  }
0x309: {  	v0 =	vld @p0 [tilespmem:s9+$0x0]  }
0x30a: {  	s11 =	simm.s32 $0x13120;
	s24 =	spop (v2sf);
	p0 =	por p0, p0  }
0x30b: {  	s0 =	sand.u32 $0x1, s24;
	v1 =	vld @p0 [tilespmem:s11+$0x0]  }
0x30c: {  	p1 =	seq.s32 s0, $0x0  }
0x30d: {  	v2 =	vld @p1 [tilespmem:s9+$0xFFFFFF80]  }
0x30e: {  	v0 =	vmul.f32 @p0 $8.000000000e+00, v0  }
0x30f: {  	s30 =	simm.s32 $0x3;
	v3 =	vld @p1 [tilespmem:s11+$0xFFFFFFC0]  }
0x310: {  	v4 =	vld [tilespmem:s30+$0x0];
	v0 =	vadd.f32 @p0 v1, v0  }
0x311: {  	v1 =	vld @p0 [tilespmem:s9+$0x10]  }
0x312: {  	v2 =	vmul.f32 @p1 $8.000000000e+00, v2;
	[tilespmem:s9+$0x0] =	vst @p0 v0  }
0x313: {  	p2 =	por p1, p1;
	v0 =	vld @p0 [tilespmem:s11+$0x10]  }
0x314: {  	v2 =	vadd.f32 @p2 v3, v2  }
0x315: {  	v5 =	vld @p1 [tilespmem:s9+$0xFFFFFF90]  }
0x316: {  	(v2sf) =	vpush v4, $0x0;
	v3 =	vld [tilespmem:s30+$0xFFFFFFFF];
	[tilespmem:s9+$0xFFFFFF80] =	vst @p2 v2;
	v1 =	vmul.f32 @p0 $8.000000000e+00, v1  }
0x317: {  	v2 =	vld @p2 [tilespmem:s11+$0xFFFFFFD0]  }
0x318: {  	v0 =	vadd.f32 @p0 v0, v1  }
0x319: {  	v1 =	vld @p0 [tilespmem:s9+$0x20]  }
0x31a: {  	v4 =	vmul.f32 @p2 $8.000000000e+00, v5;
	[tilespmem:s9+$0x10] =	vst @p0 v0  }
0x31b: {  	(v2sf) =	vpush v3, $0x0;
	v0 =	vld @p0 [tilespmem:s11+$0x20]  }
0x31c: {  	v2 =	vadd.f32 @p2 v2, v4  }
0x31d: {  	v6 =	vld @p1 [tilespmem:s9+$0xFFFFFFA0]  }
0x31e: {  	[tilespmem:s9+$0xFFFFFF90] =	vst @p2 v2;
	v1 =	vmul.f32 @p0 $8.000000000e+00, v1  }
0x31f: {  	v2 =	vld @p2 [tilespmem:s11+$0xFFFFFFE0]  }
0x320: {  	v0 =	vadd.f32 @p0 v0, v1  }
0x321: {  	v5 =	vld @p0 [tilespmem:s9+$0x30]  }
0x322: {  	v6 =	vmul.f32 @p2 $8.000000000e+00, v6;
	[tilespmem:s9+$0x20] =	vst @p0 v0  }
0x323: {  	v7 =	vld @p0 [tilespmem:s11+$0x30]  }
0x324: {  	v2 =	vadd.f32 @p2 v2, v6  }
0x325: {  	s2 =	spop (v2sf);
	v3 =	vld @p2 [tilespmem:s9+$0xFFFFFFB0]  }
0x326: {  	s0 =	sand.u32 $0x1, s2;
	v4 =	vld @!p2 [tilespmem:s9+$0xFFFFFFC0];
	[tilespmem:s9+$0xFFFFFFA0] =	vst @p2 v2;
	v2 =	vmul.f32 @p0 $8.000000000e+00, v5  }
0x327: {  	s8 =	simm.s32 $0x660;
	p1 =	seq.s32 s0, $0x0;
	v1 =	vld @!p2 [tilespmem:s9+$0xFFFFFFD0]  }
0x328: {  	v6 =	vld @p1 [tilespmem:s8+$0x0];
	v2 =	vadd.f32 @p0 v7, v2  }
0x329: {  	v0 =	vld @!p2 [tilespmem:s9+$0xFFFFFFE0]  }
0x32a: {  	s15 =	simm.s32 $0x131A0;
	s6 =	spop (v2sf);
	v7 =	vld @!p0 [tilespmem:s9+$0x40];
	[tilespmem:s9+$0x30] =	vst @p0 v2  }
0x32b: {  	p5 =	por p1, p1;
	s0 =	sand.u32 $0x1, s6;
	v8 =	vld @!p0 [tilespmem:s11+$0x0];
	p0 =	por p0, p0  }
0x32c: {  	p1 =	seq.s32 s0, $0x0;
	v2 =	vld @p5 [tilespmem:s15+$0x0];
	s0 =	simm.s32 @!p0 $0x0  }
0x32d: {  	v5 =	vld @p2 [tilespmem:s11+$0xFFFFFFF0];
	s0 =	simm.s32 @p0 $0x1  }
0x32e: {  	v9 =	vld @p1 [tilespmem:s8+$0xFFFFFF80];
	[smem:$0x7E9] =	sst s0  }
0x32f: {  	v6 =	vmul.f32 @p5 $8.000000000e+00, v6;
	v10 =	vld @p1 [tilespmem:s15+$0xFFFFFFC0]  }
0x330: {  	v7 =	vmul.f32 @!p0 $8.000000000e+00, v7;
	v11 =	vld @p1 [tilespmem:s8+$0xFFFFFF90]  }
0x331: {  	v12 =	vld @!p0 [tilespmem:s9+$0x50];
	v2 =	vadd.f32 @p5 v2, v6  }
0x332: {  	s10 =	simm.s32 $0x5;
	v6 =	vadd.f32 @!p0 v8, v7;
	v7 =	vld @p5 [tilespmem:s8+$0x10]  }
0x333: {  	v8 =	vld [tilespmem:s10+$0x0];
	[tilespmem:s8+$0x0] =	vst @p5 v2  }
0x334: {  	v2 =	vmul.f32 @p1 $8.000000000e+00, v9;
	[tilespmem:s9+$0x0] =	vst @!p0 v6;
	v6 =	vld @p5 [tilespmem:s15+$0x10]  }
0x335: {  	p3 =	por p1, p1;
	v13 =	vld [tilespmem:s10+$0xFFFFFFFF]  }
0x336: {  	v3 =	vmul.f32 @p2 $8.000000000e+00, v3;
	v9 =	vld @!p0 [tilespmem:s11+$0x10];
	v10 =	vadd.f32 @p3 v10, v2  }
0x337: {  	v14 =	vld @p1 [tilespmem:s8+$0xFFFFFFA0];
	v7 =	vmul.f32 @p5 $8.000000000e+00, v7  }
0x338: {  	v3 =	vadd.f32 @p2 v5, v3;
	v5 =	vld @p3 [tilespmem:s8+$0xFFFFFFB0];
	[tilespmem:s8+$0xFFFFFF80] =	vst @p3 v10  }
0x339: {  	(v2sf) =	vpush v8, $0x0;
	v10 =	vmul.f32 @!p0 $8.000000000e+00, v12;
	v12 =	vld @p3 [tilespmem:s15+$0xFFFFFFD0];
	v6 =	vadd.f32 @p5 v6, v7  }
0x33a: {  	v7 =	vld @p5 [tilespmem:s8+$0x20]  }
0x33b: {  	v8 =	vadd.f32 @!p0 v9, v10;
	v9 =	vld @!p0 [tilespmem:s9+$0x60];
	[tilespmem:s8+$0x10] =	vst @p5 v6  }
0x33c: {  	[tilespmem:s9+$0xFFFFFFB0] =	vst @p2 v3;
	v6 =	vmul.f32 @p3 $8.000000000e+00, v11;
	v10 =	vld @p5 [tilespmem:s15+$0x20]  }
0x33d: {  	v3 =	vld @!p3 [tilespmem:s8+$0xFFFFFFC0];
	(v2sf) =	vpush v13, $0x0;
	[tilespmem:s9+$0x10] =	vst @!p0 v8  }
0x33e: {  	v8 =	vld @!p0 [tilespmem:s11+$0x20];
	v6 =	vadd.f32 @p3 v12, v6  }
0x33f: {  	p4 =	por p2, p2;
	v2 =	vld @!p2 [tilespmem:s9+$0xFFFFFFF0];
	v7 =	vmul.f32 @p5 $8.000000000e+00, v7  }
0x340: {  	s0 =	simm.s32 @!p2 $0x0;
	[tilespmem:s8+$0xFFFFFF90] =	vst @p3 v6;
	v6 =	vld @!p4 [tilespmem:s11+$0xFFFFFFC0]  }
0x341: {  	s0 =	simm.s32 @p2 $0x1;
	v9 =	vmul.f32 @!p0 $8.000000000e+00, v9;
	v11 =	vld @p3 [tilespmem:s15+$0xFFFFFFE0];
	v7 =	vadd.f32 @p5 v10, v7  }
0x342: {  	v10 =	vld @p5 [tilespmem:s8+$0x30];
	[smem:$0x7E8] =	sst s0  }
0x343: {  	v4 =	vmul.f32 @!p2 $8.000000000e+00, v4;
	v8 =	vadd.f32 @!p0 v8, v9;
	v9 =	vld @!p0 [tilespmem:s9+$0x70];
	[tilespmem:s8+$0x20] =	vst @p5 v7  }
0x344: {  	v12 =	vld @p5 [tilespmem:s15+$0x30]  }
0x345: {  	s19 =	simm.s32 $0x7;
	v13 =	vld @!p3 [tilespmem:s8+$0xFFFFFFD0];
	v4 =	vadd.f32 @!p4 v6, v4  }
0x346: {  	v19 =	vld [tilespmem:s19+$0x0];
	v7 =	vmul.f32 @p3 $8.000000000e+00, v14;
	[tilespmem:s9+$0x20] =	vst @!p0 v8  }
0x347: {  	v8 =	vld @!p3 [tilespmem:s8+$0xFFFFFFE0];
	[tilespmem:s9+$0xFFFFFF80] =	vst @!p4 v4;
	v4 =	vmul.f32 @p5 $8.000000000e+00, v10  }
0x348: {  	v6 =	vld @!p0 [tilespmem:s11+$0x30];
	v7 =	vadd.f32 @p3 v11, v7;
	s13 =	spop (v2sf)  }
0x349: {  	v11 =	vld @!p5 [tilespmem:s8+$0x40];
	s0 =	sand.u32 $0x1, s13;
	v4 =	vadd.f32 @p5 v12, v4  }
0x34a: {  	s22 =	simm.s32 $0x760;
	[tilespmem:s8+$0xFFFFFFA0] =	vst @p3 v7;
	v7 =	vld @!p4 [tilespmem:s11+$0xFFFFFFD0];
	p0 =	seq.s32 s0, $0x0  }
0x34b: {  	v12 =	vld @p0 [tilespmem:s22+$0x0];
	[tilespmem:s8+$0x30] =	vst @p5 v4  }
0x34c: {  	s23 =	simm.s32 $0x13220;
	s6 =	spop (v2sf);
	p0 =	por p0, p0;
	v4 =	vld @!p5 [tilespmem:s15+$0x0]  }
0x34d: {  	s16 =	sand.u32 $0x1, s6;
	v15 =	vld @p0 [tilespmem:s23+$0x0]  }
0x34e: {  	p6 =	por p5, p5;
	v10 =	vld @p3 [tilespmem:s15+$0xFFFFFFF0];
	p1 =	seq.s32 s16, $0x0  }
0x34f: {  	v14 =	vld @p1 [tilespmem:s22+$0xFFFFFF80];
	v11 =	vmul.f32 @!p6 $8.000000000e+00, v11  }
0x350: {  	v16 =	vld @p1 [tilespmem:s23+$0xFFFFFFC0];
	v12 =	vmul.f32 @p0 $8.000000000e+00, v12  }
0x351: {  	v17 =	vld @p1 [tilespmem:s22+$0xFFFFFF90];
	v4 =	vadd.f32 @!p6 v4, v11  }
0x352: {  	v12 =	vadd.f32 @p0 v15, v12;
	v11 =	vld @!p6 [tilespmem:s8+$0x50]  }
0x353: {  	v5 =	vmul.f32 @p3 $8.000000000e+00, v5;
	v15 =	vld @p0 [tilespmem:s22+$0x10];
	[tilespmem:s8+$0x0] =	vst @!p6 v4  }
0x354: {  	[tilespmem:s22+$0x0] =	vst @p0 v12;
	v4 =	vmul.f32 @p1 $8.000000000e+00, v14;
	v14 =	vld @!p6 [tilespmem:s15+$0x10]  }
0x355: {  	p5 =	por p1, p1;
	v5 =	vadd.f32 @p3 v10, v5;
	v12 =	vld @p0 [tilespmem:s23+$0x10]  }
0x356: {  	v18 =	vld @p1 [tilespmem:s22+$0xFFFFFFA0];
	v4 =	vadd.f32 @p5 v16, v4  }
0x357: {  	[tilespmem:s8+$0xFFFFFFB0] =	vst @p3 v5;
	v5 =	vld @!p5 [tilespmem:s22+$0xFFFFFFC0];
	v11 =	vmul.f32 @!p6 $8.000000000e+00, v11  }
0x358: {  	v16 =	vld @!p3 [tilespmem:s8+$0xFFFFFFF0];
	v15 =	vmul.f32 @p0 $8.000000000e+00, v15;
	[tilespmem:s22+$0xFFFFFF80] =	vst @p5 v4  }
0x359: {  	v20 =	vld @p5 [tilespmem:s23+$0xFFFFFFD0];
	v11 =	vadd.f32 @!p6 v14, v11  }
0x35a: {  	v4 =	vld [tilespmem:s19+$0xFFFFFFFF];
	v12 =	vadd.f32 @p0 v12, v15  }
0x35b: {  	[tilespmem:s8+$0x10] =	vst @!p6 v11;
	v11 =	vld @p0 [tilespmem:s22+$0x20]  }
0x35c: {  	v17 =	vmul.f32 @p5 $8.000000000e+00, v17;
	p1 =	por p3, p3;
	v15 =	vld @!p6 [tilespmem:s8+$0x60];
	[tilespmem:s22+$0x10] =	vst @p0 v12  }
0x35d: {  	s0 =	simm.s32 @!p1 $0x0;
	v12 =	vld @p0 [tilespmem:s23+$0x20]  }
0x35e: {  	(v2sf) =	vpush v19, $0x0;
	s0 =	simm.s32 @p1 $0x1;
	v14 =	vld @p5 [tilespmem:s22+$0xFFFFFFB0];
	v10 =	vadd.f32 @p5 v20, v17  }
0x35f: {  	(v2sf) =	vpush v4, $0x0;
	v4 =	vld @!p6 [tilespmem:s15+$0x20];
	[smem:$0x7EA] =	sst s0  }
0x360: {  	[tilespmem:s22+$0xFFFFFF90] =	vst @p5 v10;
	v10 =	vld @!p1 [tilespmem:s15+$0xFFFFFFC0];
	v11 =	vmul.f32 @p0 $8.000000000e+00, v11;
	_ =	sdelay $0x1  }
0x361: {  	v1 =	vmul.f32 @!p2 $8.000000000e+00, v1;
	v17 =	vld @p5 [tilespmem:s23+$0xFFFFFFE0];
	v11 =	vadd.f32 @p0 v12, v11  }
0x362: {  	v3 =	vmul.f32 @!p3 $8.000000000e+00, v3;
	v12 =	vmul.f32 @p5 $8.000000000e+00, v18;
	v18 =	vld @p0 [tilespmem:s22+$0x30]  }
0x363: {  	v1 =	vadd.f32 @!p4 v7, v1;
	v15 =	vmul.f32 @!p6 $8.000000000e+00, v15;
	[tilespmem:s22+$0x20] =	vst @p0 v11  }
0x364: {  	v3 =	vadd.f32 @!p1 v10, v3;
	v11 =	vld @p0 [tilespmem:s23+$0x30]  }
0x365: {  	[tilespmem:s9+$0xFFFFFF90] =	vst @!p4 v1;
	v4 =	vadd.f32 @!p6 v4, v15  }
0x366: {  	v19 =	vld @!p5 [tilespmem:s22+$0xFFFFFFD0];
	v10 =	vadd.f32 @p5 v17, v12;
	[tilespmem:s8+$0xFFFFFF80] =	vst @!p1 v3  }
0x367: {  	[tilespmem:s8+$0x20] =	vst @!p6 v4;
	v3 =	vld @!p1 [tilespmem:s15+$0xFFFFFFD0];
	p1 =	por p4, p4;
	v1 =	vmul.f32 @p0 $8.000000000e+00, v18  }
0x368: {  	v15 =	vld @!p6 [tilespmem:s8+$0x70];
	[tilespmem:s22+$0xFFFFFFA0] =	vst @p5 v10;
	s0 =	simm.s32 @!p1 $0x0  }
0x369: {  	v4 =	vld @!p6 [tilespmem:s15+$0x30];
	s2 =	sld [smem:$0x7E9];
	s0 =	simm.s32 @p1 $0x1;
	v1 =	vadd.f32 @p0 v11, v1  }
0x36a: {  	v12 =	vld @!p5 [tilespmem:s22+$0xFFFFFFE0];
	[smem:$0x7EB] =	sst s0  }
0x36b: {  	[tilespmem:s22+$0x30] =	vst @p0 v1  }
0x36c: {  	v10 =	vld @!p1 [tilespmem:s11+$0xFFFFFFE0];
	p1 =	seq.s32 s2, $0x1;
	s10 =	sld [smem:$0x7E8]  }
0x36d: {  	v9 =	vmul.f32 @!p1 $8.000000000e+00, v9;
	s13 =	sld [smem:$0x7E9]  }
0x36e: {  	v1 =	vmul.f32 @!p6 $8.000000000e+00, v15  }
0x36f: {  	s24 =	spop (v2sf);
	v7 =	vld @p5 [tilespmem:s23+$0xFFFFFFF0];
	v6 =	vadd.f32 @!p1 v6, v9;
	p1 =	seq.s32 s10, $0x1  }
0x370: {  	s0 =	sand.u32 $0x1, s24;
	v17 =	vld @!p5 [tilespmem:s22+$0xFFFFFFF0];
	v1 =	vadd.f32 @!p6 v4, v1;
	v9 =	vmul.f32 @!p1 $8.000000000e+00, v0;
	v0 =	vmul.f32 @!p1 $8.000000000e+00, v2;
	p1 =	seq.s32 s13, $0x1  }
0x371: {  	s19 =	simm.s32 $0x860;
	s30 =	spop (v2sf);
	v11 =	vld @!p0 [tilespmem:s22+$0x40];
	p4 =	seq.s32 s0, $0x0;
	[tilespmem:s9+$0x30] =	vst @!p1 v6  }
0x372: {  	s6 =	sand.u32 $0x1, s30;
	v18 =	vld @p4 [tilespmem:s19+$0x0];
	s16 =	sld [smem:$0x7EA];
	[tilespmem:s8+$0x30] =	vst @!p6 v1  }
0x373: {  	v15 =	vld @!p0 [tilespmem:s23+$0x0];
	p2 =	seq.s32 s6, $0x0;
	s30 =	sld [smem:$0x7EB]  }
0x374: {  	v13 =	vmul.f32 @!p3 $8.000000000e+00, v13;
	s24 =	simm.s32 $0x132A0;
	p4 =	por p4, p4;
	v20 =	vld @p2 [tilespmem:s19+$0xFFFFFF80]  }
0x375: {  	p0 =	por p0, p0;
	v21 =	vld @p4 [tilespmem:s24+$0x0];
	p1 =	seq.s32 s16, $0x1  }
0x376: {  	v4 =	vmul.f32 @!p0 $8.000000000e+00, v11;
	v2 =	vadd.f32 @!p1 v3, v13;
	v13 =	vld @p2 [tilespmem:s24+$0xFFFFFFC0];
	p6 =	seq.s32 s30, $0x1  }
0x377: {  	v3 =	vmul.f32 @!p3 $8.000000000e+00, v8;
	v8 =	vmul.f32 @p5 $8.000000000e+00, v14;
	v11 =	vadd.f32 @!p6 v10, v9;
	v10 =	vld @p2 [tilespmem:s19+$0xFFFFFF90]  }
0x378: {  	v14 =	vmul.f32 @p4 $8.000000000e+00, v18;
	v9 =	vld @p2 [tilespmem:s19+$0xFFFFFFA0];
	[tilespmem:s8+$0xFFFFFF90] =	vst @!p1 v2;
	v2 =	vadd.f32 @!p0 v15, v4  }
0x379: {  	s0 =	simm.s32 $0x860;
	v6 =	vmul.f32 @!p5 $8.000000000e+00, v5;
	v8 =	vadd.f32 @p5 v7, v8;
	v15 =	vmul.f32 @p2 $8.000000000e+00, v20;
	v7 =	vld @!p0 [tilespmem:s22+$0x50];
	[tilespmem:s9+$0xFFFFFFA0] =	vst @!p6 v11  }
0x37a: {  	s6 =	simm.s32 $0x6;
	v1 =	vmul.f32 @!p3 $8.000000000e+00, v16;
	p3 =	por p1, p1;
	v4 =	vmul.f32 @!p5 $8.000000000e+00, v12;
	p1 =	por p2, p2;
	v12 =	vadd.f32 @p4 v21, v14;
	v11 =	vld @p4 [tilespmem:s19+$0x10];
	[tilespmem:s22+$0x0] =	vst @!p0 v2  }
0x37b: {  	s10 =	simm.s32 $0x9;
	v5 =	vmul.f32 @!p5 $8.000000000e+00, v19;
	p6 =	por p6, p6;
	[tilespmem:s22+$0xFFFFFFB0] =	vst @p5 v8;
	v2 =	vmul.f32 @!p5 $8.000000000e+00, v17;
	p5 =	por p5, p5;
	v13 =	vadd.f32 @p1 v13, v15;
	v8 =	vld @!p0 [tilespmem:s23+$0x10]  }
.LBB2_9:
0x37c: {  	v14 =	vld [tilespmem:s10+$0x0];
	[tilespmem:s19+$0x0] =	vst @p4 v12  }
0x37d: {  	[tilespmem:s19+$0xFFFFFF80] =	vst @p1 v13;
	v12 =	vld @p4 [tilespmem:s24+$0x10]  }
0x37e: {  	v13 =	vld [tilespmem:s10+$0xFFFFFFFF]  }
0x37f: {  	v15 =	vld @p1 [tilespmem:s24+$0xFFFFFFD0]  }
0x380: {  	v7 =	vmul.f32 @!p0 $8.000000000e+00, v7  }
0x381: {  	v16 =	vld @p1 [tilespmem:s19+$0xFFFFFFB0];
	v11 =	vmul.f32 @p4 $8.000000000e+00, v11  }
0x382: {  	v10 =	vmul.f32 @p1 $8.000000000e+00, v10;
	v7 =	vadd.f32 @!p0 v8, v7;
	v8 =	vld @!p0 [tilespmem:s22+$0x60]  }
0x383: {  	(v2sf) =	vpush v14, $0x0;
	v11 =	vadd.f32 @p4 v12, v11;
	v12 =	vld @p4 [tilespmem:s19+$0x20]  }
0x384: {  	(v2sf) =	vpush v13, $0x0;
	v10 =	vadd.f32 @p1 v15, v10;
	v13 =	vld @!p1 [tilespmem:s19+$0xFFFFFFC0];
	[tilespmem:s22+$0x10] =	vst @!p0 v7  }
0x385: {  	v7 =	vld @!p0 [tilespmem:s23+$0x20];
	[tilespmem:s19+$0x10] =	vst @p4 v11  }
0x386: {  	[tilespmem:s19+$0xFFFFFF90] =	vst @p1 v10;
	v14 =	vld @p4 [tilespmem:s24+$0x20]  }
0x387: {  	v10 =	vld @!p5 [tilespmem:s23+$0xFFFFFFC0]  }
0x388: {  	v15 =	vld @p1 [tilespmem:s24+$0xFFFFFFE0];
	v8 =	vmul.f32 @!p0 $8.000000000e+00, v8;
	_ =	sdelay $0x1  }
0x389: {  	v12 =	vmul.f32 @p4 $8.000000000e+00, v12;
	v7 =	vadd.f32 @!p0 v7, v8  }
0x38a: {  	v9 =	vmul.f32 @p1 $8.000000000e+00, v9;
	v8 =	vmul.f32 @!p1 $8.000000000e+00, v13;
	v13 =	vld @!p0 [tilespmem:s22+$0x70]  }
0x38b: {  	v12 =	vadd.f32 @p4 v14, v12;
	v14 =	vld @p4 [tilespmem:s19+$0x30];
	[tilespmem:s22+$0x20] =	vst @!p0 v7;
	v7 =	vadd.f32 @!p5 v10, v6  }
0x38c: {  	v11 =	vmul.f32 @p1 $8.000000000e+00, v16;
	v16 =	vld @!p1 [tilespmem:s19+$0xFFFFFFD0];
	v6 =	vmov v8;
	v8 =	vadd.f32 @p1 v15, v9  }
0x38d: {  	v10 =	vld @!p0 [tilespmem:s23+$0x30];
	[tilespmem:s22+$0xFFFFFF80] =	vst @!p5 v7  }
0x38e: {  	v9 =	vld @!p1 [tilespmem:s19+$0xFFFFFFE0];
	[tilespmem:s19+$0xFFFFFFA0] =	vst @p1 v8  }
0x38f: {  	[tilespmem:s19+$0x20] =	vst @p4 v12;
	v7 =	vld @!p5 [tilespmem:s23+$0xFFFFFFD0]  }
0x390: {  	s2 =	simm.s32 @!p6 $0x0;
	s6 =	sadd.s32 $0x2, s6;
	v15 =	vld @p4 [tilespmem:s24+$0x30];
	v8 =	vmul.f32 @!p0 $8.000000000e+00, v13  }
0x391: {  	s2 =	simm.s32 @p6 $0x1;
	p2 =	slt.u32 s6, $0xC6;
	v13 =	vld @p1 [tilespmem:s24+$0xFFFFFFF0]  }
0x392: {  	[smem:$0x7E6] =	sst s2;
	s2 =	simm.s32 @!p2 $0x0;
	v8 =	vadd.f32 @!p0 v10, v8;
	v10 =	vld @!p3 [tilespmem:s15+$0xFFFFFFE0]  }
0x393: {  	s2 =	simm.s32 @p2 $0x1;
	s16 =	sld [smem:$0x7E6];
	v12 =	vmul.f32 @!p1 $8.000000000e+00, v16;
	v16 =	vld @!p1 [tilespmem:s19+$0xFFFFFFF0];
	v14 =	vmul.f32 @p4 $8.000000000e+00, v14;
	s13 =	spop (v2sf)  }
0x394: {  	[smem:$0x7E7] =	sst s2;
	s13 =	sand.u32 $0x1, s13;
	s30 =	spop (v2sf);
	[tilespmem:s22+$0x30] =	vst @!p0 v8;
	v8 =	vld @!p6 [tilespmem:s11+$0xFFFFFFF0];
	v7 =	vadd.f32 @!p5 v7, v5  }
0x395: {  	s19 =	sadd.s32 $0x100, s19;
	v14 =	vadd.f32 @p4 v15, v14;
	s2 =	sand.u32 $0x1, s30;
	p6 =	seq.s32 s13, $0x0;
	v15 =	vld @!p4 [tilespmem:s0+$0x40]  }
0x396: {  	s11 =	smov.u32 s15;
	p2 =	seq.s32 s2, $0x0;
	v5 =	vmov v12;
	v12 =	vld @p6 [tilespmem:s19+$0x0];
	v11 =	vadd.f32 @p1 v13, v11;
	[tilespmem:s22+$0xFFFFFF90] =	vst @!p5 v7  }
0x397: {  	s15 =	smov.u32 s23;
	s23 =	smov.u32 s24;
	p0 =	por p4, p4;
	[tilespmem:s0+$0x30] =	vst @p4 v14;
	v7 =	vadd.f32 @!p3 v10, v3;
	v14 =	vld @p2 [tilespmem:s19+$0xFFFFFF80]  }
0x398: {  	v9 =	vmul.f32 @!p1 $8.000000000e+00, v9;
	v13 =	vld @!p4 [tilespmem:s24+$0x0];
	p4 =	por p6, p6;
	s24 =	sadd.s32 $0x80, s24;
	p6 =	seq.s32 s16, $0x1;
	[tilespmem:s0+$0xFFFFFFB0] =	vst @p1 v11  }
0x399: {  	s30 =	sld [smem:$0x7E7];
	v11 =	vld @p4 [tilespmem:s24+$0x0];
	[tilespmem:s8+$0xFFFFFFA0] =	vst @!p3 v7;
	v7 =	vadd.f32 @!p6 v8, v0  }
0x39a: {  	v3 =	vmov v4;
	v4 =	vmov v9;
	v9 =	vmul.f32 @!p1 $8.000000000e+00, v16;
	v8 =	vld @p2 [tilespmem:s24+$0xFFFFFFC0]  }
0x39b: {  	v10 =	vld @p2 [tilespmem:s19+$0xFFFFFF90];
	[tilespmem:s9+$0xFFFFFFB0] =	vst @!p6 v7;
	p6 =	por p3, p3;
	p3 =	por p5, p5  }
0x39c: {  	v0 =	vmovc v1;
	v1 =	vmovc v2;
	v2 =	vmov v9;
	v15 =	vmul.f32 @!p0 $8.000000000e+00, v15;
	p5 =	por p1, p1;
	p1 =	por p2, p2;
	v9 =	vld @p2 [tilespmem:s19+$0xFFFFFFA0];
	v14 =	vmul.f32 @p2 $8.000000000e+00, v14;
	p2 =	seq.s32 s30, $0x1  }
.Ltmp3:
0x39d: {  	_ = 	snop;
	(pc) =	sbr.rel @p2 .LBB2_9-.Ltmp3, $4  }
0x39e: {  	v12 =	vmul.f32 @p4 $8.000000000e+00, v12;
	s9 =	smov.u32 s8;
	s8 =	smov.u32 s22;
	s22 =	smov.u32 s0;
	v13 =	vadd.f32 @!p0 v13, v15  }
0x39f: {  	v7 =	vld @!p0 [tilespmem:s22+$0x50]  }
0x3a0: {  	v12 =	vadd.f32 @p4 v11, v12;
	v11 =	vld @p4 [tilespmem:s19+$0x10];
	[tilespmem:s22+$0x0] =	vst @!p0 v13  }
0x3a1: {  	s10 =	sadd.s32 $0x2, s10;
	s0 =	smov.u32 s19;
	v13 =	vadd.f32 @p1 v8, v14;
	v8 =	vld @!p0 [tilespmem:s23+$0x10]  }
0x3a2: {  	[tilespmem:s19+$0x0] =	vst @p4 v12  }
0x3a3: {  	v12 =	vld @p4 [tilespmem:s24+$0x10];
	_ =	sdelay $0x1  }
0x3a4: {  	[tilespmem:s19+$0xFFFFFF80] =	vst @p1 v13  }
0x3a5: {  	v13 =	vld @p1 [tilespmem:s24+$0xFFFFFFD0];
	v11 =	vmul.f32 @p4 $8.000000000e+00, v11;
	_ =	sdelay $0x1  }
0x3a6: {  	v11 =	vadd.f32 @p4 v12, v11  }
0x3a7: {  	v10 =	vmul.f32 @p1 $8.000000000e+00, v10;
	v12 =	vld @p4 [tilespmem:s19+$0x20]  }
0x3a8: {  	[tilespmem:s19+$0x10] =	vst @p4 v11  }
0x3a9: {  	v10 =	vadd.f32 @p1 v13, v10;
	v11 =	vld @p4 [tilespmem:s24+$0x20];
	_ =	sdelay $0x1  }
0x3aa: {  	[tilespmem:s19+$0xFFFFFF90] =	vst @p1 v10  }
0x3ab: {  	v10 =	vld @p1 [tilespmem:s24+$0xFFFFFFE0];
	v12 =	vmul.f32 @p4 $8.000000000e+00, v12;
	_ =	sdelay $0x1  }
0x3ac: {  	v11 =	vadd.f32 @p4 v11, v12  }
0x3ad: {  	v9 =	vmul.f32 @p1 $8.000000000e+00, v9;
	v12 =	vld @p4 [tilespmem:s19+$0x30]  }
0x3ae: {  	[tilespmem:s19+$0x20] =	vst @p4 v11  }
0x3af: {  	v9 =	vadd.f32 @p1 v10, v9;
	v10 =	vld @p4 [tilespmem:s24+$0x30]  }
0x3b0: {  	v14 =	vld @p1 [tilespmem:s19+$0xFFFFFFB0]  }
0x3b1: {  	[tilespmem:s19+$0xFFFFFFA0] =	vst @p1 v9  }
0x3b2: {  	v9 =	vld @p1 [tilespmem:s24+$0xFFFFFFF0];
	v12 =	vmul.f32 @p4 $8.000000000e+00, v12  }
0x3b3: {  	v15 =	vld @!p1 [tilespmem:s19+$0xFFFFFFD0]  }
0x3b4: {  	v16 =	vld @!p5 [tilespmem:s23+$0xFFFFFFC0];
	v10 =	vadd.f32 @p4 v10, v12  }
0x3b5: {  	v12 =	vmul.f32 @p1 $8.000000000e+00, v14;
	v14 =	vld @!p4 [tilespmem:s0+$0x40]  }
0x3b6: {  	v13 =	vld @!p1 [tilespmem:s19+$0xFFFFFFC0];
	[tilespmem:s0+$0x30] =	vst @p4 v10  }
0x3b7: {  	v9 =	vadd.f32 @p1 v9, v12;
	v10 =	vld @!p4 [tilespmem:s24+$0x0]  }
0x3b8: {  	v11 =	vld @!p1 [tilespmem:s19+$0xFFFFFFE0]  }
0x3b9: {  	p2 =	por p1, p1;
	v12 =	vld @!p1 [tilespmem:s19+$0xFFFFFFF0];
	p4 =	por p4, p4;
	[tilespmem:s0+$0xFFFFFFB0] =	vst @p1 v9  }
0x3ba: {  	v9 =	vmul.f32 @!p4 $8.000000000e+00, v14;
	v14 =	vld @!p2 [tilespmem:s24+$0xFFFFFFC0];
	_ =	sdelay $0x1  }
0x3bb: {  	v9 =	vadd.f32 @!p4 v10, v9  }
0x3bc: {  	v6 =	vadd.f32 @!p5 v16, v6;
	v10 =	vmul.f32 @!p1 $8.000000000e+00, v13;
	v13 =	vld @!p4 [tilespmem:s0+$0x50]  }
0x3bd: {  	v7 =	vmul.f32 @!p0 $8.000000000e+00, v7;
	[tilespmem:s0+$0x0] =	vst @!p4 v9  }
0x3be: {  	[tilespmem:s22+$0xFFFFFF80] =	vst @!p5 v6;
	v10 =	vadd.f32 @!p2 v14, v10;
	v9 =	vld @!p4 [tilespmem:s24+$0x10]  }
0x3bf: {  	v6 =	vadd.f32 @!p0 v8, v7;
	v7 =	vld @!p5 [tilespmem:s23+$0xFFFFFFD0]  }
0x3c0: {  	v14 =	vld @!p0 [tilespmem:s22+$0x60];
	[tilespmem:s0+$0xFFFFFF80] =	vst @!p2 v10  }
0x3c1: {  	v8 =	vmul.f32 @!p4 $8.000000000e+00, v13;
	v10 =	vld @!p2 [tilespmem:s24+$0xFFFFFFD0]  }
0x3c2: {  	[tilespmem:s22+$0x10] =	vst @!p0 v6  }
0x3c3: {  	v6 =	vld @!p0 [tilespmem:s23+$0x20];
	v8 =	vadd.f32 @!p4 v9, v8  }
0x3c4: {  	v13 =	vld @!p4 [tilespmem:s0+$0x60];
	v9 =	vmul.f32 @!p1 $8.000000000e+00, v15  }
0x3c5: {  	v5 =	vadd.f32 @!p5 v7, v5;
	[tilespmem:s0+$0x10] =	vst @!p4 v8  }
0x3c6: {  	v7 =	vmul.f32 @!p0 $8.000000000e+00, v14;
	v9 =	vadd.f32 @!p2 v10, v9;
	v8 =	vld @!p4 [tilespmem:s24+$0x20]  }
0x3c7: {  	[tilespmem:s22+$0xFFFFFF90] =	vst @!p5 v5;
	p5 =	por p5, p5;
	v10 =	vld @!p3 [tilespmem:s15+$0xFFFFFFE0]  }
0x3c8: {  	v5 =	vadd.f32 @!p0 v6, v7;
	v6 =	vld @!p5 [tilespmem:s23+$0xFFFFFFE0];
	[tilespmem:s0+$0xFFFFFF90] =	vst @!p2 v9;
	p2 =	por p2, p2  }
0x3c9: {  	v7 =	vmul.f32 @!p4 $8.000000000e+00, v13;
	v9 =	vld @!p2 [tilespmem:s24+$0xFFFFFFE0]  }
0x3ca: {  	v15 =	vld @!p0 [tilespmem:s22+$0x70];
	[tilespmem:s22+$0x20] =	vst @!p0 v5  }
0x3cb: {  	v5 =	vld @!p0 [tilespmem:s23+$0x30];
	v7 =	vadd.f32 @!p4 v8, v7  }
0x3cc: {  	v3 =	vadd.f32 @!p3 v10, v3;
	v10 =	vld @!p4 [tilespmem:s0+$0x70];
	v8 =	vmul.f32 @!p1 $8.000000000e+00, v11  }
0x3cd: {  	v4 =	vadd.f32 @!p5 v6, v4;
	v11 =	vld @!p6 [tilespmem:s11+$0xFFFFFFF0];
	[tilespmem:s0+$0x20] =	vst @!p4 v7  }
0x3ce: {  	[tilespmem:s8+$0xFFFFFFA0] =	vst @!p3 v3;
	p3 =	por p3, p3;
	v6 =	vadd.f32 @!p2 v9, v8;
	v3 =	vld @!p4 [tilespmem:s24+$0x30]  }
0x3cf: {  	[tilespmem:s22+$0xFFFFFFA0] =	vst @!p5 v4;
	p5 =	por p5, p5;
	v7 =	vmul.f32 @!p0 $8.000000000e+00, v15;
	v8 =	vld @!p3 [tilespmem:s15+$0xFFFFFFF0]  }
0x3d0: {  	v4 =	vld @!p5 [tilespmem:s23+$0xFFFFFFF0];
	[tilespmem:s0+$0xFFFFFFA0] =	vst @!p2 v6;
	p2 =	por p2, p2  }
0x3d1: {  	v5 =	vadd.f32 @!p0 v5, v7;
	v6 =	vmul.f32 @!p4 $8.000000000e+00, v10;
	v7 =	vld @!p2 [tilespmem:s24+$0xFFFFFFF0]  }
0x3d2: {  	v0 =	vadd.f32 @!p6 v11, v0  }
0x3d3: {  	[tilespmem:s22+$0x30] =	vst @!p0 v5;
	v3 =	vadd.f32 @!p4 v3, v6  }
0x3d4: {  	s15 =	sadd.s32 $0x1, s1;
	v5 =	vmul.f32 @!p1 $8.000000000e+00, v12;
	[tilespmem:s9+$0xFFFFFFB0] =	vst @!p6 v0;
	v0 =	vadd.f32 @!p3 v8, v1  }
0x3d5: {  	s30 =	smul.u32 $0x3, s15;
	v1 =	vadd.f32 @!p5 v4, v2;
	[tilespmem:s0+$0x30] =	vst @!p4 v3  }
0x3d6: {  	s2 =	rddreg [dreg:$0x4];
	[tilespmem:s8+$0xFFFFFFB0] =	vst @!p3 v0;
	v0 =	vadd.f32 @!p2 v7, v5  }
0x3d7: {  	s9 =	smul.u32 $0x258, s15;
	[tilespmem:s22+$0xFFFFFFB0] =	vst @!p5 v1;
	s6 =	sadd.s32 s2, s30  }
0x3d8: {  	s6 =	smul.u32 $0xC80, s6;
	[tilespmem:s0+$0xFFFFFFB0] =	vst @!p2 v0  }
0x3d9: {  	s13 =	rddreg [dreg:$0x12]  }
0x3da: {  	s11 =	simm.s32 $0x4E0;
	s10 =	sadd.s32 s7, s6;
	s0 =	sadd.s32 s9, s13  }
0x3db: {  	[hbm4b:s10+s3] =	stream.linear.scatter [tilespmem:s11], [sflag:$0x7], $0x6400, $0x38;
	[tilespmem:$0x162E0] =	vst v63  }
0x3dc: {  	s16 =	rddreg [dreg:$0x1];
	s0 =	sshrl.u32 s0, $0x3  }
0x3dd: {  	s19 =	sadd.s32 s16, s0  }
0x3de: {  	[tilespmem:s3], [sflag:$0x1] =	stream.linear.gather [hbm4b:s19+s3], $0xC8, $0x38;
	[tilespmem:$0x162E0] =	vst v63  }
0x3df: {  	s22 =	simm.s32 $0x288;
	s0 =	sadd.s32 s5, s0  }
0x3e0: {  	[tilespmem:s22], [sflag:$0x1] =	stream.linear.gather [hbm4b:s0+s3], $0xC8, $0x38;
	[tilespmem:$0x162E0] =	vst v63  }
0x3e1: {  	_ =	swait.ge [sflag:s29], $0x6400  }
0x3e2: {  	[sflag:s29] =	ssyncset.done $0x0  }
0x3e3: {  	[sflag:s29] =	ssyncadd.s32 $0xFFFF9C00  }
0x3e4: {  	_ =	swait.ge [sflag:s18], $0xC8  }
0x3e5: {  	[sflag:s18] =	ssyncset.done $0x0  }
0x3e6: {  	[sflag:s18] =	ssyncadd.s32 $0xFFFFFF38  }
0x3e7: {  	_ =	swait.ge [sflag:s18], $0xC8  }
0x3e8: {  	[sflag:s18] =	ssyncset.done $0x0  }
0x3e9: {  	s23 =	simm.s32 $0x418;
	[sflag:s18] =	ssyncadd.s32 $0xFFFFFF38  }
0x3ea: {  	[tilespmem:s31], [sflag:$0x6] =	stream.indirect.gather [hbm4b:s4+s12], $0x80, s23, s12, $0xb8;
	[tilespmem:$0x162E0] =	vst v63  }
0x3eb: {  	_ =	swait.ge [sflag:s20], $0x6400  }
0x3ec: {  	[sflag:s20] =	ssyncset.done $0x0  }
0x3ed: {  	s24 =	simm.s32 $0xD9;
	[sflag:s20] =	ssyncadd.s32 $0xFFFF9C00  }
0x3ee: {  	v0 =	vld [tilespmem:s24+$0x0];
	_ =	sdelay $0x3  }
0x3ef: {  	v1 =	vld [tilespmem:s24+$0xFFFFFFFF]  }
0x3f0: {  	(v2sf) =	vpush v0, $0x0;
	_ =	sdelay $0x3  }
0x3f1: {  	(v2sf) =	vpush v1, $0x0;
	_ =	sdelay $0xa  }
0x3f2: {  	s2 =	spop (v2sf)  }
0x3f3: {  	s0 =	sand.u32 $0x1, s2  }
0x3f4: {  	s11 =	simm.s32 $0x6960;
	p0 =	seq.s32 s0, $0x0  }
0x3f5: {  	v0 =	vld @p0 [tilespmem:s11+$0x0]  }
0x3f6: {  	s8 =	simm.s32 $0x13120;
	s6 =	spop (v2sf);
	p0 =	por p0, p0  }
0x3f7: {  	s0 =	sand.u32 $0x1, s6;
	v1 =	vld @p0 [tilespmem:s8+$0x0]  }
0x3f8: {  	p1 =	seq.s32 s0, $0x0  }
0x3f9: {  	v2 =	vld @p1 [tilespmem:s11+$0xFFFFFF80]  }
0x3fa: {  	v0 =	vmul.f32 @p0 $8.000000000e+00, v0  }
0x3fb: {  	s10 =	simm.s32 $0xDB;
	v3 =	vld @p1 [tilespmem:s8+$0xFFFFFFC0]  }
0x3fc: {  	v4 =	vld [tilespmem:s10+$0x0];
	v0 =	vadd.f32 @p0 v1, v0  }
0x3fd: {  	v1 =	vld @p0 [tilespmem:s11+$0x10]  }
0x3fe: {  	v2 =	vmul.f32 @p1 $8.000000000e+00, v2;
	[tilespmem:s11+$0x0] =	vst @p0 v0  }
0x3ff: {  	p2 =	por p1, p1;
	v0 =	vld @p0 [tilespmem:s8+$0x10]  }
0x400: {  	v2 =	vadd.f32 @p2 v3, v2  }
0x401: {  	v5 =	vld @p1 [tilespmem:s11+$0xFFFFFF90]  }
0x402: {  	(v2sf) =	vpush v4, $0x0;
	v3 =	vld [tilespmem:s10+$0xFFFFFFFF];
	[tilespmem:s11+$0xFFFFFF80] =	vst @p2 v2;
	v1 =	vmul.f32 @p0 $8.000000000e+00, v1  }
0x403: {  	v2 =	vld @p2 [tilespmem:s8+$0xFFFFFFD0]  }
0x404: {  	v0 =	vadd.f32 @p0 v0, v1  }
0x405: {  	v1 =	vld @p0 [tilespmem:s11+$0x20]  }
0x406: {  	v4 =	vmul.f32 @p2 $8.000000000e+00, v5;
	[tilespmem:s11+$0x10] =	vst @p0 v0  }
0x407: {  	(v2sf) =	vpush v3, $0x0;
	v0 =	vld @p0 [tilespmem:s8+$0x20]  }
0x408: {  	v2 =	vadd.f32 @p2 v2, v4  }
0x409: {  	v6 =	vld @p1 [tilespmem:s11+$0xFFFFFFA0]  }
0x40a: {  	[tilespmem:s11+$0xFFFFFF90] =	vst @p2 v2;
	v1 =	vmul.f32 @p0 $8.000000000e+00, v1  }
0x40b: {  	v2 =	vld @p2 [tilespmem:s8+$0xFFFFFFE0]  }
0x40c: {  	v0 =	vadd.f32 @p0 v0, v1  }
0x40d: {  	v5 =	vld @p0 [tilespmem:s11+$0x30]  }
0x40e: {  	v6 =	vmul.f32 @p2 $8.000000000e+00, v6;
	[tilespmem:s11+$0x20] =	vst @p0 v0  }
0x40f: {  	v7 =	vld @p0 [tilespmem:s8+$0x30]  }
0x410: {  	v2 =	vadd.f32 @p2 v2, v6  }
0x411: {  	s13 =	spop (v2sf);
	v3 =	vld @p2 [tilespmem:s11+$0xFFFFFFB0]  }
0x412: {  	s0 =	sand.u32 $0x1, s13;
	v4 =	vld @!p2 [tilespmem:s11+$0xFFFFFFC0];
	[tilespmem:s11+$0xFFFFFFA0] =	vst @p2 v2;
	v2 =	vmul.f32 @p0 $8.000000000e+00, v5  }
0x413: {  	s22 =	simm.s32 $0x6A60;
	p1 =	seq.s32 s0, $0x0;
	v1 =	vld @!p2 [tilespmem:s11+$0xFFFFFFD0]  }
0x414: {  	v6 =	vld @p1 [tilespmem:s22+$0x0];
	v2 =	vadd.f32 @p0 v7, v2  }
0x415: {  	v0 =	vld @!p2 [tilespmem:s11+$0xFFFFFFE0]  }
0x416: {  	s23 =	simm.s32 $0x131A0;
	s16 =	spop (v2sf);
	v7 =	vld @!p0 [tilespmem:s11+$0x40];
	[tilespmem:s11+$0x30] =	vst @p0 v2  }
0x417: {  	p5 =	por p1, p1;
	s0 =	sand.u32 $0x1, s16;
	v8 =	vld @!p0 [tilespmem:s8+$0x0];
	p0 =	por p0, p0  }
0x418: {  	p1 =	seq.s32 s0, $0x0;
	v2 =	vld @p5 [tilespmem:s23+$0x0];
	s0 =	simm.s32 @!p0 $0x0  }
0x419: {  	v5 =	vld @p2 [tilespmem:s8+$0xFFFFFFF0];
	s0 =	simm.s32 @p0 $0x1  }
0x41a: {  	v9 =	vld @p1 [tilespmem:s22+$0xFFFFFF80];
	[smem:$0x7E3] =	sst s0  }
0x41b: {  	v6 =	vmul.f32 @p5 $8.000000000e+00, v6;
	v10 =	vld @p1 [tilespmem:s23+$0xFFFFFFC0]  }
0x41c: {  	v7 =	vmul.f32 @!p0 $8.000000000e+00, v7;
	v11 =	vld @p1 [tilespmem:s22+$0xFFFFFF90]  }
0x41d: {  	v12 =	vld @!p0 [tilespmem:s11+$0x50];
	v2 =	vadd.f32 @p5 v2, v6  }
0x41e: {  	s19 =	simm.s32 $0xDD;
	v6 =	vadd.f32 @!p0 v8, v7;
	v7 =	vld @p5 [tilespmem:s22+$0x10]  }
0x41f: {  	v8 =	vld [tilespmem:s19+$0x0];
	[tilespmem:s22+$0x0] =	vst @p5 v2  }
0x420: {  	v2 =	vmul.f32 @p1 $8.000000000e+00, v9;
	[tilespmem:s11+$0x0] =	vst @!p0 v6;
	v6 =	vld @p5 [tilespmem:s23+$0x10]  }
0x421: {  	p3 =	por p1, p1;
	v13 =	vld [tilespmem:s19+$0xFFFFFFFF]  }
0x422: {  	v3 =	vmul.f32 @p2 $8.000000000e+00, v3;
	v9 =	vld @!p0 [tilespmem:s8+$0x10];
	v10 =	vadd.f32 @p3 v10, v2  }
0x423: {  	v14 =	vld @p1 [tilespmem:s22+$0xFFFFFFA0];
	v7 =	vmul.f32 @p5 $8.000000000e+00, v7  }
0x424: {  	v3 =	vadd.f32 @p2 v5, v3;
	v5 =	vld @p3 [tilespmem:s22+$0xFFFFFFB0];
	[tilespmem:s22+$0xFFFFFF80] =	vst @p3 v10  }
0x425: {  	(v2sf) =	vpush v8, $0x0;
	v10 =	vmul.f32 @!p0 $8.000000000e+00, v12;
	v12 =	vld @p3 [tilespmem:s23+$0xFFFFFFD0];
	v6 =	vadd.f32 @p5 v6, v7  }
0x426: {  	v7 =	vld @p5 [tilespmem:s22+$0x20]  }
0x427: {  	v8 =	vadd.f32 @!p0 v9, v10;
	v9 =	vld @!p0 [tilespmem:s11+$0x60];
	[tilespmem:s22+$0x10] =	vst @p5 v6  }
0x428: {  	[tilespmem:s11+$0xFFFFFFB0] =	vst @p2 v3;
	v6 =	vmul.f32 @p3 $8.000000000e+00, v11;
	v10 =	vld @p5 [tilespmem:s23+$0x20]  }
0x429: {  	v3 =	vld @!p3 [tilespmem:s22+$0xFFFFFFC0];
	(v2sf) =	vpush v13, $0x0;
	[tilespmem:s11+$0x10] =	vst @!p0 v8  }
0x42a: {  	v8 =	vld @!p0 [tilespmem:s8+$0x20];
	v6 =	vadd.f32 @p3 v12, v6  }
0x42b: {  	p4 =	por p2, p2;
	v2 =	vld @!p2 [tilespmem:s11+$0xFFFFFFF0];
	v7 =	vmul.f32 @p5 $8.000000000e+00, v7  }
0x42c: {  	s0 =	simm.s32 @!p2 $0x0;
	[tilespmem:s22+$0xFFFFFF90] =	vst @p3 v6;
	v6 =	vld @!p4 [tilespmem:s8+$0xFFFFFFC0]  }
0x42d: {  	s0 =	simm.s32 @p2 $0x1;
	v9 =	vmul.f32 @!p0 $8.000000000e+00, v9;
	v11 =	vld @p3 [tilespmem:s23+$0xFFFFFFE0];
	v7 =	vadd.f32 @p5 v10, v7  }
0x42e: {  	v10 =	vld @p5 [tilespmem:s22+$0x30];
	[smem:$0x7E2] =	sst s0  }
0x42f: {  	v4 =	vmul.f32 @!p2 $8.000000000e+00, v4;
	v8 =	vadd.f32 @!p0 v8, v9;
	v9 =	vld @!p0 [tilespmem:s11+$0x70];
	[tilespmem:s22+$0x20] =	vst @p5 v7  }
0x430: {  	v12 =	vld @p5 [tilespmem:s23+$0x30]  }
0x431: {  	s13 =	simm.s32 $0xDF;
	v13 =	vld @!p3 [tilespmem:s22+$0xFFFFFFD0];
	v4 =	vadd.f32 @!p4 v6, v4  }
0x432: {  	v19 =	vld [tilespmem:s13+$0x0];
	v7 =	vmul.f32 @p3 $8.000000000e+00, v14;
	[tilespmem:s11+$0x20] =	vst @!p0 v8  }
0x433: {  	v8 =	vld @!p3 [tilespmem:s22+$0xFFFFFFE0];
	[tilespmem:s11+$0xFFFFFF80] =	vst @!p4 v4;
	v4 =	vmul.f32 @p5 $8.000000000e+00, v10  }
0x434: {  	v6 =	vld @!p0 [tilespmem:s8+$0x30];
	v7 =	vadd.f32 @p3 v11, v7;
	s24 =	spop (v2sf)  }
0x435: {  	v11 =	vld @!p5 [tilespmem:s22+$0x40];
	s0 =	sand.u32 $0x1, s24;
	v4 =	vadd.f32 @p5 v12, v4  }
0x436: {  	s24 =	simm.s32 $0x6B60;
	[tilespmem:s22+$0xFFFFFFA0] =	vst @p3 v7;
	v7 =	vld @!p4 [tilespmem:s8+$0xFFFFFFD0];
	p0 =	seq.s32 s0, $0x0  }
0x437: {  	v12 =	vld @p0 [tilespmem:s24+$0x0];
	[tilespmem:s22+$0x30] =	vst @p5 v4  }
0x438: {  	s31 =	simm.s32 $0x13220;
	s2 =	spop (v2sf);
	p0 =	por p0, p0;
	v4 =	vld @!p5 [tilespmem:s23+$0x0]  }
0x439: {  	s10 =	sand.u32 $0x1, s2;
	v15 =	vld @p0 [tilespmem:s31+$0x0]  }
0x43a: {  	p6 =	por p5, p5;
	v10 =	vld @p3 [tilespmem:s23+$0xFFFFFFF0];
	p1 =	seq.s32 s10, $0x0  }
0x43b: {  	v14 =	vld @p1 [tilespmem:s24+$0xFFFFFF80];
	v11 =	vmul.f32 @!p6 $8.000000000e+00, v11  }
0x43c: {  	v16 =	vld @p1 [tilespmem:s31+$0xFFFFFFC0];
	v12 =	vmul.f32 @p0 $8.000000000e+00, v12  }
0x43d: {  	v17 =	vld @p1 [tilespmem:s24+$0xFFFFFF90];
	v4 =	vadd.f32 @!p6 v4, v11  }
0x43e: {  	v12 =	vadd.f32 @p0 v15, v12;
	v11 =	vld @!p6 [tilespmem:s22+$0x50]  }
0x43f: {  	v5 =	vmul.f32 @p3 $8.000000000e+00, v5;
	v15 =	vld @p0 [tilespmem:s24+$0x10];
	[tilespmem:s22+$0x0] =	vst @!p6 v4  }
0x440: {  	[tilespmem:s24+$0x0] =	vst @p0 v12;
	v4 =	vmul.f32 @p1 $8.000000000e+00, v14;
	v14 =	vld @!p6 [tilespmem:s23+$0x10]  }
0x441: {  	p5 =	por p1, p1;
	v5 =	vadd.f32 @p3 v10, v5;
	v12 =	vld @p0 [tilespmem:s31+$0x10]  }
0x442: {  	v18 =	vld @p1 [tilespmem:s24+$0xFFFFFFA0];
	v4 =	vadd.f32 @p5 v16, v4  }
0x443: {  	[tilespmem:s22+$0xFFFFFFB0] =	vst @p3 v5;
	v5 =	vld @!p5 [tilespmem:s24+$0xFFFFFFC0];
	v11 =	vmul.f32 @!p6 $8.000000000e+00, v11  }
0x444: {  	v15 =	vmul.f32 @p0 $8.000000000e+00, v15;
	[tilespmem:s24+$0xFFFFFF80] =	vst @p5 v4;
	v4 =	vld [tilespmem:s13+$0xFFFFFFFF]  }
0x445: {  	v20 =	vld @p5 [tilespmem:s31+$0xFFFFFFD0];
	v11 =	vadd.f32 @!p6 v14, v11  }
0x446: {  	v16 =	vld @!p3 [tilespmem:s22+$0xFFFFFFF0];
	v12 =	vadd.f32 @p0 v12, v15  }
0x447: {  	[tilespmem:s22+$0x10] =	vst @!p6 v11;
	v11 =	vld @p0 [tilespmem:s24+$0x20]  }
0x448: {  	(v2sf) =	vpush v19, $0x0;
	v17 =	vmul.f32 @p5 $8.000000000e+00, v17;
	p1 =	por p3, p3;
	v15 =	vld @!p6 [tilespmem:s22+$0x60];
	[tilespmem:s24+$0x10] =	vst @p0 v12  }
0x449: {  	s0 =	simm.s32 @!p1 $0x0;
	v12 =	vld @p0 [tilespmem:s31+$0x20];
	(v2sf) =	vpush v4, $0x0  }
0x44a: {  	s0 =	simm.s32 @p1 $0x1;
	v14 =	vld @p5 [tilespmem:s24+$0xFFFFFFB0];
	v10 =	vadd.f32 @p5 v20, v17  }
0x44b: {  	v4 =	vld @!p6 [tilespmem:s23+$0x20];
	[smem:$0x7E4] =	sst s0  }
0x44c: {  	[tilespmem:s24+$0xFFFFFF90] =	vst @p5 v10;
	v10 =	vld @!p1 [tilespmem:s23+$0xFFFFFFC0];
	v11 =	vmul.f32 @p0 $8.000000000e+00, v11;
	_ =	sdelay $0x1  }
0x44d: {  	v1 =	vmul.f32 @!p2 $8.000000000e+00, v1;
	v17 =	vld @p5 [tilespmem:s31+$0xFFFFFFE0];
	v11 =	vadd.f32 @p0 v12, v11  }
0x44e: {  	v3 =	vmul.f32 @!p3 $8.000000000e+00, v3;
	v12 =	vmul.f32 @p5 $8.000000000e+00, v18;
	v18 =	vld @p0 [tilespmem:s24+$0x30]  }
0x44f: {  	v1 =	vadd.f32 @!p4 v7, v1;
	v15 =	vmul.f32 @!p6 $8.000000000e+00, v15;
	[tilespmem:s24+$0x20] =	vst @p0 v11  }
0x450: {  	v3 =	vadd.f32 @!p1 v10, v3;
	v11 =	vld @p0 [tilespmem:s31+$0x30]  }
0x451: {  	[tilespmem:s11+$0xFFFFFF90] =	vst @!p4 v1;
	v4 =	vadd.f32 @!p6 v4, v15  }
0x452: {  	v19 =	vld @!p5 [tilespmem:s24+$0xFFFFFFD0];
	v10 =	vadd.f32 @p5 v17, v12;
	[tilespmem:s22+$0xFFFFFF80] =	vst @!p1 v3  }
0x453: {  	[tilespmem:s22+$0x20] =	vst @!p6 v4;
	v3 =	vld @!p1 [tilespmem:s23+$0xFFFFFFD0];
	p1 =	por p4, p4;
	v1 =	vmul.f32 @p0 $8.000000000e+00, v18  }
0x454: {  	v15 =	vld @!p6 [tilespmem:s22+$0x70];
	[tilespmem:s24+$0xFFFFFFA0] =	vst @p5 v10;
	s0 =	simm.s32 @!p1 $0x0  }
0x455: {  	v4 =	vld @!p6 [tilespmem:s23+$0x30];
	s19 =	sld [smem:$0x7E3];
	s0 =	simm.s32 @p1 $0x1;
	v1 =	vadd.f32 @p0 v11, v1  }
0x456: {  	s16 =	spop (v2sf);
	v12 =	vld @!p5 [tilespmem:s24+$0xFFFFFFE0];
	[smem:$0x7E5] =	sst s0  }
0x457: {  	s10 =	spop (v2sf);
	[tilespmem:s24+$0x30] =	vst @p0 v1  }
0x458: {  	v10 =	vld @!p1 [tilespmem:s8+$0xFFFFFFE0];
	p1 =	seq.s32 s19, $0x1;
	s2 =	sand.u32 $0x1, s10;
	s10 =	sld [smem:$0x7E2]  }
0x459: {  	v9 =	vmul.f32 @!p1 $8.000000000e+00, v9;
	s13 =	sld [smem:$0x7E3]  }
0x45a: {  	v1 =	vmul.f32 @!p6 $8.000000000e+00, v15  }
0x45b: {  	v7 =	vld @p5 [tilespmem:s31+$0xFFFFFFF0];
	v6 =	vadd.f32 @!p1 v6, v9;
	p1 =	seq.s32 s10, $0x1  }
0x45c: {  	s0 =	sand.u32 $0x1, s16;
	v17 =	vld @!p5 [tilespmem:s24+$0xFFFFFFF0];
	v1 =	vadd.f32 @!p6 v4, v1;
	v9 =	vmul.f32 @!p1 $8.000000000e+00, v0;
	v0 =	vmul.f32 @!p1 $8.000000000e+00, v2;
	p1 =	seq.s32 s13, $0x1  }
0x45d: {  	s6 =	simm.s32 $0x6C60;
	v11 =	vld @!p0 [tilespmem:s24+$0x40];
	p4 =	seq.s32 s0, $0x0;
	[tilespmem:s11+$0x30] =	vst @!p1 v6  }
0x45e: {  	v18 =	vld @p4 [tilespmem:s6+$0x0];
	s16 =	sld [smem:$0x7E4];
	[tilespmem:s22+$0x30] =	vst @!p6 v1  }
0x45f: {  	v15 =	vld @!p0 [tilespmem:s31+$0x0];
	p2 =	seq.s32 s2, $0x0;
	s19 =	sld [smem:$0x7E5]  }
0x460: {  	v13 =	vmul.f32 @!p3 $8.000000000e+00, v13;
	s0 =	simm.s32 $0x132A0;
	p4 =	por p4, p4;
	v20 =	vld @p2 [tilespmem:s6+$0xFFFFFF80]  }
0x461: {  	p0 =	por p0, p0;
	v21 =	vld @p4 [tilespmem:s0+$0x0];
	v2 =	vmul.f32 @!p3 $8.000000000e+00, v8;
	v8 =	vmul.f32 @p5 $8.000000000e+00, v14;
	p1 =	seq.s32 s16, $0x1  }
0x462: {  	v4 =	vmul.f32 @!p0 $8.000000000e+00, v11;
	v3 =	vadd.f32 @!p1 v3, v13;
	v13 =	vld @p2 [tilespmem:s0+$0xFFFFFFC0];
	p6 =	seq.s32 s19, $0x1  }
0x463: {  	v8 =	vadd.f32 @p5 v7, v8;
	v7 =	vld @!p0 [tilespmem:s24+$0x50];
	v11 =	vadd.f32 @!p6 v10, v9  }
0x464: {  	v14 =	vmul.f32 @p4 $8.000000000e+00, v18;
	v10 =	vld @p2 [tilespmem:s6+$0xFFFFFF90];
	[tilespmem:s22+$0xFFFFFF90] =	vst @!p1 v3;
	v3 =	vadd.f32 @!p0 v15, v4  }
0x465: {  	s10 =	simm.s32 $0x6;
	v6 =	vmul.f32 @!p5 $8.000000000e+00, v5;
	v9 =	vld @p2 [tilespmem:s6+$0xFFFFFFA0];
	v15 =	vmul.f32 @p2 $8.000000000e+00, v20;
	[tilespmem:s11+$0xFFFFFFA0] =	vst @!p6 v11  }
0x466: {  	s13 =	simm.s32 $0xE1;
	v1 =	vmul.f32 @!p3 $8.000000000e+00, v16;
	p3 =	por p1, p1;
	v4 =	vmul.f32 @!p5 $8.000000000e+00, v12;
	p1 =	por p2, p2;
	v12 =	vadd.f32 @p4 v21, v14;
	v11 =	vld @p4 [tilespmem:s6+$0x10];
	[tilespmem:s24+$0x0] =	vst @!p0 v3  }
0x467: {  	v5 =	vmul.f32 @!p5 $8.000000000e+00, v19;
	[tilespmem:s24+$0xFFFFFFB0] =	vst @p5 v8;
	s19 =	simm.s32 $0x6C60;
	p6 =	por p6, p6;
	v3 =	vmul.f32 @!p5 $8.000000000e+00, v17;
	p5 =	por p5, p5;
	v13 =	vadd.f32 @p1 v13, v15;
	v8 =	vld @!p0 [tilespmem:s31+$0x10]  }
.LBB2_11:
0x468: {  	v14 =	vld [tilespmem:s13+$0x0];
	[tilespmem:s6+$0x0] =	vst @p4 v12  }
0x469: {  	[tilespmem:s6+$0xFFFFFF80] =	vst @p1 v13;
	v12 =	vld @p4 [tilespmem:s0+$0x10]  }
0x46a: {  	v13 =	vld [tilespmem:s13+$0xFFFFFFFF]  }
0x46b: {  	v15 =	vld @p1 [tilespmem:s0+$0xFFFFFFD0]  }
0x46c: {  	v7 =	vmul.f32 @!p0 $8.000000000e+00, v7  }
0x46d: {  	v16 =	vld @p1 [tilespmem:s6+$0xFFFFFFB0];
	v11 =	vmul.f32 @p4 $8.000000000e+00, v11  }
0x46e: {  	v10 =	vmul.f32 @p1 $8.000000000e+00, v10;
	v7 =	vadd.f32 @!p0 v8, v7;
	v8 =	vld @!p0 [tilespmem:s24+$0x60]  }
0x46f: {  	(v2sf) =	vpush v14, $0x0;
	v11 =	vadd.f32 @p4 v12, v11;
	v12 =	vld @p4 [tilespmem:s6+$0x20]  }
0x470: {  	(v2sf) =	vpush v13, $0x0;
	v10 =	vadd.f32 @p1 v15, v10;
	v13 =	vld @!p1 [tilespmem:s6+$0xFFFFFFC0];
	[tilespmem:s24+$0x10] =	vst @!p0 v7  }
0x471: {  	v7 =	vld @!p0 [tilespmem:s31+$0x20];
	[tilespmem:s6+$0x10] =	vst @p4 v11  }
0x472: {  	[tilespmem:s6+$0xFFFFFF90] =	vst @p1 v10;
	v14 =	vld @p4 [tilespmem:s0+$0x20]  }
0x473: {  	v10 =	vld @!p5 [tilespmem:s31+$0xFFFFFFC0]  }
0x474: {  	v15 =	vld @p1 [tilespmem:s0+$0xFFFFFFE0];
	v8 =	vmul.f32 @!p0 $8.000000000e+00, v8;
	_ =	sdelay $0x1  }
0x475: {  	v12 =	vmul.f32 @p4 $8.000000000e+00, v12;
	v7 =	vadd.f32 @!p0 v7, v8  }
0x476: {  	v9 =	vmul.f32 @p1 $8.000000000e+00, v9;
	v8 =	vmul.f32 @!p1 $8.000000000e+00, v13;
	v13 =	vld @!p0 [tilespmem:s24+$0x70]  }
0x477: {  	v12 =	vadd.f32 @p4 v14, v12;
	v14 =	vld @p4 [tilespmem:s6+$0x30];
	[tilespmem:s24+$0x20] =	vst @!p0 v7;
	v7 =	vadd.f32 @!p5 v10, v6  }
0x478: {  	v11 =	vmul.f32 @p1 $8.000000000e+00, v16;
	v16 =	vld @!p1 [tilespmem:s6+$0xFFFFFFD0];
	v6 =	vmov v8;
	v8 =	vadd.f32 @p1 v15, v9  }
0x479: {  	v10 =	vld @!p0 [tilespmem:s31+$0x30];
	[tilespmem:s24+$0xFFFFFF80] =	vst @!p5 v7  }
0x47a: {  	v9 =	vld @!p1 [tilespmem:s6+$0xFFFFFFE0];
	[tilespmem:s6+$0xFFFFFFA0] =	vst @p1 v8  }
0x47b: {  	s2 =	simm.s32 @!p6 $0x0;
	s10 =	sadd.s32 $0x2, s10;
	[tilespmem:s6+$0x20] =	vst @p4 v12;
	v7 =	vld @!p5 [tilespmem:s31+$0xFFFFFFD0]  }
0x47c: {  	s2 =	simm.s32 @p6 $0x1;
	p2 =	slt.u32 s10, $0xC6;
	v15 =	vld @p4 [tilespmem:s0+$0x30];
	v8 =	vmul.f32 @!p0 $8.000000000e+00, v13  }
0x47d: {  	[smem:$0x7E0] =	sst s2;
	s2 =	simm.s32 @!p2 $0x0;
	v13 =	vld @p1 [tilespmem:s0+$0xFFFFFFF0]  }
0x47e: {  	s2 =	simm.s32 @p2 $0x1;
	v8 =	vadd.f32 @!p0 v10, v8;
	v10 =	vld @!p3 [tilespmem:s23+$0xFFFFFFE0]  }
0x47f: {  	[smem:$0x7E1] =	sst s2;
	v12 =	vmul.f32 @!p1 $8.000000000e+00, v16;
	v16 =	vld @!p1 [tilespmem:s6+$0xFFFFFFF0];
	v14 =	vmul.f32 @p4 $8.000000000e+00, v14;
	s16 =	spop (v2sf)  }
0x480: {  	s6 =	sadd.s32 $0x100, s6;
	s16 =	sand.u32 $0x1, s16;
	s2 =	spop (v2sf);
	[tilespmem:s24+$0x30] =	vst @!p0 v8;
	v8 =	vld @!p6 [tilespmem:s8+$0xFFFFFFF0];
	v7 =	vadd.f32 @!p5 v7, v5  }
0x481: {  	v14 =	vadd.f32 @p4 v15, v14;
	s2 =	sand.u32 $0x1, s2;
	p6 =	seq.s32 s16, $0x0;
	s16 =	sld [smem:$0x7E0];
	v15 =	vld @!p4 [tilespmem:s19+$0x40]  }
0x482: {  	s8 =	smov.u32 s23;
	p2 =	seq.s32 s2, $0x0;
	v5 =	vmov v12;
	v12 =	vld @p6 [tilespmem:s6+$0x0];
	v11 =	vadd.f32 @p1 v13, v11;
	[tilespmem:s24+$0xFFFFFF90] =	vst @!p5 v7  }
0x483: {  	s23 =	smov.u32 s31;
	s31 =	smov.u32 s0;
	p0 =	por p4, p4;
	[tilespmem:s19+$0x30] =	vst @p4 v14;
	v7 =	vadd.f32 @!p3 v10, v2;
	v14 =	vld @p2 [tilespmem:s6+$0xFFFFFF80]  }
0x484: {  	v9 =	vmul.f32 @!p1 $8.000000000e+00, v9;
	v13 =	vld @!p4 [tilespmem:s0+$0x0];
	p4 =	por p6, p6;
	s0 =	sadd.s32 $0x80, s0;
	p6 =	seq.s32 s16, $0x1;
	[tilespmem:s19+$0xFFFFFFB0] =	vst @p1 v11  }
0x485: {  	s16 =	sld [smem:$0x7E1];
	v11 =	vld @p4 [tilespmem:s0+$0x0];
	[tilespmem:s22+$0xFFFFFFA0] =	vst @!p3 v7;
	v7 =	vadd.f32 @!p6 v8, v0  }
0x486: {  	v2 =	vmov v4;
	v4 =	vmov v9;
	v9 =	vmul.f32 @!p1 $8.000000000e+00, v16;
	v8 =	vld @p2 [tilespmem:s0+$0xFFFFFFC0]  }
0x487: {  	v10 =	vld @p2 [tilespmem:s6+$0xFFFFFF90];
	[tilespmem:s11+$0xFFFFFFB0] =	vst @!p6 v7;
	p6 =	por p3, p3;
	p3 =	por p5, p5  }
0x488: {  	v0 =	vmovc v1;
	v1 =	vmovc v3;
	v3 =	vmov v9;
	v15 =	vmul.f32 @!p0 $8.000000000e+00, v15;
	p5 =	por p1, p1;
	p1 =	por p2, p2;
	v9 =	vld @p2 [tilespmem:s6+$0xFFFFFFA0];
	v14 =	vmul.f32 @p2 $8.000000000e+00, v14;
	p2 =	seq.s32 s16, $0x1  }
.Ltmp4:
0x489: {  	_ = 	snop;
	(pc) =	sbr.rel @p2 .LBB2_11-.Ltmp4, $4  }
0x48a: {  	v12 =	vmul.f32 @p4 $8.000000000e+00, v12;
	s11 =	smov.u32 s22;
	s22 =	smov.u32 s24;
	s24 =	smov.u32 s19;
	v13 =	vadd.f32 @!p0 v13, v15  }
0x48b: {  	v7 =	vld @!p0 [tilespmem:s24+$0x50]  }
0x48c: {  	v12 =	vadd.f32 @p4 v11, v12;
	v11 =	vld @p4 [tilespmem:s6+$0x10];
	[tilespmem:s24+$0x0] =	vst @!p0 v13  }
0x48d: {  	s13 =	sadd.s32 $0x2, s13;
	s19 =	smov.u32 s6;
	v13 =	vadd.f32 @p1 v8, v14;
	v8 =	vld @!p0 [tilespmem:s31+$0x10]  }
0x48e: {  	[tilespmem:s6+$0x0] =	vst @p4 v12  }
0x48f: {  	v12 =	vld @p4 [tilespmem:s0+$0x10];
	_ =	sdelay $0x1  }
0x490: {  	[tilespmem:s6+$0xFFFFFF80] =	vst @p1 v13  }
0x491: {  	v13 =	vld @p1 [tilespmem:s0+$0xFFFFFFD0];
	v11 =	vmul.f32 @p4 $8.000000000e+00, v11;
	_ =	sdelay $0x1  }
0x492: {  	v11 =	vadd.f32 @p4 v12, v11  }
0x493: {  	v10 =	vmul.f32 @p1 $8.000000000e+00, v10;
	v12 =	vld @p4 [tilespmem:s6+$0x20]  }
0x494: {  	[tilespmem:s6+$0x10] =	vst @p4 v11  }
0x495: {  	v10 =	vadd.f32 @p1 v13, v10;
	v11 =	vld @p4 [tilespmem:s0+$0x20];
	_ =	sdelay $0x1  }
0x496: {  	[tilespmem:s6+$0xFFFFFF90] =	vst @p1 v10  }
0x497: {  	v10 =	vld @p1 [tilespmem:s0+$0xFFFFFFE0];
	v12 =	vmul.f32 @p4 $8.000000000e+00, v12;
	_ =	sdelay $0x1  }
0x498: {  	v11 =	vadd.f32 @p4 v11, v12  }
0x499: {  	v9 =	vmul.f32 @p1 $8.000000000e+00, v9;
	v12 =	vld @p4 [tilespmem:s6+$0x30]  }
0x49a: {  	[tilespmem:s6+$0x20] =	vst @p4 v11  }
0x49b: {  	v9 =	vadd.f32 @p1 v10, v9;
	v10 =	vld @p4 [tilespmem:s0+$0x30]  }
0x49c: {  	v14 =	vld @p1 [tilespmem:s6+$0xFFFFFFB0];
	_ =	sdelay $0x1  }
0x49d: {  	[tilespmem:s6+$0xFFFFFFA0] =	vst @p1 v9;
	v12 =	vmul.f32 @p4 $8.000000000e+00, v12  }
0x49e: {  	v9 =	vld @p1 [tilespmem:s0+$0xFFFFFFF0]  }
0x49f: {  	v15 =	vld @!p1 [tilespmem:s6+$0xFFFFFFD0];
	v10 =	vadd.f32 @p4 v10, v12  }
0x4a0: {  	v12 =	vmul.f32 @p1 $8.000000000e+00, v14;
	v14 =	vld @!p4 [tilespmem:s19+$0x40]  }
0x4a1: {  	v16 =	vld @!p5 [tilespmem:s31+$0xFFFFFFC0];
	[tilespmem:s19+$0x30] =	vst @p4 v10  }
0x4a2: {  	v10 =	vld @!p4 [tilespmem:s0+$0x0]  }
0x4a3: {  	v13 =	vld @!p1 [tilespmem:s6+$0xFFFFFFC0];
	v9 =	vadd.f32 @p1 v9, v12  }
0x4a4: {  	v11 =	vld @!p1 [tilespmem:s6+$0xFFFFFFE0];
	p4 =	por p4, p4  }
0x4a5: {  	p2 =	por p1, p1;
	v12 =	vld @!p1 [tilespmem:s6+$0xFFFFFFF0];
	[tilespmem:s19+$0xFFFFFFB0] =	vst @p1 v9;
	v9 =	vmul.f32 @!p4 $8.000000000e+00, v14  }
0x4a6: {  	v14 =	vld @!p2 [tilespmem:s0+$0xFFFFFFC0]  }
0x4a7: {  	v9 =	vadd.f32 @!p4 v10, v9  }
0x4a8: {  	v10 =	vmul.f32 @!p1 $8.000000000e+00, v13;
	v13 =	vld @!p4 [tilespmem:s19+$0x50]  }
0x4a9: {  	v6 =	vadd.f32 @!p5 v16, v6;
	[tilespmem:s19+$0x0] =	vst @!p4 v9  }
0x4aa: {  	v7 =	vmul.f32 @!p0 $8.000000000e+00, v7;
	v9 =	vld @!p4 [tilespmem:s0+$0x10]  }
0x4ab: {  	[tilespmem:s24+$0xFFFFFF80] =	vst @!p5 v6;
	v10 =	vadd.f32 @!p2 v14, v10  }
0x4ac: {  	v6 =	vadd.f32 @!p0 v8, v7;
	v7 =	vld @!p5 [tilespmem:s31+$0xFFFFFFD0]  }
0x4ad: {  	v14 =	vld @!p0 [tilespmem:s24+$0x60];
	[tilespmem:s19+$0xFFFFFF80] =	vst @!p2 v10;
	v8 =	vmul.f32 @!p4 $8.000000000e+00, v13  }
0x4ae: {  	[tilespmem:s24+$0x10] =	vst @!p0 v6;
	v10 =	vld @!p2 [tilespmem:s0+$0xFFFFFFD0]  }
0x4af: {  	v6 =	vld @!p0 [tilespmem:s31+$0x20];
	v8 =	vadd.f32 @!p4 v9, v8  }
0x4b0: {  	v13 =	vld @!p4 [tilespmem:s19+$0x60]  }
0x4b1: {  	v9 =	vmul.f32 @!p1 $8.000000000e+00, v15;
	[tilespmem:s19+$0x10] =	vst @!p4 v8  }
0x4b2: {  	v5 =	vadd.f32 @!p5 v7, v5;
	v7 =	vmul.f32 @!p0 $8.000000000e+00, v14;
	v8 =	vld @!p4 [tilespmem:s0+$0x20]  }
0x4b3: {  	v9 =	vadd.f32 @!p2 v10, v9;
	v10 =	vld @!p3 [tilespmem:s23+$0xFFFFFFE0]  }
0x4b4: {  	[tilespmem:s24+$0xFFFFFF90] =	vst @!p5 v5;
	p5 =	por p5, p5;
	v15 =	vld @!p0 [tilespmem:s24+$0x70];
	v5 =	vadd.f32 @!p0 v6, v7  }
0x4b5: {  	v6 =	vld @!p5 [tilespmem:s31+$0xFFFFFFE0];
	v7 =	vmul.f32 @!p4 $8.000000000e+00, v13;
	[tilespmem:s19+$0xFFFFFF90] =	vst @!p2 v9;
	p2 =	por p2, p2  }
0x4b6: {  	[tilespmem:s24+$0x20] =	vst @!p0 v5;
	v9 =	vld @!p2 [tilespmem:s0+$0xFFFFFFE0]  }
0x4b7: {  	v5 =	vld @!p0 [tilespmem:s31+$0x30];
	v7 =	vadd.f32 @!p4 v8, v7  }
0x4b8: {  	v2 =	vadd.f32 @!p3 v10, v2;
	v10 =	vld @!p4 [tilespmem:s19+$0x70]  }
0x4b9: {  	v8 =	vmul.f32 @!p1 $8.000000000e+00, v11;
	v11 =	vld @!p6 [tilespmem:s8+$0xFFFFFFF0];
	[tilespmem:s19+$0x20] =	vst @!p4 v7  }
0x4ba: {  	v4 =	vadd.f32 @!p5 v6, v4;
	[tilespmem:s22+$0xFFFFFFA0] =	vst @!p3 v2;
	v2 =	vld @!p4 [tilespmem:s0+$0x30]  }
0x4bb: {  	p3 =	por p3, p3;
	v6 =	vadd.f32 @!p2 v9, v8;
	v7 =	vmul.f32 @!p0 $8.000000000e+00, v15  }
0x4bc: {  	[tilespmem:s24+$0xFFFFFFA0] =	vst @!p5 v4;
	p5 =	por p5, p5;
	v8 =	vld @!p3 [tilespmem:s23+$0xFFFFFFF0]  }
0x4bd: {  	v4 =	vld @!p5 [tilespmem:s31+$0xFFFFFFF0];
	[tilespmem:s19+$0xFFFFFFA0] =	vst @!p2 v6;
	p2 =	por p2, p2;
	v5 =	vadd.f32 @!p0 v5, v7;
	v6 =	vmul.f32 @!p4 $8.000000000e+00, v10  }
0x4be: {  	v7 =	vld @!p2 [tilespmem:s0+$0xFFFFFFF0];
	v0 =	vadd.f32 @!p6 v11, v0  }
0x4bf: {  	[tilespmem:s24+$0x30] =	vst @!p0 v5;
	v2 =	vadd.f32 @!p4 v2, v6  }
0x4c0: {  	[tilespmem:s11+$0xFFFFFFB0] =	vst @!p6 v0  }
0x4c1: {  	v5 =	vmul.f32 @!p1 $8.000000000e+00, v12;
	v0 =	vadd.f32 @!p3 v8, v1;
	[tilespmem:s19+$0x30] =	vst @!p4 v2  }
0x4c2: {  	v1 =	vadd.f32 @!p5 v4, v3;
	s6 =	rddreg [dreg:$0x1a]  }
0x4c3: {  	[tilespmem:s22+$0xFFFFFFB0] =	vst @!p3 v0;
	v0 =	vadd.f32 @!p2 v7, v5;
	s0 =	sadd.s32 s30, s6  }
0x4c4: {  	[tilespmem:s24+$0xFFFFFFB0] =	vst @!p5 v1;
	s0 =	smul.u32 $0xC80, s0  }
0x4c5: {  	[tilespmem:s19+$0xFFFFFFB0] =	vst @!p2 v0  }
0x4c6: {  	s8 =	rddreg [dreg:$0x13];
	s0 =	sadd.s32 s7, s0  }
0x4c7: {  	[hbm4b:s0+s3] =	stream.linear.scatter [tilespmem:s26], [sflag:$0x8], $0x6400, $0x38;
	[tilespmem:$0x162E0] =	vst v63  }
0x4c8: {  	s0 =	sadd.s32 s9, s8  }
0x4c9: {  	s2 =	rddreg [dreg:$0x1];
	s0 =	sshrl.u32 s0, $0x3  }
0x4ca: {  	s10 =	simm.s32 $0xD8;
	s2 =	sadd.s32 s2, s0  }
0x4cb: {  	[tilespmem:s10], [sflag:$0x2] =	stream.linear.gather [hbm4b:s2+s3], $0xC8, $0x38;
	[tilespmem:$0x162E0] =	vst v63  }
0x4cc: {  	s11 =	simm.s32 $0x350;
	s0 =	sadd.s32 s5, s0  }
0x4cd: {  	[tilespmem:s11], [sflag:$0x2] =	stream.linear.gather [hbm4b:s0+s3], $0xC8, $0x38;
	[tilespmem:$0x162E0] =	vst v63  }
0x4ce: {  	_ =	swait.ge [sflag:s21], $0x6400  }
0x4cf: {  	[sflag:s21] =	ssyncset.done $0x0  }
0x4d0: {  	[sflag:s21] =	ssyncadd.s32 $0xFFFF9C00  }
0x4d1: {  	_ =	swait.ge [sflag:s25], $0xC8  }
0x4d2: {  	[sflag:s25] =	ssyncset.done $0x0  }
0x4d3: {  	[sflag:s25] =	ssyncadd.s32 $0xFFFFFF38  }
0x4d4: {  	_ =	swait.ge [sflag:s25], $0xC8  }
0x4d5: {  	s13 =	simm.s32 $0x288;
	[sflag:s25] =	ssyncset.done $0x0  }
0x4d6: {  	s16 =	simm.s32 $0x4E0;
	s19 =	simm.s32 $0x6;
	[sflag:s25] =	ssyncadd.s32 $0xFFFFFF38  }
0x4d7: {  	[tilespmem:s16], [sflag:$0x4] =	stream.indirect.gather [hbm4b:s4+s12], $0x80, s13, s12, $0xb8;
	[tilespmem:$0x162E0] =	vst v63  }
0x4d8: {  	_ =	swait.ge [sflag:s19], $0x6400  }
0x4d9: {  	[sflag:s19] =	ssyncset.done $0x0  }
0x4da: {  	s22 =	simm.s32 $0x1B1;
	[sflag:s19] =	ssyncadd.s32 $0xFFFF9C00  }
0x4db: {  	v0 =	vld [tilespmem:s22+$0x0];
	_ =	sdelay $0x3  }
0x4dc: {  	v1 =	vld [tilespmem:s22+$0xFFFFFFFF]  }
0x4dd: {  	(v2sf) =	vpush v0, $0x0;
	_ =	sdelay $0x3  }
0x4de: {  	(v2sf) =	vpush v1, $0x0;
	_ =	sdelay $0xa  }
0x4df: {  	s23 =	spop (v2sf)  }
0x4e0: {  	s0 =	sand.u32 $0x1, s23  }
0x4e1: {  	s11 =	simm.s32 $0xCD60;
	p0 =	seq.s32 s0, $0x0  }
0x4e2: {  	v0 =	vld @p0 [tilespmem:s11+$0x0]  }
0x4e3: {  	s8 =	simm.s32 $0x13120;
	s24 =	spop (v2sf);
	p0 =	por p0, p0  }
0x4e4: {  	s0 =	sand.u32 $0x1, s24;
	v1 =	vld @p0 [tilespmem:s8+$0x0]  }
0x4e5: {  	p1 =	seq.s32 s0, $0x0  }
0x4e6: {  	v2 =	vld @p1 [tilespmem:s11+$0xFFFFFF80]  }
0x4e7: {  	v0 =	vmul.f32 @p0 $8.000000000e+00, v0  }
0x4e8: {  	s2 =	simm.s32 $0x1B3;
	v3 =	vld @p1 [tilespmem:s8+$0xFFFFFFC0]  }
0x4e9: {  	v4 =	vld [tilespmem:s2+$0x0];
	v0 =	vadd.f32 @p0 v1, v0  }
0x4ea: {  	v1 =	vld @p0 [tilespmem:s11+$0x10]  }
0x4eb: {  	v2 =	vmul.f32 @p1 $8.000000000e+00, v2;
	[tilespmem:s11+$0x0] =	vst @p0 v0  }
0x4ec: {  	p2 =	por p1, p1;
	v0 =	vld @p0 [tilespmem:s8+$0x10]  }
0x4ed: {  	v2 =	vadd.f32 @p2 v3, v2  }
0x4ee: {  	v5 =	vld @p1 [tilespmem:s11+$0xFFFFFF90]  }
0x4ef: {  	(v2sf) =	vpush v4, $0x0;
	v3 =	vld [tilespmem:s2+$0xFFFFFFFF];
	[tilespmem:s11+$0xFFFFFF80] =	vst @p2 v2;
	v1 =	vmul.f32 @p0 $8.000000000e+00, v1  }
0x4f0: {  	v2 =	vld @p2 [tilespmem:s8+$0xFFFFFFD0]  }
0x4f1: {  	v0 =	vadd.f32 @p0 v0, v1  }
0x4f2: {  	v1 =	vld @p0 [tilespmem:s11+$0x20]  }
0x4f3: {  	v4 =	vmul.f32 @p2 $8.000000000e+00, v5;
	[tilespmem:s11+$0x10] =	vst @p0 v0  }
0x4f4: {  	(v2sf) =	vpush v3, $0x0;
	v0 =	vld @p0 [tilespmem:s8+$0x20]  }
0x4f5: {  	v2 =	vadd.f32 @p2 v2, v4  }
0x4f6: {  	v6 =	vld @p1 [tilespmem:s11+$0xFFFFFFA0]  }
0x4f7: {  	[tilespmem:s11+$0xFFFFFF90] =	vst @p2 v2;
	v1 =	vmul.f32 @p0 $8.000000000e+00, v1  }
0x4f8: {  	v2 =	vld @p2 [tilespmem:s8+$0xFFFFFFE0]  }
0x4f9: {  	v0 =	vadd.f32 @p0 v0, v1  }
0x4fa: {  	v5 =	vld @p0 [tilespmem:s11+$0x30]  }
0x4fb: {  	v6 =	vmul.f32 @p2 $8.000000000e+00, v6;
	[tilespmem:s11+$0x20] =	vst @p0 v0  }
0x4fc: {  	v7 =	vld @p0 [tilespmem:s8+$0x30]  }
0x4fd: {  	v2 =	vadd.f32 @p2 v2, v6  }
0x4fe: {  	s6 =	spop (v2sf);
	v3 =	vld @p2 [tilespmem:s11+$0xFFFFFFB0]  }
0x4ff: {  	s0 =	sand.u32 $0x1, s6;
	v4 =	vld @!p2 [tilespmem:s11+$0xFFFFFFC0];
	[tilespmem:s11+$0xFFFFFFA0] =	vst @p2 v2;
	v2 =	vmul.f32 @p0 $8.000000000e+00, v5  }
0x500: {  	s22 =	simm.s32 $0xCE60;
	p1 =	seq.s32 s0, $0x0;
	v1 =	vld @!p2 [tilespmem:s11+$0xFFFFFFD0]  }
0x501: {  	v6 =	vld @p1 [tilespmem:s22+$0x0];
	v2 =	vadd.f32 @p0 v7, v2  }
0x502: {  	v0 =	vld @!p2 [tilespmem:s11+$0xFFFFFFE0]  }
0x503: {  	s23 =	simm.s32 $0x131A0;
	s10 =	spop (v2sf);
	v7 =	vld @!p0 [tilespmem:s11+$0x40];
	[tilespmem:s11+$0x30] =	vst @p0 v2  }
0x504: {  	p5 =	por p1, p1;
	s0 =	sand.u32 $0x1, s10;
	v8 =	vld @!p0 [tilespmem:s8+$0x0];
	p0 =	por p0, p0  }
0x505: {  	p1 =	seq.s32 s0, $0x0;
	v2 =	vld @p5 [tilespmem:s23+$0x0];
	s0 =	simm.s32 @!p0 $0x0  }
0x506: {  	v5 =	vld @p2 [tilespmem:s8+$0xFFFFFFF0];
	s0 =	simm.s32 @p0 $0x1  }
0x507: {  	v9 =	vld @p1 [tilespmem:s22+$0xFFFFFF80];
	[smem:$0x7DD] =	sst s0  }
0x508: {  	v6 =	vmul.f32 @p5 $8.000000000e+00, v6;
	v10 =	vld @p1 [tilespmem:s23+$0xFFFFFFC0]  }
0x509: {  	v7 =	vmul.f32 @!p0 $8.000000000e+00, v7;
	v11 =	vld @p1 [tilespmem:s22+$0xFFFFFF90]  }
0x50a: {  	v12 =	vld @!p0 [tilespmem:s11+$0x50];
	v2 =	vadd.f32 @p5 v2, v6  }
0x50b: {  	s13 =	simm.s32 $0x1B5;
	v6 =	vadd.f32 @!p0 v8, v7;
	v7 =	vld @p5 [tilespmem:s22+$0x10]  }
0x50c: {  	v8 =	vld [tilespmem:s13+$0x0];
	[tilespmem:s22+$0x0] =	vst @p5 v2  }
0x50d: {  	v2 =	vmul.f32 @p1 $8.000000000e+00, v9;
	[tilespmem:s11+$0x0] =	vst @!p0 v6;
	v6 =	vld @p5 [tilespmem:s23+$0x10]  }
0x50e: {  	p3 =	por p1, p1;
	v13 =	vld [tilespmem:s13+$0xFFFFFFFF]  }
0x50f: {  	v3 =	vmul.f32 @p2 $8.000000000e+00, v3;
	v9 =	vld @!p0 [tilespmem:s8+$0x10];
	v10 =	vadd.f32 @p3 v10, v2  }
0x510: {  	v14 =	vld @p1 [tilespmem:s22+$0xFFFFFFA0];
	v7 =	vmul.f32 @p5 $8.000000000e+00, v7  }
0x511: {  	v3 =	vadd.f32 @p2 v5, v3;
	v5 =	vld @p3 [tilespmem:s22+$0xFFFFFFB0];
	[tilespmem:s22+$0xFFFFFF80] =	vst @p3 v10  }
0x512: {  	(v2sf) =	vpush v8, $0x0;
	v10 =	vmul.f32 @!p0 $8.000000000e+00, v12;
	v12 =	vld @p3 [tilespmem:s23+$0xFFFFFFD0];
	v6 =	vadd.f32 @p5 v6, v7  }
0x513: {  	v7 =	vld @p5 [tilespmem:s22+$0x20]  }
0x514: {  	v8 =	vadd.f32 @!p0 v9, v10;
	v9 =	vld @!p0 [tilespmem:s11+$0x60];
	[tilespmem:s22+$0x10] =	vst @p5 v6  }
0x515: {  	[tilespmem:s11+$0xFFFFFFB0] =	vst @p2 v3;
	v6 =	vmul.f32 @p3 $8.000000000e+00, v11;
	v10 =	vld @p5 [tilespmem:s23+$0x20]  }
0x516: {  	v3 =	vld @!p3 [tilespmem:s22+$0xFFFFFFC0];
	(v2sf) =	vpush v13, $0x0;
	[tilespmem:s11+$0x10] =	vst @!p0 v8  }
0x517: {  	v8 =	vld @!p0 [tilespmem:s8+$0x20];
	v6 =	vadd.f32 @p3 v12, v6  }
0x518: {  	p4 =	por p2, p2;
	v2 =	vld @!p2 [tilespmem:s11+$0xFFFFFFF0];
	v7 =	vmul.f32 @p5 $8.000000000e+00, v7  }
0x519: {  	s0 =	simm.s32 @!p2 $0x0;
	[tilespmem:s22+$0xFFFFFF90] =	vst @p3 v6;
	v6 =	vld @!p4 [tilespmem:s8+$0xFFFFFFC0]  }
0x51a: {  	s0 =	simm.s32 @p2 $0x1;
	v9 =	vmul.f32 @!p0 $8.000000000e+00, v9;
	v11 =	vld @p3 [tilespmem:s23+$0xFFFFFFE0];
	v7 =	vadd.f32 @p5 v10, v7  }
0x51b: {  	v10 =	vld @p5 [tilespmem:s22+$0x30];
	[smem:$0x7DC] =	sst s0  }
0x51c: {  	v4 =	vmul.f32 @!p2 $8.000000000e+00, v4;
	v8 =	vadd.f32 @!p0 v8, v9;
	v9 =	vld @!p0 [tilespmem:s11+$0x70];
	[tilespmem:s22+$0x20] =	vst @p5 v7  }
0x51d: {  	v12 =	vld @p5 [tilespmem:s23+$0x30]  }
0x51e: {  	s10 =	simm.s32 $0x1B7;
	v13 =	vld @!p3 [tilespmem:s22+$0xFFFFFFD0];
	v4 =	vadd.f32 @!p4 v6, v4  }
0x51f: {  	v19 =	vld [tilespmem:s10+$0x0];
	v7 =	vmul.f32 @p3 $8.000000000e+00, v14;
	[tilespmem:s11+$0x20] =	vst @!p0 v8  }
0x520: {  	v8 =	vld @!p3 [tilespmem:s22+$0xFFFFFFE0];
	[tilespmem:s11+$0xFFFFFF80] =	vst @!p4 v4;
	v4 =	vmul.f32 @p5 $8.000000000e+00, v10  }
0x521: {  	v6 =	vld @!p0 [tilespmem:s8+$0x30];
	v7 =	vadd.f32 @p3 v11, v7;
	s16 =	spop (v2sf)  }
0x522: {  	v11 =	vld @!p5 [tilespmem:s22+$0x40];
	s0 =	sand.u32 $0x1, s16;
	v4 =	vadd.f32 @p5 v12, v4  }
0x523: {  	s24 =	simm.s32 $0xCF60;
	[tilespmem:s22+$0xFFFFFFA0] =	vst @p3 v7;
	v7 =	vld @!p4 [tilespmem:s8+$0xFFFFFFD0];
	p0 =	seq.s32 s0, $0x0  }
0x524: {  	v12 =	vld @p0 [tilespmem:s24+$0x0];
	[tilespmem:s22+$0x30] =	vst @p5 v4  }
0x525: {  	s31 =	simm.s32 $0x13220;
	s19 =	spop (v2sf);
	p0 =	por p0, p0;
	v4 =	vld @!p5 [tilespmem:s23+$0x0]  }
0x526: {  	s6 =	sand.u32 $0x1, s19;
	v15 =	vld @p0 [tilespmem:s31+$0x0]  }
0x527: {  	p6 =	por p5, p5;
	v10 =	vld @p3 [tilespmem:s23+$0xFFFFFFF0];
	p1 =	seq.s32 s6, $0x0  }
0x528: {  	v14 =	vld @p1 [tilespmem:s24+$0xFFFFFF80];
	v11 =	vmul.f32 @!p6 $8.000000000e+00, v11  }
0x529: {  	v16 =	vld @p1 [tilespmem:s31+$0xFFFFFFC0];
	v12 =	vmul.f32 @p0 $8.000000000e+00, v12  }
0x52a: {  	v17 =	vld @p1 [tilespmem:s24+$0xFFFFFF90];
	v4 =	vadd.f32 @!p6 v4, v11  }
0x52b: {  	v12 =	vadd.f32 @p0 v15, v12;
	v11 =	vld @!p6 [tilespmem:s22+$0x50]  }
0x52c: {  	v5 =	vmul.f32 @p3 $8.000000000e+00, v5;
	v15 =	vld @p0 [tilespmem:s24+$0x10];
	[tilespmem:s22+$0x0] =	vst @!p6 v4  }
0x52d: {  	[tilespmem:s24+$0x0] =	vst @p0 v12;
	v4 =	vmul.f32 @p1 $8.000000000e+00, v14;
	v14 =	vld @!p6 [tilespmem:s23+$0x10]  }
0x52e: {  	p5 =	por p1, p1;
	v5 =	vadd.f32 @p3 v10, v5;
	v12 =	vld @p0 [tilespmem:s31+$0x10]  }
0x52f: {  	v18 =	vld @p1 [tilespmem:s24+$0xFFFFFFA0];
	v4 =	vadd.f32 @p5 v16, v4  }
0x530: {  	[tilespmem:s22+$0xFFFFFFB0] =	vst @p3 v5;
	v5 =	vld @!p5 [tilespmem:s24+$0xFFFFFFC0];
	v11 =	vmul.f32 @!p6 $8.000000000e+00, v11  }
0x531: {  	v16 =	vld @!p3 [tilespmem:s22+$0xFFFFFFF0];
	v15 =	vmul.f32 @p0 $8.000000000e+00, v15;
	[tilespmem:s24+$0xFFFFFF80] =	vst @p5 v4  }
0x532: {  	v20 =	vld @p5 [tilespmem:s31+$0xFFFFFFD0];
	v11 =	vadd.f32 @!p6 v14, v11  }
0x533: {  	v4 =	vld [tilespmem:s10+$0xFFFFFFFF];
	v12 =	vadd.f32 @p0 v12, v15  }
0x534: {  	[tilespmem:s22+$0x10] =	vst @!p6 v11;
	v11 =	vld @p0 [tilespmem:s24+$0x20]  }
0x535: {  	v17 =	vmul.f32 @p5 $8.000000000e+00, v17;
	p1 =	por p3, p3;
	v15 =	vld @!p6 [tilespmem:s22+$0x60];
	[tilespmem:s24+$0x10] =	vst @p0 v12  }
0x536: {  	s0 =	simm.s32 @!p1 $0x0;
	v12 =	vld @p0 [tilespmem:s31+$0x20]  }
0x537: {  	(v2sf) =	vpush v19, $0x0;
	s0 =	simm.s32 @p1 $0x1;
	v14 =	vld @p5 [tilespmem:s24+$0xFFFFFFB0];
	v10 =	vadd.f32 @p5 v20, v17  }
0x538: {  	(v2sf) =	vpush v4, $0x0;
	v4 =	vld @!p6 [tilespmem:s23+$0x20];
	[smem:$0x7DE] =	sst s0  }
0x539: {  	[tilespmem:s24+$0xFFFFFF90] =	vst @p5 v10;
	v10 =	vld @!p1 [tilespmem:s23+$0xFFFFFFC0];
	v11 =	vmul.f32 @p0 $8.000000000e+00, v11;
	_ =	sdelay $0x1  }
0x53a: {  	v1 =	vmul.f32 @!p2 $8.000000000e+00, v1;
	v17 =	vld @p5 [tilespmem:s31+$0xFFFFFFE0];
	v11 =	vadd.f32 @p0 v12, v11  }
0x53b: {  	v3 =	vmul.f32 @!p3 $8.000000000e+00, v3;
	v12 =	vmul.f32 @p5 $8.000000000e+00, v18;
	v18 =	vld @p0 [tilespmem:s24+$0x30]  }
0x53c: {  	v1 =	vadd.f32 @!p4 v7, v1;
	v15 =	vmul.f32 @!p6 $8.000000000e+00, v15;
	[tilespmem:s24+$0x20] =	vst @p0 v11  }
0x53d: {  	v3 =	vadd.f32 @!p1 v10, v3;
	v11 =	vld @p0 [tilespmem:s31+$0x30]  }
0x53e: {  	[tilespmem:s11+$0xFFFFFF90] =	vst @!p4 v1;
	v4 =	vadd.f32 @!p6 v4, v15  }
0x53f: {  	v19 =	vld @!p5 [tilespmem:s24+$0xFFFFFFD0];
	v10 =	vadd.f32 @p5 v17, v12;
	[tilespmem:s22+$0xFFFFFF80] =	vst @!p1 v3  }
0x540: {  	[tilespmem:s22+$0x20] =	vst @!p6 v4;
	v3 =	vld @!p1 [tilespmem:s23+$0xFFFFFFD0];
	p1 =	por p4, p4;
	v1 =	vmul.f32 @p0 $8.000000000e+00, v18  }
0x541: {  	v15 =	vld @!p6 [tilespmem:s22+$0x70];
	[tilespmem:s24+$0xFFFFFFA0] =	vst @p5 v10;
	s0 =	simm.s32 @!p1 $0x0  }
0x542: {  	v4 =	vld @!p6 [tilespmem:s23+$0x30];
	s19 =	sld [smem:$0x7DD];
	s0 =	simm.s32 @p1 $0x1;
	v1 =	vadd.f32 @p0 v11, v1  }
0x543: {  	v12 =	vld @!p5 [tilespmem:s24+$0xFFFFFFE0];
	[smem:$0x7DF] =	sst s0  }
0x544: {  	[tilespmem:s24+$0x30] =	vst @p0 v1  }
0x545: {  	s13 =	spop (v2sf);
	v10 =	vld @!p1 [tilespmem:s8+$0xFFFFFFE0];
	p1 =	seq.s32 s19, $0x1;
	s10 =	sld [smem:$0x7DC]  }
0x546: {  	s0 =	sand.u32 $0x1, s13;
	v9 =	vmul.f32 @!p1 $8.000000000e+00, v9;
	s13 =	sld [smem:$0x7DD]  }
0x547: {  	v1 =	vmul.f32 @!p6 $8.000000000e+00, v15  }
0x548: {  	v7 =	vld @p5 [tilespmem:s31+$0xFFFFFFF0];
	v6 =	vadd.f32 @!p1 v6, v9;
	p1 =	seq.s32 s10, $0x1  }
0x549: {  	v17 =	vld @!p5 [tilespmem:s24+$0xFFFFFFF0];
	v1 =	vadd.f32 @!p6 v4, v1;
	v9 =	vmul.f32 @!p1 $8.000000000e+00, v0;
	v0 =	vmul.f32 @!p1 $8.000000000e+00, v2;
	p1 =	seq.s32 s13, $0x1  }
0x54a: {  	s6 =	simm.s32 $0xD060;
	s16 =	spop (v2sf);
	v11 =	vld @!p0 [tilespmem:s24+$0x40];
	p4 =	seq.s32 s0, $0x0;
	[tilespmem:s11+$0x30] =	vst @!p1 v6  }
0x54b: {  	s2 =	sand.u32 $0x1, s16;
	v18 =	vld @p4 [tilespmem:s6+$0x0];
	s16 =	sld [smem:$0x7DE];
	[tilespmem:s22+$0x30] =	vst @!p6 v1  }
0x54c: {  	v15 =	vld @!p0 [tilespmem:s31+$0x0];
	p2 =	seq.s32 s2, $0x0;
	s19 =	sld [smem:$0x7DF]  }
0x54d: {  	v13 =	vmul.f32 @!p3 $8.000000000e+00, v13;
	s0 =	simm.s32 $0x132A0;
	p4 =	por p4, p4;
	v20 =	vld @p2 [tilespmem:s6+$0xFFFFFF80]  }
0x54e: {  	p0 =	por p0, p0;
	v21 =	vld @p4 [tilespmem:s0+$0x0];
	v2 =	vmul.f32 @!p3 $8.000000000e+00, v8;
	v8 =	vmul.f32 @p5 $8.000000000e+00, v14;
	p1 =	seq.s32 s16, $0x1  }
0x54f: {  	v4 =	vmul.f32 @!p0 $8.000000000e+00, v11;
	v3 =	vadd.f32 @!p1 v3, v13;
	v13 =	vld @p2 [tilespmem:s0+$0xFFFFFFC0];
	p6 =	seq.s32 s19, $0x1  }
0x550: {  	v8 =	vadd.f32 @p5 v7, v8;
	v7 =	vld @!p0 [tilespmem:s24+$0x50];
	v11 =	vadd.f32 @!p6 v10, v9  }
0x551: {  	v14 =	vmul.f32 @p4 $8.000000000e+00, v18;
	v10 =	vld @p2 [tilespmem:s6+$0xFFFFFF90];
	[tilespmem:s22+$0xFFFFFF90] =	vst @!p1 v3;
	v3 =	vadd.f32 @!p0 v15, v4  }
0x552: {  	s10 =	simm.s32 $0x6;
	v6 =	vmul.f32 @!p5 $8.000000000e+00, v5;
	v9 =	vld @p2 [tilespmem:s6+$0xFFFFFFA0];
	v15 =	vmul.f32 @p2 $8.000000000e+00, v20;
	[tilespmem:s11+$0xFFFFFFA0] =	vst @!p6 v11  }
0x553: {  	s13 =	simm.s32 $0x1B9;
	v1 =	vmul.f32 @!p3 $8.000000000e+00, v16;
	p3 =	por p1, p1;
	v4 =	vmul.f32 @!p5 $8.000000000e+00, v12;
	p1 =	por p2, p2;
	v12 =	vadd.f32 @p4 v21, v14;
	v11 =	vld @p4 [tilespmem:s6+$0x10];
	[tilespmem:s24+$0x0] =	vst @!p0 v3  }
0x554: {  	v5 =	vmul.f32 @!p5 $8.000000000e+00, v19;
	[tilespmem:s24+$0xFFFFFFB0] =	vst @p5 v8;
	s19 =	simm.s32 $0xD060;
	p6 =	por p6, p6;
	v3 =	vmul.f32 @!p5 $8.000000000e+00, v17;
	p5 =	por p5, p5;
	v13 =	vadd.f32 @p1 v13, v15;
	v8 =	vld @!p0 [tilespmem:s31+$0x10]  }
.LBB2_13:
0x555: {  	v14 =	vld [tilespmem:s13+$0x0];
	[tilespmem:s6+$0x0] =	vst @p4 v12  }
0x556: {  	[tilespmem:s6+$0xFFFFFF80] =	vst @p1 v13;
	v12 =	vld @p4 [tilespmem:s0+$0x10]  }
0x557: {  	v13 =	vld [tilespmem:s13+$0xFFFFFFFF]  }
0x558: {  	v15 =	vld @p1 [tilespmem:s0+$0xFFFFFFD0]  }
0x559: {  	v7 =	vmul.f32 @!p0 $8.000000000e+00, v7  }
0x55a: {  	v16 =	vld @p1 [tilespmem:s6+$0xFFFFFFB0];
	v11 =	vmul.f32 @p4 $8.000000000e+00, v11  }
0x55b: {  	v10 =	vmul.f32 @p1 $8.000000000e+00, v10;
	v7 =	vadd.f32 @!p0 v8, v7;
	v8 =	vld @!p0 [tilespmem:s24+$0x60]  }
0x55c: {  	(v2sf) =	vpush v14, $0x0;
	v11 =	vadd.f32 @p4 v12, v11;
	v12 =	vld @p4 [tilespmem:s6+$0x20]  }
0x55d: {  	(v2sf) =	vpush v13, $0x0;
	v10 =	vadd.f32 @p1 v15, v10;
	v13 =	vld @!p1 [tilespmem:s6+$0xFFFFFFC0];
	[tilespmem:s24+$0x10] =	vst @!p0 v7  }
0x55e: {  	v7 =	vld @!p0 [tilespmem:s31+$0x20];
	[tilespmem:s6+$0x10] =	vst @p4 v11  }
0x55f: {  	[tilespmem:s6+$0xFFFFFF90] =	vst @p1 v10;
	v14 =	vld @p4 [tilespmem:s0+$0x20]  }
0x560: {  	v10 =	vld @!p5 [tilespmem:s31+$0xFFFFFFC0]  }
0x561: {  	v15 =	vld @p1 [tilespmem:s0+$0xFFFFFFE0];
	v8 =	vmul.f32 @!p0 $8.000000000e+00, v8;
	_ =	sdelay $0x1  }
0x562: {  	v12 =	vmul.f32 @p4 $8.000000000e+00, v12;
	v7 =	vadd.f32 @!p0 v7, v8  }
0x563: {  	v9 =	vmul.f32 @p1 $8.000000000e+00, v9;
	v8 =	vmul.f32 @!p1 $8.000000000e+00, v13;
	v13 =	vld @!p0 [tilespmem:s24+$0x70]  }
0x564: {  	v12 =	vadd.f32 @p4 v14, v12;
	v14 =	vld @p4 [tilespmem:s6+$0x30];
	[tilespmem:s24+$0x20] =	vst @!p0 v7;
	v7 =	vadd.f32 @!p5 v10, v6  }
0x565: {  	v11 =	vmul.f32 @p1 $8.000000000e+00, v16;
	v16 =	vld @!p1 [tilespmem:s6+$0xFFFFFFD0];
	v6 =	vmov v8;
	v8 =	vadd.f32 @p1 v15, v9  }
0x566: {  	v10 =	vld @!p0 [tilespmem:s31+$0x30];
	[tilespmem:s24+$0xFFFFFF80] =	vst @!p5 v7  }
0x567: {  	v9 =	vld @!p1 [tilespmem:s6+$0xFFFFFFE0];
	[tilespmem:s6+$0xFFFFFFA0] =	vst @p1 v8  }
0x568: {  	s2 =	simm.s32 @!p6 $0x0;
	s10 =	sadd.s32 $0x2, s10;
	[tilespmem:s6+$0x20] =	vst @p4 v12;
	v7 =	vld @!p5 [tilespmem:s31+$0xFFFFFFD0]  }
0x569: {  	s2 =	simm.s32 @p6 $0x1;
	p2 =	slt.u32 s10, $0xC6;
	v15 =	vld @p4 [tilespmem:s0+$0x30];
	v8 =	vmul.f32 @!p0 $8.000000000e+00, v13  }
0x56a: {  	[smem:$0x7DA] =	sst s2;
	s2 =	simm.s32 @!p2 $0x0;
	v13 =	vld @p1 [tilespmem:s0+$0xFFFFFFF0]  }
0x56b: {  	s2 =	simm.s32 @p2 $0x1;
	s16 =	spop (v2sf);
	v8 =	vadd.f32 @!p0 v10, v8;
	v10 =	vld @!p3 [tilespmem:s23+$0xFFFFFFE0]  }
0x56c: {  	[smem:$0x7DB] =	sst s2;
	v12 =	vmul.f32 @!p1 $8.000000000e+00, v16;
	v16 =	vld @!p1 [tilespmem:s6+$0xFFFFFFF0];
	v14 =	vmul.f32 @p4 $8.000000000e+00, v14;
	s2 =	sand.u32 $0x1, s16;
	s16 =	spop (v2sf)  }
0x56d: {  	s6 =	sadd.s32 $0x100, s6;
	s16 =	sand.u32 $0x1, s16;
	[tilespmem:s24+$0x30] =	vst @!p0 v8;
	v8 =	vld @!p6 [tilespmem:s8+$0xFFFFFFF0];
	v7 =	vadd.f32 @!p5 v7, v5  }
0x56e: {  	v14 =	vadd.f32 @p4 v15, v14;
	p6 =	seq.s32 s2, $0x0;
	p2 =	seq.s32 s16, $0x0;
	s16 =	sld [smem:$0x7DA];
	v15 =	vld @!p4 [tilespmem:s19+$0x40]  }
0x56f: {  	s8 =	smov.u32 s23;
	v5 =	vmov v12;
	v12 =	vld @p6 [tilespmem:s6+$0x0];
	v11 =	vadd.f32 @p1 v13, v11;
	[tilespmem:s24+$0xFFFFFF90] =	vst @!p5 v7  }
0x570: {  	s23 =	smov.u32 s31;
	s31 =	smov.u32 s0;
	p0 =	por p4, p4;
	[tilespmem:s19+$0x30] =	vst @p4 v14;
	v7 =	vadd.f32 @!p3 v10, v2;
	v14 =	vld @p2 [tilespmem:s6+$0xFFFFFF80]  }
0x571: {  	v9 =	vmul.f32 @!p1 $8.000000000e+00, v9;
	v13 =	vld @!p4 [tilespmem:s0+$0x0];
	p4 =	por p6, p6;
	s0 =	sadd.s32 $0x80, s0;
	p6 =	seq.s32 s16, $0x1;
	[tilespmem:s19+$0xFFFFFFB0] =	vst @p1 v11  }
0x572: {  	s16 =	sld [smem:$0x7DB];
	v11 =	vld @p4 [tilespmem:s0+$0x0];
	[tilespmem:s22+$0xFFFFFFA0] =	vst @!p3 v7;
	v7 =	vadd.f32 @!p6 v8, v0  }
0x573: {  	v2 =	vmov v4;
	v4 =	vmov v9;
	v9 =	vmul.f32 @!p1 $8.000000000e+00, v16;
	v8 =	vld @p2 [tilespmem:s0+$0xFFFFFFC0]  }
0x574: {  	v10 =	vld @p2 [tilespmem:s6+$0xFFFFFF90];
	[tilespmem:s11+$0xFFFFFFB0] =	vst @!p6 v7;
	p6 =	por p3, p3;
	p3 =	por p5, p5  }
0x575: {  	v0 =	vmovc v1;
	v1 =	vmovc v3;
	v3 =	vmov v9;
	v15 =	vmul.f32 @!p0 $8.000000000e+00, v15;
	p5 =	por p1, p1;
	p1 =	por p2, p2;
	v9 =	vld @p2 [tilespmem:s6+$0xFFFFFFA0];
	v14 =	vmul.f32 @p2 $8.000000000e+00, v14;
	p2 =	seq.s32 s16, $0x1  }
.Ltmp5:
0x576: {  	_ = 	snop;
	(pc) =	sbr.rel @p2 .LBB2_13-.Ltmp5, $4  }
0x577: {  	v12 =	vmul.f32 @p4 $8.000000000e+00, v12;
	s11 =	smov.u32 s22;
	s22 =	smov.u32 s24;
	s24 =	smov.u32 s19;
	v13 =	vadd.f32 @!p0 v13, v15  }
0x578: {  	v7 =	vld @!p0 [tilespmem:s24+$0x50]  }
0x579: {  	v12 =	vadd.f32 @p4 v11, v12;
	v11 =	vld @p4 [tilespmem:s6+$0x10];
	[tilespmem:s24+$0x0] =	vst @!p0 v13  }
0x57a: {  	s13 =	sadd.s32 $0x2, s13;
	s19 =	smov.u32 s6;
	v13 =	vadd.f32 @p1 v8, v14;
	v8 =	vld @!p0 [tilespmem:s31+$0x10]  }
0x57b: {  	[tilespmem:s6+$0x0] =	vst @p4 v12  }
0x57c: {  	v12 =	vld @p4 [tilespmem:s0+$0x10];
	_ =	sdelay $0x1  }
0x57d: {  	[tilespmem:s6+$0xFFFFFF80] =	vst @p1 v13  }
0x57e: {  	v13 =	vld @p1 [tilespmem:s0+$0xFFFFFFD0];
	v11 =	vmul.f32 @p4 $8.000000000e+00, v11;
	_ =	sdelay $0x1  }
0x57f: {  	v11 =	vadd.f32 @p4 v12, v11  }
0x580: {  	v10 =	vmul.f32 @p1 $8.000000000e+00, v10;
	v12 =	vld @p4 [tilespmem:s6+$0x20]  }
0x581: {  	[tilespmem:s6+$0x10] =	vst @p4 v11  }
0x582: {  	v10 =	vadd.f32 @p1 v13, v10;
	v11 =	vld @p4 [tilespmem:s0+$0x20];
	_ =	sdelay $0x1  }
0x583: {  	[tilespmem:s6+$0xFFFFFF90] =	vst @p1 v10  }
0x584: {  	v10 =	vld @p1 [tilespmem:s0+$0xFFFFFFE0];
	v12 =	vmul.f32 @p4 $8.000000000e+00, v12;
	_ =	sdelay $0x1  }
0x585: {  	v11 =	vadd.f32 @p4 v11, v12  }
0x586: {  	v9 =	vmul.f32 @p1 $8.000000000e+00, v9;
	v12 =	vld @p4 [tilespmem:s6+$0x30]  }
0x587: {  	[tilespmem:s6+$0x20] =	vst @p4 v11  }
0x588: {  	v9 =	vadd.f32 @p1 v10, v9;
	v10 =	vld @p4 [tilespmem:s0+$0x30]  }
0x589: {  	v14 =	vld @p1 [tilespmem:s6+$0xFFFFFFB0];
	_ =	sdelay $0x1  }
0x58a: {  	[tilespmem:s6+$0xFFFFFFA0] =	vst @p1 v9;
	v12 =	vmul.f32 @p4 $8.000000000e+00, v12  }
0x58b: {  	v9 =	vld @p1 [tilespmem:s0+$0xFFFFFFF0]  }
0x58c: {  	v15 =	vld @!p1 [tilespmem:s6+$0xFFFFFFD0];
	v10 =	vadd.f32 @p4 v10, v12  }
0x58d: {  	v12 =	vmul.f32 @p1 $8.000000000e+00, v14;
	v14 =	vld @!p4 [tilespmem:s19+$0x40]  }
0x58e: {  	v16 =	vld @!p5 [tilespmem:s31+$0xFFFFFFC0];
	[tilespmem:s19+$0x30] =	vst @p4 v10  }
0x58f: {  	v10 =	vld @!p4 [tilespmem:s0+$0x0]  }
0x590: {  	v13 =	vld @!p1 [tilespmem:s6+$0xFFFFFFC0];
	v9 =	vadd.f32 @p1 v9, v12  }
0x591: {  	v11 =	vld @!p1 [tilespmem:s6+$0xFFFFFFE0];
	p4 =	por p4, p4  }
0x592: {  	p2 =	por p1, p1;
	v12 =	vld @!p1 [tilespmem:s6+$0xFFFFFFF0];
	[tilespmem:s19+$0xFFFFFFB0] =	vst @p1 v9;
	v9 =	vmul.f32 @!p4 $8.000000000e+00, v14  }
0x593: {  	v14 =	vld @!p2 [tilespmem:s0+$0xFFFFFFC0]  }
0x594: {  	v9 =	vadd.f32 @!p4 v10, v9  }
0x595: {  	v10 =	vmul.f32 @!p1 $8.000000000e+00, v13;
	v13 =	vld @!p4 [tilespmem:s19+$0x50]  }
0x596: {  	v6 =	vadd.f32 @!p5 v16, v6;
	[tilespmem:s19+$0x0] =	vst @!p4 v9  }
0x597: {  	v7 =	vmul.f32 @!p0 $8.000000000e+00, v7;
	v9 =	vld @!p4 [tilespmem:s0+$0x10]  }
0x598: {  	[tilespmem:s24+$0xFFFFFF80] =	vst @!p5 v6;
	v10 =	vadd.f32 @!p2 v14, v10  }
0x599: {  	v6 =	vadd.f32 @!p0 v8, v7;
	v7 =	vld @!p5 [tilespmem:s31+$0xFFFFFFD0]  }
0x59a: {  	v14 =	vld @!p0 [tilespmem:s24+$0x60];
	[tilespmem:s19+$0xFFFFFF80] =	vst @!p2 v10;
	v8 =	vmul.f32 @!p4 $8.000000000e+00, v13  }
0x59b: {  	[tilespmem:s24+$0x10] =	vst @!p0 v6;
	v10 =	vld @!p2 [tilespmem:s0+$0xFFFFFFD0]  }
0x59c: {  	v6 =	vld @!p0 [tilespmem:s31+$0x20];
	v8 =	vadd.f32 @!p4 v9, v8  }
0x59d: {  	v13 =	vld @!p4 [tilespmem:s19+$0x60]  }
0x59e: {  	v9 =	vmul.f32 @!p1 $8.000000000e+00, v15;
	[tilespmem:s19+$0x10] =	vst @!p4 v8  }
0x59f: {  	v5 =	vadd.f32 @!p5 v7, v5;
	v7 =	vmul.f32 @!p0 $8.000000000e+00, v14;
	v8 =	vld @!p4 [tilespmem:s0+$0x20]  }
0x5a0: {  	v9 =	vadd.f32 @!p2 v10, v9;
	v10 =	vld @!p3 [tilespmem:s23+$0xFFFFFFE0]  }
0x5a1: {  	[tilespmem:s24+$0xFFFFFF90] =	vst @!p5 v5;
	p5 =	por p5, p5;
	v15 =	vld @!p0 [tilespmem:s24+$0x70];
	v5 =	vadd.f32 @!p0 v6, v7  }
0x5a2: {  	v6 =	vld @!p5 [tilespmem:s31+$0xFFFFFFE0];
	v7 =	vmul.f32 @!p4 $8.000000000e+00, v13;
	[tilespmem:s19+$0xFFFFFF90] =	vst @!p2 v9;
	p2 =	por p2, p2  }
0x5a3: {  	[tilespmem:s24+$0x20] =	vst @!p0 v5;
	v9 =	vld @!p2 [tilespmem:s0+$0xFFFFFFE0]  }
0x5a4: {  	v5 =	vld @!p0 [tilespmem:s31+$0x30];
	v7 =	vadd.f32 @!p4 v8, v7  }
0x5a5: {  	v2 =	vadd.f32 @!p3 v10, v2;
	v10 =	vld @!p4 [tilespmem:s19+$0x70]  }
0x5a6: {  	v8 =	vmul.f32 @!p1 $8.000000000e+00, v11;
	v11 =	vld @!p6 [tilespmem:s8+$0xFFFFFFF0];
	[tilespmem:s19+$0x20] =	vst @!p4 v7  }
0x5a7: {  	v4 =	vadd.f32 @!p5 v6, v4;
	[tilespmem:s22+$0xFFFFFFA0] =	vst @!p3 v2;
	v2 =	vld @!p4 [tilespmem:s0+$0x30]  }
0x5a8: {  	v6 =	vadd.f32 @!p2 v9, v8;
	v7 =	vmul.f32 @!p0 $8.000000000e+00, v15  }
0x5a9: {  	[tilespmem:s24+$0xFFFFFFA0] =	vst @!p5 v4;
	p3 =	por p3, p3  }
0x5aa: {  	p5 =	por p5, p5;
	v8 =	vld @!p3 [tilespmem:s23+$0xFFFFFFF0];
	[tilespmem:s19+$0xFFFFFFA0] =	vst @!p2 v6;
	v5 =	vadd.f32 @!p0 v5, v7;
	v6 =	vmul.f32 @!p4 $8.000000000e+00, v10  }
0x5ab: {  	v4 =	vld @!p5 [tilespmem:s31+$0xFFFFFFF0];
	p2 =	por p2, p2;
	v0 =	vadd.f32 @!p6 v11, v0  }
0x5ac: {  	v7 =	vld @!p2 [tilespmem:s0+$0xFFFFFFF0];
	[tilespmem:s24+$0x30] =	vst @!p0 v5;
	v2 =	vadd.f32 @!p4 v2, v6  }
0x5ad: {  	[tilespmem:s11+$0xFFFFFFB0] =	vst @!p6 v0  }
0x5ae: {  	[tilespmem:s19+$0x30] =	vst @!p4 v2  }
0x5af: {  	v5 =	vmul.f32 @!p1 $8.000000000e+00, v12;
	v0 =	vadd.f32 @!p3 v8, v1;
	s23 =	rddreg [dreg:$0x1b]  }
0x5b0: {  	v1 =	vadd.f32 @!p5 v4, v3;
	s0 =	sadd.s32 s30, s23  }
0x5b1: {  	[tilespmem:s22+$0xFFFFFFB0] =	vst @!p3 v0;
	v0 =	vadd.f32 @!p2 v7, v5;
	s0 =	smul.u32 $0xC80, s0  }
0x5b2: {  	[tilespmem:s24+$0xFFFFFFB0] =	vst @!p5 v1  }
0x5b3: {  	s31 =	simm.s32 $0xCCE0;
	[tilespmem:s19+$0xFFFFFFB0] =	vst @!p2 v0;
	s0 =	sadd.s32 s7, s0  }
0x5b4: {  	[hbm4b:s0+s3] =	stream.linear.scatter [tilespmem:s31], [sflag:$0x9], $0x6400, $0x38;
	[tilespmem:$0x162E0] =	vst v63  }
0x5b5: {  	p0 =	seq.s32 s1, $0x28;
	s0 =	rddreg [dreg:$0x14]  }
0x5b6: {  	s0 =	sadd.s32 @!p0 s9, s0  }
0x5b7: {  	s1 =	rddreg [dreg:$0x1];
	s0 =	sshrl.u32 @!p0 s0, $0x3  }
0x5b8: {  	s2 =	simm.s32 @!p0 $0x0;
	s6 =	simm.s32 @!p0 $0x1B0;
	s1 =	sadd.s32 @!p0 s1, s0  }
0x5b9: {  	[tilespmem:s6], [sflag:$0x3] =	stream.linear.gather @!p0 [hbm4b:s1+s2], $0xC8, $0x38;
	[tilespmem:$0x162E0] =	vst v63  }
0x5ba: {  	s0 =	sadd.s32 @!p0 s5, s0;
	s1 =	simm.s32 @!p0 $0x418  }
0x5bb: {  	[tilespmem:s1], [sflag:$0x3] =	stream.linear.gather @!p0 [hbm4b:s0+s2], $0xC8, $0x38;
	[tilespmem:$0x162E0] =	vst v63  }
0x5bc: {  	_ =	swait.ge [sflag:s28], $0x6400  }
0x5bd: {  	[sflag:s28] =	ssyncset.done $0x0  }
0x5be: {  	[sflag:s28] =	ssyncadd.s32 $0xFFFF9C00  }
0x5bf: {  	_ =	swait.ge [sflag:s14], $0xC8  }
0x5c0: {  	p0 =	sne.s32 s15, $0x29;
	[sflag:s14] =	ssyncset.done $0x0  }
.Ltmp6:
0x5c1: {  	[sflag:s14] =	ssyncadd.s32 $0xFFFFFF38;
	(pc) =	sbr.rel @p0 .LBB2_8-.Ltmp6, $4  }
0x5c2: {  	_ =	swait.ge [sflag:s14], $0xC8  }
0x5c3: {  	s24 =	simm.s32 $0x350;
	[sflag:s14] =	ssyncset.done $0x0  }
0x5c4: {  	s30 =	simm.s32 $0x68E0;
	s1 =	smov.u32 s15;
	[sflag:s14] =	ssyncadd.s32 $0xFFFFFF38  }
0x5c5: {  	[tilespmem:s30], [sflag:$0x5] =	stream.indirect.gather [hbm4b:s4+s12], $0x80, s24, s12, $0xb8;
	[tilespmem:$0x162E0] =	vst v63  }
0x5c6: {  	_ =	swait.ge [sflag:s17], $0x6400  }
0x5c7: {  	[sflag:s17] =	ssyncset.done $0x0  }
0x5c8: {  	s0 =	simm.s32 $0x1;
	[sflag:s17] =	ssyncadd.s32 $0xFFFF9C00  }
0x5c9: {  	v0 =	vld [tilespmem:s0+$0x0];
	_ =	sdelay $0x3  }
0x5ca: {  	v1 =	vld [tilespmem:s0+$0xFFFFFFFF]  }
0x5cb: {  	(v2sf) =	vpush v0, $0x0;
	_ =	sdelay $0x3  }
0x5cc: {  	(v2sf) =	vpush v1, $0x0;
	_ =	sdelay $0xa  }
0x5cd: {  	s1 =	spop (v2sf)  }
0x5ce: {  	s0 =	sand.u32 $0x1, s1  }
0x5cf: {  	s1 =	simm.s32 $0x560;
	p0 =	seq.s32 s0, $0x0  }
0x5d0: {  	v0 =	vld @p0 [tilespmem:s1+$0x0]  }
0x5d1: {  	s8 =	simm.s32 $0x13120;
	s2 =	spop (v2sf);
	p0 =	por p0, p0  }
0x5d2: {  	s0 =	sand.u32 $0x1, s2;
	v1 =	vld @p0 [tilespmem:s8+$0x0]  }
0x5d3: {  	p1 =	seq.s32 s0, $0x0  }
0x5d4: {  	v2 =	vld @p1 [tilespmem:s1+$0xFFFFFF80]  }
0x5d5: {  	v0 =	vmul.f32 @p0 $8.000000000e+00, v0  }
0x5d6: {  	s6 =	simm.s32 $0x3;
	v3 =	vld @p1 [tilespmem:s8+$0xFFFFFFC0]  }
0x5d7: {  	v4 =	vld [tilespmem:s6+$0x0];
	v0 =	vadd.f32 @p0 v1, v0  }
0x5d8: {  	v1 =	vld @p0 [tilespmem:s1+$0x10]  }
0x5d9: {  	v2 =	vmul.f32 @p1 $8.000000000e+00, v2;
	[tilespmem:s1+$0x0] =	vst @p0 v0  }
0x5da: {  	p2 =	por p1, p1;
	v0 =	vld @p0 [tilespmem:s8+$0x10]  }
0x5db: {  	v2 =	vadd.f32 @p2 v3, v2  }
0x5dc: {  	v5 =	vld @p1 [tilespmem:s1+$0xFFFFFF90]  }
0x5dd: {  	(v2sf) =	vpush v4, $0x0;
	v3 =	vld [tilespmem:s6+$0xFFFFFFFF];
	[tilespmem:s1+$0xFFFFFF80] =	vst @p2 v2;
	v1 =	vmul.f32 @p0 $8.000000000e+00, v1  }
0x5de: {  	v2 =	vld @p2 [tilespmem:s8+$0xFFFFFFD0]  }
0x5df: {  	v0 =	vadd.f32 @p0 v0, v1  }
0x5e0: {  	v1 =	vld @p0 [tilespmem:s1+$0x20]  }
0x5e1: {  	v4 =	vmul.f32 @p2 $8.000000000e+00, v5;
	[tilespmem:s1+$0x10] =	vst @p0 v0  }
0x5e2: {  	(v2sf) =	vpush v3, $0x0;
	v0 =	vld @p0 [tilespmem:s8+$0x20]  }
0x5e3: {  	v2 =	vadd.f32 @p2 v2, v4  }
0x5e4: {  	v6 =	vld @p1 [tilespmem:s1+$0xFFFFFFA0]  }
0x5e5: {  	[tilespmem:s1+$0xFFFFFF90] =	vst @p2 v2;
	v1 =	vmul.f32 @p0 $8.000000000e+00, v1  }
0x5e6: {  	v2 =	vld @p2 [tilespmem:s8+$0xFFFFFFE0]  }
0x5e7: {  	v0 =	vadd.f32 @p0 v0, v1  }
0x5e8: {  	v5 =	vld @p0 [tilespmem:s1+$0x30]  }
0x5e9: {  	v6 =	vmul.f32 @p2 $8.000000000e+00, v6;
	[tilespmem:s1+$0x20] =	vst @p0 v0  }
0x5ea: {  	v7 =	vld @p0 [tilespmem:s8+$0x30]  }
0x5eb: {  	v2 =	vadd.f32 @p2 v2, v6  }
0x5ec: {  	s9 =	spop (v2sf);
	v3 =	vld @p2 [tilespmem:s1+$0xFFFFFFB0]  }
0x5ed: {  	s0 =	sand.u32 $0x1, s9;
	v4 =	vld @!p2 [tilespmem:s1+$0xFFFFFFC0];
	[tilespmem:s1+$0xFFFFFFA0] =	vst @p2 v2;
	v2 =	vmul.f32 @p0 $8.000000000e+00, v5  }
0x5ee: {  	s9 =	simm.s32 $0x660;
	p1 =	seq.s32 s0, $0x0;
	v1 =	vld @!p2 [tilespmem:s1+$0xFFFFFFD0]  }
0x5ef: {  	v6 =	vld @p1 [tilespmem:s9+$0x0];
	v2 =	vadd.f32 @p0 v7, v2  }
0x5f0: {  	v0 =	vld @!p2 [tilespmem:s1+$0xFFFFFFE0]  }
0x5f1: {  	s11 =	simm.s32 $0x131A0;
	s10 =	spop (v2sf);
	v7 =	vld @!p0 [tilespmem:s1+$0x40];
	[tilespmem:s1+$0x30] =	vst @p0 v2  }
0x5f2: {  	p5 =	por p1, p1;
	s0 =	sand.u32 $0x1, s10;
	v8 =	vld @!p0 [tilespmem:s8+$0x0];
	p0 =	por p0, p0  }
0x5f3: {  	p1 =	seq.s32 s0, $0x0;
	v2 =	vld @p5 [tilespmem:s11+$0x0];
	s0 =	simm.s32 @!p0 $0x0  }
0x5f4: {  	v5 =	vld @p2 [tilespmem:s8+$0xFFFFFFF0];
	s0 =	simm.s32 @p0 $0x1  }
0x5f5: {  	v9 =	vld @p1 [tilespmem:s9+$0xFFFFFF80];
	[smem:$0x7D7] =	sst s0  }
0x5f6: {  	v6 =	vmul.f32 @p5 $8.000000000e+00, v6;
	v10 =	vld @p1 [tilespmem:s11+$0xFFFFFFC0]  }
0x5f7: {  	v7 =	vmul.f32 @!p0 $8.000000000e+00, v7;
	v11 =	vld @p1 [tilespmem:s9+$0xFFFFFF90]  }
0x5f8: {  	v12 =	vld @!p0 [tilespmem:s1+$0x50];
	v2 =	vadd.f32 @p5 v2, v6  }
0x5f9: {  	s13 =	simm.s32 $0x5;
	v6 =	vadd.f32 @!p0 v8, v7;
	v7 =	vld @p5 [tilespmem:s9+$0x10]  }
0x5fa: {  	v8 =	vld [tilespmem:s13+$0x0];
	[tilespmem:s9+$0x0] =	vst @p5 v2  }
0x5fb: {  	v2 =	vmul.f32 @p1 $8.000000000e+00, v9;
	[tilespmem:s1+$0x0] =	vst @!p0 v6;
	v6 =	vld @p5 [tilespmem:s11+$0x10]  }
0x5fc: {  	p3 =	por p1, p1;
	v13 =	vld [tilespmem:s13+$0xFFFFFFFF]  }
0x5fd: {  	v3 =	vmul.f32 @p2 $8.000000000e+00, v3;
	v9 =	vld @!p0 [tilespmem:s8+$0x10];
	v10 =	vadd.f32 @p3 v10, v2  }
0x5fe: {  	v14 =	vld @p1 [tilespmem:s9+$0xFFFFFFA0];
	v7 =	vmul.f32 @p5 $8.000000000e+00, v7  }
0x5ff: {  	v3 =	vadd.f32 @p2 v5, v3;
	v5 =	vld @p3 [tilespmem:s9+$0xFFFFFFB0];
	[tilespmem:s9+$0xFFFFFF80] =	vst @p3 v10  }
0x600: {  	(v2sf) =	vpush v8, $0x0;
	v10 =	vmul.f32 @!p0 $8.000000000e+00, v12;
	v12 =	vld @p3 [tilespmem:s11+$0xFFFFFFD0];
	v6 =	vadd.f32 @p5 v6, v7  }
0x601: {  	v7 =	vld @p5 [tilespmem:s9+$0x20]  }
0x602: {  	v8 =	vadd.f32 @!p0 v9, v10;
	v9 =	vld @!p0 [tilespmem:s1+$0x60];
	[tilespmem:s9+$0x10] =	vst @p5 v6  }
0x603: {  	[tilespmem:s1+$0xFFFFFFB0] =	vst @p2 v3;
	v6 =	vmul.f32 @p3 $8.000000000e+00, v11;
	v10 =	vld @p5 [tilespmem:s11+$0x20]  }
0x604: {  	v3 =	vld @!p3 [tilespmem:s9+$0xFFFFFFC0];
	(v2sf) =	vpush v13, $0x0;
	[tilespmem:s1+$0x10] =	vst @!p0 v8  }
0x605: {  	v8 =	vld @!p0 [tilespmem:s8+$0x20];
	v6 =	vadd.f32 @p3 v12, v6  }
0x606: {  	p4 =	por p2, p2;
	v2 =	vld @!p2 [tilespmem:s1+$0xFFFFFFF0];
	v7 =	vmul.f32 @p5 $8.000000000e+00, v7  }
0x607: {  	s0 =	simm.s32 @!p2 $0x0;
	[tilespmem:s9+$0xFFFFFF90] =	vst @p3 v6;
	v6 =	vld @!p4 [tilespmem:s8+$0xFFFFFFC0]  }
0x608: {  	s0 =	simm.s32 @p2 $0x1;
	v9 =	vmul.f32 @!p0 $8.000000000e+00, v9;
	v11 =	vld @p3 [tilespmem:s11+$0xFFFFFFE0];
	v7 =	vadd.f32 @p5 v10, v7  }
0x609: {  	v10 =	vld @p5 [tilespmem:s9+$0x30];
	[smem:$0x7D6] =	sst s0  }
0x60a: {  	v4 =	vmul.f32 @!p2 $8.000000000e+00, v4;
	v8 =	vadd.f32 @!p0 v8, v9;
	v9 =	vld @!p0 [tilespmem:s1+$0x70];
	[tilespmem:s9+$0x20] =	vst @p5 v7  }
0x60b: {  	v12 =	vld @p5 [tilespmem:s11+$0x30]  }
0x60c: {  	s19 =	simm.s32 $0x7;
	v13 =	vld @!p3 [tilespmem:s9+$0xFFFFFFD0];
	v4 =	vadd.f32 @!p4 v6, v4  }
0x60d: {  	v19 =	vld [tilespmem:s19+$0x0];
	v7 =	vmul.f32 @p3 $8.000000000e+00, v14;
	[tilespmem:s1+$0x20] =	vst @!p0 v8  }
0x60e: {  	v8 =	vld @!p3 [tilespmem:s9+$0xFFFFFFE0];
	[tilespmem:s1+$0xFFFFFF80] =	vst @!p4 v4;
	v4 =	vmul.f32 @p5 $8.000000000e+00, v10  }
0x60f: {  	v6 =	vld @!p0 [tilespmem:s8+$0x30];
	v7 =	vadd.f32 @p3 v11, v7;
	s15 =	spop (v2sf)  }
0x610: {  	v11 =	vld @!p5 [tilespmem:s9+$0x40];
	s0 =	sand.u32 $0x1, s15;
	v4 =	vadd.f32 @p5 v12, v4  }
0x611: {  	s15 =	simm.s32 $0x760;
	[tilespmem:s9+$0xFFFFFFA0] =	vst @p3 v7;
	v7 =	vld @!p4 [tilespmem:s8+$0xFFFFFFD0];
	p0 =	seq.s32 s0, $0x0  }
0x612: {  	v12 =	vld @p0 [tilespmem:s15+$0x0];
	[tilespmem:s9+$0x30] =	vst @p5 v4  }
0x613: {  	s22 =	simm.s32 $0x13220;
	s2 =	spop (v2sf);
	p0 =	por p0, p0;
	v4 =	vld @!p5 [tilespmem:s11+$0x0]  }
0x614: {  	s16 =	sand.u32 $0x1, s2;
	v15 =	vld @p0 [tilespmem:s22+$0x0]  }
0x615: {  	p6 =	por p5, p5;
	v10 =	vld @p3 [tilespmem:s11+$0xFFFFFFF0];
	p1 =	seq.s32 s16, $0x0  }
0x616: {  	v14 =	vld @p1 [tilespmem:s15+$0xFFFFFF80];
	v11 =	vmul.f32 @!p6 $8.000000000e+00, v11  }
0x617: {  	v16 =	vld @p1 [tilespmem:s22+$0xFFFFFFC0];
	v12 =	vmul.f32 @p0 $8.000000000e+00, v12  }
0x618: {  	v17 =	vld @p1 [tilespmem:s15+$0xFFFFFF90];
	v4 =	vadd.f32 @!p6 v4, v11  }
0x619: {  	v12 =	vadd.f32 @p0 v15, v12;
	v11 =	vld @!p6 [tilespmem:s9+$0x50]  }
0x61a: {  	v5 =	vmul.f32 @p3 $8.000000000e+00, v5;
	v15 =	vld @p0 [tilespmem:s15+$0x10];
	[tilespmem:s9+$0x0] =	vst @!p6 v4  }
0x61b: {  	[tilespmem:s15+$0x0] =	vst @p0 v12;
	v4 =	vmul.f32 @p1 $8.000000000e+00, v14;
	v14 =	vld @!p6 [tilespmem:s11+$0x10]  }
0x61c: {  	p5 =	por p1, p1;
	v5 =	vadd.f32 @p3 v10, v5;
	v12 =	vld @p0 [tilespmem:s22+$0x10]  }
0x61d: {  	v18 =	vld @p1 [tilespmem:s15+$0xFFFFFFA0];
	v4 =	vadd.f32 @p5 v16, v4  }
0x61e: {  	[tilespmem:s9+$0xFFFFFFB0] =	vst @p3 v5;
	v5 =	vld @!p5 [tilespmem:s15+$0xFFFFFFC0];
	v11 =	vmul.f32 @!p6 $8.000000000e+00, v11  }
0x61f: {  	v16 =	vld @!p3 [tilespmem:s9+$0xFFFFFFF0];
	v15 =	vmul.f32 @p0 $8.000000000e+00, v15;
	[tilespmem:s15+$0xFFFFFF80] =	vst @p5 v4  }
0x620: {  	v20 =	vld @p5 [tilespmem:s22+$0xFFFFFFD0];
	v11 =	vadd.f32 @!p6 v14, v11  }
0x621: {  	v4 =	vld [tilespmem:s19+$0xFFFFFFFF];
	v12 =	vadd.f32 @p0 v12, v15  }
0x622: {  	[tilespmem:s9+$0x10] =	vst @!p6 v11;
	v11 =	vld @p0 [tilespmem:s15+$0x20]  }
0x623: {  	v17 =	vmul.f32 @p5 $8.000000000e+00, v17;
	p1 =	por p3, p3;
	v15 =	vld @!p6 [tilespmem:s9+$0x60];
	[tilespmem:s15+$0x10] =	vst @p0 v12  }
0x624: {  	s0 =	simm.s32 @!p1 $0x0;
	v12 =	vld @p0 [tilespmem:s22+$0x20]  }
0x625: {  	(v2sf) =	vpush v19, $0x0;
	s0 =	simm.s32 @p1 $0x1;
	v14 =	vld @p5 [tilespmem:s15+$0xFFFFFFB0];
	v10 =	vadd.f32 @p5 v20, v17  }
0x626: {  	(v2sf) =	vpush v4, $0x0;
	v4 =	vld @!p6 [tilespmem:s11+$0x20];
	[smem:$0x7D8] =	sst s0  }
0x627: {  	[tilespmem:s15+$0xFFFFFF90] =	vst @p5 v10;
	v10 =	vld @!p1 [tilespmem:s11+$0xFFFFFFC0];
	v11 =	vmul.f32 @p0 $8.000000000e+00, v11;
	_ =	sdelay $0x1  }
0x628: {  	v1 =	vmul.f32 @!p2 $8.000000000e+00, v1;
	v17 =	vld @p5 [tilespmem:s22+$0xFFFFFFE0];
	v11 =	vadd.f32 @p0 v12, v11  }
0x629: {  	v3 =	vmul.f32 @!p3 $8.000000000e+00, v3;
	v12 =	vmul.f32 @p5 $8.000000000e+00, v18;
	v18 =	vld @p0 [tilespmem:s15+$0x30]  }
0x62a: {  	v1 =	vadd.f32 @!p4 v7, v1;
	v15 =	vmul.f32 @!p6 $8.000000000e+00, v15;
	[tilespmem:s15+$0x20] =	vst @p0 v11  }
0x62b: {  	v3 =	vadd.f32 @!p1 v10, v3;
	v11 =	vld @p0 [tilespmem:s22+$0x30]  }
0x62c: {  	[tilespmem:s1+$0xFFFFFF90] =	vst @!p4 v1;
	v4 =	vadd.f32 @!p6 v4, v15  }
0x62d: {  	v19 =	vld @!p5 [tilespmem:s15+$0xFFFFFFD0];
	v10 =	vadd.f32 @p5 v17, v12;
	[tilespmem:s9+$0xFFFFFF80] =	vst @!p1 v3  }
0x62e: {  	[tilespmem:s9+$0x20] =	vst @!p6 v4;
	v3 =	vld @!p1 [tilespmem:s11+$0xFFFFFFD0];
	p1 =	por p4, p4;
	v1 =	vmul.f32 @p0 $8.000000000e+00, v18  }
0x62f: {  	v15 =	vld @!p6 [tilespmem:s9+$0x70];
	[tilespmem:s15+$0xFFFFFFA0] =	vst @p5 v10;
	s0 =	simm.s32 @!p1 $0x0  }
0x630: {  	v4 =	vld @!p6 [tilespmem:s11+$0x30];
	s10 =	sld [smem:$0x7D7];
	s0 =	simm.s32 @p1 $0x1;
	v1 =	vadd.f32 @p0 v11, v1  }
0x631: {  	v12 =	vld @!p5 [tilespmem:s15+$0xFFFFFFE0];
	[smem:$0x7D9] =	sst s0  }
0x632: {  	[tilespmem:s15+$0x30] =	vst @p0 v1  }
0x633: {  	v10 =	vld @!p1 [tilespmem:s8+$0xFFFFFFE0];
	p1 =	seq.s32 s10, $0x1;
	s16 =	sld [smem:$0x7D6]  }
0x634: {  	v9 =	vmul.f32 @!p1 $8.000000000e+00, v9;
	s19 =	sld [smem:$0x7D7]  }
0x635: {  	v1 =	vmul.f32 @!p6 $8.000000000e+00, v15  }
0x636: {  	s23 =	spop (v2sf);
	v7 =	vld @p5 [tilespmem:s22+$0xFFFFFFF0];
	v6 =	vadd.f32 @!p1 v6, v9;
	p1 =	seq.s32 s16, $0x1  }
0x637: {  	s0 =	sand.u32 $0x1, s23;
	v17 =	vld @!p5 [tilespmem:s15+$0xFFFFFFF0];
	v1 =	vadd.f32 @!p6 v4, v1;
	v9 =	vmul.f32 @!p1 $8.000000000e+00, v0;
	v0 =	vmul.f32 @!p1 $8.000000000e+00, v2;
	p1 =	seq.s32 s19, $0x1  }
0x638: {  	s6 =	simm.s32 $0x860;
	s24 =	spop (v2sf);
	v11 =	vld @!p0 [tilespmem:s15+$0x40];
	p4 =	seq.s32 s0, $0x0;
	[tilespmem:s1+$0x30] =	vst @!p1 v6  }
0x639: {  	s13 =	sand.u32 $0x1, s24;
	v18 =	vld @p4 [tilespmem:s6+$0x0];
	s23 =	sld [smem:$0x7D8];
	[tilespmem:s9+$0x30] =	vst @!p6 v1  }
0x63a: {  	v15 =	vld @!p0 [tilespmem:s22+$0x0];
	p2 =	seq.s32 s13, $0x0;
	s24 =	sld [smem:$0x7D9]  }
0x63b: {  	v13 =	vmul.f32 @!p3 $8.000000000e+00, v13;
	s0 =	simm.s32 $0x132A0;
	p4 =	por p4, p4;
	v20 =	vld @p2 [tilespmem:s6+$0xFFFFFF80]  }
0x63c: {  	p0 =	por p0, p0;
	v21 =	vld @p4 [tilespmem:s0+$0x0];
	v2 =	vmul.f32 @!p3 $8.000000000e+00, v8;
	v8 =	vmul.f32 @p5 $8.000000000e+00, v14;
	p1 =	seq.s32 s23, $0x1  }
0x63d: {  	v4 =	vmul.f32 @!p0 $8.000000000e+00, v11;
	v3 =	vadd.f32 @!p1 v3, v13;
	v13 =	vld @p2 [tilespmem:s0+$0xFFFFFFC0];
	p6 =	seq.s32 s24, $0x1  }
0x63e: {  	v8 =	vadd.f32 @p5 v7, v8;
	v7 =	vld @!p0 [tilespmem:s15+$0x50];
	v11 =	vadd.f32 @!p6 v10, v9  }
0x63f: {  	v14 =	vmul.f32 @p4 $8.000000000e+00, v18;
	v10 =	vld @p2 [tilespmem:s6+$0xFFFFFF90];
	[tilespmem:s9+$0xFFFFFF90] =	vst @!p1 v3;
	v3 =	vadd.f32 @!p0 v15, v4  }
0x640: {  	s10 =	simm.s32 $0x6;
	v6 =	vmul.f32 @!p5 $8.000000000e+00, v5;
	v9 =	vld @p2 [tilespmem:s6+$0xFFFFFFA0];
	v15 =	vmul.f32 @p2 $8.000000000e+00, v20;
	[tilespmem:s1+$0xFFFFFFA0] =	vst @!p6 v11  }
0x641: {  	s13 =	simm.s32 $0x9;
	v1 =	vmul.f32 @!p3 $8.000000000e+00, v16;
	p3 =	por p1, p1;
	v4 =	vmul.f32 @!p5 $8.000000000e+00, v12;
	p1 =	por p2, p2;
	v12 =	vadd.f32 @p4 v21, v14;
	v11 =	vld @p4 [tilespmem:s6+$0x10];
	[tilespmem:s15+$0x0] =	vst @!p0 v3  }
0x642: {  	s19 =	simm.s32 $0x860;
	v5 =	vmul.f32 @!p5 $8.000000000e+00, v19;
	[tilespmem:s15+$0xFFFFFFB0] =	vst @p5 v8;
	p6 =	por p6, p6;
	v3 =	vmul.f32 @!p5 $8.000000000e+00, v17;
	p5 =	por p5, p5;
	v13 =	vadd.f32 @p1 v13, v15;
	v8 =	vld @!p0 [tilespmem:s22+$0x10]  }
.LBB2_16:
0x643: {  	v14 =	vld [tilespmem:s13+$0x0];
	[tilespmem:s6+$0x0] =	vst @p4 v12  }
0x644: {  	[tilespmem:s6+$0xFFFFFF80] =	vst @p1 v13;
	v12 =	vld @p4 [tilespmem:s0+$0x10]  }
0x645: {  	v13 =	vld [tilespmem:s13+$0xFFFFFFFF]  }
0x646: {  	v15 =	vld @p1 [tilespmem:s0+$0xFFFFFFD0]  }
0x647: {  	v7 =	vmul.f32 @!p0 $8.000000000e+00, v7  }
0x648: {  	v16 =	vld @p1 [tilespmem:s6+$0xFFFFFFB0];
	v11 =	vmul.f32 @p4 $8.000000000e+00, v11  }
0x649: {  	v10 =	vmul.f32 @p1 $8.000000000e+00, v10;
	v7 =	vadd.f32 @!p0 v8, v7;
	v8 =	vld @!p0 [tilespmem:s15+$0x60]  }
0x64a: {  	(v2sf) =	vpush v14, $0x0;
	v11 =	vadd.f32 @p4 v12, v11;
	v12 =	vld @p4 [tilespmem:s6+$0x20]  }
0x64b: {  	(v2sf) =	vpush v13, $0x0;
	v10 =	vadd.f32 @p1 v15, v10;
	v13 =	vld @!p1 [tilespmem:s6+$0xFFFFFFC0];
	[tilespmem:s15+$0x10] =	vst @!p0 v7  }
0x64c: {  	v7 =	vld @!p0 [tilespmem:s22+$0x20];
	[tilespmem:s6+$0x10] =	vst @p4 v11  }
0x64d: {  	[tilespmem:s6+$0xFFFFFF90] =	vst @p1 v10;
	v14 =	vld @p4 [tilespmem:s0+$0x20]  }
0x64e: {  	v10 =	vld @!p5 [tilespmem:s22+$0xFFFFFFC0]  }
0x64f: {  	v15 =	vld @p1 [tilespmem:s0+$0xFFFFFFE0];
	v8 =	vmul.f32 @!p0 $8.000000000e+00, v8;
	_ =	sdelay $0x1  }
0x650: {  	v12 =	vmul.f32 @p4 $8.000000000e+00, v12;
	v7 =	vadd.f32 @!p0 v7, v8  }
0x651: {  	v9 =	vmul.f32 @p1 $8.000000000e+00, v9;
	v8 =	vmul.f32 @!p1 $8.000000000e+00, v13;
	v13 =	vld @!p0 [tilespmem:s15+$0x70]  }
0x652: {  	v12 =	vadd.f32 @p4 v14, v12;
	v14 =	vld @p4 [tilespmem:s6+$0x30];
	[tilespmem:s15+$0x20] =	vst @!p0 v7;
	v7 =	vadd.f32 @!p5 v10, v6  }
0x653: {  	v11 =	vmul.f32 @p1 $8.000000000e+00, v16;
	v16 =	vld @!p1 [tilespmem:s6+$0xFFFFFFD0];
	v6 =	vmov v8;
	v8 =	vadd.f32 @p1 v15, v9  }
0x654: {  	v10 =	vld @!p0 [tilespmem:s22+$0x30];
	[tilespmem:s15+$0xFFFFFF80] =	vst @!p5 v7  }
0x655: {  	v9 =	vld @!p1 [tilespmem:s6+$0xFFFFFFE0];
	[tilespmem:s6+$0xFFFFFFA0] =	vst @p1 v8  }
0x656: {  	[tilespmem:s6+$0x20] =	vst @p4 v12;
	v7 =	vld @!p5 [tilespmem:s22+$0xFFFFFFD0]  }
0x657: {  	s2 =	simm.s32 @!p6 $0x0;
	s10 =	sadd.s32 $0x2, s10;
	v15 =	vld @p4 [tilespmem:s0+$0x30];
	v8 =	vmul.f32 @!p0 $8.000000000e+00, v13  }
0x658: {  	s2 =	simm.s32 @p6 $0x1;
	p2 =	slt.u32 s10, $0xC6;
	v13 =	vld @p1 [tilespmem:s0+$0xFFFFFFF0]  }
0x659: {  	[smem:$0x7D4] =	sst s2;
	s2 =	simm.s32 @!p2 $0x0;
	v8 =	vadd.f32 @!p0 v10, v8;
	v10 =	vld @!p3 [tilespmem:s11+$0xFFFFFFE0]  }
0x65a: {  	s2 =	simm.s32 @p2 $0x1;
	s23 =	sld [smem:$0x7D4];
	v12 =	vmul.f32 @!p1 $8.000000000e+00, v16;
	v16 =	vld @!p1 [tilespmem:s6+$0xFFFFFFF0];
	v14 =	vmul.f32 @p4 $8.000000000e+00, v14;
	s24 =	spop (v2sf)  }
0x65b: {  	[smem:$0x7D5] =	sst s2;
	s2 =	sand.u32 $0x1, s24;
	s16 =	spop (v2sf);
	[tilespmem:s15+$0x30] =	vst @!p0 v8;
	v8 =	vld @!p6 [tilespmem:s8+$0xFFFFFFF0];
	v7 =	vadd.f32 @!p5 v7, v5  }
0x65c: {  	s6 =	sadd.s32 $0x100, s6;
	v14 =	vadd.f32 @p4 v15, v14;
	s16 =	sand.u32 $0x1, s16;
	p6 =	seq.s32 s2, $0x0;
	v15 =	vld @!p4 [tilespmem:s19+$0x40]  }
0x65d: {  	s8 =	smov.u32 s11;
	p2 =	seq.s32 s16, $0x0;
	v5 =	vmov v12;
	v12 =	vld @p6 [tilespmem:s6+$0x0];
	v11 =	vadd.f32 @p1 v13, v11;
	[tilespmem:s15+$0xFFFFFF90] =	vst @!p5 v7  }
0x65e: {  	s11 =	smov.u32 s22;
	s22 =	smov.u32 s0;
	p0 =	por p4, p4;
	[tilespmem:s19+$0x30] =	vst @p4 v14;
	v7 =	vadd.f32 @!p3 v10, v2;
	v14 =	vld @p2 [tilespmem:s6+$0xFFFFFF80]  }
0x65f: {  	v9 =	vmul.f32 @!p1 $8.000000000e+00, v9;
	v13 =	vld @!p4 [tilespmem:s0+$0x0];
	p4 =	por p6, p6;
	s0 =	sadd.s32 $0x80, s0;
	p6 =	seq.s32 s23, $0x1;
	[tilespmem:s19+$0xFFFFFFB0] =	vst @p1 v11  }
0x660: {  	s24 =	sld [smem:$0x7D5];
	v11 =	vld @p4 [tilespmem:s0+$0x0];
	[tilespmem:s9+$0xFFFFFFA0] =	vst @!p3 v7;
	v7 =	vadd.f32 @!p6 v8, v0  }
0x661: {  	v2 =	vmov v4;
	v4 =	vmov v9;
	v9 =	vmul.f32 @!p1 $8.000000000e+00, v16;
	v8 =	vld @p2 [tilespmem:s0+$0xFFFFFFC0]  }
0x662: {  	v10 =	vld @p2 [tilespmem:s6+$0xFFFFFF90];
	[tilespmem:s1+$0xFFFFFFB0] =	vst @!p6 v7;
	p6 =	por p3, p3;
	p3 =	por p5, p5  }
0x663: {  	v0 =	vmovc v1;
	v1 =	vmovc v3;
	v3 =	vmov v9;
	v15 =	vmul.f32 @!p0 $8.000000000e+00, v15;
	p5 =	por p1, p1;
	p1 =	por p2, p2;
	v9 =	vld @p2 [tilespmem:s6+$0xFFFFFFA0];
	v14 =	vmul.f32 @p2 $8.000000000e+00, v14;
	p2 =	seq.s32 s24, $0x1  }
.Ltmp7:
0x664: {  	_ = 	snop;
	(pc) =	sbr.rel @p2 .LBB2_16-.Ltmp7, $4  }
0x665: {  	v12 =	vmul.f32 @p4 $8.000000000e+00, v12;
	s1 =	smov.u32 s9;
	s9 =	smov.u32 s15;
	s15 =	smov.u32 s19;
	v13 =	vadd.f32 @!p0 v13, v15  }
0x666: {  	v7 =	vld @!p0 [tilespmem:s15+$0x50]  }
0x667: {  	v12 =	vadd.f32 @p4 v11, v12;
	v11 =	vld @p4 [tilespmem:s6+$0x10];
	[tilespmem:s15+$0x0] =	vst @!p0 v13  }
0x668: {  	s13 =	sadd.s32 $0x2, s13;
	s19 =	smov.u32 s6;
	v13 =	vadd.f32 @p1 v8, v14;
	v8 =	vld @!p0 [tilespmem:s22+$0x10]  }
0x669: {  	[tilespmem:s6+$0x0] =	vst @p4 v12  }
0x66a: {  	v12 =	vld @p4 [tilespmem:s0+$0x10]  }
0x66b: {  	[tilespmem:s6+$0xFFFFFF80] =	vst @p1 v13  }
0x66c: {  	v13 =	vld @p1 [tilespmem:s0+$0xFFFFFFD0]  }
0x66d: {  	v11 =	vmul.f32 @p4 $8.000000000e+00, v11;
	_ =	sdelay $0x1  }
0x66e: {  	v10 =	vmul.f32 @p1 $8.000000000e+00, v10;
	v11 =	vadd.f32 @p4 v12, v11  }
0x66f: {  	v12 =	vld @p4 [tilespmem:s6+$0x20]  }
0x670: {  	v10 =	vadd.f32 @p1 v13, v10;
	[tilespmem:s6+$0x10] =	vst @p4 v11  }
0x671: {  	v11 =	vld @p4 [tilespmem:s0+$0x20]  }
0x672: {  	[tilespmem:s6+$0xFFFFFF90] =	vst @p1 v10  }
0x673: {  	v10 =	vld @p1 [tilespmem:s0+$0xFFFFFFE0]  }
0x674: {  	v12 =	vmul.f32 @p4 $8.000000000e+00, v12;
	_ =	sdelay $0x1  }
0x675: {  	v9 =	vmul.f32 @p1 $8.000000000e+00, v9;
	v11 =	vadd.f32 @p4 v11, v12  }
0x676: {  	v12 =	vld @p4 [tilespmem:s6+$0x30]  }
0x677: {  	v14 =	vld @p1 [tilespmem:s6+$0xFFFFFFB0];
	v9 =	vadd.f32 @p1 v10, v9;
	[tilespmem:s6+$0x20] =	vst @p4 v11  }
0x678: {  	v10 =	vld @p4 [tilespmem:s0+$0x30]  }
0x679: {  	[tilespmem:s6+$0xFFFFFFA0] =	vst @p1 v9  }
0x67a: {  	v9 =	vld @p1 [tilespmem:s0+$0xFFFFFFF0]  }
0x67b: {  	v15 =	vld @!p1 [tilespmem:s6+$0xFFFFFFD0];
	v12 =	vmul.f32 @p4 $8.000000000e+00, v12  }
0x67c: {  	v16 =	vld @!p5 [tilespmem:s22+$0xFFFFFFC0]  }
0x67d: {  	v10 =	vadd.f32 @p4 v10, v12;
	v12 =	vmul.f32 @p1 $8.000000000e+00, v14;
	v14 =	vld @!p4 [tilespmem:s19+$0x40]  }
0x67e: {  	v13 =	vld @!p1 [tilespmem:s6+$0xFFFFFFC0]  }
0x67f: {  	v11 =	vld @!p1 [tilespmem:s6+$0xFFFFFFE0];
	[tilespmem:s19+$0x30] =	vst @p4 v10;
	v9 =	vadd.f32 @p1 v9, v12  }
0x680: {  	v10 =	vld @!p4 [tilespmem:s0+$0x0]  }
0x681: {  	p2 =	por p1, p1;
	v12 =	vld @!p1 [tilespmem:s6+$0xFFFFFFF0];
	p4 =	por p4, p4;
	[tilespmem:s19+$0xFFFFFFB0] =	vst @p1 v9  }
0x682: {  	v6 =	vadd.f32 @!p5 v16, v6;
	v9 =	vmul.f32 @!p4 $8.000000000e+00, v14;
	v14 =	vld @!p2 [tilespmem:s0+$0xFFFFFFC0]  }
0x683: {  	v7 =	vmul.f32 @!p0 $8.000000000e+00, v7  }
0x684: {  	[tilespmem:s15+$0xFFFFFF80] =	vst @!p5 v6  }
0x685: {  	v6 =	vadd.f32 @!p0 v8, v7;
	v7 =	vld @!p5 [tilespmem:s22+$0xFFFFFFD0];
	v9 =	vadd.f32 @!p4 v10, v9;
	v10 =	vmul.f32 @!p1 $8.000000000e+00, v13  }
0x686: {  	v13 =	vld @!p4 [tilespmem:s19+$0x50]  }
0x687: {  	[tilespmem:s19+$0x0] =	vst @!p4 v9;
	v10 =	vadd.f32 @!p2 v14, v10;
	v14 =	vld @!p0 [tilespmem:s15+$0x60]  }
0x688: {  	[tilespmem:s15+$0x10] =	vst @!p0 v6;
	v9 =	vld @!p4 [tilespmem:s0+$0x10]  }
0x689: {  	v6 =	vld @!p0 [tilespmem:s22+$0x20];
	[tilespmem:s19+$0xFFFFFF80] =	vst @!p2 v10  }
0x68a: {  	v10 =	vld @!p2 [tilespmem:s0+$0xFFFFFFD0]  }
0x68b: {  	v5 =	vadd.f32 @!p5 v7, v5;
	v8 =	vmul.f32 @!p4 $8.000000000e+00, v13  }
0x68c: {  	v7 =	vmul.f32 @!p0 $8.000000000e+00, v14  }
0x68d: {  	[tilespmem:s15+$0xFFFFFF90] =	vst @!p5 v5;
	p5 =	por p5, p5;
	v13 =	vld @!p4 [tilespmem:s19+$0x60];
	v8 =	vadd.f32 @!p4 v9, v8;
	v9 =	vmul.f32 @!p1 $8.000000000e+00, v15  }
0x68e: {  	v5 =	vadd.f32 @!p0 v6, v7;
	v6 =	vld @!p5 [tilespmem:s22+$0xFFFFFFE0]  }
0x68f: {  	[tilespmem:s19+$0x10] =	vst @!p4 v8;
	v9 =	vadd.f32 @!p2 v10, v9;
	v10 =	vld @!p3 [tilespmem:s11+$0xFFFFFFE0]  }
0x690: {  	v8 =	vld @!p4 [tilespmem:s0+$0x20]  }
0x691: {  	[tilespmem:s19+$0xFFFFFF90] =	vst @!p2 v9;
	p2 =	por p2, p2  }
0x692: {  	v9 =	vld @!p2 [tilespmem:s0+$0xFFFFFFE0]  }
0x693: {  	v15 =	vld @!p0 [tilespmem:s15+$0x70];
	v7 =	vmul.f32 @!p4 $8.000000000e+00, v13;
	[tilespmem:s15+$0x20] =	vst @!p0 v5  }
0x694: {  	v5 =	vld @!p0 [tilespmem:s22+$0x30];
	v2 =	vadd.f32 @!p3 v10, v2  }
0x695: {  	v4 =	vadd.f32 @!p5 v6, v4;
	v7 =	vadd.f32 @!p4 v8, v7;
	v8 =	vmul.f32 @!p1 $8.000000000e+00, v11;
	v11 =	vld @!p6 [tilespmem:s8+$0xFFFFFFF0]  }
0x696: {  	v10 =	vld @!p4 [tilespmem:s19+$0x70];
	[tilespmem:s9+$0xFFFFFFA0] =	vst @!p3 v2;
	p3 =	por p3, p3  }
0x697: {  	[tilespmem:s15+$0xFFFFFFA0] =	vst @!p5 v4;
	p5 =	por p5, p5;
	v6 =	vadd.f32 @!p2 v9, v8;
	v8 =	vld @!p3 [tilespmem:s11+$0xFFFFFFF0]  }
0x698: {  	v4 =	vld @!p5 [tilespmem:s22+$0xFFFFFFF0];
	[tilespmem:s19+$0x20] =	vst @!p4 v7;
	v7 =	vmul.f32 @!p0 $8.000000000e+00, v15  }
0x699: {  	v2 =	vld @!p4 [tilespmem:s0+$0x30];
	[tilespmem:s19+$0xFFFFFFA0] =	vst @!p2 v6;
	p2 =	por p2, p2  }
0x69a: {  	v5 =	vadd.f32 @!p0 v5, v7;
	v7 =	vld @!p2 [tilespmem:s0+$0xFFFFFFF0];
	v0 =	vadd.f32 @!p6 v11, v0;
	_ =	sdelay $0x1  }
0x69b: {  	v6 =	vmul.f32 @!p4 $8.000000000e+00, v10;
	[tilespmem:s1+$0xFFFFFFB0] =	vst @!p6 v0;
	v0 =	vadd.f32 @!p3 v8, v1  }
0x69c: {  	[tilespmem:s15+$0x30] =	vst @!p0 v5;
	v5 =	vmul.f32 @!p1 $8.000000000e+00, v12;
	v1 =	vadd.f32 @!p5 v4, v3  }
0x69d: {  	v2 =	vadd.f32 @!p4 v2, v6;
	[tilespmem:s9+$0xFFFFFFB0] =	vst @!p3 v0  }
0x69e: {  	[tilespmem:s15+$0xFFFFFFB0] =	vst @!p5 v1;
	v0 =	vadd.f32 @!p2 v7, v5  }
0x69f: {  	[tilespmem:s19+$0x30] =	vst @!p4 v2  }
0x6a0: {  	[tilespmem:s19+$0xFFFFFFB0] =	vst @!p2 v0  }
0x6a1: {  	s23 =	simm.s32 $0x4E0;
	s22 =	rddreg [dreg:$0x15]  }
0x6a2: {  	[hbm4b:s22+s3] =	stream.linear.scatter [tilespmem:s23], [sflag:$0x7], $0x6400, $0x38;
	[tilespmem:$0x162E0] =	vst v63  }
0x6a3: {  	_ =	swait.ge [sflag:s29], $0x6400  }
0x6a4: {  	[sflag:s29] =	ssyncset.done $0x0  }
0x6a5: {  	[sflag:s29] =	ssyncadd.s32 $0xFFFF9C00  }
0x6a6: {  	_ =	swait.ge [sflag:s20], $0x6400  }
0x6a7: {  	[sflag:s20] =	ssyncset.done $0x0  }
0x6a8: {  	s24 =	simm.s32 $0xD9;
	[sflag:s20] =	ssyncadd.s32 $0xFFFF9C00  }
0x6a9: {  	v0 =	vld [tilespmem:s24+$0x0];
	_ =	sdelay $0x3  }
0x6aa: {  	v1 =	vld [tilespmem:s24+$0xFFFFFFFF]  }
0x6ab: {  	(v2sf) =	vpush v0, $0x0;
	_ =	sdelay $0x3  }
0x6ac: {  	(v2sf) =	vpush v1, $0x0;
	_ =	sdelay $0xa  }
0x6ad: {  	s1 =	spop (v2sf)  }
0x6ae: {  	s0 =	sand.u32 $0x1, s1  }
0x6af: {  	s1 =	simm.s32 $0x6960;
	p0 =	seq.s32 s0, $0x0  }
0x6b0: {  	v0 =	vld @p0 [tilespmem:s1+$0x0]  }
0x6b1: {  	s8 =	simm.s32 $0x13120;
	s2 =	spop (v2sf);
	p0 =	por p0, p0  }
0x6b2: {  	s0 =	sand.u32 $0x1, s2;
	v1 =	vld @p0 [tilespmem:s8+$0x0]  }
0x6b3: {  	p1 =	seq.s32 s0, $0x0  }
0x6b4: {  	v2 =	vld @p1 [tilespmem:s1+$0xFFFFFF80]  }
0x6b5: {  	v0 =	vmul.f32 @p0 $8.000000000e+00, v0  }
0x6b6: {  	s6 =	simm.s32 $0xDB;
	v3 =	vld @p1 [tilespmem:s8+$0xFFFFFFC0]  }
0x6b7: {  	v4 =	vld [tilespmem:s6+$0x0];
	v0 =	vadd.f32 @p0 v1, v0  }
0x6b8: {  	v1 =	vld @p0 [tilespmem:s1+$0x10]  }
0x6b9: {  	v2 =	vmul.f32 @p1 $8.000000000e+00, v2;
	[tilespmem:s1+$0x0] =	vst @p0 v0  }
0x6ba: {  	p2 =	por p1, p1;
	v0 =	vld @p0 [tilespmem:s8+$0x10]  }
0x6bb: {  	v2 =	vadd.f32 @p2 v3, v2  }
0x6bc: {  	v5 =	vld @p1 [tilespmem:s1+$0xFFFFFF90]  }
0x6bd: {  	(v2sf) =	vpush v4, $0x0;
	v3 =	vld [tilespmem:s6+$0xFFFFFFFF];
	[tilespmem:s1+$0xFFFFFF80] =	vst @p2 v2;
	v1 =	vmul.f32 @p0 $8.000000000e+00, v1  }
0x6be: {  	v2 =	vld @p2 [tilespmem:s8+$0xFFFFFFD0]  }
0x6bf: {  	v0 =	vadd.f32 @p0 v0, v1  }
0x6c0: {  	v1 =	vld @p0 [tilespmem:s1+$0x20]  }
0x6c1: {  	v4 =	vmul.f32 @p2 $8.000000000e+00, v5;
	[tilespmem:s1+$0x10] =	vst @p0 v0  }
0x6c2: {  	(v2sf) =	vpush v3, $0x0;
	v0 =	vld @p0 [tilespmem:s8+$0x20]  }
0x6c3: {  	v2 =	vadd.f32 @p2 v2, v4  }
0x6c4: {  	v6 =	vld @p1 [tilespmem:s1+$0xFFFFFFA0]  }
0x6c5: {  	[tilespmem:s1+$0xFFFFFF90] =	vst @p2 v2;
	v1 =	vmul.f32 @p0 $8.000000000e+00, v1  }
0x6c6: {  	v2 =	vld @p2 [tilespmem:s8+$0xFFFFFFE0]  }
0x6c7: {  	v0 =	vadd.f32 @p0 v0, v1  }
0x6c8: {  	v5 =	vld @p0 [tilespmem:s1+$0x30]  }
0x6c9: {  	v6 =	vmul.f32 @p2 $8.000000000e+00, v6;
	[tilespmem:s1+$0x20] =	vst @p0 v0  }
0x6ca: {  	v7 =	vld @p0 [tilespmem:s8+$0x30]  }
0x6cb: {  	v2 =	vadd.f32 @p2 v2, v6  }
0x6cc: {  	s9 =	spop (v2sf);
	v3 =	vld @p2 [tilespmem:s1+$0xFFFFFFB0]  }
0x6cd: {  	s0 =	sand.u32 $0x1, s9;
	v4 =	vld @!p2 [tilespmem:s1+$0xFFFFFFC0];
	[tilespmem:s1+$0xFFFFFFA0] =	vst @p2 v2;
	v2 =	vmul.f32 @p0 $8.000000000e+00, v5  }
0x6ce: {  	s9 =	simm.s32 $0x6A60;
	p1 =	seq.s32 s0, $0x0;
	v1 =	vld @!p2 [tilespmem:s1+$0xFFFFFFD0]  }
0x6cf: {  	v6 =	vld @p1 [tilespmem:s9+$0x0];
	v2 =	vadd.f32 @p0 v7, v2  }
0x6d0: {  	v0 =	vld @!p2 [tilespmem:s1+$0xFFFFFFE0]  }
0x6d1: {  	s11 =	simm.s32 $0x131A0;
	s10 =	spop (v2sf);
	v7 =	vld @!p0 [tilespmem:s1+$0x40];
	[tilespmem:s1+$0x30] =	vst @p0 v2  }
0x6d2: {  	p5 =	por p1, p1;
	s0 =	sand.u32 $0x1, s10;
	v8 =	vld @!p0 [tilespmem:s8+$0x0];
	p0 =	por p0, p0  }
0x6d3: {  	p1 =	seq.s32 s0, $0x0;
	v2 =	vld @p5 [tilespmem:s11+$0x0];
	s0 =	simm.s32 @!p0 $0x0  }
0x6d4: {  	v5 =	vld @p2 [tilespmem:s8+$0xFFFFFFF0];
	s0 =	simm.s32 @p0 $0x1  }
0x6d5: {  	v9 =	vld @p1 [tilespmem:s9+$0xFFFFFF80];
	[smem:$0x7D1] =	sst s0  }
0x6d6: {  	v6 =	vmul.f32 @p5 $8.000000000e+00, v6;
	v10 =	vld @p1 [tilespmem:s11+$0xFFFFFFC0]  }
0x6d7: {  	v7 =	vmul.f32 @!p0 $8.000000000e+00, v7;
	v11 =	vld @p1 [tilespmem:s9+$0xFFFFFF90]  }
0x6d8: {  	v12 =	vld @!p0 [tilespmem:s1+$0x50];
	v2 =	vadd.f32 @p5 v2, v6  }
0x6d9: {  	s13 =	simm.s32 $0xDD;
	v6 =	vadd.f32 @!p0 v8, v7;
	v7 =	vld @p5 [tilespmem:s9+$0x10]  }
0x6da: {  	v8 =	vld [tilespmem:s13+$0x0];
	[tilespmem:s9+$0x0] =	vst @p5 v2  }
0x6db: {  	v2 =	vmul.f32 @p1 $8.000000000e+00, v9;
	[tilespmem:s1+$0x0] =	vst @!p0 v6;
	v6 =	vld @p5 [tilespmem:s11+$0x10]  }
0x6dc: {  	p3 =	por p1, p1;
	v13 =	vld [tilespmem:s13+$0xFFFFFFFF]  }
0x6dd: {  	v3 =	vmul.f32 @p2 $8.000000000e+00, v3;
	v9 =	vld @!p0 [tilespmem:s8+$0x10];
	v10 =	vadd.f32 @p3 v10, v2  }
0x6de: {  	v14 =	vld @p1 [tilespmem:s9+$0xFFFFFFA0];
	v7 =	vmul.f32 @p5 $8.000000000e+00, v7  }
0x6df: {  	v3 =	vadd.f32 @p2 v5, v3;
	v5 =	vld @p3 [tilespmem:s9+$0xFFFFFFB0];
	[tilespmem:s9+$0xFFFFFF80] =	vst @p3 v10  }
0x6e0: {  	(v2sf) =	vpush v8, $0x0;
	v10 =	vmul.f32 @!p0 $8.000000000e+00, v12;
	v12 =	vld @p3 [tilespmem:s11+$0xFFFFFFD0];
	v6 =	vadd.f32 @p5 v6, v7  }
0x6e1: {  	v7 =	vld @p5 [tilespmem:s9+$0x20]  }
0x6e2: {  	v8 =	vadd.f32 @!p0 v9, v10;
	v9 =	vld @!p0 [tilespmem:s1+$0x60];
	[tilespmem:s9+$0x10] =	vst @p5 v6  }
0x6e3: {  	[tilespmem:s1+$0xFFFFFFB0] =	vst @p2 v3;
	v6 =	vmul.f32 @p3 $8.000000000e+00, v11;
	v10 =	vld @p5 [tilespmem:s11+$0x20]  }
0x6e4: {  	v3 =	vld @!p3 [tilespmem:s9+$0xFFFFFFC0];
	(v2sf) =	vpush v13, $0x0;
	[tilespmem:s1+$0x10] =	vst @!p0 v8  }
0x6e5: {  	v8 =	vld @!p0 [tilespmem:s8+$0x20];
	v6 =	vadd.f32 @p3 v12, v6  }
0x6e6: {  	p4 =	por p2, p2;
	v2 =	vld @!p2 [tilespmem:s1+$0xFFFFFFF0];
	v7 =	vmul.f32 @p5 $8.000000000e+00, v7  }
0x6e7: {  	s0 =	simm.s32 @!p2 $0x0;
	[tilespmem:s9+$0xFFFFFF90] =	vst @p3 v6;
	v6 =	vld @!p4 [tilespmem:s8+$0xFFFFFFC0]  }
0x6e8: {  	s0 =	simm.s32 @p2 $0x1;
	v9 =	vmul.f32 @!p0 $8.000000000e+00, v9;
	v11 =	vld @p3 [tilespmem:s11+$0xFFFFFFE0];
	v7 =	vadd.f32 @p5 v10, v7  }
0x6e9: {  	v10 =	vld @p5 [tilespmem:s9+$0x30];
	[smem:$0x7D0] =	sst s0  }
0x6ea: {  	v4 =	vmul.f32 @!p2 $8.000000000e+00, v4;
	v8 =	vadd.f32 @!p0 v8, v9;
	v9 =	vld @!p0 [tilespmem:s1+$0x70];
	[tilespmem:s9+$0x20] =	vst @p5 v7  }
0x6eb: {  	v12 =	vld @p5 [tilespmem:s11+$0x30]  }
0x6ec: {  	s19 =	simm.s32 $0xDF;
	v13 =	vld @!p3 [tilespmem:s9+$0xFFFFFFD0];
	v4 =	vadd.f32 @!p4 v6, v4  }
0x6ed: {  	v19 =	vld [tilespmem:s19+$0x0];
	v7 =	vmul.f32 @p3 $8.000000000e+00, v14;
	[tilespmem:s1+$0x20] =	vst @!p0 v8  }
0x6ee: {  	v8 =	vld @!p3 [tilespmem:s9+$0xFFFFFFE0];
	[tilespmem:s1+$0xFFFFFF80] =	vst @!p4 v4;
	v4 =	vmul.f32 @p5 $8.000000000e+00, v10  }
0x6ef: {  	v6 =	vld @!p0 [tilespmem:s8+$0x30];
	v7 =	vadd.f32 @p3 v11, v7;
	s15 =	spop (v2sf)  }
0x6f0: {  	v11 =	vld @!p5 [tilespmem:s9+$0x40];
	s0 =	sand.u32 $0x1, s15;
	v4 =	vadd.f32 @p5 v12, v4  }
0x6f1: {  	s15 =	simm.s32 $0x6B60;
	[tilespmem:s9+$0xFFFFFFA0] =	vst @p3 v7;
	v7 =	vld @!p4 [tilespmem:s8+$0xFFFFFFD0];
	p0 =	seq.s32 s0, $0x0  }
0x6f2: {  	v12 =	vld @p0 [tilespmem:s15+$0x0];
	[tilespmem:s9+$0x30] =	vst @p5 v4  }
0x6f3: {  	s22 =	simm.s32 $0x13220;
	s2 =	spop (v2sf);
	p0 =	por p0, p0;
	v4 =	vld @!p5 [tilespmem:s11+$0x0]  }
0x6f4: {  	s16 =	sand.u32 $0x1, s2;
	v15 =	vld @p0 [tilespmem:s22+$0x0]  }
0x6f5: {  	p6 =	por p5, p5;
	v10 =	vld @p3 [tilespmem:s11+$0xFFFFFFF0];
	p1 =	seq.s32 s16, $0x0  }
0x6f6: {  	v14 =	vld @p1 [tilespmem:s15+$0xFFFFFF80];
	v11 =	vmul.f32 @!p6 $8.000000000e+00, v11  }
0x6f7: {  	v16 =	vld @p1 [tilespmem:s22+$0xFFFFFFC0];
	v12 =	vmul.f32 @p0 $8.000000000e+00, v12  }
0x6f8: {  	v17 =	vld @p1 [tilespmem:s15+$0xFFFFFF90];
	v4 =	vadd.f32 @!p6 v4, v11  }
0x6f9: {  	v12 =	vadd.f32 @p0 v15, v12;
	v11 =	vld @!p6 [tilespmem:s9+$0x50]  }
0x6fa: {  	v5 =	vmul.f32 @p3 $8.000000000e+00, v5;
	v15 =	vld @p0 [tilespmem:s15+$0x10];
	[tilespmem:s9+$0x0] =	vst @!p6 v4  }
0x6fb: {  	[tilespmem:s15+$0x0] =	vst @p0 v12;
	v4 =	vmul.f32 @p1 $8.000000000e+00, v14;
	v14 =	vld @!p6 [tilespmem:s11+$0x10]  }
0x6fc: {  	p5 =	por p1, p1;
	v5 =	vadd.f32 @p3 v10, v5;
	v12 =	vld @p0 [tilespmem:s22+$0x10]  }
0x6fd: {  	v18 =	vld @p1 [tilespmem:s15+$0xFFFFFFA0];
	v4 =	vadd.f32 @p5 v16, v4  }
0x6fe: {  	[tilespmem:s9+$0xFFFFFFB0] =	vst @p3 v5;
	v5 =	vld @!p5 [tilespmem:s15+$0xFFFFFFC0];
	v11 =	vmul.f32 @!p6 $8.000000000e+00, v11  }
0x6ff: {  	v16 =	vld @!p3 [tilespmem:s9+$0xFFFFFFF0];
	v15 =	vmul.f32 @p0 $8.000000000e+00, v15;
	[tilespmem:s15+$0xFFFFFF80] =	vst @p5 v4  }
0x700: {  	v20 =	vld @p5 [tilespmem:s22+$0xFFFFFFD0];
	v11 =	vadd.f32 @!p6 v14, v11  }
0x701: {  	v4 =	vld [tilespmem:s19+$0xFFFFFFFF];
	v12 =	vadd.f32 @p0 v12, v15  }
0x702: {  	[tilespmem:s9+$0x10] =	vst @!p6 v11;
	v11 =	vld @p0 [tilespmem:s15+$0x20]  }
0x703: {  	v17 =	vmul.f32 @p5 $8.000000000e+00, v17;
	p1 =	por p3, p3;
	v15 =	vld @!p6 [tilespmem:s9+$0x60];
	[tilespmem:s15+$0x10] =	vst @p0 v12  }
0x704: {  	s0 =	simm.s32 @!p1 $0x0;
	v12 =	vld @p0 [tilespmem:s22+$0x20]  }
0x705: {  	(v2sf) =	vpush v19, $0x0;
	s0 =	simm.s32 @p1 $0x1;
	v14 =	vld @p5 [tilespmem:s15+$0xFFFFFFB0];
	v10 =	vadd.f32 @p5 v20, v17  }
0x706: {  	(v2sf) =	vpush v4, $0x0;
	v4 =	vld @!p6 [tilespmem:s11+$0x20];
	[smem:$0x7D2] =	sst s0  }
0x707: {  	[tilespmem:s15+$0xFFFFFF90] =	vst @p5 v10;
	v10 =	vld @!p1 [tilespmem:s11+$0xFFFFFFC0];
	v11 =	vmul.f32 @p0 $8.000000000e+00, v11;
	_ =	sdelay $0x1  }
0x708: {  	v1 =	vmul.f32 @!p2 $8.000000000e+00, v1;
	v17 =	vld @p5 [tilespmem:s22+$0xFFFFFFE0];
	v11 =	vadd.f32 @p0 v12, v11  }
0x709: {  	v3 =	vmul.f32 @!p3 $8.000000000e+00, v3;
	v12 =	vmul.f32 @p5 $8.000000000e+00, v18;
	v18 =	vld @p0 [tilespmem:s15+$0x30]  }
0x70a: {  	v1 =	vadd.f32 @!p4 v7, v1;
	v15 =	vmul.f32 @!p6 $8.000000000e+00, v15;
	[tilespmem:s15+$0x20] =	vst @p0 v11  }
0x70b: {  	v3 =	vadd.f32 @!p1 v10, v3;
	v11 =	vld @p0 [tilespmem:s22+$0x30]  }
0x70c: {  	[tilespmem:s1+$0xFFFFFF90] =	vst @!p4 v1;
	v4 =	vadd.f32 @!p6 v4, v15  }
0x70d: {  	v19 =	vld @!p5 [tilespmem:s15+$0xFFFFFFD0];
	v10 =	vadd.f32 @p5 v17, v12;
	[tilespmem:s9+$0xFFFFFF80] =	vst @!p1 v3  }
0x70e: {  	[tilespmem:s9+$0x20] =	vst @!p6 v4;
	v3 =	vld @!p1 [tilespmem:s11+$0xFFFFFFD0];
	p1 =	por p4, p4;
	v1 =	vmul.f32 @p0 $8.000000000e+00, v18  }
0x70f: {  	v15 =	vld @!p6 [tilespmem:s9+$0x70];
	[tilespmem:s15+$0xFFFFFFA0] =	vst @p5 v10;
	s0 =	simm.s32 @!p1 $0x0  }
0x710: {  	v4 =	vld @!p6 [tilespmem:s11+$0x30];
	s10 =	sld [smem:$0x7D1];
	s0 =	simm.s32 @p1 $0x1;
	v1 =	vadd.f32 @p0 v11, v1  }
0x711: {  	v12 =	vld @!p5 [tilespmem:s15+$0xFFFFFFE0];
	[smem:$0x7D3] =	sst s0  }
0x712: {  	[tilespmem:s15+$0x30] =	vst @p0 v1  }
0x713: {  	v10 =	vld @!p1 [tilespmem:s8+$0xFFFFFFE0];
	p1 =	seq.s32 s10, $0x1;
	s16 =	sld [smem:$0x7D0]  }
0x714: {  	v9 =	vmul.f32 @!p1 $8.000000000e+00, v9;
	s19 =	sld [smem:$0x7D1]  }
0x715: {  	v1 =	vmul.f32 @!p6 $8.000000000e+00, v15  }
0x716: {  	s23 =	spop (v2sf);
	v7 =	vld @p5 [tilespmem:s22+$0xFFFFFFF0];
	v6 =	vadd.f32 @!p1 v6, v9;
	p1 =	seq.s32 s16, $0x1  }
0x717: {  	s0 =	sand.u32 $0x1, s23;
	v17 =	vld @!p5 [tilespmem:s15+$0xFFFFFFF0];
	v1 =	vadd.f32 @!p6 v4, v1;
	v9 =	vmul.f32 @!p1 $8.000000000e+00, v0;
	v0 =	vmul.f32 @!p1 $8.000000000e+00, v2;
	p1 =	seq.s32 s19, $0x1  }
0x718: {  	s6 =	simm.s32 $0x6C60;
	s24 =	spop (v2sf);
	v11 =	vld @!p0 [tilespmem:s15+$0x40];
	p4 =	seq.s32 s0, $0x0;
	[tilespmem:s1+$0x30] =	vst @!p1 v6  }
0x719: {  	s13 =	sand.u32 $0x1, s24;
	v18 =	vld @p4 [tilespmem:s6+$0x0];
	s23 =	sld [smem:$0x7D2];
	[tilespmem:s9+$0x30] =	vst @!p6 v1  }
0x71a: {  	v15 =	vld @!p0 [tilespmem:s22+$0x0];
	p2 =	seq.s32 s13, $0x0;
	s24 =	sld [smem:$0x7D3]  }
0x71b: {  	v13 =	vmul.f32 @!p3 $8.000000000e+00, v13;
	s0 =	simm.s32 $0x132A0;
	p4 =	por p4, p4;
	v20 =	vld @p2 [tilespmem:s6+$0xFFFFFF80]  }
0x71c: {  	p0 =	por p0, p0;
	v21 =	vld @p4 [tilespmem:s0+$0x0];
	v2 =	vmul.f32 @!p3 $8.000000000e+00, v8;
	v8 =	vmul.f32 @p5 $8.000000000e+00, v14;
	p1 =	seq.s32 s23, $0x1  }
0x71d: {  	v4 =	vmul.f32 @!p0 $8.000000000e+00, v11;
	v3 =	vadd.f32 @!p1 v3, v13;
	v13 =	vld @p2 [tilespmem:s0+$0xFFFFFFC0];
	p6 =	seq.s32 s24, $0x1  }
0x71e: {  	v8 =	vadd.f32 @p5 v7, v8;
	v7 =	vld @!p0 [tilespmem:s15+$0x50];
	v11 =	vadd.f32 @!p6 v10, v9  }
0x71f: {  	v14 =	vmul.f32 @p4 $8.000000000e+00, v18;
	v10 =	vld @p2 [tilespmem:s6+$0xFFFFFF90];
	[tilespmem:s9+$0xFFFFFF90] =	vst @!p1 v3;
	v3 =	vadd.f32 @!p0 v15, v4  }
0x720: {  	s10 =	simm.s32 $0x6;
	v6 =	vmul.f32 @!p5 $8.000000000e+00, v5;
	v9 =	vld @p2 [tilespmem:s6+$0xFFFFFFA0];
	v15 =	vmul.f32 @p2 $8.000000000e+00, v20;
	[tilespmem:s1+$0xFFFFFFA0] =	vst @!p6 v11  }
0x721: {  	s13 =	simm.s32 $0xE1;
	v1 =	vmul.f32 @!p3 $8.000000000e+00, v16;
	p3 =	por p1, p1;
	v4 =	vmul.f32 @!p5 $8.000000000e+00, v12;
	p1 =	por p2, p2;
	v12 =	vadd.f32 @p4 v21, v14;
	v11 =	vld @p4 [tilespmem:s6+$0x10];
	[tilespmem:s15+$0x0] =	vst @!p0 v3  }
0x722: {  	s19 =	simm.s32 $0x6C60;
	v5 =	vmul.f32 @!p5 $8.000000000e+00, v19;
	[tilespmem:s15+$0xFFFFFFB0] =	vst @p5 v8;
	p6 =	por p6, p6;
	v3 =	vmul.f32 @!p5 $8.000000000e+00, v17;
	p5 =	por p5, p5;
	v13 =	vadd.f32 @p1 v13, v15;
	v8 =	vld @!p0 [tilespmem:s22+$0x10]  }
.LBB2_18:
0x723: {  	v14 =	vld [tilespmem:s13+$0x0];
	[tilespmem:s6+$0x0] =	vst @p4 v12  }
0x724: {  	[tilespmem:s6+$0xFFFFFF80] =	vst @p1 v13;
	v12 =	vld @p4 [tilespmem:s0+$0x10]  }
0x725: {  	v13 =	vld [tilespmem:s13+$0xFFFFFFFF]  }
0x726: {  	v15 =	vld @p1 [tilespmem:s0+$0xFFFFFFD0]  }
0x727: {  	v7 =	vmul.f32 @!p0 $8.000000000e+00, v7  }
0x728: {  	v16 =	vld @p1 [tilespmem:s6+$0xFFFFFFB0];
	v11 =	vmul.f32 @p4 $8.000000000e+00, v11  }
0x729: {  	v10 =	vmul.f32 @p1 $8.000000000e+00, v10;
	v7 =	vadd.f32 @!p0 v8, v7;
	v8 =	vld @!p0 [tilespmem:s15+$0x60]  }
0x72a: {  	(v2sf) =	vpush v14, $0x0;
	v11 =	vadd.f32 @p4 v12, v11;
	v12 =	vld @p4 [tilespmem:s6+$0x20]  }
0x72b: {  	(v2sf) =	vpush v13, $0x0;
	v10 =	vadd.f32 @p1 v15, v10;
	v13 =	vld @!p1 [tilespmem:s6+$0xFFFFFFC0];
	[tilespmem:s15+$0x10] =	vst @!p0 v7  }
0x72c: {  	v7 =	vld @!p0 [tilespmem:s22+$0x20];
	[tilespmem:s6+$0x10] =	vst @p4 v11  }
0x72d: {  	[tilespmem:s6+$0xFFFFFF90] =	vst @p1 v10;
	v14 =	vld @p4 [tilespmem:s0+$0x20]  }
0x72e: {  	v10 =	vld @!p5 [tilespmem:s22+$0xFFFFFFC0]  }
0x72f: {  	v15 =	vld @p1 [tilespmem:s0+$0xFFFFFFE0];
	v8 =	vmul.f32 @!p0 $8.000000000e+00, v8;
	_ =	sdelay $0x1  }
0x730: {  	v12 =	vmul.f32 @p4 $8.000000000e+00, v12;
	v7 =	vadd.f32 @!p0 v7, v8  }
0x731: {  	v9 =	vmul.f32 @p1 $8.000000000e+00, v9;
	v8 =	vmul.f32 @!p1 $8.000000000e+00, v13;
	v13 =	vld @!p0 [tilespmem:s15+$0x70]  }
0x732: {  	v12 =	vadd.f32 @p4 v14, v12;
	v14 =	vld @p4 [tilespmem:s6+$0x30];
	[tilespmem:s15+$0x20] =	vst @!p0 v7;
	v7 =	vadd.f32 @!p5 v10, v6  }
0x733: {  	v11 =	vmul.f32 @p1 $8.000000000e+00, v16;
	v16 =	vld @!p1 [tilespmem:s6+$0xFFFFFFD0];
	v6 =	vmov v8;
	v8 =	vadd.f32 @p1 v15, v9  }
0x734: {  	v10 =	vld @!p0 [tilespmem:s22+$0x30];
	[tilespmem:s15+$0xFFFFFF80] =	vst @!p5 v7  }
0x735: {  	v9 =	vld @!p1 [tilespmem:s6+$0xFFFFFFE0];
	[tilespmem:s6+$0xFFFFFFA0] =	vst @p1 v8  }
0x736: {  	[tilespmem:s6+$0x20] =	vst @p4 v12;
	v7 =	vld @!p5 [tilespmem:s22+$0xFFFFFFD0]  }
0x737: {  	s2 =	simm.s32 @!p6 $0x0;
	s10 =	sadd.s32 $0x2, s10;
	v15 =	vld @p4 [tilespmem:s0+$0x30];
	v8 =	vmul.f32 @!p0 $8.000000000e+00, v13  }
0x738: {  	s2 =	simm.s32 @p6 $0x1;
	p2 =	slt.u32 s10, $0xC6;
	v13 =	vld @p1 [tilespmem:s0+$0xFFFFFFF0]  }
0x739: {  	[smem:$0x7CE] =	sst s2;
	s2 =	simm.s32 @!p2 $0x0;
	v8 =	vadd.f32 @!p0 v10, v8;
	v10 =	vld @!p3 [tilespmem:s11+$0xFFFFFFE0]  }
0x73a: {  	s2 =	simm.s32 @p2 $0x1;
	s23 =	sld [smem:$0x7CE];
	v12 =	vmul.f32 @!p1 $8.000000000e+00, v16;
	v16 =	vld @!p1 [tilespmem:s6+$0xFFFFFFF0];
	v14 =	vmul.f32 @p4 $8.000000000e+00, v14;
	s24 =	spop (v2sf)  }
0x73b: {  	[smem:$0x7CF] =	sst s2;
	s2 =	sand.u32 $0x1, s24;
	s16 =	spop (v2sf);
	[tilespmem:s15+$0x30] =	vst @!p0 v8;
	v8 =	vld @!p6 [tilespmem:s8+$0xFFFFFFF0];
	v7 =	vadd.f32 @!p5 v7, v5  }
0x73c: {  	s6 =	sadd.s32 $0x100, s6;
	v14 =	vadd.f32 @p4 v15, v14;
	s16 =	sand.u32 $0x1, s16;
	p6 =	seq.s32 s2, $0x0;
	v15 =	vld @!p4 [tilespmem:s19+$0x40]  }
0x73d: {  	s8 =	smov.u32 s11;
	p2 =	seq.s32 s16, $0x0;
	v5 =	vmov v12;
	v12 =	vld @p6 [tilespmem:s6+$0x0];
	v11 =	vadd.f32 @p1 v13, v11;
	[tilespmem:s15+$0xFFFFFF90] =	vst @!p5 v7  }
0x73e: {  	s11 =	smov.u32 s22;
	s22 =	smov.u32 s0;
	p0 =	por p4, p4;
	[tilespmem:s19+$0x30] =	vst @p4 v14;
	v7 =	vadd.f32 @!p3 v10, v2;
	v14 =	vld @p2 [tilespmem:s6+$0xFFFFFF80]  }
0x73f: {  	v9 =	vmul.f32 @!p1 $8.000000000e+00, v9;
	v13 =	vld @!p4 [tilespmem:s0+$0x0];
	p4 =	por p6, p6;
	s0 =	sadd.s32 $0x80, s0;
	p6 =	seq.s32 s23, $0x1;
	[tilespmem:s19+$0xFFFFFFB0] =	vst @p1 v11  }
0x740: {  	s24 =	sld [smem:$0x7CF];
	v11 =	vld @p4 [tilespmem:s0+$0x0];
	[tilespmem:s9+$0xFFFFFFA0] =	vst @!p3 v7;
	v7 =	vadd.f32 @!p6 v8, v0  }
0x741: {  	v2 =	vmov v4;
	v4 =	vmov v9;
	v9 =	vmul.f32 @!p1 $8.000000000e+00, v16;
	v8 =	vld @p2 [tilespmem:s0+$0xFFFFFFC0]  }
0x742: {  	v10 =	vld @p2 [tilespmem:s6+$0xFFFFFF90];
	[tilespmem:s1+$0xFFFFFFB0] =	vst @!p6 v7;
	p6 =	por p3, p3;
	p3 =	por p5, p5  }
0x743: {  	v0 =	vmovc v1;
	v1 =	vmovc v3;
	v3 =	vmov v9;
	v15 =	vmul.f32 @!p0 $8.000000000e+00, v15;
	p5 =	por p1, p1;
	p1 =	por p2, p2;
	v9 =	vld @p2 [tilespmem:s6+$0xFFFFFFA0];
	v14 =	vmul.f32 @p2 $8.000000000e+00, v14;
	p2 =	seq.s32 s24, $0x1  }
.Ltmp8:
0x744: {  	_ = 	snop;
	(pc) =	sbr.rel @p2 .LBB2_18-.Ltmp8, $4  }
0x745: {  	v12 =	vmul.f32 @p4 $8.000000000e+00, v12;
	s1 =	smov.u32 s9;
	s9 =	smov.u32 s15;
	s15 =	smov.u32 s19;
	v13 =	vadd.f32 @!p0 v13, v15  }
0x746: {  	v7 =	vld @!p0 [tilespmem:s15+$0x50]  }
0x747: {  	v12 =	vadd.f32 @p4 v11, v12;
	v11 =	vld @p4 [tilespmem:s6+$0x10];
	[tilespmem:s15+$0x0] =	vst @!p0 v13  }
0x748: {  	s13 =	sadd.s32 $0x2, s13;
	s19 =	smov.u32 s6;
	v13 =	vadd.f32 @p1 v8, v14;
	v8 =	vld @!p0 [tilespmem:s22+$0x10]  }
0x749: {  	[tilespmem:s6+$0x0] =	vst @p4 v12  }
0x74a: {  	v12 =	vld @p4 [tilespmem:s0+$0x10]  }
0x74b: {  	[tilespmem:s6+$0xFFFFFF80] =	vst @p1 v13  }
0x74c: {  	v13 =	vld @p1 [tilespmem:s0+$0xFFFFFFD0]  }
0x74d: {  	v11 =	vmul.f32 @p4 $8.000000000e+00, v11;
	_ =	sdelay $0x1  }
0x74e: {  	v10 =	vmul.f32 @p1 $8.000000000e+00, v10;
	v11 =	vadd.f32 @p4 v12, v11  }
0x74f: {  	v12 =	vld @p4 [tilespmem:s6+$0x20]  }
0x750: {  	v10 =	vadd.f32 @p1 v13, v10;
	[tilespmem:s6+$0x10] =	vst @p4 v11  }
0x751: {  	v11 =	vld @p4 [tilespmem:s0+$0x20]  }
0x752: {  	[tilespmem:s6+$0xFFFFFF90] =	vst @p1 v10  }
0x753: {  	v10 =	vld @p1 [tilespmem:s0+$0xFFFFFFE0]  }
0x754: {  	v12 =	vmul.f32 @p4 $8.000000000e+00, v12;
	_ =	sdelay $0x1  }
0x755: {  	v9 =	vmul.f32 @p1 $8.000000000e+00, v9;
	v11 =	vadd.f32 @p4 v11, v12  }
0x756: {  	v12 =	vld @p4 [tilespmem:s6+$0x30]  }
0x757: {  	v14 =	vld @p1 [tilespmem:s6+$0xFFFFFFB0];
	v9 =	vadd.f32 @p1 v10, v9;
	[tilespmem:s6+$0x20] =	vst @p4 v11  }
0x758: {  	v10 =	vld @p4 [tilespmem:s0+$0x30]  }
0x759: {  	[tilespmem:s6+$0xFFFFFFA0] =	vst @p1 v9  }
0x75a: {  	v9 =	vld @p1 [tilespmem:s0+$0xFFFFFFF0]  }
0x75b: {  	v15 =	vld @!p1 [tilespmem:s6+$0xFFFFFFD0];
	v12 =	vmul.f32 @p4 $8.000000000e+00, v12  }
0x75c: {  	v16 =	vld @!p5 [tilespmem:s22+$0xFFFFFFC0]  }
0x75d: {  	v10 =	vadd.f32 @p4 v10, v12;
	v12 =	vmul.f32 @p1 $8.000000000e+00, v14;
	v14 =	vld @!p4 [tilespmem:s19+$0x40]  }
0x75e: {  	v13 =	vld @!p1 [tilespmem:s6+$0xFFFFFFC0]  }
0x75f: {  	v11 =	vld @!p1 [tilespmem:s6+$0xFFFFFFE0];
	[tilespmem:s19+$0x30] =	vst @p4 v10;
	v9 =	vadd.f32 @p1 v9, v12  }
0x760: {  	v10 =	vld @!p4 [tilespmem:s0+$0x0]  }
0x761: {  	p2 =	por p1, p1;
	v12 =	vld @!p1 [tilespmem:s6+$0xFFFFFFF0];
	p4 =	por p4, p4;
	[tilespmem:s19+$0xFFFFFFB0] =	vst @p1 v9  }
0x762: {  	v6 =	vadd.f32 @!p5 v16, v6;
	v9 =	vmul.f32 @!p4 $8.000000000e+00, v14;
	v14 =	vld @!p2 [tilespmem:s0+$0xFFFFFFC0]  }
0x763: {  	v7 =	vmul.f32 @!p0 $8.000000000e+00, v7  }
0x764: {  	[tilespmem:s15+$0xFFFFFF80] =	vst @!p5 v6  }
0x765: {  	v6 =	vadd.f32 @!p0 v8, v7;
	v7 =	vld @!p5 [tilespmem:s22+$0xFFFFFFD0];
	v9 =	vadd.f32 @!p4 v10, v9;
	v10 =	vmul.f32 @!p1 $8.000000000e+00, v13  }
0x766: {  	v13 =	vld @!p4 [tilespmem:s19+$0x50]  }
0x767: {  	[tilespmem:s19+$0x0] =	vst @!p4 v9;
	v10 =	vadd.f32 @!p2 v14, v10;
	v14 =	vld @!p0 [tilespmem:s15+$0x60]  }
0x768: {  	[tilespmem:s15+$0x10] =	vst @!p0 v6;
	v9 =	vld @!p4 [tilespmem:s0+$0x10]  }
0x769: {  	v6 =	vld @!p0 [tilespmem:s22+$0x20];
	[tilespmem:s19+$0xFFFFFF80] =	vst @!p2 v10  }
0x76a: {  	v10 =	vld @!p2 [tilespmem:s0+$0xFFFFFFD0]  }
0x76b: {  	v5 =	vadd.f32 @!p5 v7, v5;
	v8 =	vmul.f32 @!p4 $8.000000000e+00, v13  }
0x76c: {  	v7 =	vmul.f32 @!p0 $8.000000000e+00, v14  }
0x76d: {  	[tilespmem:s15+$0xFFFFFF90] =	vst @!p5 v5;
	p5 =	por p5, p5;
	v13 =	vld @!p4 [tilespmem:s19+$0x60];
	v8 =	vadd.f32 @!p4 v9, v8;
	v9 =	vmul.f32 @!p1 $8.000000000e+00, v15  }
0x76e: {  	v5 =	vadd.f32 @!p0 v6, v7;
	v6 =	vld @!p5 [tilespmem:s22+$0xFFFFFFE0]  }
0x76f: {  	[tilespmem:s19+$0x10] =	vst @!p4 v8;
	v9 =	vadd.f32 @!p2 v10, v9;
	v10 =	vld @!p3 [tilespmem:s11+$0xFFFFFFE0]  }
0x770: {  	v8 =	vld @!p4 [tilespmem:s0+$0x20]  }
0x771: {  	[tilespmem:s19+$0xFFFFFF90] =	vst @!p2 v9;
	p2 =	por p2, p2  }
0x772: {  	v9 =	vld @!p2 [tilespmem:s0+$0xFFFFFFE0]  }
0x773: {  	v15 =	vld @!p0 [tilespmem:s15+$0x70];
	v7 =	vmul.f32 @!p4 $8.000000000e+00, v13;
	[tilespmem:s15+$0x20] =	vst @!p0 v5  }
0x774: {  	v5 =	vld @!p0 [tilespmem:s22+$0x30];
	v2 =	vadd.f32 @!p3 v10, v2  }
0x775: {  	v4 =	vadd.f32 @!p5 v6, v4;
	v7 =	vadd.f32 @!p4 v8, v7;
	v8 =	vmul.f32 @!p1 $8.000000000e+00, v11;
	v11 =	vld @!p6 [tilespmem:s8+$0xFFFFFFF0]  }
0x776: {  	v10 =	vld @!p4 [tilespmem:s19+$0x70];
	[tilespmem:s9+$0xFFFFFFA0] =	vst @!p3 v2;
	p3 =	por p3, p3  }
0x777: {  	[tilespmem:s15+$0xFFFFFFA0] =	vst @!p5 v4;
	p5 =	por p5, p5;
	v6 =	vadd.f32 @!p2 v9, v8;
	v8 =	vld @!p3 [tilespmem:s11+$0xFFFFFFF0]  }
0x778: {  	v4 =	vld @!p5 [tilespmem:s22+$0xFFFFFFF0];
	[tilespmem:s19+$0x20] =	vst @!p4 v7;
	v7 =	vmul.f32 @!p0 $8.000000000e+00, v15  }
0x779: {  	v2 =	vld @!p4 [tilespmem:s0+$0x30];
	[tilespmem:s19+$0xFFFFFFA0] =	vst @!p2 v6;
	p2 =	por p2, p2  }
0x77a: {  	v5 =	vadd.f32 @!p0 v5, v7;
	v7 =	vld @!p2 [tilespmem:s0+$0xFFFFFFF0];
	v0 =	vadd.f32 @!p6 v11, v0;
	_ =	sdelay $0x1  }
0x77b: {  	v6 =	vmul.f32 @!p4 $8.000000000e+00, v10;
	[tilespmem:s1+$0xFFFFFFB0] =	vst @!p6 v0;
	v0 =	vadd.f32 @!p3 v8, v1  }
0x77c: {  	[tilespmem:s15+$0x30] =	vst @!p0 v5;
	v5 =	vmul.f32 @!p1 $8.000000000e+00, v12;
	v1 =	vadd.f32 @!p5 v4, v3  }
0x77d: {  	v2 =	vadd.f32 @!p4 v2, v6;
	[tilespmem:s9+$0xFFFFFFB0] =	vst @!p3 v0  }
0x77e: {  	[tilespmem:s15+$0xFFFFFFB0] =	vst @!p5 v1;
	v0 =	vadd.f32 @!p2 v7, v5  }
0x77f: {  	[tilespmem:s19+$0x30] =	vst @!p4 v2  }
0x780: {  	[tilespmem:s19+$0xFFFFFFB0] =	vst @!p2 v0  }
0x781: {  	s22 =	rddreg [dreg:$0x16]  }
0x782: {  	[hbm4b:s22+s3] =	stream.linear.scatter [tilespmem:s30], [sflag:$0x8], $0x6400, $0x38;
	[tilespmem:$0x162E0] =	vst v63  }
0x783: {  	_ =	swait.ge [sflag:s21], $0x6400  }
0x784: {  	[sflag:s21] =	ssyncset.done $0x0  }
0x785: {  	[sflag:s21] =	ssyncadd.s32 $0xFFFF9C00  }
0x786: {  	_ =	swait.ge [sflag:s28], $0x6400  }
0x787: {  	s23 =	rddreg [dreg:$0x1c]  }
0x788: {  	s24 =	rddreg [dreg:$0x17];
	s1 =	sadd.s32 $0x1, s23  }
0x789: {  	p0 =	sne.s32 s1, s24  }
.Ltmp9:
0x78a: {  	_ = 	snop;
	(pc) =	sbr.rel @p0 .LBB2_1-.Ltmp9, $3  }
0x78b: {  	_ =	sdelay $0x1  }
0x78c: {  	[sflag:s28] =	ssyncset.done $0x0  }
0x78d: {  	s16 =	simm.s32 $0x1B0;
	[sflag:s28] =	ssyncadd.s32 $0xFFFF9C00  }
0x78e: {  	_ =	sfence.sel $0x180000  }
0x78f: {  	[bflag:$0x0] =	sbarrier.arrive $0xFFFF  }
0x790: {  	_ =	strace $0x90000047  }
0x791: {  	s0 =	stileid.u32;
	[bflag:$0x2] =	sbarrier.arrive $0xFFFF  }
0x792: {  	p0 =	sne.s32 s0, $0x0;
	s0 =	rddreg [dreg:$0x2]  }
0x793: {  	s0 =	sadd.s32 @!p0 $0x100000, s0  }
0x794: {  	[sflag:s0] =	ssyncadd.tile.s32 @!p0 $0x1;
	_ =	shalt  }
.Lfunc_end2:
_tile_overlayer_lowered:
.L_overlay_start_2:
0x795: {  	(tag) =	ssettag $0x2  }
0x796: {  	s0 =	rddreg [dreg:$0x0];
	s2 =	stileid.u32  }
0x797: {  	s1 =	rddreg [dreg:$0x1];
	p0 =	sne.s32 s2, $0x0  }
0x798: {  	s3 =	rddreg [dreg:$0x2];
	[bflag:$0x3] =	sbarrier.arrive $0xFFFF;
	s2 =	simm.s32 @!p0 $0x1C0A  }
0x799: {  	[timem:s3], [sflag:s2] =	dma.local @!p0 [hbm:s0], s1  }
0x79a: {  	s0 =	simm.s32 @!p0 $0xA  }
0x79b: {  	_ =	swait.ge @!p0 [sflag:s0], s1  }
0x79c: {  	s1 =	ssub.s32 @!p0 $0x0, s1;
	[sflag:s0] =	ssyncset.done @!p0 $0x0  }
0x79d: {  	[sflag:s0] =	ssyncadd.s32 @!p0 s1  }
0x79e: {  	[bflag:$0x3] =	sbarrier.arrive $0xFFFF  }
0x79f: {  	_ =	shalt  }

// kernel: sparse-core-data-format-call.cloned.1.call-start
scs
called_computation_lowered:
.L_overlay_start_0:
0x0: {  	s2 =	sld [smem:$0x3FD9]  }
0x1: {  	s3 =	sld [smem:$0x3FFE];
	_ =	sdelay $0x1  }
0x2: {  	s1 =	srdreg.scid  }
0x3: {  	s0 =	sand.u32 $0x1, s1  }
0x4: {  	s18 =	sshll.u32 s0, $0xA;
	s2 =	sadd.s32 s3, s2  }
0x5: {  	s2 =	sadd.s32 s2, s18  }
0x6: {  	[smem:$0x3FC6] =	sst s2  }
0x7: {  	_ = 	snop  }
0x8: {  	s2 =	sld [smem:$0x3FD0];
	(tm) =	ssettm $0x1  }
0x9: {  	s19 =	sld [smem:$0x3FFB];
	_ =	sdelay $0x3  }
0xa: {  	_ =	strace s19  }
0xb: {  	s3 =	sld [smem:$0x3FFC];
	_ =	sdelay $0x3  }
0xc: {  	_ =	strace s3  }
0xd: {  	s3 =	sld [smem:$0x3FFD];
	_ =	sdelay $0x3  }
0xe: {  	_ =	strace s3  }
0xf: {  	_ =	strace $0x8FFFFFFF  }
0x10: {  	s20 =	sld [smem:$0x3FDB];
	_ =	sdelay $0x1  }
0x11: {  	s4 =	simm.s32 $_scs_section_size  }
0x12: {  	s5 =	simm.s32 $_size__tile_overlayer_lowered;
	s6 =	simm.s32 $_tile_overlayer_lowered  }
0x13: {  	s23 =	simm.s32 $0x1BFF;
	s22 =	sshll.u32 s6, $0x1;
	s3 =	sadd.s32 s4, s20  }
0x14: {  	s7 =	simm.s32 $0x0;
	s21 =	sshll.u32 s5, $0x1;
	s5 =	sadd.s32 s22, s3  }
0x15: {  	[timem:s7], [sflag:s23] =	dma.local [hbm:s5], s21  }
0x16: {  	_ =	swait.ge [sflag:s23], s21  }
0x17: {  	s4 =	ssub.s32 $0x0, s21;
	[sflag:s23] =	ssyncset.done $0x0  }
0x18: {  	[sflag:s23] =	ssyncadd.s32 s4;
	_ =	sdelay $0x1  }
0x19: {  	s24 =	simm.s32 $0x1B8B  }
0x1a: {  	_ =	swait.ge [sflag:s24], $0x1  }
0x1b: {  	[sflag:s24] =	ssyncset.done $0x0  }
0x1c: {  	s26 =	simm.s32 $0x1B8E;
	s25 =	sld [smem:$0x3FFE];
	[sflag:s24] =	ssyncadd.s32 $0xFFFFFFFF  }
0x1d: {  	s27 =	simm.s32 $execute0_lowered;
	[smem:$0x3FD2] =	sst s26  }
0x1e: {  	s5 =	sshll.u32 s27, $0x1;
	_ =	strace $0x80000049;
	[dreg:$0x1] =	wrdreg $0xFFFFFFFF  }
0x1f: {  	s28 =	simm.s32 $_size_execute0_lowered;
	s3 =	sadd.s32 s3, s5;
	[dreg:$0x0] =	wrdreg $0x0  }
0x20: {  	s5 =	sshll.u32 s28, $0x1;
	[dreg:$0x2] =	wrdreg s3  }
0x21: {  	[dreg:$0x3] =	wrdreg s5  }
0x22: {  	[dreg:$0x4] =	wrdreg $0xC0  }
0x23: {  	_ =	task [dreg:s7], $0x5FFFF  }
0x24: {  	[dreg:$0x1] =	wrdreg $0xFFFFFFFF  }
0x25: {  	[dreg:$0x0] =	wrdreg $0x60  }
0x26: {  	[dreg:$0x2] =	wrdreg s25  }
0x27: {  	[dreg:$0x3] =	wrdreg s2  }
0x28: {  	[dreg:$0x4] =	wrdreg $0x9  }
0x29: {  	_ =	task.clear_ibuf [dreg:s7], $0x5FFFF;
	_ =	strace $0x90000049  }
0x2a: {  	s29 =	simm.s32 $0x9;
	_ =	strace $0x8000004B  }
0x2b: {  	_ =	swait.ge [sflag:s29], $0x1  }
0x2c: {  	[sflag:s29] =	ssyncadd.s32 $0xFFFFFFFF  }
0x2d: {  	_ =	strace $0x9000004B  }
0x2e: {  	_ =	sfence  }
0x2f: {  	s30 =	sld [smem:$0x0];
	_ =	sdelay $0x2  }
0x30: {  	s31 =	sshll.u32 s1, $0xD;
	s1 =	sshrl.u32 s1, $0x2  }
0x31: {  	s3 =	sand.u32 $0x4000, s31;
	s1 =	sadd.s32 s1, s30  }
0x32: {  	s0 =	sor.u32 s3, s0;
	s1 =	sshll.u32 s1, $0x11  }
0x33: {  	s0 =	sor.u32 s1, s0  }
0x34: {  	s0 =	sadd.s32 $0x8F2B, s0  }
0x35: {  	[sflag:s0] =	ssyncadd.remote.s32 $0x1  }
0x36: {  	_ =	sfence.sel $0xFFFF  }
0x37: {  	[dreg:$0x0] =	wrdreg $0xFFFFFFFF;
	(pc) =	sbr.abs _section_cstart, $3  }
0x38: {  	[dreg:$0x1] =	wrdreg $0xFFFFFFFF  }
0x39: {  	_ =	task.clear_ibuf [dreg:s7], $0x2FFFF;
	_ =	strace $0x9FFFFFFF  }
0x3a: {  	(tm) =	ssettm $0x7FFFFFFF  }
0x3b: {  	_ =	shalt  }
tec
execute0_lowered:
.L_overlay_start_1:
0x0: {  	(tag) =	ssettag $0x1  }
0x1: {  	s0 =	srdreg.scid  }
0x2: {  	s1 =	sshll.u32 s0, $0x4  }
0x3: {  	s0 =	stileid.u32;
	s1 =	sand.u32 $0x10, s1  }
0x4: {  	s1 =	sor.u32 s0, s1  }
0x5: {  	s6 =	rddreg [dreg:$0x0];
	s4 =	simm.s32 $0x1;
	s2 =	sshll.u32 s1, $0x7  }
0x6: {  	s7 =	simm.s32 $0x2;
	s12 =	simm.s32 $0x0;
	s1 =	ssub.s32 $0x1000, s2  }
0x7: {  	s8 =	simm.s32 $0x8000;
	s13 =	simm.s32 $0x0;
	s3 =	sand.u32 $0xF80, s1  }
0x8: {  	s9 =	simm.s32 $0x0;
	s5 =	sshrl.u32 s1, $0xC;
	p0 =	sne.s32 s3, $0x0  }
.Ltmp0:
0x9: {  	s1 =	rddreg [dreg:$0x2];
	s4 =	simm.s32 @!p0 $0x0;
	(pc) =	sbr.rel .LBB1_1-.Ltmp0, $4  }
0xa: {  	s11 =	simm.s32 $0x0;
	s3 =	rddreg [dreg:$0x1];
	s5 =	sadd.s32 s4, s5  }
0xb: {  	_ =	strace $0x8000004A;
	s4 =	simm.s32 $0x1;
	s5 =	smul.u32 $0xC8, s5  }
0xc: {  	s6 =	sadd.s32 $0x1A600, s6;
	s10 =	smov.u32 s2;
	[sflag:s4] =	ssyncpa.u1 $0x0  }
0xd: {  	p0 =	por $0x0, $0x0;
	[sflag:s7] =	ssyncpa.u1 $0x0;
	s7 =	sor.u32 $0x1, s5  }
.LBB1_4:
0xe: {  	s16 =	sshll.u32 s13, $0x3;
	s17 =	sand.u32 $0x78, s13  }
0xf: {  	s30 =	sand.u32 $0x7E00, s13;
	s12 =	sshll.u32 s12, $0xF;
	s16 =	sand.u32 $0xC00, s16  }
0x10: {  	[tilespmem:s15+$0x810 ss:$0x81] =	vst.msk $0xffff, v2;
	s31 =	sand.u32 $0x7, s13;
	s16 =	sor.u32 s17, s16;
	s17 =	sadd.s32 s3, s30  }
0x11: {  	[tilespmem:s15+$0x1020 ss:$0x81] =	vst.msk $0xffff, v0;
	s13 =	sshll.u32 s31, $0x12;
	s12 =	sadd.s32 s12, s17;
	s16 =	sshrl.u32 s16, $0x3  }
0x12: {  	[tilespmem:s15+$0x0 ss:$0x81] =	vst.msk $0xffff, v1;
	s13 =	sor.u32 $0x400, s13;
	s12 =	sadd.s32 s16, s12  }
0x13: {  	[hbm4b:s12+s13] =	stream.strided.scatter [tilespmem:s14], [sflag:$0x2], $0x2000, s8, s13, $0x20;
	[tilespmem:$0x8080] =	vst v63  }
.LBB1_5:
0x14: {  	s14 =	sadd.s32 $0x1, s9  }
0x15: {  	s12 =	sadd.s32 $0x1000, s10;
	s16 =	smov.u32 s10;
	p2 =	sgt.s32 s14, $0xC7  }
0x16: {  	s16 =	smov.u32 @p2 s12  }
0x17: {  	s14 =	simm.s32 @p2 $0x0;
	p2 =	sgt.s32 s16, $0xFFF  }
0x18: {  	s16 =	smov.u32 @p2 s2;
	p2 =	sne.s32 s11, s7  }
.Ltmp1:
0x19: {  	p1 =	slt.u32 s11, $0x2;
	(pc) =	sbr.rel @!p2 .LBB1_6-.Ltmp1, $4  }
0x1a: {  	s15 =	simm.s32 @!p1 $0x2  }
0x1b: {  	s13 =	smov.u32 s10;
	p0 =	por !p0, !p0;
	_ =	swait.ge @!p1 [sflag:s15], $0x2000  }
0x1c: {  	s12 =	smov.u32 s9;
	[sflag:s15] =	ssyncset.done @!p1 $0x0;
	s9 =	smov.u32 s14  }
0x1d: {  	s11 =	sadd.s32 $0x1, s11;
	[sflag:s15] =	ssyncadd.s32 @!p1 $0xFFFFE000;
	s10 =	smov.u32 s16  }
.LBB1_1:
0x1e: {  	p1 =	sge.u32 s11, s5  }
0x1f: {  	s14 =	sand.u32 @!p1 $0x1FFFFFF, s9  }
0x20: {  	s15 =	smulhi.u32 @!p1 $0x147AE15, s14;
	_ =	sdelay $0x1  }
0x21: {  	s15 =	smul.u32 @!p1 $0xC8, s15  }
0x22: {  	s16 =	sxor.u32 @!p1 $0xFFFFFFFF, s11;
	s17 =	smul.u32 @!p1 $0xC80, s10  }
0x23: {  	s31 =	sadd.s32 $0xFFFFFFFF, s11;
	s16 =	sshll.u32 @!p1 s16, $0xD;
	s14 =	ssub.s32 @!p1 s14, s15  }
0x24: {  	s15 =	sand.u32 @!p1 $0x2000, s16;
	s16 =	sadd.s32 @!p1 s6, s17;
	s14 =	sshll.u32 @!p1 s14, $0x4  }
0x25: {  	s17 =	simm.s32 @!p1 $0x6400;
	s14 =	sadd.s32 @!p1 s14, s16;
	s16 =	simm.s32 @!p1 $0x40  }
0x26: {  	[tilespmem:s15], [sflag:$0x1] =	stream.strided.gather @!p1 [hbm4b:s14+s16], $0x2000, s17, s16, $0x38;
	[tilespmem:$0x8080] =	vst v63  }
0x27: {  	p1 =	sge.u32 s31, s5  }
.Ltmp2:
0x28: {  	_ = 	snop;
	(pc) =	sbr.rel @p1 .LBB1_5-.Ltmp2, $1  }
0x29: {  	_ =	sdelay $0x3  }
0x2a: {  	s14 =	simm.s32 $0x1  }
0x2b: {  	_ =	swait.ge [sflag:s4], $0x2000;
	s14 =	simm.s32 @!p0 $0x0  }
0x2c: {  	[sflag:s4] =	ssyncset.done $0x0;
	s15 =	sshll.u32 s14, $0xD  }
0x2d: {  	[sflag:s4] =	ssyncadd.s32 $0xFFFFE000;
	s18 =	sor.u32 $0x20, s15  }
0x2e: {  	s14 =	smul.u32 $0x8100, s14;
	v3 =	vld [tilespmem:s18+$0x10]  }
0x2f: {  	s30 =	sand.u32 $0x1, s11;
	v2 =	vld [tilespmem:s18+$0xFFFFFFF0]  }
0x30: {  	s15 =	smul.u32 $0x8100, s30;
	s14 =	sshrl.u32 s14, $0x2;
	v0 =	vld [tilespmem:s18+$0x0]  }
0x31: {  	v1 =	vld [tilespmem:s18+$0xFFFFFFE0];
	s16 =	sor.u32 $0x4000, s14  }
0x32: {  	s31 =	sshrl.u32 s15, $0x2;
	s15 =	sadd.s32 $0x0, s16  }
0x33: {  	s17 =	simm.s32 $0x4;
	s18 =	sadd.s32 $0x40, s18;
	s14 =	sor.u32 $0x4000, s31;
	[tilespmem:s15+$0x1830 ss:$0x81] =	vst.msk $0xffff, v3  }
.LBB1_3:
0x34: {  	v3 =	vld [tilespmem:s18+$0x10];
	p1 =	sne.s32 s17, $0x1FC;
	[tilespmem:s15+$0x810 ss:$0x81] =	vst.msk $0xffff, v2;
	s19 =	smov.u32 s17;
	s17 =	sadd.s32 $0x4, s17  }
.Ltmp3:
0x35: {  	v2 =	vld [tilespmem:s18+$0xFFFFFFF0];
	[tilespmem:s15+$0x1020 ss:$0x81] =	vst.msk $0xffff, v0;
	(pc) =	sbr.rel @p1 .LBB1_3-.Ltmp3, $4  }
0x36: {  	v0 =	vld [tilespmem:s18+$0x0];
	[tilespmem:s15+$0x0 ss:$0x81] =	vst.msk $0xffff, v1  }
0x37: {  	s15 =	sshra.s32 s19, $0x2;
	v1 =	vld [tilespmem:s18+$0xFFFFFFE0]  }
0x38: {  	s15 =	sadd.s32 s15, s16  }
0x39: {  	s18 =	sadd.s32 $0x40, s18;
	[tilespmem:s15+$0x1830 ss:$0x81] =	vst.msk $0xffff, v3  }
.Ltmp4:
0x3a: {  	_ = 	snop;
	(pc) =	sbr.rel .LBB1_4-.Ltmp4, $1  }
0x3b: {  	_ =	sdelay $0x3  }
.LBB1_6:
0x3c: {  	_ =	sfence.sel $0x180000  }
0x3d: {  	s2 =	simm.s32 $0x1;
	[bflag:$0x0] =	sbarrier.arrive $0xFFFF  }
0x3e: {  	s31 =	simm.s32 $0x2;
	[sflag:s2] =	ssyncpa.u1 $0x1  }
0x3f: {  	[sflag:s31] =	ssyncpa.u1 $0x1  }
0x40: {  	p0 =	sne.s32 s0, $0x0;
	_ =	strace $0x9000004A  }
0x41: {  	s0 =	sadd.s32 @!p0 $0x100000, s1;
	[bflag:$0x2] =	sbarrier.arrive $0xFFFF  }
0x42: {  	[sflag:s0] =	ssyncadd.tile.s32 @!p0 $0x1;
	_ =	shalt  }
.Lfunc_end1:
_tile_overlayer_lowered:
.L_overlay_start_2:
0x43: {  	(tag) =	ssettag $0x2  }
0x44: {  	s0 =	rddreg [dreg:$0x0];
	s2 =	stileid.u32  }
0x45: {  	s1 =	rddreg [dreg:$0x1];
	p0 =	sne.s32 s2, $0x0  }
0x46: {  	s3 =	rddreg [dreg:$0x2];
	[bflag:$0x3] =	sbarrier.arrive $0xFFFF;
	s2 =	simm.s32 @!p0 $0x1C01  }
0x47: {  	[timem:s3], [sflag:s2] =	dma.local @!p0 [hbm:s0], s1  }
0x48: {  	s0 =	simm.s32 @!p0 $0x1  }
0x49: {  	_ =	swait.ge @!p0 [sflag:s0], s1  }
0x4a: {  	s1 =	ssub.s32 @!p0 $0x0, s1;
	[sflag:s0] =	ssyncset.done @!p0 $0x0  }
0x4b: {  	[sflag:s0] =	ssyncadd.s32 @!p0 s1  }
0x4c: {  	[bflag:$0x3] =	sbarrier.arrive $0xFFFF  }
0x4d: {  	_ =	shalt  }

</sc_bundles>
